<compile_context>
chip_gen: v7x
topology: tpu7x:2x2x1
jax: 0.10.2.dev20260603
libtpu: 0.0.44.dev20260713+nightly
codegen_flags: <defaults>
</compile_context>

<pallas_src>
import dataclasses
import functools

import jax
import jax.numpy as jnp
from jax import lax
from jax.experimental import pallas as pl
from jax.experimental.pallas import tpu as pltpu
from jax.experimental.pallas import tpu_sc as plsc

_SC_COMPILER_PARAMS = pltpu.CompilerParams()
if "needs_layout_passes" in pltpu.CompilerParams.__dataclass_fields__:
    _SC_COMPILER_PARAMS = dataclasses.replace(
        _SC_COMPILER_PARAMS, needs_layout_passes=False)

NC = 2
NS = 16
NW = NC * NS
CH = 64
GI = 40
LANES = 16


def _sc_aggregate(x, src3, dst3, zeros_f, zeros_d, r_pad, n_groups):
    n, f = x.shape
    rps = r_pad // NS

    mesh = plsc.VectorSubcoreMesh(core_axis_name="c", subcore_axis_name="s")

    @functools.partial(
        pl.kernel,
        out_type=(
            jax.ShapeDtypeStruct((NC * r_pad, f), jnp.float32),
            jax.ShapeDtypeStruct((NW, r_pad), jnp.float32),
        ),
        mesh=mesh,
        compiler_params=_SC_COMPILER_PARAMS,
        scratch_types=[
            pltpu.VMEM((GI, CH), jnp.int32),
            pltpu.VMEM((GI, CH), jnp.int32),
            pltpu.VMEM((CH, f), jnp.float32),
            pltpu.VMEM((CH, f), jnp.float32),
            pltpu.VMEM((r_pad,), jnp.float32),
            pltpu.SemaphoreType.DMA,
            pltpu.SemaphoreType.DMA,
            pltpu.SemaphoreType.DMA,
            pltpu.SemaphoreType.DMA,
            pltpu.VMEM_SHARED((r_pad, f), jnp.float32),
        ],
    )
    def sc_kernel(x_hbm, src_hbm, dst_hbm, zf_hbm, zd_hbm,
                  agg_out, deg_out,
                  srcg_v, dstg_v, rows_a, rows_b, cnt_v,
                  gsem_a, gsem_b, ssem_a, ssem_b, agg_sh):
        c = lax.axis_index("c")
        s = lax.axis_index("s")
        wid = s * NC + c
        base = s * rps
        out_base = c * r_pad + base
        bufs = (rows_a, rows_b)
        gsems = (gsem_a, gsem_b)
        ssems = (ssem_a, ssem_b)
        ones16 = jnp.full((LANES,), 1.0, jnp.float32)

        pltpu.sync_copy(zf_hbm, agg_sh.at[pl.ds(base, rps)])
        pltpu.sync_copy(zd_hbm, cnt_v)
        plsc.subcore_barrier()

        @pl.loop(0, n_groups)
        def _(g):
            row = wid * n_groups + g
            pltpu.sync_copy(src_hbm.at[row], srcg_v)
            pltpu.sync_copy(dst_hbm.at[row], dstg_v)

            gather_d = [None] * GI
            scatter_d = [None] * GI
            gather_d[0] = pltpu.async_copy(
                x_hbm.at[srcg_v.at[0]], bufs[0], gsems[0])
            for r in range(GI):
                b = r % 2
                if r + 1 < GI:
                    if r >= 1:
                        scatter_d[r - 1].wait()
                    gather_d[r + 1] = pltpu.async_copy(
                        x_hbm.at[srcg_v.at[r + 1]], bufs[1 - b],
                        gsems[1 - b])
                for k in range(CH // LANES):
                    idx16 = dstg_v[r, pl.ds(k * LANES, LANES)]
                    plsc.addupdate_scatter(cnt_v, [idx16], ones16)
                gather_d[r].wait()
                scatter_d[r] = pltpu.async_copy(
                    bufs[b], agg_sh.at[dstg_v.at[r]], ssems[b], add=True)
            scatter_d[GI - 2].wait()
            scatter_d[GI - 1].wait()

        plsc.subcore_barrier()
        pltpu.sync_copy(agg_sh.at[pl.ds(base, rps)],
                        agg_out.at[pl.ds(out_base, rps)])
        pltpu.sync_copy(cnt_v, deg_out.at[wid])

    return sc_kernel(x, src3, dst3, zeros_f, zeros_d)


def _tc_finish(x, agg_a, agg_b, deg_t, W, b):
    n, f = x.shape
    o = W.shape[0]
    nw = deg_t.shape[1]
    br = 2000

    def body(x_ref, aa_ref, ab_ref, d_ref, w_ref, b_ref, o_ref):
        agg = aa_ref[...] + ab_ref[...]
        deg_col = jnp.sum(d_ref[...], axis=1, keepdims=True)
        h_n = agg / jnp.maximum(deg_col, 1.0)
        w1 = w_ref[:, :f]
        w2 = w_ref[:, f:]
        acc = lax.dot_general(x_ref[...], w1, (((1,), (1,)), ((), ())),
                              preferred_element_type=jnp.float32)
        acc = acc + lax.dot_general(h_n, w2, (((1,), (1,)), ((), ())),
                                    preferred_element_type=jnp.float32)
        o_ref[...] = acc + b_ref[...]

    return pl.pallas_call(
        body,
        grid=(n // br,),
        in_specs=[
            pl.BlockSpec((br, f), lambda i: (i, 0)),
            pl.BlockSpec((br, f), lambda i: (i, 0)),
            pl.BlockSpec((br, f), lambda i: (i, 0)),
            pl.BlockSpec((br, nw), lambda i: (i, 0)),
            pl.BlockSpec((f, 2 * f), lambda i: (0, 0)),
            pl.BlockSpec((1, o), lambda i: (0, 0)),
        ],
        out_specs=pl.BlockSpec((br, o), lambda i: (i, 0)),
        out_shape=jax.ShapeDtypeStruct((n, o), jnp.float32),
    )(x, agg_a, agg_b, deg_t, W, b.reshape(1, o))


def kernel(x, edge_index, W, b):
    n, f = x.shape
    e = edge_index.shape[1]

    n_groups = -(-e // (NW * GI * CH))
    e_pad = n_groups * NW * GI * CH
    r_pad = -(-(n + 1) // (NS * 8)) * (NS * 8)

    src = edge_index[0].astype(jnp.int32)
    dst = edge_index[1].astype(jnp.int32)
    pad = e_pad - e
    src = jnp.concatenate([src, jnp.zeros((pad,), jnp.int32)])
    dst = jnp.concatenate([dst, jnp.full((pad,), n, jnp.int32)])
    src3 = src.reshape(NW * n_groups, GI, CH)
    dst3 = dst.reshape(NW * n_groups, GI, CH)

    rps = r_pad // NS
    zeros_f = jnp.zeros((rps, f), jnp.float32)
    zeros_d = jnp.zeros((r_pad,), jnp.float32)

    agg, deg = _sc_aggregate(x, src3, dst3, zeros_f, zeros_d,
                             r_pad, n_groups)
    agg_a = agg[:n]
    agg_b = agg[r_pad:r_pad + n]
    deg_t = deg.T[:n]
    return _tc_finish(x, agg_a, agg_b, deg_t, W, b)

# --- scband reference (transcript-rebuilt; emitter-appended) ---
"""Pipeline reference for scband-sageconv-54614804136338 (READ-ONLY COPY).

The authoritative reference and input builder live on the scoring server;
editing this copy changes nothing except your own understanding.
"""

import jax, jax.numpy as jnp
import numpy as np

N_NODES = 10000
N_EDGES = 320000
IN_FEAT = 128
OUT_FEAT = 128


def setup_inputs(seed: int = 0) -> dict:
    key = jax.random.key(seed)
    k1, k2, k3, k4 = jax.random.split(key, 4)
    x = jax.random.normal(k1, (N_NODES, IN_FEAT), dtype=jnp.float32)
    edge_index = jax.random.randint(k2, (2, N_EDGES), 0, N_NODES, dtype=jnp.int64)
    # nn.Linear(in_feat * 2, out_feat): W [out_feat, 2*in_feat], b [out_feat]
    bound = 1.0 / np.sqrt(2 * IN_FEAT)
    W = jax.random.uniform(k3, (OUT_FEAT, 2 * IN_FEAT), dtype=jnp.float32, minval=-bound, maxval=bound)
    b = jax.random.uniform(k4, (OUT_FEAT,), dtype=jnp.float32, minval=-bound, maxval=bound)
    return {"x": x, "edge_index": edge_index, "W": W, "b": b}


def reference(x, edge_index, W, b):
    # DGL update_all(copy_u('h','m'), mean('m','h_N')):
    # h_N[v] = mean over incoming edges (u->v) of h[u]
    src = edge_index[0]
    dst = edge_index[1]
    msg = jnp.take(x, src, axis=0)                      # gather: copy_u
    agg = jax.ops.segment_sum(msg, dst, num_segments=x.shape[0])  # scatter-add
    deg = jax.ops.segment_sum(jnp.ones((dst.shape[0],), dtype=x.dtype), dst, num_segments=x.shape[0])
    h_N = agg / jnp.clip(deg, 1.0, None)[:, None]       # mean reduce (0 for isolated nodes)
    h_total = jnp.concatenate([x, h_N], axis=1)
    return h_total @ W.T + b

if __name__ == "__main__":
    import jax
    _d = setup_inputs()
    print(jax.jit(kernel)(*tuple(_d.values())))

</pallas_src>

<mosaic_0001>
#map = affine_map<(d0, d1) -> (0, 0)>
#map1 = affine_map<(d0, d1) -> (0, 0, 0)>
#map2 = affine_map<(d0, d1) -> (0)>
module attributes {stable_mosaic.version = 14 : i64} {
  func.func @sc_kernel(%arg0: i32, %arg1: i32, %arg2: memref<10000x128xf32, #tpu.memory_space<hbm>>, %arg3: memref<128x40x64xi32, #tpu.memory_space<hbm>>, %arg4: memref<128x40x64xi32, #tpu.memory_space<hbm>>, %arg5: memref<632x128xf32, #tpu.memory_space<hbm>>, %arg6: memref<10112xf32, #tpu.memory_space<hbm>>, %arg7: memref<20224x128xf32, #tpu.memory_space<hbm>>, %arg8: memref<32x10112xf32, #tpu.memory_space<hbm>>, %arg9: memref<40x64xi32, #tpu.memory_space<vmem>>, %arg10: memref<40x64xi32, #tpu.memory_space<vmem>>, %arg11: memref<64x128xf32, #tpu.memory_space<vmem>>, %arg12: memref<64x128xf32, #tpu.memory_space<vmem>>, %arg13: memref<10112xf32, #tpu.memory_space<vmem>>, %arg14: memref<!tpu.dma_semaphore, #tpu.memory_space<semaphore_mem>>, %arg15: memref<!tpu.dma_semaphore, #tpu.memory_space<semaphore_mem>>, %arg16: memref<!tpu.dma_semaphore, #tpu.memory_space<semaphore_mem>>, %arg17: memref<!tpu.dma_semaphore, #tpu.memory_space<semaphore_mem>>, %arg18: memref<10112x128xf32, #tpu.memory_space<vmem_shared>>) attributes {dimension_semantics = [#tpu.dimension_semantics<core_parallel>, #tpu.dimension_semantics<subcore_parallel>], iteration_bounds = array<i64: 2, 16>, scalar_prefetch = 0 : i64, scratch_operands = 10 : i64, tpu.core_type = #tpu.core_type<sc_vector_subcore>, window_params = [{transform_indices = #map}, {transform_indices = #map1}, {transform_indices = #map1}, {transform_indices = #map}, {transform_indices = #map2}, {transform_indices = #map}, {transform_indices = #map}]} {
    %mul3A = arith.constant 2 : i32
    %mul3A_0 = arith.muli %arg1, %mul3A : i32
    %add3A = arith.addi %mul3A_0, %arg0 : i32
    %mul3A_1 = arith.constant 632 : i32
    %mul3A_2 = arith.muli %arg1, %mul3A_1 : i32
    %mul3A_3 = arith.constant 10112 : i32
    %mul3A_4 = arith.muli %arg0, %mul3A_3 : i32
    %add3A_5 = arith.addi %mul3A_4, %mul3A_2 : i32
    %broadcast_in_dim3A = arith.constant 1.000000e+00 : f32
    %broadcast_in_dim3A_6 = vector.broadcast %broadcast_in_dim3A : f32 to vector<16xf32>
    "tpu.region"() ({
      %run_scoped3A = tpu.sem_alloc : memref<!tpu.dma_semaphore, #tpu.memory_space<semaphore_mem>>
      %dma_start3A = arith.constant 0 : i32
      %dma_start3A_12 = tpu.memref_slice %arg18[%mul3A_2, %dma_start3A] : memref<10112x128xf32, #tpu.memory_space<vmem_shared>> -> memref<632x128xf32, #tpu.memory_space<vmem_shared>>
      tpu.enqueue_dma source(%arg5 : memref<632x128xf32, #tpu.memory_space<hbm>>) target(%dma_start3A_12 : memref<632x128xf32, #tpu.memory_space<vmem_shared>>) target_semaphore(%run_scoped3A : memref<!tpu.dma_semaphore, #tpu.memory_space<semaphore_mem>>)
      %dma_wait3A = arith.constant 0 : i32
      %dma_wait3A_13 = tpu.memref_slice %arg18[%mul3A_2, %dma_wait3A] : memref<10112x128xf32, #tpu.memory_space<vmem_shared>> -> memref<632x128xf32, #tpu.memory_space<vmem_shared>>
      tpu.wait_dma2 semaphore(%run_scoped3A : memref<!tpu.dma_semaphore, #tpu.memory_space<semaphore_mem>>) src(%arg5 : memref<632x128xf32, #tpu.memory_space<hbm>>) dst(%dma_wait3A_13 : memref<632x128xf32, #tpu.memory_space<vmem_shared>>)
      tpu.yield
    }) : () -> ()
    "tpu.region"() ({
      %run_scoped3A = tpu.sem_alloc : memref<!tpu.dma_semaphore, #tpu.memory_space<semaphore_mem>>
      tpu.enqueue_dma source(%arg6 : memref<10112xf32, #tpu.memory_space<hbm>>) target(%arg13 : memref<10112xf32, #tpu.memory_space<vmem>>) target_semaphore(%run_scoped3A : memref<!tpu.dma_semaphore, #tpu.memory_space<semaphore_mem>>)
      tpu.wait_dma2 semaphore(%run_scoped3A : memref<!tpu.dma_semaphore, #tpu.memory_space<semaphore_mem>>) src(%arg6 : memref<10112xf32, #tpu.memory_space<hbm>>) dst(%arg13 : memref<10112xf32, #tpu.memory_space<vmem>>)
      tpu.yield
    }) : () -> ()
    %barrier3A = arith.constant 0 : index
    tpu.barrier barrier_id(%barrier3A)
    %scan3A = arith.constant 0 : i32
    %scan3A_7 = arith.constant 4 : i32
    %scan3A_8 = arith.addi %scan3A, %scan3A_7 : i32
    %scan3A_9 = arith.constant 1 : i32
    scf.for %scan3A_12 = %scan3A to %scan3A_8 step %scan3A_9  : i32 {
      %mul3A_13 = arith.constant 1 : i32
      %mul3A_14 = arith.muli %scan3A_12, %mul3A_13 : i32
      %add3A_15 = arith.constant 0 : i32
      %add3A_16 = arith.addi %add3A_15, %mul3A_14 : i32
      %mul3A_17 = arith.constant 4 : i32
      %mul3A_18 = arith.muli %add3A, %mul3A_17 : i32
      %add3A_19 = arith.addi %mul3A_18, %add3A_16 : i32
      "tpu.region"() ({
        %run_scoped3A = tpu.sem_alloc : memref<!tpu.dma_semaphore, #tpu.memory_space<semaphore_mem>>
        %dma_start3A_1777 = arith.constant 0 : i32
        %dma_start3A_1778 = arith.constant 0 : i32
        %dma_start3A_1779 = tpu.memref_slice %arg3[%add3A_19, %dma_start3A_1777, %dma_start3A_1778] : memref<128x40x64xi32, #tpu.memory_space<hbm>> -> memref<1x40x64xi32, #tpu.memory_space<hbm>>
        %dma_start3A_1780 = tpu.memref_squeeze %dma_start3A_1779 : memref<1x40x64xi32, #tpu.memory_space<hbm>> -> memref<40x64xi32, #tpu.memory_space<hbm>>
        %dma_start3A_1781 = arith.constant 0 : i32
        %dma_start3A_1782 = arith.constant 0 : i32
        %dma_start3A_1783 = tpu.memref_slice %arg3[%add3A_19, %dma_start3A_1781, %dma_start3A_1782] : memref<128x40x64xi32, #tpu.memory_space<hbm>> -> memref<1x40x64xi32, #tpu.memory_space<hbm>>
        %dma_start3A_1784 = tpu.memref_squeeze %dma_start3A_1783 : memref<1x40x64xi32, #tpu.memory_space<hbm>> -> memref<40x64xi32, #tpu.memory_space<hbm>>
        tpu.enqueue_dma source(%dma_start3A_1784 : memref<40x64xi32, #tpu.memory_space<hbm>>) target(%arg9 : memref<40x64xi32, #tpu.memory_space<vmem>>) target_semaphore(%run_scoped3A : memref<!tpu.dma_semaphore, #tpu.memory_space<semaphore_mem>>)
        %dma_wait3A_1785 = arith.constant 0 : i32
        %dma_wait3A_1786 = arith.constant 0 : i32
        %dma_wait3A_1787 = tpu.memref_slice %arg3[%add3A_19, %dma_wait3A_1785, %dma_wait3A_1786] : memref<128x40x64xi32, #tpu.memory_space<hbm>> -> memref<1x40x64xi32, #tpu.memory_space<hbm>>
        %dma_wait3A_1788 = tpu.memref_squeeze %dma_wait3A_1787 : memref<1x40x64xi32, #tpu.memory_space<hbm>> -> memref<40x64xi32, #tpu.memory_space<hbm>>
        %dma_wait3A_1789 = arith.constant 0 : i32
        %dma_wait3A_1790 = arith.constant 0 : i32
        %dma_wait3A_1791 = tpu.memref_slice %arg3[%add3A_19, %dma_wait3A_1789, %dma_wait3A_1790] : memref<128x40x64xi32, #tpu.memory_space<hbm>> -> memref<1x40x64xi32, #tpu.memory_space<hbm>>
        %dma_wait3A_1792 = tpu.memref_squeeze %dma_wait3A_1791 : memref<1x40x64xi32, #tpu.memory_space<hbm>> -> memref<40x64xi32, #tpu.memory_space<hbm>>
        tpu.wait_dma2 semaphore(%run_scoped3A : memref<!tpu.dma_semaphore, #tpu.memory_space<semaphore_mem>>) src(%dma_wait3A_1792 : memref<40x64xi32, #tpu.memory_space<hbm>>) dst(%arg9 : memref<40x64xi32, #tpu.memory_space<vmem>>)
        tpu.yield
      }) : () -> ()
      "tpu.region"() ({
        %run_scoped3A = tpu.sem_alloc : memref<!tpu.dma_semaphore, #tpu.memory_space<semaphore_mem>>
        %dma_start3A_1777 = arith.constant 0 : i32
        %dma_start3A_1778 = arith.constant 0 : i32
        %dma_start3A_1779 = tpu.memref_slice %arg4[%add3A_19, %dma_start3A_1777, %dma_start3A_1778] : memref<128x40x64xi32, #tpu.memory_space<hbm>> -> memref<1x40x64xi32, #tpu.memory_space<hbm>>
        %dma_start3A_1780 = tpu.memref_squeeze %dma_start3A_1779 : memref<1x40x64xi32, #tpu.memory_space<hbm>> -> memref<40x64xi32, #tpu.memory_space<hbm>>
        %dma_start3A_1781 = arith.constant 0 : i32
        %dma_start3A_1782 = arith.constant 0 : i32
        %dma_start3A_1783 = tpu.memref_slice %arg4[%add3A_19, %dma_start3A_1781, %dma_start3A_1782] : memref<128x40x64xi32, #tpu.memory_space<hbm>> -> memref<1x40x64xi32, #tpu.memory_space<hbm>>
        %dma_start3A_1784 = tpu.memref_squeeze %dma_start3A_1783 : memref<1x40x64xi32, #tpu.memory_space<hbm>> -> memref<40x64xi32, #tpu.memory_space<hbm>>
        tpu.enqueue_dma source(%dma_start3A_1784 : memref<40x64xi32, #tpu.memory_space<hbm>>) target(%arg10 : memref<40x64xi32, #tpu.memory_space<vmem>>) target_semaphore(%run_scoped3A : memref<!tpu.dma_semaphore, #tpu.memory_space<semaphore_mem>>)
        %dma_wait3A_1785 = arith.constant 0 : i32
        %dma_wait3A_1786 = arith.constant 0 : i32
        %dma_wait3A_1787 = tpu.memref_slice %arg4[%add3A_19, %dma_wait3A_1785, %dma_wait3A_1786] : memref<128x40x64xi32, #tpu.memory_space<hbm>> -> memref<1x40x64xi32, #tpu.memory_space<hbm>>
        %dma_wait3A_1788 = tpu.memref_squeeze %dma_wait3A_1787 : memref<1x40x64xi32, #tpu.memory_space<hbm>> -> memref<40x64xi32, #tpu.memory_space<hbm>>
        %dma_wait3A_1789 = arith.constant 0 : i32
        %dma_wait3A_1790 = arith.constant 0 : i32
        %dma_wait3A_1791 = tpu.memref_slice %arg4[%add3A_19, %dma_wait3A_1789, %dma_wait3A_1790] : memref<128x40x64xi32, #tpu.memory_space<hbm>> -> memref<1x40x64xi32, #tpu.memory_space<hbm>>
        %dma_wait3A_1792 = tpu.memref_squeeze %dma_wait3A_1791 : memref<1x40x64xi32, #tpu.memory_space<hbm>> -> memref<40x64xi32, #tpu.memory_space<hbm>>
        tpu.wait_dma2 semaphore(%run_scoped3A : memref<!tpu.dma_semaphore, #tpu.memory_space<semaphore_mem>>) src(%dma_wait3A_1792 : memref<40x64xi32, #tpu.memory_space<hbm>>) dst(%arg10 : memref<40x64xi32, #tpu.memory_space<vmem>>)
        tpu.yield
      }) : () -> ()
      %dma_start3A = arith.constant 0 : i32
      %dma_start3A_20 = arith.constant 0 : i32
      %dma_start3A_21 = tpu.memref_slice %arg9[%dma_start3A, %dma_start3A_20] : memref<40x64xi32, #tpu.memory_space<vmem>> -> memref<1x64xi32, #tpu.memory_space<vmem>>
      %dma_start3A_22 = tpu.memref_squeeze %dma_start3A_21 : memref<1x64xi32, #tpu.memory_space<vmem>> -> memref<64xi32, #tpu.memory_space<vmem>>
      %dma_start3A_23 = arith.constant 0 : i32
      %dma_start3A_24 = arith.constant 0 : i32
      %dma_start3A_25 = tpu.memref_slice %arg2[%dma_start3A_23, %dma_start3A_24] : memref<10000x128xf32, #tpu.memory_space<hbm>> -> memref<10000x128xf32, #tpu.memory_space<hbm>>
      tpu.enqueue_indirect_dma source(%dma_start3A_25 : memref<10000x128xf32, #tpu.memory_space<hbm>>) target(%arg11 : memref<64x128xf32, #tpu.memory_space<vmem>>) offsets(%dma_start3A_22 : memref<64xi32, #tpu.memory_space<vmem>>) semaphore(%arg14 : memref<!tpu.dma_semaphore, #tpu.memory_space<semaphore_mem>>)
      %dma_start3A_26 = arith.constant 1 : i32
      %dma_start3A_27 = arith.constant 0 : i32
      %dma_start3A_28 = tpu.memref_slice %arg9[%dma_start3A_26, %dma_start3A_27] : memref<40x64xi32, #tpu.memory_space<vmem>> -> memref<1x64xi32, #tpu.memory_space<vmem>>
      %dma_start3A_29 = tpu.memref_squeeze %dma_start3A_28 : memref<1x64xi32, #tpu.memory_space<vmem>> -> memref<64xi32, #tpu.memory_space<vmem>>
      %dma_start3A_30 = arith.constant 0 : i32
      %dma_start3A_31 = arith.constant 0 : i32
      %dma_start3A_32 = tpu.memref_slice %arg2[%dma_start3A_30, %dma_start3A_31] : memref<10000x128xf32, #tpu.memory_space<hbm>> -> memref<10000x128xf32, #tpu.memory_space<hbm>>
      tpu.enqueue_indirect_dma source(%dma_start3A_32 : memref<10000x128xf32, #tpu.memory_space<hbm>>) target(%arg12 : memref<64x128xf32, #tpu.memory_space<vmem>>) offsets(%dma_start3A_29 : memref<64xi32, #tpu.memory_space<vmem>>) semaphore(%arg15 : memref<!tpu.dma_semaphore, #tpu.memory_space<semaphore_mem>>)
      %get3A = arith.constant 0 : i32
      %get3A_33 = arith.index_cast %get3A : i32 to index
      %get3A_34 = arith.constant 0 : index
      %get3A_35 = tpu.vector_load %arg10[%get3A_33, %get3A_34] {strides = array<i32>} : memref<40x64xi32, #tpu.memory_space<vmem>>, vector<16xi32>,
      tpu.vector_store_idx %arg13[%get3A_35], %broadcast_in_dim3A_6 {add = true} : memref<10112xf32, #tpu.memory_space<vmem>>[vector<16xi32>], vector<16xf32>,
      %get3A_36 = arith.constant 0 : i32
      %get3A_37 = arith.index_cast %get3A_36 : i32 to index
      %get3A_38 = arith.constant 16 : index
      %get3A_39 = tpu.vector_load %arg10[%get3A_37, %get3A_38] {strides = array<i32>} : memref<40x64xi32, #tpu.memory_space<vmem>>, vector<16xi32>,
      tpu.vector_store_idx %arg13[%get3A_39], %broadcast_in_dim3A_6 {add = true} : memref<10112xf32, #tpu.memory_space<vmem>>[vector<16xi32>], vector<16xf32>,
      %get3A_40 = arith.constant 0 : i32
      %get3A_41 = arith.index_cast %get3A_40 : i32 to index
      %get3A_42 = arith.constant 32 : index
      %get3A_43 = tpu.vector_load %arg10[%get3A_41, %get3A_42] {strides = array<i32>} : memref<40x64xi32, #tpu.memory_space<vmem>>, vector<16xi32>,
      tpu.vector_store_idx %arg13[%get3A_43], %broadcast_in_dim3A_6 {add = true} : memref<10112xf32, #tpu.memory_space<vmem>>[vector<16xi32>], vector<16xf32>,
      %get3A_44 = arith.constant 0 : i32
      %get3A_45 = arith.index_cast %get3A_44 : i32 to index
      %get3A_46 = arith.constant 48 : index
      %get3A_47 = tpu.vector_load %arg10[%get3A_45, %get3A_46] {strides = array<i32>} : memref<40x64xi32, #tpu.memory_space<vmem>>, vector<16xi32>,
      tpu.vector_store_idx %arg13[%get3A_47], %broadcast_in_dim3A_6 {add = true} : memref<10112xf32, #tpu.memory_space<vmem>>[vector<16xi32>], vector<16xf32>,
      %dma_wait3A = arith.constant 0 : i32
      %dma_wait3A_48 = arith.constant 0 : i32
      %dma_wait3A_49 = tpu.memref_slice %arg9[%dma_wait3A, %dma_wait3A_48] : memref<40x64xi32, #tpu.memory_space<vmem>> -> memref<1x64xi32, #tpu.memory_space<vmem>>
      %dma_wait3A_50 = tpu.memref_squeeze %dma_wait3A_49 : memref<1x64xi32, #tpu.memory_space<vmem>> -> memref<64xi32, #tpu.memory_space<vmem>>
      %dma_wait3A_51 = arith.constant 0 : i32
      %dma_wait3A_52 = arith.constant 0 : i32
      %dma_wait3A_53 = tpu.memref_slice %arg2[%dma_wait3A_51, %dma_wait3A_52] : memref<10000x128xf32, #tpu.memory_space<hbm>> -> memref<10000x128xf32, #tpu.memory_space<hbm>>
      tpu.wait_indirect_dma semaphore(%arg14 : memref<!tpu.dma_semaphore, #tpu.memory_space<semaphore_mem>>) src(%dma_wait3A_53 : memref<10000x128xf32, #tpu.memory_space<hbm>>) dst(%arg11 : memref<64x128xf32, #tpu.memory_space<vmem>>)
      %dma_start3A_54 = arith.constant 0 : i32
      %dma_start3A_55 = arith.constant 0 : i32
      %dma_start3A_56 = tpu.memref_slice %arg10[%dma_start3A_54, %dma_start3A_55] : memref<40x64xi32, #tpu.memory_space<vmem>> -> memref<1x64xi32, #tpu.memory_space<vmem>>
      %dma_start3A_57 = tpu.memref_squeeze %dma_start3A_56 : memref<1x64xi32, #tpu.memory_space<vmem>> -> memref<64xi32, #tpu.memory_space<vmem>>
      %dma_start3A_58 = arith.constant 0 : i32
      %dma_start3A_59 = arith.constant 0 : i32
      %dma_start3A_60 = tpu.memref_slice %arg18[%dma_start3A_58, %dma_start3A_59] : memref<10112x128xf32, #tpu.memory_space<vmem_shared>> -> memref<10112x128xf32, #tpu.memory_space<vmem_shared>>
      tpu.enqueue_indirect_dma source(%arg11 : memref<64x128xf32, #tpu.memory_space<vmem>>) target(%dma_start3A_60 : memref<10112x128xf32, #tpu.memory_space<vmem_shared>>) offsets(%dma_start3A_57 : memref<64xi32, #tpu.memory_space<vmem>>) semaphore(%arg16 : memref<!tpu.dma_semaphore, #tpu.memory_space<semaphore_mem>>) {add = true}
      %dma_wait3A_61 = arith.constant 0 : i32
      %dma_wait3A_62 = arith.constant 0 : i32
      %dma_wait3A_63 = tpu.memref_slice %arg10[%dma_wait3A_61, %dma_wait3A_62] : memref<40x64xi32, #tpu.memory_space<vmem>> -> memref<1x64xi32, #tpu.memory_space<vmem>>
      %dma_wait3A_64 = tpu.memref_squeeze %dma_wait3A_63 : memref<1x64xi32, #tpu.memory_space<vmem>> -> memref<64xi32, #tpu.memory_space<vmem>>
      %dma_wait3A_65 = arith.constant 0 : i32
      %dma_wait3A_66 = arith.constant 0 : i32
      %dma_wait3A_67 = tpu.memref_slice %arg18[%dma_wait3A_65, %dma_wait3A_66] : memref<10112x128xf32, #tpu.memory_space<vmem_shared>> -> memref<10112x128xf32, #tpu.memory_space<vmem_shared>>
      tpu.wait_indirect_dma semaphore(%arg16 : memref<!tpu.dma_semaphore, #tpu.memory_space<semaphore_mem>>) src(%arg11 : memref<64x128xf32, #tpu.memory_space<vmem>>) dst(%dma_wait3A_67 : memref<10112x128xf32, #tpu.memory_space<vmem_shared>>)
      %dma_start3A_68 = arith.constant 2 : i32
      %dma_start3A_69 = arith.constant 0 : i32
      %dma_start3A_70 = tpu.memref_slice %arg9[%dma_start3A_68, %dma_start3A_69] : memref<40x64xi32, #tpu.memory_space<vmem>> -> memref<1x64xi32, #tpu.memory_space<vmem>>
      %dma_start3A_71 = tpu.memref_squeeze %dma_start3A_70 : memref<1x64xi32, #tpu.memory_space<vmem>> -> memref<64xi32, #tpu.memory_space<vmem>>
      %dma_start3A_72 = arith.constant 0 : i32
      %dma_start3A_73 = arith.constant 0 : i32
      %dma_start3A_74 = tpu.memref_slice %arg2[%dma_start3A_72, %dma_start3A_73] : memref<10000x128xf32, #tpu.memory_space<hbm>> -> memref<10000x128xf32, #tpu.memory_space<hbm>>
      tpu.enqueue_indirect_dma source(%dma_start3A_74 : memref<10000x128xf32, #tpu.memory_space<hbm>>) target(%arg11 : memref<64x128xf32, #tpu.memory_space<vmem>>) offsets(%dma_start3A_71 : memref<64xi32, #tpu.memory_space<vmem>>) semaphore(%arg14 : memref<!tpu.dma_semaphore, #tpu.memory_space<semaphore_mem>>)
      %get3A_75 = arith.constant 1 : i32
      %get3A_76 = arith.index_cast %get3A_75 : i32 to index
      %get3A_77 = arith.constant 0 : index
      %get3A_78 = tpu.vector_load %arg10[%get3A_76, %get3A_77] {strides = array<i32>} : memref<40x64xi32, #tpu.memory_space<vmem>>, vector<16xi32>,
      tpu.vector_store_idx %arg13[%get3A_78], %broadcast_in_dim3A_6 {add = true} : memref<10112xf32, #tpu.memory_space<vmem>>[vector<16xi32>], vector<16xf32>,
      %get3A_79 = arith.constant 1 : i32
      %get3A_80 = arith.index_cast %get3A_79 : i32 to index
      %get3A_81 = arith.constant 16 : index
      %get3A_82 = tpu.vector_load %arg10[%get3A_80, %get3A_81] {strides = array<i32>} : memref<40x64xi32, #tpu.memory_space<vmem>>, vector<16xi32>,
      tpu.vector_store_idx %arg13[%get3A_82], %broadcast_in_dim3A_6 {add = true} : memref<10112xf32, #tpu.memory_space<vmem>>[vector<16xi32>], vector<16xf32>,
      %get3A_83 = arith.constant 1 : i32
      %get3A_84 = arith.index_cast %get3A_83 : i32 to index
      %get3A_85 = arith.constant 32 : index
      %get3A_86 = tpu.vector_load %arg10[%get3A_84, %get3A_85] {strides = array<i32>} : memref<40x64xi32, #tpu.memory_space<vmem>>, vector<16xi32>,
      tpu.vector_store_idx %arg13[%get3A_86], %broadcast_in_dim3A_6 {add = true} : memref<10112xf32, #tpu.memory_space<vmem>>[vector<16xi32>], vector<16xf32>,
      %get3A_87 = arith.constant 1 : i32
      %get3A_88 = arith.index_cast %get3A_87 : i32 to index
      %get3A_89 = arith.constant 48 : index
      %get3A_90 = tpu.vector_load %arg10[%get3A_88, %get3A_89] {strides = array<i32>} : memref<40x64xi32, #tpu.memory_space<vmem>>, vector<16xi32>,
      tpu.vector_store_idx %arg13[%get3A_90], %broadcast_in_dim3A_6 {add = true} : memref<10112xf32, #tpu.memory_space<vmem>>[vector<16xi32>], vector<16xf32>,
      %dma_wait3A_91 = arith.constant 1 : i32
      %dma_wait3A_92 = arith.constant 0 : i32
      %dma_wait3A_93 = tpu.memref_slice %arg9[%dma_wait3A_91, %dma_wait3A_92] : memref<40x64xi32, #tpu.memory_space<vmem>> -> memref<1x64xi32, #tpu.memory_space<vmem>>
      %dma_wait3A_94 = tpu.memref_squeeze %dma_wait3A_93 : memref<1x64xi32, #tpu.memory_space<vmem>> -> memref<64xi32, #tpu.memory_space<vmem>>
      %dma_wait3A_95 = arith.constant 0 : i32
      %dma_wait3A_96 = arith.constant 0 : i32
      %dma_wait3A_97 = tpu.memref_slice %arg2[%dma_wait3A_95, %dma_wait3A_96] : memref<10000x128xf32, #tpu.memory_space<hbm>> -> memref<10000x128xf32, #tpu.memory_space<hbm>>
      tpu.wait_indirect_dma semaphore(%arg15 : memref<!tpu.dma_semaphore, #tpu.memory_space<semaphore_mem>>) src(%dma_wait3A_97 : memref<10000x128xf32, #tpu.memory_space<hbm>>) dst(%arg12 : memref<64x128xf32, #tpu.memory_space<vmem>>)
      %dma_start3A_98 = arith.constant 1 : i32
      %dma_start3A_99 = arith.constant 0 : i32
      %dma_start3A_100 = tpu.memref_slice %arg10[%dma_start3A_98, %dma_start3A_99] : memref<40x64xi32, #tpu.memory_space<vmem>> -> memref<1x64xi32, #tpu.memory_space<vmem>>
      %dma_start3A_101 = tpu.memref_squeeze %dma_start3A_100 : memref<1x64xi32, #tpu.memory_space<vmem>> -> memref<64xi32, #tpu.memory_space<vmem>>
      %dma_start3A_102 = arith.constant 0 : i32
      %dma_start3A_103 = arith.constant 0 : i32
      %dma_start3A_104 = tpu.memref_slice %arg18[%dma_start3A_102, %dma_start3A_103] : memref<10112x128xf32, #tpu.memory_space<vmem_shared>> -> memref<10112x128xf32, #tpu.memory_space<vmem_shared>>
      tpu.enqueue_indirect_dma source(%arg12 : memref<64x128xf32, #tpu.memory_space<vmem>>) target(%dma_start3A_104 : memref<10112x128xf32, #tpu.memory_space<vmem_shared>>) offsets(%dma_start3A_101 : memref<64xi32, #tpu.memory_space<vmem>>) semaphore(%arg17 : memref<!tpu.dma_semaphore, #tpu.memory_space<semaphore_mem>>) {add = true}
      %dma_wait3A_105 = arith.constant 1 : i32
      %dma_wait3A_106 = arith.constant 0 : i32
      %dma_wait3A_107 = tpu.memref_slice %arg10[%dma_wait3A_105, %dma_wait3A_106] : memref<40x64xi32, #tpu.memory_space<vmem>> -> memref<1x64xi32, #tpu.memory_space<vmem>>
      %dma_wait3A_108 = tpu.memref_squeeze %dma_wait3A_107 : memref<1x64xi32, #tpu.memory_space<vmem>> -> memref<64xi32, #tpu.memory_space<vmem>>
      %dma_wait3A_109 = arith.constant 0 : i32
      %dma_wait3A_110 = arith.constant 0 : i32
      %dma_wait3A_111 = tpu.memref_slice %arg18[%dma_wait3A_109, %dma_wait3A_110] : memref<10112x128xf32, #tpu.memory_space<vmem_shared>> -> memref<10112x128xf32, #tpu.memory_space<vmem_shared>>
      tpu.wait_indirect_dma semaphore(%arg17 : memref<!tpu.dma_semaphore, #tpu.memory_space<semaphore_mem>>) src(%arg12 : memref<64x128xf32, #tpu.memory_space<vmem>>) dst(%dma_wait3A_111 : memref<10112x128xf32, #tpu.memory_space<vmem_shared>>)
      %dma_start3A_112 = arith.constant 3 : i32
      %dma_start3A_113 = arith.constant 0 : i32
      %dma_start3A_114 = tpu.memref_slice %arg9[%dma_start3A_112, %dma_start3A_113] : memref<40x64xi32, #tpu.memory_space<vmem>> -> memref<1x64xi32, #tpu.memory_space<vmem>>
      %dma_start3A_115 = tpu.memref_squeeze %dma_start3A_114 : memref<1x64xi32, #tpu.memory_space<vmem>> -> memref<64xi32, #tpu.memory_space<vmem>>
      %dma_start3A_116 = arith.constant 0 : i32
      %dma_start3A_117 = arith.constant 0 : i32
      %dma_start3A_118 = tpu.memref_slice %arg2[%dma_start3A_116, %dma_start3A_117] : memref<10000x128xf32, #tpu.memory_space<hbm>> -> memref<10000x128xf32, #tpu.memory_space<hbm>>
      tpu.enqueue_indirect_dma source(%dma_start3A_118 : memref<10000x128xf32, #tpu.memory_space<hbm>>) target(%arg12 : memref<64x128xf32, #tpu.memory_space<vmem>>) offsets(%dma_start3A_115 : memref<64xi32, #tpu.memory_space<vmem>>) semaphore(%arg15 : memref<!tpu.dma_semaphore, #tpu.memory_space<semaphore_mem>>)
      %get3A_119 = arith.constant 2 : i32
      %get3A_120 = arith.index_cast %get3A_119 : i32 to index
      %get3A_121 = arith.constant 0 : index
      %get3A_122 = tpu.vector_load %arg10[%get3A_120, %get3A_121] {strides = array<i32>} : memref<40x64xi32, #tpu.memory_space<vmem>>, vector<16xi32>,
      tpu.vector_store_idx %arg13[%get3A_122], %broadcast_in_dim3A_6 {add = true} : memref<10112xf32, #tpu.memory_space<vmem>>[vector<16xi32>], vector<16xf32>,
      %get3A_123 = arith.constant 2 : i32
      %get3A_124 = arith.index_cast %get3A_123 : i32 to index
      %get3A_125 = arith.constant 16 : index
      %get3A_126 = tpu.vector_load %arg10[%get3A_124, %get3A_125] {strides = array<i32>} : memref<40x64xi32, #tpu.memory_space<vmem>>, vector<16xi32>,
      tpu.vector_store_idx %arg13[%get3A_126], %broadcast_in_dim3A_6 {add = true} : memref<10112xf32, #tpu.memory_space<vmem>>[vector<16xi32>], vector<16xf32>,
      %get3A_127 = arith.constant 2 : i32
      %get3A_128 = arith.index_cast %get3A_127 : i32 to index
      %get3A_129 = arith.constant 32 : index
      %get3A_130 = tpu.vector_load %arg10[%get3A_128, %get3A_129] {strides = array<i32>} : memref<40x64xi32, #tpu.memory_space<vmem>>, vector<16xi32>,
      tpu.vector_store_idx %arg13[%get3A_130], %broadcast_in_dim3A_6 {add = true} : memref<10112xf32, #tpu.memory_space<vmem>>[vector<16xi32>], vector<16xf32>,
      %get3A_131 = arith.constant 2 : i32
      %get3A_132 = arith.index_cast %get3A_131 : i32 to index
      %get3A_133 = arith.constant 48 : index
      %get3A_134 = tpu.vector_load %arg10[%get3A_132, %get3A_133] {strides = array<i32>} : memref<40x64xi32, #tpu.memory_space<vmem>>, vector<16xi32>,
      tpu.vector_store_idx %arg13[%get3A_134], %broadcast_in_dim3A_6 {add = true} : memref<10112xf32, #tpu.memory_space<vmem>>[vector<16xi32>], vector<16xf32>,
      %dma_wait3A_135 = arith.constant 2 : i32
      %dma_wait3A_136 = arith.constant 0 : i32
      %dma_wait3A_137 = tpu.memref_slice %arg9[%dma_wait3A_135, %dma_wait3A_136] : memref<40x64xi32, #tpu.memory_space<vmem>> -> memref<1x64xi32, #tpu.memory_space<vmem>>
      %dma_wait3A_138 = tpu.memref_squeeze %dma_wait3A_137 : memref<1x64xi32, #tpu.memory_space<vmem>> -> memref<64xi32, #tpu.memory_space<vmem>>
      %dma_wait3A_139 = arith.constant 0 : i32
      %dma_wait3A_140 = arith.constant 0 : i32
      %dma_wait3A_141 = tpu.memref_slice %arg2[%dma_wait3A_139, %dma_wait3A_140] : memref<10000x128xf32, #tpu.memory_space<hbm>> -> memref<10000x128xf32, #tpu.memory_space<hbm>>
      tpu.wait_indirect_dma semaphore(%arg14 : memref<!tpu.dma_semaphore, #tpu.memory_space<semaphore_mem>>) src(%dma_wait3A_141 : memref<10000x128xf32, #tpu.memory_space<hbm>>) dst(%arg11 : memref<64x128xf32, #tpu.memory_space<vmem>>)
      %dma_start3A_142 = arith.constant 2 : i32
      %dma_start3A_143 = arith.constant 0 : i32
      %dma_start3A_144 = tpu.memref_slice %arg10[%dma_start3A_142, %dma_start3A_143] : memref<40x64xi32, #tpu.memory_space<vmem>> -> memref<1x64xi32, #tpu.memory_space<vmem>>
      %dma_start3A_145 = tpu.memref_squeeze %dma_start3A_144 : memref<1x64xi32, #tpu.memory_space<vmem>> -> memref<64xi32, #tpu.memory_space<vmem>>
      %dma_start3A_146 = arith.constant 0 : i32
      %dma_start3A_147 = arith.constant 0 : i32
      %dma_start3A_148 = tpu.memref_slice %arg18[%dma_start3A_146, %dma_start3A_147] : memref<10112x128xf32, #tpu.memory_space<vmem_shared>> -> memref<10112x128xf32, #tpu.memory_space<vmem_shared>>
      tpu.enqueue_indirect_dma source(%arg11 : memref<64x128xf32, #tpu.memory_space<vmem>>) target(%dma_start3A_148 : memref<10112x128xf32, #tpu.memory_space<vmem_shared>>) offsets(%dma_start3A_145 : memref<64xi32, #tpu.memory_space<vmem>>) semaphore(%arg16 : memref<!tpu.dma_semaphore, #tpu.memory_space<semaphore_mem>>) {add = true}
      %dma_wait3A_149 = arith.constant 2 : i32
      %dma_wait3A_150 = arith.constant 0 : i32
      %dma_wait3A_151 = tpu.memref_slice %arg10[%dma_wait3A_149, %dma_wait3A_150] : memref<40x64xi32, #tpu.memory_space<vmem>> -> memref<1x64xi32, #tpu.memory_space<vmem>>
      %dma_wait3A_152 = tpu.memref_squeeze %dma_wait3A_151 : memref<1x64xi32, #tpu.memory_space<vmem>> -> memref<64xi32, #tpu.memory_space<vmem>>
      %dma_wait3A_153 = arith.constant 0 : i32
      %dma_wait3A_154 = arith.constant 0 : i32
      %dma_wait3A_155 = tpu.memref_slice %arg18[%dma_wait3A_153, %dma_wait3A_154] : memref<10112x128xf32, #tpu.memory_space<vmem_shared>> -> memref<10112x128xf32, #tpu.memory_space<vmem_shared>>
      tpu.wait_indirect_dma semaphore(%arg16 : memref<!tpu.dma_semaphore, #tpu.memory_space<semaphore_mem>>) src(%arg11 : memref<64x128xf32, #tpu.memory_space<vmem>>) dst(%dma_wait3A_155 : memref<10112x128xf32, #tpu.memory_space<vmem_shared>>)
      %dma_start3A_156 = arith.constant 4 : i32
      %dma_start3A_157 = arith.constant 0 : i32
      %dma_start3A_158 = tpu.memref_slice %arg9[%dma_start3A_156, %dma_start3A_157] : memref<40x64xi32, #tpu.memory_space<vmem>> -> memref<1x64xi32, #tpu.memory_space<vmem>>
      %dma_start3A_159 = tpu.memref_squeeze %dma_start3A_158 : memref<1x64xi32, #tpu.memory_space<vmem>> -> memref<64xi32, #tpu.memory_space<vmem>>
      %dma_start3A_160 = arith.constant 0 : i32
      %dma_start3A_161 = arith.constant 0 : i32
      %dma_start3A_162 = tpu.memref_slice %arg2[%dma_start3A_160, %dma_start3A_161] : memref<10000x128xf32, #tpu.memory_space<hbm>> -> memref<10000x128xf32, #tpu.memory_space<hbm>>
      tpu.enqueue_indirect_dma source(%dma_start3A_162 : memref<10000x128xf32, #tpu.memory_space<hbm>>) target(%arg11 : memref<64x128xf32, #tpu.memory_space<vmem>>) offsets(%dma_start3A_159 : memref<64xi32, #tpu.memory_space<vmem>>) semaphore(%arg14 : memref<!tpu.dma_semaphore, #tpu.memory_space<semaphore_mem>>)
      %get3A_163 = arith.constant 3 : i32
      %get3A_164 = arith.index_cast %get3A_163 : i32 to index
      %get3A_165 = arith.constant 0 : index
      %get3A_166 = tpu.vector_load %arg10[%get3A_164, %get3A_165] {strides = array<i32>} : memref<40x64xi32, #tpu.memory_space<vmem>>, vector<16xi32>,
      tpu.vector_store_idx %arg13[%get3A_166], %broadcast_in_dim3A_6 {add = true} : memref<10112xf32, #tpu.memory_space<vmem>>[vector<16xi32>], vector<16xf32>,
      %get3A_167 = arith.constant 3 : i32
      %get3A_168 = arith.index_cast %get3A_167 : i32 to index
      %get3A_169 = arith.constant 16 : index
      %get3A_170 = tpu.vector_load %arg10[%get3A_168, %get3A_169] {strides = array<i32>} : memref<40x64xi32, #tpu.memory_space<vmem>>, vector<16xi32>,
      tpu.vector_store_idx %arg13[%get3A_170], %broadcast_in_dim3A_6 {add = true} : memref<10112xf32, #tpu.memory_space<vmem>>[vector<16xi32>], vector<16xf32>,
      %get3A_171 = arith.constant 3 : i32
      %get3A_172 = arith.index_cast %get3A_171 : i32 to index
      %get3A_173 = arith.constant 32 : index
      %get3A_174 = tpu.vector_load %arg10[%get3A_172, %get3A_173] {strides = array<i32>} : memref<40x64xi32, #tpu.memory_space<vmem>>, vector<16xi32>,
      tpu.vector_store_idx %arg13[%get3A_174], %broadcast_in_dim3A_6 {add = true} : memref<10112xf32, #tpu.memory_space<vmem>>[vector<16xi32>], vector<16xf32>,
      %get3A_175 = arith.constant 3 : i32
      %get3A_176 = arith.index_cast %get3A_175 : i32 to index
      %get3A_177 = arith.constant 48 : index
      %get3A_178 = tpu.vector_load %arg10[%get3A_176, %get3A_177] {strides = array<i32>} : memref<40x64xi32, #tpu.memory_space<vmem>>, vector<16xi32>,
      tpu.vector_store_idx %arg13[%get3A_178], %broadcast_in_dim3A_6 {add = true} : memref<10112xf32, #tpu.memory_space<vmem>>[vector<16xi32>], vector<16xf32>,
      %dma_wait3A_179 = arith.constant 3 : i32
      %dma_wait3A_180 = arith.constant 0 : i32
      %dma_wait3A_181 = tpu.memref_slice %arg9[%dma_wait3A_179, %dma_wait3A_180] : memref<40x64xi32, #tpu.memory_space<vmem>> -> memref<1x64xi32, #tpu.memory_space<vmem>>
      %dma_wait3A_182 = tpu.memref_squeeze %dma_wait3A_181 : memref<1x64xi32, #tpu.memory_space<vmem>> -> memref<64xi32, #tpu.memory_space<vmem>>
      %dma_wait3A_183 = arith.constant 0 : i32
      %dma_wait3A_184 = arith.constant 0 : i32
      %dma_wait3A_185 = tpu.memref_slice %arg2[%dma_wait3A_183, %dma_wait3A_184] : memref<10000x128xf32, #tpu.memory_space<hbm>> -> memref<10000x128xf32, #tpu.memory_space<hbm>>
      tpu.wait_indirect_dma semaphore(%arg15 : memref<!tpu.dma_semaphore, #tpu.memory_space<semaphore_mem>>) src(%dma_wait3A_185 : memref<10000x128xf32, #tpu.memory_space<hbm>>) dst(%arg12 : memref<64x128xf32, #tpu.memory_space<vmem>>)
      %dma_start3A_186 = arith.constant 3 : i32
      %dma_start3A_187 = arith.constant 0 : i32
      %dma_start3A_188 = tpu.memref_slice %arg10[%dma_start3A_186, %dma_start3A_187] : memref<40x64xi32, #tpu.memory_space<vmem>> -> memref<1x64xi32, #tpu.memory_space<vmem>>
      %dma_start3A_189 = tpu.memref_squeeze %dma_start3A_188 : memref<1x64xi32, #tpu.memory_space<vmem>> -> memref<64xi32, #tpu.memory_space<vmem>>
      %dma_start3A_190 = arith.constant 0 : i32
      %dma_start3A_191 = arith.constant 0 : i32
      %dma_start3A_192 = tpu.memref_slice %arg18[%dma_start3A_190, %dma_start3A_191] : memref<10112x128xf32, #tpu.memory_space<vmem_shared>> -> memref<10112x128xf32, #tpu.memory_space<vmem_shared>>
      tpu.enqueue_indirect_dma source(%arg12 : memref<64x128xf32, #tpu.memory_space<vmem>>) target(%dma_start3A_192 : memref<10112x128xf32, #tpu.memory_space<vmem_shared>>) offsets(%dma_start3A_189 : memref<64xi32, #tpu.memory_space<vmem>>) semaphore(%arg17 : memref<!tpu.dma_semaphore, #tpu.memory_space<semaphore_mem>>) {add = true}
      %dma_wait3A_193 = arith.constant 3 : i32
      %dma_wait3A_194 = arith.constant 0 : i32
      %dma_wait3A_195 = tpu.memref_slice %arg10[%dma_wait3A_193, %dma_wait3A_194] : memref<40x64xi32, #tpu.memory_space<vmem>> -> memref<1x64xi32, #tpu.memory_space<vmem>>
      %dma_wait3A_196 = tpu.memref_squeeze %dma_wait3A_195 : memref<1x64xi32, #tpu.memory_space<vmem>> -> memref<64xi32, #tpu.memory_space<vmem>>
      %dma_wait3A_197 = arith.constant 0 : i32
      %dma_wait3A_198 = arith.constant 0 : i32
      %dma_wait3A_199 = tpu.memref_slice %arg18[%dma_wait3A_197, %dma_wait3A_198] : memref<10112x128xf32, #tpu.memory_space<vmem_shared>> -> memref<10112x128xf32, #tpu.memory_space<vmem_shared>>
      tpu.wait_indirect_dma semaphore(%arg17 : memref<!tpu.dma_semaphore, #tpu.memory_space<semaphore_mem>>) src(%arg12 : memref<64x128xf32, #tpu.memory_space<vmem>>) dst(%dma_wait3A_199 : memref<10112x128xf32, #tpu.memory_space<vmem_shared>>)
      %dma_start3A_200 = arith.constant 5 : i32
      %dma_start3A_201 = arith.constant 0 : i32
      %dma_start3A_202 = tpu.memref_slice %arg9[%dma_start3A_200, %dma_start3A_201] : memref<40x64xi32, #tpu.memory_space<vmem>> -> memref<1x64xi32, #tpu.memory_space<vmem>>
      %dma_start3A_203 = tpu.memref_squeeze %dma_start3A_202 : memref<1x64xi32, #tpu.memory_space<vmem>> -> memref<64xi32, #tpu.memory_space<vmem>>
      %dma_start3A_204 = arith.constant 0 : i32
      %dma_start3A_205 = arith.constant 0 : i32
      %dma_start3A_206 = tpu.memref_slice %arg2[%dma_start3A_204, %dma_start3A_205] : memref<10000x128xf32, #tpu.memory_space<hbm>> -> memref<10000x128xf32, #tpu.memory_space<hbm>>
      tpu.enqueue_indirect_dma source(%dma_start3A_206 : memref<10000x128xf32, #tpu.memory_space<hbm>>) target(%arg12 : memref<64x128xf32, #tpu.memory_space<vmem>>) offsets(%dma_start3A_203 : memref<64xi32, #tpu.memory_space<vmem>>) semaphore(%arg15 : memref<!tpu.dma_semaphore, #tpu.memory_space<semaphore_mem>>)
      %get3A_207 = arith.constant 4 : i32
      %get3A_208 = arith.index_cast %get3A_207 : i32 to index
      %get3A_209 = arith.constant 0 : index
      %get3A_210 = tpu.vector_load %arg10[%get3A_208, %get3A_209] {strides = array<i32>} : memref<40x64xi32, #tpu.memory_space<vmem>>, vector<16xi32>,
      tpu.vector_store_idx %arg13[%get3A_210], %broadcast_in_dim3A_6 {add = true} : memref<10112xf32, #tpu.memory_space<vmem>>[vector<16xi32>], vector<16xf32>,
      %get3A_211 = arith.constant 4 : i32
      %get3A_212 = arith.index_cast %get3A_211 : i32 to index
      %get3A_213 = arith.constant 16 : index
      %get3A_214 = tpu.vector_load %arg10[%get3A_212, %get3A_213] {strides = array<i32>} : memref<40x64xi32, #tpu.memory_space<vmem>>, vector<16xi32>,
      tpu.vector_store_idx %arg13[%get3A_214], %broadcast_in_dim3A_6 {add = true} : memref<10112xf32, #tpu.memory_space<vmem>>[vector<16xi32>], vector<16xf32>,
      %get3A_215 = arith.constant 4 : i32
      %get3A_216 = arith.index_cast %get3A_215 : i32 to index
      %get3A_217 = arith.constant 32 : index
      %get3A_218 = tpu.vector_load %arg10[%get3A_216, %get3A_217] {strides = array<i32>} : memref<40x64xi32, #tpu.memory_space<vmem>>, vector<16xi32>,
      tpu.vector_store_idx %arg13[%get3A_218], %broadcast_in_dim3A_6 {add = true} : memref<10112xf32, #tpu.memory_space<vmem>>[vector<16xi32>], vector<16xf32>,
      %get3A_219 = arith.constant 4 : i32
      %get3A_220 = arith.index_cast %get3A_219 : i32 to index
      %get3A_221 = arith.constant 48 : index
      %get3A_222 = tpu.vector_load %arg10[%get3A_220, %get3A_221] {strides = array<i32>} : memref<40x64xi32, #tpu.memory_space<vmem>>, vector<16xi32>,
      tpu.vector_store_idx %arg13[%get3A_222], %broadcast_in_dim3A_6 {add = true} : memref<10112xf32, #tpu.memory_space<vmem>>[vector<16xi32>], vector<16xf32>,
      %dma_wait3A_223 = arith.constant 4 : i32
      %dma_wait3A_224 = arith.constant 0 : i32
      %dma_wait3A_225 = tpu.memref_slice %arg9[%dma_wait3A_223, %dma_wait3A_224] : memref<40x64xi32, #tpu.memory_space<vmem>> -> memref<1x64xi32, #tpu.memory_space<vmem>>
      %dma_wait3A_226 = tpu.memref_squeeze %dma_wait3A_225 : memref<1x64xi32, #tpu.memory_space<vmem>> -> memref<64xi32, #tpu.memory_space<vmem>>
      %dma_wait3A_227 = arith.constant 0 : i32
      %dma_wait3A_228 = arith.constant 0 : i32
      %dma_wait3A_229 = tpu.memref_slice %arg2[%dma_wait3A_227, %dma_wait3A_228] : memref<10000x128xf32, #tpu.memory_space<hbm>> -> memref<10000x128xf32, #tpu.memory_space<hbm>>
      tpu.wait_indirect_dma semaphore(%arg14 : memref<!tpu.dma_semaphore, #tpu.memory_space<semaphore_mem>>) src(%dma_wait3A_229 : memref<10000x128xf32, #tpu.memory_space<hbm>>) dst(%arg11 : memref<64x128xf32, #tpu.memory_space<vmem>>)
      %dma_start3A_230 = arith.constant 4 : i32
      %dma_start3A_231 = arith.constant 0 : i32
      %dma_start3A_232 = tpu.memref_slice %arg10[%dma_start3A_230, %dma_start3A_231] : memref<40x64xi32, #tpu.memory_space<vmem>> -> memref<1x64xi32, #tpu.memory_space<vmem>>
      %dma_start3A_233 = tpu.memref_squeeze %dma_start3A_232 : memref<1x64xi32, #tpu.memory_space<vmem>> -> memref<64xi32, #tpu.memory_space<vmem>>
      %dma_start3A_234 = arith.constant 0 : i32
      %dma_start3A_235 = arith.constant 0 : i32
      %dma_start3A_236 = tpu.memref_slice %arg18[%dma_start3A_234, %dma_start3A_235] : memref<10112x128xf32, #tpu.memory_space<vmem_shared>> -> memref<10112x128xf32, #tpu.memory_space<vmem_shared>>
      tpu.enqueue_indirect_dma source(%arg11 : memref<64x128xf32, #tpu.memory_space<vmem>>) target(%dma_start3A_236 : memref<10112x128xf32, #tpu.memory_space<vmem_shared>>) offsets(%dma_start3A_233 : memref<64xi32, #tpu.memory_space<vmem>>) semaphore(%arg16 : memref<!tpu.dma_semaphore, #tpu.memory_space<semaphore_mem>>) {add = true}
      %dma_wait3A_237 = arith.constant 4 : i32
      %dma_wait3A_238 = arith.constant 0 : i32
      %dma_wait3A_239 = tpu.memref_slice %arg10[%dma_wait3A_237, %dma_wait3A_238] : memref<40x64xi32, #tpu.memory_space<vmem>> -> memref<1x64xi32, #tpu.memory_space<vmem>>
      %dma_wait3A_240 = tpu.memref_squeeze %dma_wait3A_239 : memref<1x64xi32, #tpu.memory_space<vmem>> -> memref<64xi32, #tpu.memory_space<vmem>>
      %dma_wait3A_241 = arith.constant 0 : i32
      %dma_wait3A_242 = arith.constant 0 : i32
      %dma_wait3A_243 = tpu.memref_slice %arg18[%dma_wait3A_241, %dma_wait3A_242] : memref<10112x128xf32, #tpu.memory_space<vmem_shared>> -> memref<10112x128xf32, #tpu.memory_space<vmem_shared>>
      tpu.wait_indirect_dma semaphore(%arg16 : memref<!tpu.dma_semaphore, #tpu.memory_space<semaphore_mem>>) src(%arg11 : memref<64x128xf32, #tpu.memory_space<vmem>>) dst(%dma_wait3A_243 : memref<10112x128xf32, #tpu.memory_space<vmem_shared>>)
      %dma_start3A_244 = arith.constant 6 : i32
      %dma_start3A_245 = arith.constant 0 : i32
      %dma_start3A_246 = tpu.memref_slice %arg9[%dma_start3A_244, %dma_start3A_245] : memref<40x64xi32, #tpu.memory_space<vmem>> -> memref<1x64xi32, #tpu.memory_space<vmem>>
      %dma_start3A_247 = tpu.memref_squeeze %dma_start3A_246 : memref<1x64xi32, #tpu.memory_space<vmem>> -> memref<64xi32, #tpu.memory_space<vmem>>
      %dma_start3A_248 = arith.constant 0 : i32
      %dma_start3A_249 = arith.constant 0 : i32
      %dma_start3A_250 = tpu.memref_slice %arg2[%dma_start3A_248, %dma_start3A_249] : memref<10000x128xf32, #tpu.memory_space<hbm>> -> memref<10000x128xf32, #tpu.memory_space<hbm>>
      tpu.enqueue_indirect_dma source(%dma_start3A_250 : memref<10000x128xf32, #tpu.memory_space<hbm>>) target(%arg11 : memref<64x128xf32, #tpu.memory_space<vmem>>) offsets(%dma_start3A_247 : memref<64xi32, #tpu.memory_space<vmem>>) semaphore(%arg14 : memref<!tpu.dma_semaphore, #tpu.memory_space<semaphore_mem>>)
      %get3A_251 = arith.constant 5 : i32
      %get3A_252 = arith.index_cast %get3A_251 : i32 to index
      %get3A_253 = arith.constant 0 : index
      %get3A_254 = tpu.vector_load %arg10[%get3A_252, %get3A_253] {strides = array<i32>} : memref<40x64xi32, #tpu.memory_space<vmem>>, vector<16xi32>,
      tpu.vector_store_idx %arg13[%get3A_254], %broadcast_in_dim3A_6 {add = true} : memref<10112xf32, #tpu.memory_space<vmem>>[vector<16xi32>], vector<16xf32>,
      %get3A_255 = arith.constant 5 : i32
      %get3A_256 = arith.index_cast %get3A_255 : i32 to index
      %get3A_257 = arith.constant 16 : index
      %get3A_258 = tpu.vector_load %arg10[%get3A_256, %get3A_257] {strides = array<i32>} : memref<40x64xi32, #tpu.memory_space<vmem>>, vector<16xi32>,
      tpu.vector_store_idx %arg13[%get3A_258], %broadcast_in_dim3A_6 {add = true} : memref<10112xf32, #tpu.memory_space<vmem>>[vector<16xi32>], vector<16xf32>,
      %get3A_259 = arith.constant 5 : i32
      %get3A_260 = arith.index_cast %get3A_259 : i32 to index
      %get3A_261 = arith.constant 32 : index
      %get3A_262 = tpu.vector_load %arg10[%get3A_260, %get3A_261] {strides = array<i32>} : memref<40x64xi32, #tpu.memory_space<vmem>>, vector<16xi32>,
      tpu.vector_store_idx %arg13[%get3A_262], %broadcast_in_dim3A_6 {add = true} : memref<10112xf32, #tpu.memory_space<vmem>>[vector<16xi32>], vector<16xf32>,
      %get3A_263 = arith.constant 5 : i32
      %get3A_264 = arith.index_cast %get3A_263 : i32 to index
      %get3A_265 = arith.constant 48 : index
      %get3A_266 = tpu.vector_load %arg10[%get3A_264, %get3A_265] {strides = array<i32>} : memref<40x64xi32, #tpu.memory_space<vmem>>, vector<16xi32>,
      tpu.vector_store_idx %arg13[%get3A_266], %broadcast_in_dim3A_6 {add = true} : memref<10112xf32, #tpu.memory_space<vmem>>[vector<16xi32>], vector<16xf32>,
      %dma_wait3A_267 = arith.constant 5 : i32
      %dma_wait3A_268 = arith.constant 0 : i32
      %dma_wait3A_269 = tpu.memref_slice %arg9[%dma_wait3A_267, %dma_wait3A_268] : memref<40x64xi32, #tpu.memory_space<vmem>> -> memref<1x64xi32, #tpu.memory_space<vmem>>
      %dma_wait3A_270 = tpu.memref_squeeze %dma_wait3A_269 : memref<1x64xi32, #tpu.memory_space<vmem>> -> memref<64xi32, #tpu.memory_space<vmem>>
      %dma_wait3A_271 = arith.constant 0 : i32
      %dma_wait3A_272 = arith.constant 0 : i32
      %dma_wait3A_273 = tpu.memref_slice %arg2[%dma_wait3A_271, %dma_wait3A_272] : memref<10000x128xf32, #tpu.memory_space<hbm>> -> memref<10000x128xf32, #tpu.memory_space<hbm>>
      tpu.wait_indirect_dma semaphore(%arg15 : memref<!tpu.dma_semaphore, #tpu.memory_space<semaphore_mem>>) src(%dma_wait3A_273 : memref<10000x128xf32, #tpu.memory_space<hbm>>) dst(%arg12 : memref<64x128xf32, #tpu.memory_space<vmem>>)
      %dma_start3A_274 = arith.constant 5 : i32
      %dma_start3A_275 = arith.constant 0 : i32
      %dma_start3A_276 = tpu.memref_slice %arg10[%dma_start3A_274, %dma_start3A_275] : memref<40x64xi32, #tpu.memory_space<vmem>> -> memref<1x64xi32, #tpu.memory_space<vmem>>
      %dma_start3A_277 = tpu.memref_squeeze %dma_start3A_276 : memref<1x64xi32, #tpu.memory_space<vmem>> -> memref<64xi32, #tpu.memory_space<vmem>>
      %dma_start3A_278 = arith.constant 0 : i32
      %dma_start3A_279 = arith.constant 0 : i32
      %dma_start3A_280 = tpu.memref_slice %arg18[%dma_start3A_278, %dma_start3A_279] : memref<10112x128xf32, #tpu.memory_space<vmem_shared>> -> memref<10112x128xf32, #tpu.memory_space<vmem_shared>>
      tpu.enqueue_indirect_dma source(%arg12 : memref<64x128xf32, #tpu.memory_space<vmem>>) target(%dma_start3A_280 : memref<10112x128xf32, #tpu.memory_space<vmem_shared>>) offsets(%dma_start3A_277 : memref<64xi32, #tpu.memory_space<vmem>>) semaphore(%arg17 : memref<!tpu.dma_semaphore, #tpu.memory_space<semaphore_mem>>) {add = true}
      %dma_wait3A_281 = arith.constant 5 : i32
      %dma_wait3A_282 = arith.constant 0 : i32
      %dma_wait3A_283 = tpu.memref_slice %arg10[%dma_wait3A_281, %dma_wait3A_282] : memref<40x64xi32, #tpu.memory_space<vmem>> -> memref<1x64xi32, #tpu.memory_space<vmem>>
      %dma_wait3A_284 = tpu.memref_squeeze %dma_wait3A_283 : memref<1x64xi32, #tpu.memory_space<vmem>> -> memref<64xi32, #tpu.memory_space<vmem>>
      %dma_wait3A_285 = arith.constant 0 : i32
      %dma_wait3A_286 = arith.constant 0 : i32
      %dma_wait3A_287 = tpu.memref_slice %arg18[%dma_wait3A_285, %dma_wait3A_286] : memref<10112x128xf32, #tpu.memory_space<vmem_shared>> -> memref<10112x128xf32, #tpu.memory_space<vmem_shared>>
      tpu.wait_indirect_dma semaphore(%arg17 : memref<!tpu.dma_semaphore, #tpu.memory_space<semaphore_mem>>) src(%arg12 : memref<64x128xf32, #tpu.memory_space<vmem>>) dst(%dma_wait3A_287 : memref<10112x128xf32, #tpu.memory_space<vmem_shared>>)
      %dma_start3A_288 = arith.constant 7 : i32
      %dma_start3A_289 = arith.constant 0 : i32
      %dma_start3A_290 = tpu.memref_slice %arg9[%dma_start3A_288, %dma_start3A_289] : memref<40x64xi32, #tpu.memory_space<vmem>> -> memref<1x64xi32, #tpu.memory_space<vmem>>
      %dma_start3A_291 = tpu.memref_squeeze %dma_start3A_290 : memref<1x64xi32, #tpu.memory_space<vmem>> -> memref<64xi32, #tpu.memory_space<vmem>>
      %dma_start3A_292 = arith.constant 0 : i32
      %dma_start3A_293 = arith.constant 0 : i32
      %dma_start3A_294 = tpu.memref_slice %arg2[%dma_start3A_292, %dma_start3A_293] : memref<10000x128xf32, #tpu.memory_space<hbm>> -> memref<10000x128xf32, #tpu.memory_space<hbm>>
      tpu.enqueue_indirect_dma source(%dma_start3A_294 : memref<10000x128xf32, #tpu.memory_space<hbm>>) target(%arg12 : memref<64x128xf32, #tpu.memory_space<vmem>>) offsets(%dma_start3A_291 : memref<64xi32, #tpu.memory_space<vmem>>) semaphore(%arg15 : memref<!tpu.dma_semaphore, #tpu.memory_space<semaphore_mem>>)
      %get3A_295 = arith.constant 6 : i32
      %get3A_296 = arith.index_cast %get3A_295 : i32 to index
      %get3A_297 = arith.constant 0 : index
      %get3A_298 = tpu.vector_load %arg10[%get3A_296, %get3A_297] {strides = array<i32>} : memref<40x64xi32, #tpu.memory_space<vmem>>, vector<16xi32>,
      tpu.vector_store_idx %arg13[%get3A_298], %broadcast_in_dim3A_6 {add = true} : memref<10112xf32, #tpu.memory_space<vmem>>[vector<16xi32>], vector<16xf32>,
      %get3A_299 = arith.constant 6 : i32
      %get3A_300 = arith.index_cast %get3A_299 : i32 to index
      %get3A_301 = arith.constant 16 : index
      %get3A_302 = tpu.vector_load %arg10[%get3A_300, %get3A_301] {strides = array<i32>} : memref<40x64xi32, #tpu.memory_space<vmem>>, vector<16xi32>,
      tpu.vector_store_idx %arg13[%get3A_302], %broadcast_in_dim3A_6 {add = true} : memref<10112xf32, #tpu.memory_space<vmem>>[vector<16xi32>], vector<16xf32>,
      %get3A_303 = arith.constant 6 : i32
      %get3A_304 = arith.index_cast %get3A_303 : i32 to index
      %get3A_305 = arith.constant 32 : index
      %get3A_306 = tpu.vector_load %arg10[%get3A_304, %get3A_305] {strides = array<i32>} : memref<40x64xi32, #tpu.memory_space<vmem>>, vector<16xi32>,
      tpu.vector_store_idx %arg13[%get3A_306], %broadcast_in_dim3A_6 {add = true} : memref<10112xf32, #tpu.memory_space<vmem>>[vector<16xi32>], vector<16xf32>,
      %get3A_307 = arith.constant 6 : i32
      %get3A_308 = arith.index_cast %get3A_307 : i32 to index
      %get3A_309 = arith.constant 48 : index
      %get3A_310 = tpu.vector_load %arg10[%get3A_308, %get3A_309] {strides = array<i32>} : memref<40x64xi32, #tpu.memory_space<vmem>>, vector<16xi32>,
      tpu.vector_store_idx %arg13[%get3A_310], %broadcast_in_dim3A_6 {add = true} : memref<10112xf32, #tpu.memory_space<vmem>>[vector<16xi32>], vector<16xf32>,
      %dma_wait3A_311 = arith.constant 6 : i32
      %dma_wait3A_312 = arith.constant 0 : i32
      %dma_wait3A_313 = tpu.memref_slice %arg9[%dma_wait3A_311, %dma_wait3A_312] : memref<40x64xi32, #tpu.memory_space<vmem>> -> memref<1x64xi32, #tpu.memory_space<vmem>>
      %dma_wait3A_314 = tpu.memref_squeeze %dma_wait3A_313 : memref<1x64xi32, #tpu.memory_space<vmem>> -> memref<64xi32, #tpu.memory_space<vmem>>
      %dma_wait3A_315 = arith.constant 0 : i32
      %dma_wait3A_316 = arith.constant 0 : i32
      %dma_wait3A_317 = tpu.memref_slice %arg2[%dma_wait3A_315, %dma_wait3A_316] : memref<10000x128xf32, #tpu.memory_space<hbm>> -> memref<10000x128xf32, #tpu.memory_space<hbm>>
      tpu.wait_indirect_dma semaphore(%arg14 : memref<!tpu.dma_semaphore, #tpu.memory_space<semaphore_mem>>) src(%dma_wait3A_317 : memref<10000x128xf32, #tpu.memory_space<hbm>>) dst(%arg11 : memref<64x128xf32, #tpu.memory_space<vmem>>)
      %dma_start3A_318 = arith.constant 6 : i32
      %dma_start3A_319 = arith.constant 0 : i32
      %dma_start3A_320 = tpu.memref_slice %arg10[%dma_start3A_318, %dma_start3A_319] : memref<40x64xi32, #tpu.memory_space<vmem>> -> memref<1x64xi32, #tpu.memory_space<vmem>>
      %dma_start3A_321 = tpu.memref_squeeze %dma_start3A_320 : memref<1x64xi32, #tpu.memory_space<vmem>> -> memref<64xi32, #tpu.memory_space<vmem>>
      %dma_start3A_322 = arith.constant 0 : i32
      %dma_start3A_323 = arith.constant 0 : i32
      %dma_start3A_324 = tpu.memref_slice %arg18[%dma_start3A_322, %dma_start3A_323] : memref<10112x128xf32, #tpu.memory_space<vmem_shared>> -> memref<10112x128xf32, #tpu.memory_space<vmem_shared>>
      tpu.enqueue_indirect_dma source(%arg11 : memref<64x128xf32, #tpu.memory_space<vmem>>) target(%dma_start3A_324 : memref<10112x128xf32, #tpu.memory_space<vmem_shared>>) offsets(%dma_start3A_321 : memref<64xi32, #tpu.memory_space<vmem>>) semaphore(%arg16 : memref<!tpu.dma_semaphore, #tpu.memory_space<semaphore_mem>>) {add = true}
      %dma_wait3A_325 = arith.constant 6 : i32
      %dma_wait3A_326 = arith.constant 0 : i32
      %dma_wait3A_327 = tpu.memref_slice %arg10[%dma_wait3A_325, %dma_wait3A_326] : memref<40x64xi32, #tpu.memory_space<vmem>> -> memref<1x64xi32, #tpu.memory_space<vmem>>
      %dma_wait3A_328 = tpu.memref_squeeze %dma_wait3A_327 : memref<1x64xi32, #tpu.memory_space<vmem>> -> memref<64xi32, #tpu.memory_space<vmem>>
      %dma_wait3A_329 = arith.constant 0 : i32
      %dma_wait3A_330 = arith.constant 0 : i32
      %dma_wait3A_331 = tpu.memref_slice %arg18[%dma_wait3A_329, %dma_wait3A_330] : memref<10112x128xf32, #tpu.memory_space<vmem_shared>> -> memref<10112x128xf32, #tpu.memory_space<vmem_shared>>
      tpu.wait_indirect_dma semaphore(%arg16 : memref<!tpu.dma_semaphore, #tpu.memory_space<semaphore_mem>>) src(%arg11 : memref<64x128xf32, #tpu.memory_space<vmem>>) dst(%dma_wait3A_331 : memref<10112x128xf32, #tpu.memory_space<vmem_shared>>)
      %dma_start3A_332 = arith.constant 8 : i32
      %dma_start3A_333 = arith.constant 0 : i32
      %dma_start3A_334 = tpu.memref_slice %arg9[%dma_start3A_332, %dma_start3A_333] : memref<40x64xi32, #tpu.memory_space<vmem>> -> memref<1x64xi32, #tpu.memory_space<vmem>>
      %dma_start3A_335 = tpu.memref_squeeze %dma_start3A_334 : memref<1x64xi32, #tpu.memory_space<vmem>> -> memref<64xi32, #tpu.memory_space<vmem>>
      %dma_start3A_336 = arith.constant 0 : i32
      %dma_start3A_337 = arith.constant 0 : i32
      %dma_start3A_338 = tpu.memref_slice %arg2[%dma_start3A_336, %dma_start3A_337] : memref<10000x128xf32, #tpu.memory_space<hbm>> -> memref<10000x128xf32, #tpu.memory_space<hbm>>
      tpu.enqueue_indirect_dma source(%dma_start3A_338 : memref<10000x128xf32, #tpu.memory_space<hbm>>) target(%arg11 : memref<64x128xf32, #tpu.memory_space<vmem>>) offsets(%dma_start3A_335 : memref<64xi32, #tpu.memory_space<vmem>>) semaphore(%arg14 : memref<!tpu.dma_semaphore, #tpu.memory_space<semaphore_mem>>)
      %get3A_339 = arith.constant 7 : i32
      %get3A_340 = arith.index_cast %get3A_339 : i32 to index
      %get3A_341 = arith.constant 0 : index
      %get3A_342 = tpu.vector_load %arg10[%get3A_340, %get3A_341] {strides = array<i32>} : memref<40x64xi32, #tpu.memory_space<vmem>>, vector<16xi32>,
      tpu.vector_store_idx %arg13[%get3A_342], %broadcast_in_dim3A_6 {add = true} : memref<10112xf32, #tpu.memory_space<vmem>>[vector<16xi32>], vector<16xf32>,
      %get3A_343 = arith.constant 7 : i32
      %get3A_344 = arith.index_cast %get3A_343 : i32 to index
      %get3A_345 = arith.constant 16 : index
      %get3A_346 = tpu.vector_load %arg10[%get3A_344, %get3A_345] {strides = array<i32>} : memref<40x64xi32, #tpu.memory_space<vmem>>, vector<16xi32>,
      tpu.vector_store_idx %arg13[%get3A_346], %broadcast_in_dim3A_6 {add = true} : memref<10112xf32, #tpu.memory_space<vmem>>[vector<16xi32>], vector<16xf32>,
      %get3A_347 = arith.constant 7 : i32
      %get3A_348 = arith.index_cast %get3A_347 : i32 to index
      %get3A_349 = arith.constant 32 : index
      %get3A_350 = tpu.vector_load %arg10[%get3A_348, %get3A_349] {strides = array<i32>} : memref<40x64xi32, #tpu.memory_space<vmem>>, vector<16xi32>,
      tpu.vector_store_idx %arg13[%get3A_350], %broadcast_in_dim3A_6 {add = true} : memref<10112xf32, #tpu.memory_space<vmem>>[vector<16xi32>], vector<16xf32>,
      %get3A_351 = arith.constant 7 : i32
      %get3A_352 = arith.index_cast %get3A_351 : i32 to index
      %get3A_353 = arith.constant 48 : index
      %get3A_354 = tpu.vector_load %arg10[%get3A_352, %get3A_353] {strides = array<i32>} : memref<40x64xi32, #tpu.memory_space<vmem>>, vector<16xi32>,
      tpu.vector_store_idx %arg13[%get3A_354], %broadcast_in_dim3A_6 {add = true} : memref<10112xf32, #tpu.memory_space<vmem>>[vector<16xi32>], vector<16xf32>,
      %dma_wait3A_355 = arith.constant 7 : i32
      %dma_wait3A_356 = arith.constant 0 : i32
      %dma_wait3A_357 = tpu.memref_slice %arg9[%dma_wait3A_355, %dma_wait3A_356] : memref<40x64xi32, #tpu.memory_space<vmem>> -> memref<1x64xi32, #tpu.memory_space<vmem>>
      %dma_wait3A_358 = tpu.memref_squeeze %dma_wait3A_357 : memref<1x64xi32, #tpu.memory_space<vmem>> -> memref<64xi32, #tpu.memory_space<vmem>>
      %dma_wait3A_359 = arith.constant 0 : i32
      %dma_wait3A_360 = arith.constant 0 : i32
      %dma_wait3A_361 = tpu.memref_slice %arg2[%dma_wait3A_359, %dma_wait3A_360] : memref<10000x128xf32, #tpu.memory_space<hbm>> -> memref<10000x128xf32, #tpu.memory_space<hbm>>
      tpu.wait_indirect_dma semaphore(%arg15 : memref<!tpu.dma_semaphore, #tpu.memory_space<semaphore_mem>>) src(%dma_wait3A_361 : memref<10000x128xf32, #tpu.memory_space<hbm>>) dst(%arg12 : memref<64x128xf32, #tpu.memory_space<vmem>>)
      %dma_start3A_362 = arith.constant 7 : i32
      %dma_start3A_363 = arith.constant 0 : i32
      %dma_start3A_364 = tpu.memref_slice %arg10[%dma_start3A_362, %dma_start3A_363] : memref<40x64xi32, #tpu.memory_space<vmem>> -> memref<1x64xi32, #tpu.memory_space<vmem>>
      %dma_start3A_365 = tpu.memref_squeeze %dma_start3A_364 : memref<1x64xi32, #tpu.memory_space<vmem>> -> memref<64xi32, #tpu.memory_space<vmem>>
      %dma_start3A_366 = arith.constant 0 : i32
      %dma_start3A_367 = arith.constant 0 : i32
      %dma_start3A_368 = tpu.memref_slice %arg18[%dma_start3A_366, %dma_start3A_367] : memref<10112x128xf32, #tpu.memory_space<vmem_shared>> -> memref<10112x128xf32, #tpu.memory_space<vmem_shared>>
      tpu.enqueue_indirect_dma source(%arg12 : memref<64x128xf32, #tpu.memory_space<vmem>>) target(%dma_start3A_368 : memref<10112x128xf32, #tpu.memory_space<vmem_shared>>) offsets(%dma_start3A_365 : memref<64xi32, #tpu.memory_space<vmem>>) semaphore(%arg17 : memref<!tpu.dma_semaphore, #tpu.memory_space<semaphore_mem>>) {add = true}
      %dma_wait3A_369 = arith.constant 7 : i32
      %dma_wait3A_370 = arith.constant 0 : i32
      %dma_wait3A_371 = tpu.memref_slice %arg10[%dma_wait3A_369, %dma_wait3A_370] : memref<40x64xi32, #tpu.memory_space<vmem>> -> memref<1x64xi32, #tpu.memory_space<vmem>>
      %dma_wait3A_372 = tpu.memref_squeeze %dma_wait3A_371 : memref<1x64xi32, #tpu.memory_space<vmem>> -> memref<64xi32, #tpu.memory_space<vmem>>
      %dma_wait3A_373 = arith.constant 0 : i32
      %dma_wait3A_374 = arith.constant 0 : i32
      %dma_wait3A_375 = tpu.memref_slice %arg18[%dma_wait3A_373, %dma_wait3A_374] : memref<10112x128xf32, #tpu.memory_space<vmem_shared>> -> memref<10112x128xf32, #tpu.memory_space<vmem_shared>>
      tpu.wait_indirect_dma semaphore(%arg17 : memref<!tpu.dma_semaphore, #tpu.memory_space<semaphore_mem>>) src(%arg12 : memref<64x128xf32, #tpu.memory_space<vmem>>) dst(%dma_wait3A_375 : memref<10112x128xf32, #tpu.memory_space<vmem_shared>>)
      %dma_start3A_376 = arith.constant 9 : i32
      %dma_start3A_377 = arith.constant 0 : i32
      %dma_start3A_378 = tpu.memref_slice %arg9[%dma_start3A_376, %dma_start3A_377] : memref<40x64xi32, #tpu.memory_space<vmem>> -> memref<1x64xi32, #tpu.memory_space<vmem>>
      %dma_start3A_379 = tpu.memref_squeeze %dma_start3A_378 : memref<1x64xi32, #tpu.memory_space<vmem>> -> memref<64xi32, #tpu.memory_space<vmem>>
      %dma_start3A_380 = arith.constant 0 : i32
      %dma_start3A_381 = arith.constant 0 : i32
      %dma_start3A_382 = tpu.memref_slice %arg2[%dma_start3A_380, %dma_start3A_381] : memref<10000x128xf32, #tpu.memory_space<hbm>> -> memref<10000x128xf32, #tpu.memory_space<hbm>>
      tpu.enqueue_indirect_dma source(%dma_start3A_382 : memref<10000x128xf32, #tpu.memory_space<hbm>>) target(%arg12 : memref<64x128xf32, #tpu.memory_space<vmem>>) offsets(%dma_start3A_379 : memref<64xi32, #tpu.memory_space<vmem>>) semaphore(%arg15 : memref<!tpu.dma_semaphore, #tpu.memory_space<semaphore_mem>>)
      %get3A_383 = arith.constant 8 : i32
      %get3A_384 = arith.index_cast %get3A_383 : i32 to index
      %get3A_385 = arith.constant 0 : index
      %get3A_386 = tpu.vector_load %arg10[%get3A_384, %get3A_385] {strides = array<i32>} : memref<40x64xi32, #tpu.memory_space<vmem>>, vector<16xi32>,
      tpu.vector_store_idx %arg13[%get3A_386], %broadcast_in_dim3A_6 {add = true} : memref<10112xf32, #tpu.memory_space<vmem>>[vector<16xi32>], vector<16xf32>,
      %get3A_387 = arith.constant 8 : i32
      %get3A_388 = arith.index_cast %get3A_387 : i32 to index
      %get3A_389 = arith.constant 16 : index
      %get3A_390 = tpu.vector_load %arg10[%get3A_388, %get3A_389] {strides = array<i32>} : memref<40x64xi32, #tpu.memory_space<vmem>>, vector<16xi32>,
      tpu.vector_store_idx %arg13[%get3A_390], %broadcast_in_dim3A_6 {add = true} : memref<10112xf32, #tpu.memory_space<vmem>>[vector<16xi32>], vector<16xf32>,
      %get3A_391 = arith.constant 8 : i32
      %get3A_392 = arith.index_cast %get3A_391 : i32 to index
      %get3A_393 = arith.constant 32 : index
      %get3A_394 = tpu.vector_load %arg10[%get3A_392, %get3A_393] {strides = array<i32>} : memref<40x64xi32, #tpu.memory_space<vmem>>, vector<16xi32>,
      tpu.vector_store_idx %arg13[%get3A_394], %broadcast_in_dim3A_6 {add = true} : memref<10112xf32, #tpu.memory_space<vmem>>[vector<16xi32>], vector<16xf32>,
      %get3A_395 = arith.constant 8 : i32
      %get3A_396 = arith.index_cast %get3A_395 : i32 to index
      %get3A_397 = arith.constant 48 : index
      %get3A_398 = tpu.vector_load %arg10[%get3A_396, %get3A_397] {strides = array<i32>} : memref<40x64xi32, #tpu.memory_space<vmem>>, vector<16xi32>,
      tpu.vector_store_idx %arg13[%get3A_398], %broadcast_in_dim3A_6 {add = true} : memref<10112xf32, #tpu.memory_space<vmem>>[vector<16xi32>], vector<16xf32>,
      %dma_wait3A_399 = arith.constant 8 : i32
      %dma_wait3A_400 = arith.constant 0 : i32
      %dma_wait3A_401 = tpu.memref_slice %arg9[%dma_wait3A_399, %dma_wait3A_400] : memref<40x64xi32, #tpu.memory_space<vmem>> -> memref<1x64xi32, #tpu.memory_space<vmem>>
      %dma_wait3A_402 = tpu.memref_squeeze %dma_wait3A_401 : memref<1x64xi32, #tpu.memory_space<vmem>> -> memref<64xi32, #tpu.memory_space<vmem>>
      %dma_wait3A_403 = arith.constant 0 : i32
      %dma_wait3A_404 = arith.constant 0 : i32
      %dma_wait3A_405 = tpu.memref_slice %arg2[%dma_wait3A_403, %dma_wait3A_404] : memref<10000x128xf32, #tpu.memory_space<hbm>> -> memref<10000x128xf32, #tpu.memory_space<hbm>>
      tpu.wait_indirect_dma semaphore(%arg14 : memref<!tpu.dma_semaphore, #tpu.memory_space<semaphore_mem>>) src(%dma_wait3A_405 : memref<10000x128xf32, #tpu.memory_space<hbm>>) dst(%arg11 : memref<64x128xf32, #tpu.memory_space<vmem>>)
      %dma_start3A_406 = arith.constant 8 : i32
      %dma_start3A_407 = arith.constant 0 : i32
      %dma_start3A_408 = tpu.memref_slice %arg10[%dma_start3A_406, %dma_start3A_407] : memref<40x64xi32, #tpu.memory_space<vmem>> -> memref<1x64xi32, #tpu.memory_space<vmem>>
      %dma_start3A_409 = tpu.memref_squeeze %dma_start3A_408 : memref<1x64xi32, #tpu.memory_space<vmem>> -> memref<64xi32, #tpu.memory_space<vmem>>
      %dma_start3A_410 = arith.constant 0 : i32
      %dma_start3A_411 = arith.constant 0 : i32
      %dma_start3A_412 = tpu.memref_slice %arg18[%dma_start3A_410, %dma_start3A_411] : memref<10112x128xf32, #tpu.memory_space<vmem_shared>> -> memref<10112x128xf32, #tpu.memory_space<vmem_shared>>
      tpu.enqueue_indirect_dma source(%arg11 : memref<64x128xf32, #tpu.memory_space<vmem>>) target(%dma_start3A_412 : memref<10112x128xf32, #tpu.memory_space<vmem_shared>>) offsets(%dma_start3A_409 : memref<64xi32, #tpu.memory_space<vmem>>) semaphore(%arg16 : memref<!tpu.dma_semaphore, #tpu.memory_space<semaphore_mem>>) {add = true}
      %dma_wait3A_413 = arith.constant 8 : i32
      %dma_wait3A_414 = arith.constant 0 : i32
      %dma_wait3A_415 = tpu.memref_slice %arg10[%dma_wait3A_413, %dma_wait3A_414] : memref<40x64xi32, #tpu.memory_space<vmem>> -> memref<1x64xi32, #tpu.memory_space<vmem>>
      %dma_wait3A_416 = tpu.memref_squeeze %dma_wait3A_415 : memref<1x64xi32, #tpu.memory_space<vmem>> -> memref<64xi32, #tpu.memory_space<vmem>>
      %dma_wait3A_417 = arith.constant 0 : i32
      %dma_wait3A_418 = arith.constant 0 : i32
      %dma_wait3A_419 = tpu.memref_slice %arg18[%dma_wait3A_417, %dma_wait3A_418] : memref<10112x128xf32, #tpu.memory_space<vmem_shared>> -> memref<10112x128xf32, #tpu.memory_space<vmem_shared>>
      tpu.wait_indirect_dma semaphore(%arg16 : memref<!tpu.dma_semaphore, #tpu.memory_space<semaphore_mem>>) src(%arg11 : memref<64x128xf32, #tpu.memory_space<vmem>>) dst(%dma_wait3A_419 : memref<10112x128xf32, #tpu.memory_space<vmem_shared>>)
      %dma_start3A_420 = arith.constant 10 : i32
      %dma_start3A_421 = arith.constant 0 : i32
      %dma_start3A_422 = tpu.memref_slice %arg9[%dma_start3A_420, %dma_start3A_421] : memref<40x64xi32, #tpu.memory_space<vmem>> -> memref<1x64xi32, #tpu.memory_space<vmem>>
      %dma_start3A_423 = tpu.memref_squeeze %dma_start3A_422 : memref<1x64xi32, #tpu.memory_space<vmem>> -> memref<64xi32, #tpu.memory_space<vmem>>
      %dma_start3A_424 = arith.constant 0 : i32
      %dma_start3A_425 = arith.constant 0 : i32
      %dma_start3A_426 = tpu.memref_slice %arg2[%dma_start3A_424, %dma_start3A_425] : memref<10000x128xf32, #tpu.memory_space<hbm>> -> memref<10000x128xf32, #tpu.memory_space<hbm>>
      tpu.enqueue_indirect_dma source(%dma_start3A_426 : memref<10000x128xf32, #tpu.memory_space<hbm>>) target(%arg11 : memref<64x128xf32, #tpu.memory_space<vmem>>) offsets(%dma_start3A_423 : memref<64xi32, #tpu.memory_space<vmem>>) semaphore(%arg14 : memref<!tpu.dma_semaphore, #tpu.memory_space<semaphore_mem>>)
      %get3A_427 = arith.constant 9 : i32
      %get3A_428 = arith.index_cast %get3A_427 : i32 to index
      %get3A_429 = arith.constant 0 : index
      %get3A_430 = tpu.vector_load %arg10[%get3A_428, %get3A_429] {strides = array<i32>} : memref<40x64xi32, #tpu.memory_space<vmem>>, vector<16xi32>,
      tpu.vector_store_idx %arg13[%get3A_430], %broadcast_in_dim3A_6 {add = true} : memref<10112xf32, #tpu.memory_space<vmem>>[vector<16xi32>], vector<16xf32>,
      %get3A_431 = arith.constant 9 : i32
      %get3A_432 = arith.index_cast %get3A_431 : i32 to index
      %get3A_433 = arith.constant 16 : index
      %get3A_434 = tpu.vector_load %arg10[%get3A_432, %get3A_433] {strides = array<i32>} : memref<40x64xi32, #tpu.memory_space<vmem>>, vector<16xi32>,
      tpu.vector_store_idx %arg13[%get3A_434], %broadcast_in_dim3A_6 {add = true} : memref<10112xf32, #tpu.memory_space<vmem>>[vector<16xi32>], vector<16xf32>,
      %get3A_435 = arith.constant 9 : i32
      %get3A_436 = arith.index_cast %get3A_435 : i32 to index
      %get3A_437 = arith.constant 32 : index
      %get3A_438 = tpu.vector_load %arg10[%get3A_436, %get3A_437] {strides = array<i32>} : memref<40x64xi32, #tpu.memory_space<vmem>>, vector<16xi32>,
      tpu.vector_store_idx %arg13[%get3A_438], %broadcast_in_dim3A_6 {add = true} : memref<10112xf32, #tpu.memory_space<vmem>>[vector<16xi32>], vector<16xf32>,
      %get3A_439 = arith.constant 9 : i32
      %get3A_440 = arith.index_cast %get3A_439 : i32 to index
      %get3A_441 = arith.constant 48 : index
      %get3A_442 = tpu.vector_load %arg10[%get3A_440, %get3A_441] {strides = array<i32>} : memref<40x64xi32, #tpu.memory_space<vmem>>, vector<16xi32>,
      tpu.vector_store_idx %arg13[%get3A_442], %broadcast_in_dim3A_6 {add = true} : memref<10112xf32, #tpu.memory_space<vmem>>[vector<16xi32>], vector<16xf32>,
      %dma_wait3A_443 = arith.constant 9 : i32
      %dma_wait3A_444 = arith.constant 0 : i32
      %dma_wait3A_445 = tpu.memref_slice %arg9[%dma_wait3A_443, %dma_wait3A_444] : memref<40x64xi32, #tpu.memory_space<vmem>> -> memref<1x64xi32, #tpu.memory_space<vmem>>
      %dma_wait3A_446 = tpu.memref_squeeze %dma_wait3A_445 : memref<1x64xi32, #tpu.memory_space<vmem>> -> memref<64xi32, #tpu.memory_space<vmem>>
      %dma_wait3A_447 = arith.constant 0 : i32
      %dma_wait3A_448 = arith.constant 0 : i32
      %dma_wait3A_449 = tpu.memref_slice %arg2[%dma_wait3A_447, %dma_wait3A_448] : memref<10000x128xf32, #tpu.memory_space<hbm>> -> memref<10000x128xf32, #tpu.memory_space<hbm>>
      tpu.wait_indirect_dma semaphore(%arg15 : memref<!tpu.dma_semaphore, #tpu.memory_space<semaphore_mem>>) src(%dma_wait3A_449 : memref<10000x128xf32, #tpu.memory_space<hbm>>) dst(%arg12 : memref<64x128xf32, #tpu.memory_space<vmem>>)
      %dma_start3A_450 = arith.constant 9 : i32
      %dma_start3A_451 = arith.constant 0 : i32
      %dma_start3A_452 = tpu.memref_slice %arg10[%dma_start3A_450, %dma_start3A_451] : memref<40x64xi32, #tpu.memory_space<vmem>> -> memref<1x64xi32, #tpu.memory_space<vmem>>
      %dma_start3A_453 = tpu.memref_squeeze %dma_start3A_452 : memref<1x64xi32, #tpu.memory_space<vmem>> -> memref<64xi32, #tpu.memory_space<vmem>>
      %dma_start3A_454 = arith.constant 0 : i32
      %dma_start3A_455 = arith.constant 0 : i32
      %dma_start3A_456 = tpu.memref_slice %arg18[%dma_start3A_454, %dma_start3A_455] : memref<10112x128xf32, #tpu.memory_space<vmem_shared>> -> memref<10112x128xf32, #tpu.memory_space<vmem_shared>>
      tpu.enqueue_indirect_dma source(%arg12 : memref<64x128xf32, #tpu.memory_space<vmem>>) target(%dma_start3A_456 : memref<10112x128xf32, #tpu.memory_space<vmem_shared>>) offsets(%dma_start3A_453 : memref<64xi32, #tpu.memory_space<vmem>>) semaphore(%arg17 : memref<!tpu.dma_semaphore, #tpu.memory_space<semaphore_mem>>) {add = true}
      %dma_wait3A_457 = arith.constant 9 : i32
      %dma_wait3A_458 = arith.constant 0 : i32
      %dma_wait3A_459 = tpu.memref_slice %arg10[%dma_wait3A_457, %dma_wait3A_458] : memref<40x64xi32, #tpu.memory_space<vmem>> -> memref<1x64xi32, #tpu.memory_space<vmem>>
      %dma_wait3A_460 = tpu.memref_squeeze %dma_wait3A_459 : memref<1x64xi32, #tpu.memory_space<vmem>> -> memref<64xi32, #tpu.memory_space<vmem>>
      %dma_wait3A_461 = arith.constant 0 : i32
      %dma_wait3A_462 = arith.constant 0 : i32
      %dma_wait3A_463 = tpu.memref_slice %arg18[%dma_wait3A_461, %dma_wait3A_462] : memref<10112x128xf32, #tpu.memory_space<vmem_shared>> -> memref<10112x128xf32, #tpu.memory_space<vmem_shared>>
      tpu.wait_indirect_dma semaphore(%arg17 : memref<!tpu.dma_semaphore, #tpu.memory_space<semaphore_mem>>) src(%arg12 : memref<64x128xf32, #tpu.memory_space<vmem>>) dst(%dma_wait3A_463 : memref<10112x128xf32, #tpu.memory_space<vmem_shared>>)
      %dma_start3A_464 = arith.constant 11 : i32
      %dma_start3A_465 = arith.constant 0 : i32
      %dma_start3A_466 = tpu.memref_slice %arg9[%dma_start3A_464, %dma_start3A_465] : memref<40x64xi32, #tpu.memory_space<vmem>> -> memref<1x64xi32, #tpu.memory_space<vmem>>
      %dma_start3A_467 = tpu.memref_squeeze %dma_start3A_466 : memref<1x64xi32, #tpu.memory_space<vmem>> -> memref<64xi32, #tpu.memory_space<vmem>>
      %dma_start3A_468 = arith.constant 0 : i32
      %dma_start3A_469 = arith.constant 0 : i32
      %dma_start3A_470 = tpu.memref_slice %arg2[%dma_start3A_468, %dma_start3A_469] : memref<10000x128xf32, #tpu.memory_space<hbm>> -> memref<10000x128xf32, #tpu.memory_space<hbm>>
      tpu.enqueue_indirect_dma source(%dma_start3A_470 : memref<10000x128xf32, #tpu.memory_space<hbm>>) target(%arg12 : memref<64x128xf32, #tpu.memory_space<vmem>>) offsets(%dma_start3A_467 : memref<64xi32, #tpu.memory_space<vmem>>) semaphore(%arg15 : memref<!tpu.dma_semaphore, #tpu.memory_space<semaphore_mem>>)
      %get3A_471 = arith.constant 10 : i32
      %get3A_472 = arith.index_cast %get3A_471 : i32 to index
      %get3A_473 = arith.constant 0 : index
      %get3A_474 = tpu.vector_load %arg10[%get3A_472, %get3A_473] {strides = array<i32>} : memref<40x64xi32, #tpu.memory_space<vmem>>, vector<16xi32>,
      tpu.vector_store_idx %arg13[%get3A_474], %broadcast_in_dim3A_6 {add = true} : memref<10112xf32, #tpu.memory_space<vmem>>[vector<16xi32>], vector<16xf32>,
      %get3A_475 = arith.constant 10 : i32
      %get3A_476 = arith.index_cast %get3A_475 : i32 to index
      %get3A_477 = arith.constant 16 : index
      %get3A_478 = tpu.vector_load %arg10[%get3A_476, %get3A_477] {strides = array<i32>} : memref<40x64xi32, #tpu.memory_space<vmem>>, vector<16xi32>,
      tpu.vector_store_idx %arg13[%get3A_478], %broadcast_in_dim3A_6 {add = true} : memref<10112xf32, #tpu.memory_space<vmem>>[vector<16xi32>], vector<16xf32>,
      %get3A_479 = arith.constant 10 : i32
      %get3A_480 = arith.index_cast %get3A_479 : i32 to index
      %get3A_481 = arith.constant 32 : index
      %get3A_482 = tpu.vector_load %arg10[%get3A_480, %get3A_481] {strides = array<i32>} : memref<40x64xi32, #tpu.memory_space<vmem>>, vector<16xi32>,
      tpu.vector_store_idx %arg13[%get3A_482], %broadcast_in_dim3A_6 {add = true} : memref<10112xf32, #tpu.memory_space<vmem>>[vector<16xi32>], vector<16xf32>,
      %get3A_483 = arith.constant 10 : i32
      %get3A_484 = arith.index_cast %get3A_483 : i32 to index
      %get3A_485 = arith.constant 48 : index
      %get3A_486 = tpu.vector_load %arg10[%get3A_484, %get3A_485] {strides = array<i32>} : memref<40x64xi32, #tpu.memory_space<vmem>>, vector<16xi32>,
      tpu.vector_store_idx %arg13[%get3A_486], %broadcast_in_dim3A_6 {add = true} : memref<10112xf32, #tpu.memory_space<vmem>>[vector<16xi32>], vector<16xf32>,
      %dma_wait3A_487 = arith.constant 10 : i32
      %dma_wait3A_488 = arith.constant 0 : i32
      %dma_wait3A_489 = tpu.memref_slice %arg9[%dma_wait3A_487, %dma_wait3A_488] : memref<40x64xi32, #tpu.memory_space<vmem>> -> memref<1x64xi32, #tpu.memory_space<vmem>>
      %dma_wait3A_490 = tpu.memref_squeeze %dma_wait3A_489 : memref<1x64xi32, #tpu.memory_space<vmem>> -> memref<64xi32, #tpu.memory_space<vmem>>
      %dma_wait3A_491 = arith.constant 0 : i32
      %dma_wait3A_492 = arith.constant 0 : i32
      %dma_wait3A_493 = tpu.memref_slice %arg2[%dma_wait3A_491, %dma_wait3A_492] : memref<10000x128xf32, #tpu.memory_space<hbm>> -> memref<10000x128xf32, #tpu.memory_space<hbm>>
      tpu.wait_indirect_dma semaphore(%arg14 : memref<!tpu.dma_semaphore, #tpu.memory_space<semaphore_mem>>) src(%dma_wait3A_493 : memref<10000x128xf32, #tpu.memory_space<hbm>>) dst(%arg11 : memref<64x128xf32, #tpu.memory_space<vmem>>)
      %dma_start3A_494 = arith.constant 10 : i32
      %dma_start3A_495 = arith.constant 0 : i32
      %dma_start3A_496 = tpu.memref_slice %arg10[%dma_start3A_494, %dma_start3A_495] : memref<40x64xi32, #tpu.memory_space<vmem>> -> memref<1x64xi32, #tpu.memory_space<vmem>>
      %dma_start3A_497 = tpu.memref_squeeze %dma_start3A_496 : memref<1x64xi32, #tpu.memory_space<vmem>> -> memref<64xi32, #tpu.memory_space<vmem>>
      %dma_start3A_498 = arith.constant 0 : i32
      %dma_start3A_499 = arith.constant 0 : i32
      %dma_start3A_500 = tpu.memref_slice %arg18[%dma_start3A_498, %dma_start3A_499] : memref<10112x128xf32, #tpu.memory_space<vmem_shared>> -> memref<10112x128xf32, #tpu.memory_space<vmem_shared>>
      tpu.enqueue_indirect_dma source(%arg11 : memref<64x128xf32, #tpu.memory_space<vmem>>) target(%dma_start3A_500 : memref<10112x128xf32, #tpu.memory_space<vmem_shared>>) offsets(%dma_start3A_497 : memref<64xi32, #tpu.memory_space<vmem>>) semaphore(%arg16 : memref<!tpu.dma_semaphore, #tpu.memory_space<semaphore_mem>>) {add = true}
      %dma_wait3A_501 = arith.constant 10 : i32
      %dma_wait3A_502 = arith.constant 0 : i32
      %dma_wait3A_503 = tpu.memref_slice %arg10[%dma_wait3A_501, %dma_wait3A_502] : memref<40x64xi32, #tpu.memory_space<vmem>> -> memref<1x64xi32, #tpu.memory_space<vmem>>
      %dma_wait3A_504 = tpu.memref_squeeze %dma_wait3A_503 : memref<1x64xi32, #tpu.memory_space<vmem>> -> memref<64xi32, #tpu.memory_space<vmem>>
      %dma_wait3A_505 = arith.constant 0 : i32
      %dma_wait3A_506 = arith.constant 0 : i32
      %dma_wait3A_507 = tpu.memref_slice %arg18[%dma_wait3A_505, %dma_wait3A_506] : memref<10112x128xf32, #tpu.memory_space<vmem_shared>> -> memref<10112x128xf32, #tpu.memory_space<vmem_shared>>
      tpu.wait_indirect_dma semaphore(%arg16 : memref<!tpu.dma_semaphore, #tpu.memory_space<semaphore_mem>>) src(%arg11 : memref<64x128xf32, #tpu.memory_space<vmem>>) dst(%dma_wait3A_507 : memref<10112x128xf32, #tpu.memory_space<vmem_shared>>)
      %dma_start3A_508 = arith.constant 12 : i32
      %dma_start3A_509 = arith.constant 0 : i32
      %dma_start3A_510 = tpu.memref_slice %arg9[%dma_start3A_508, %dma_start3A_509] : memref<40x64xi32, #tpu.memory_space<vmem>> -> memref<1x64xi32, #tpu.memory_space<vmem>>
      %dma_start3A_511 = tpu.memref_squeeze %dma_start3A_510 : memref<1x64xi32, #tpu.memory_space<vmem>> -> memref<64xi32, #tpu.memory_space<vmem>>
      %dma_start3A_512 = arith.constant 0 : i32
      %dma_start3A_513 = arith.constant 0 : i32
      %dma_start3A_514 = tpu.memref_slice %arg2[%dma_start3A_512, %dma_start3A_513] : memref<10000x128xf32, #tpu.memory_space<hbm>> -> memref<10000x128xf32, #tpu.memory_space<hbm>>
      tpu.enqueue_indirect_dma source(%dma_start3A_514 : memref<10000x128xf32, #tpu.memory_space<hbm>>) target(%arg11 : memref<64x128xf32, #tpu.memory_space<vmem>>) offsets(%dma_start3A_511 : memref<64xi32, #tpu.memory_space<vmem>>) semaphore(%arg14 : memref<!tpu.dma_semaphore, #tpu.memory_space<semaphore_mem>>)
      %get3A_515 = arith.constant 11 : i32
      %get3A_516 = arith.index_cast %get3A_515 : i32 to index
      %get3A_517 = arith.constant 0 : index
      %get3A_518 = tpu.vector_load %arg10[%get3A_516, %get3A_517] {strides = array<i32>} : memref<40x64xi32, #tpu.memory_space<vmem>>, vector<16xi32>,
      tpu.vector_store_idx %arg13[%get3A_518], %broadcast_in_dim3A_6 {add = true} : memref<10112xf32, #tpu.memory_space<vmem>>[vector<16xi32>], vector<16xf32>,
      %get3A_519 = arith.constant 11 : i32
      %get3A_520 = arith.index_cast %get3A_519 : i32 to index
      %get3A_521 = arith.constant 16 : index
      %get3A_522 = tpu.vector_load %arg10[%get3A_520, %get3A_521] {strides = array<i32>} : memref<40x64xi32, #tpu.memory_space<vmem>>, vector<16xi32>,
      tpu.vector_store_idx %arg13[%get3A_522], %broadcast_in_dim3A_6 {add = true} : memref<10112xf32, #tpu.memory_space<vmem>>[vector<16xi32>], vector<16xf32>,
      %get3A_523 = arith.constant 11 : i32
      %get3A_524 = arith.index_cast %get3A_523 : i32 to index
      %get3A_525 = arith.constant 32 : index
      %get3A_526 = tpu.vector_load %arg10[%get3A_524, %get3A_525] {strides = array<i32>} : memref<40x64xi32, #tpu.memory_space<vmem>>, vector<16xi32>,
      tpu.vector_store_idx %arg13[%get3A_526], %broadcast_in_dim3A_6 {add = true} : memref<10112xf32, #tpu.memory_space<vmem>>[vector<16xi32>], vector<16xf32>,
      %get3A_527 = arith.constant 11 : i32
      %get3A_528 = arith.index_cast %get3A_527 : i32 to index
      %get3A_529 = arith.constant 48 : index
      %get3A_530 = tpu.vector_load %arg10[%get3A_528, %get3A_529] {strides = array<i32>} : memref<40x64xi32, #tpu.memory_space<vmem>>, vector<16xi32>,
      tpu.vector_store_idx %arg13[%get3A_530], %broadcast_in_dim3A_6 {add = true} : memref<10112xf32, #tpu.memory_space<vmem>>[vector<16xi32>], vector<16xf32>,
      %dma_wait3A_531 = arith.constant 11 : i32
      %dma_wait3A_532 = arith.constant 0 : i32
      %dma_wait3A_533 = tpu.memref_slice %arg9[%dma_wait3A_531, %dma_wait3A_532] : memref<40x64xi32, #tpu.memory_space<vmem>> -> memref<1x64xi32, #tpu.memory_space<vmem>>
      %dma_wait3A_534 = tpu.memref_squeeze %dma_wait3A_533 : memref<1x64xi32, #tpu.memory_space<vmem>> -> memref<64xi32, #tpu.memory_space<vmem>>
      %dma_wait3A_535 = arith.constant 0 : i32
      %dma_wait3A_536 = arith.constant 0 : i32
      %dma_wait3A_537 = tpu.memref_slice %arg2[%dma_wait3A_535, %dma_wait3A_536] : memref<10000x128xf32, #tpu.memory_space<hbm>> -> memref<10000x128xf32, #tpu.memory_space<hbm>>
      tpu.wait_indirect_dma semaphore(%arg15 : memref<!tpu.dma_semaphore, #tpu.memory_space<semaphore_mem>>) src(%dma_wait3A_537 : memref<10000x128xf32, #tpu.memory_space<hbm>>) dst(%arg12 : memref<64x128xf32, #tpu.memory_space<vmem>>)
      %dma_start3A_538 = arith.constant 11 : i32
      %dma_start3A_539 = arith.constant 0 : i32
      %dma_start3A_540 = tpu.memref_slice %arg10[%dma_start3A_538, %dma_start3A_539] : memref<40x64xi32, #tpu.memory_space<vmem>> -> memref<1x64xi32, #tpu.memory_space<vmem>>
      %dma_start3A_541 = tpu.memref_squeeze %dma_start3A_540 : memref<1x64xi32, #tpu.memory_space<vmem>> -> memref<64xi32, #tpu.memory_space<vmem>>
      %dma_start3A_542 = arith.constant 0 : i32
      %dma_start3A_543 = arith.constant 0 : i32
      %dma_start3A_544 = tpu.memref_slice %arg18[%dma_start3A_542, %dma_start3A_543] : memref<10112x128xf32, #tpu.memory_space<vmem_shared>> -> memref<10112x128xf32, #tpu.memory_space<vmem_shared>>
      tpu.enqueue_indirect_dma source(%arg12 : memref<64x128xf32, #tpu.memory_space<vmem>>) target(%dma_start3A_544 : memref<10112x128xf32, #tpu.memory_space<vmem_shared>>) offsets(%dma_start3A_541 : memref<64xi32, #tpu.memory_space<vmem>>) semaphore(%arg17 : memref<!tpu.dma_semaphore, #tpu.memory_space<semaphore_mem>>) {add = true}
      %dma_wait3A_545 = arith.constant 11 : i32
      %dma_wait3A_546 = arith.constant 0 : i32
      %dma_wait3A_547 = tpu.memref_slice %arg10[%dma_wait3A_545, %dma_wait3A_546] : memref<40x64xi32, #tpu.memory_space<vmem>> -> memref<1x64xi32, #tpu.memory_space<vmem>>
      %dma_wait3A_548 = tpu.memref_squeeze %dma_wait3A_547 : memref<1x64xi32, #tpu.memory_space<vmem>> -> memref<64xi32, #tpu.memory_space<vmem>>
      %dma_wait3A_549 = arith.constant 0 : i32
      %dma_wait3A_550 = arith.constant 0 : i32
      %dma_wait3A_551 = tpu.memref_slice %arg18[%dma_wait3A_549, %dma_wait3A_550] : memref<10112x128xf32, #tpu.memory_space<vmem_shared>> -> memref<10112x128xf32, #tpu.memory_space<vmem_shared>>
      tpu.wait_indirect_dma semaphore(%arg17 : memref<!tpu.dma_semaphore, #tpu.memory_space<semaphore_mem>>) src(%arg12 : memref<64x128xf32, #tpu.memory_space<vmem>>) dst(%dma_wait3A_551 : memref<10112x128xf32, #tpu.memory_space<vmem_shared>>)
      %dma_start3A_552 = arith.constant 13 : i32
      %dma_start3A_553 = arith.constant 0 : i32
      %dma_start3A_554 = tpu.memref_slice %arg9[%dma_start3A_552, %dma_start3A_553] : memref<40x64xi32, #tpu.memory_space<vmem>> -> memref<1x64xi32, #tpu.memory_space<vmem>>
      %dma_start3A_555 = tpu.memref_squeeze %dma_start3A_554 : memref<1x64xi32, #tpu.memory_space<vmem>> -> memref<64xi32, #tpu.memory_space<vmem>>
      %dma_start3A_556 = arith.constant 0 : i32
      %dma_start3A_557 = arith.constant 0 : i32
      %dma_start3A_558 = tpu.memref_slice %arg2[%dma_start3A_556, %dma_start3A_557] : memref<10000x128xf32, #tpu.memory_space<hbm>> -> memref<10000x128xf32, #tpu.memory_space<hbm>>
      tpu.enqueue_indirect_dma source(%dma_start3A_558 : memref<10000x128xf32, #tpu.memory_space<hbm>>) target(%arg12 : memref<64x128xf32, #tpu.memory_space<vmem>>) offsets(%dma_start3A_555 : memref<64xi32, #tpu.memory_space<vmem>>) semaphore(%arg15 : memref<!tpu.dma_semaphore, #tpu.memory_space<semaphore_mem>>)
      %get3A_559 = arith.constant 12 : i32
      %get3A_560 = arith.index_cast %get3A_559 : i32 to index
      %get3A_561 = arith.constant 0 : index
      %get3A_562 = tpu.vector_load %arg10[%get3A_560, %get3A_561] {strides = array<i32>} : memref<40x64xi32, #tpu.memory_space<vmem>>, vector<16xi32>,
      tpu.vector_store_idx %arg13[%get3A_562], %broadcast_in_dim3A_6 {add = true} : memref<10112xf32, #tpu.memory_space<vmem>>[vector<16xi32>], vector<16xf32>,
      %get3A_563 = arith.constant 12 : i32
      %get3A_564 = arith.index_cast %get3A_563 : i32 to index
      %get3A_565 = arith.constant 16 : index
      %get3A_566 = tpu.vector_load %arg10[%get3A_564, %get3A_565] {strides = array<i32>} : memref<40x64xi32, #tpu.memory_space<vmem>>, vector<16xi32>,
      tpu.vector_store_idx %arg13[%get3A_566], %broadcast_in_dim3A_6 {add = true} : memref<10112xf32, #tpu.memory_space<vmem>>[vector<16xi32>], vector<16xf32>,
      %get3A_567 = arith.constant 12 : i32
      %get3A_568 = arith.index_cast %get3A_567 : i32 to index
      %get3A_569 = arith.constant 32 : index
      %get3A_570 = tpu.vector_load %arg10[%get3A_568, %get3A_569] {strides = array<i32>} : memref<40x64xi32, #tpu.memory_space<vmem>>, vector<16xi32>,
      tpu.vector_store_idx %arg13[%get3A_570], %broadcast_in_dim3A_6 {add = true} : memref<10112xf32, #tpu.memory_space<vmem>>[vector<16xi32>], vector<16xf32>,
      %get3A_571 = arith.constant 12 : i32
      %get3A_572 = arith.index_cast %get3A_571 : i32 to index
      %get3A_573 = arith.constant 48 : index
      %get3A_574 = tpu.vector_load %arg10[%get3A_572, %get3A_573] {strides = array<i32>} : memref<40x64xi32, #tpu.memory_space<vmem>>, vector<16xi32>,
      tpu.vector_store_idx %arg13[%get3A_574], %broadcast_in_dim3A_6 {add = true} : memref<10112xf32, #tpu.memory_space<vmem>>[vector<16xi32>], vector<16xf32>,
      %dma_wait3A_575 = arith.constant 12 : i32
      %dma_wait3A_576 = arith.constant 0 : i32
      %dma_wait3A_577 = tpu.memref_slice %arg9[%dma_wait3A_575, %dma_wait3A_576] : memref<40x64xi32, #tpu.memory_space<vmem>> -> memref<1x64xi32, #tpu.memory_space<vmem>>
      %dma_wait3A_578 = tpu.memref_squeeze %dma_wait3A_577 : memref<1x64xi32, #tpu.memory_space<vmem>> -> memref<64xi32, #tpu.memory_space<vmem>>
      %dma_wait3A_579 = arith.constant 0 : i32
      %dma_wait3A_580 = arith.constant 0 : i32
      %dma_wait3A_581 = tpu.memref_slice %arg2[%dma_wait3A_579, %dma_wait3A_580] : memref<10000x128xf32, #tpu.memory_space<hbm>> -> memref<10000x128xf32, #tpu.memory_space<hbm>>
      tpu.wait_indirect_dma semaphore(%arg14 : memref<!tpu.dma_semaphore, #tpu.memory_space<semaphore_mem>>) src(%dma_wait3A_581 : memref<10000x128xf32, #tpu.memory_space<hbm>>) dst(%arg11 : memref<64x128xf32, #tpu.memory_space<vmem>>)
      %dma_start3A_582 = arith.constant 12 : i32
      %dma_start3A_583 = arith.constant 0 : i32
      %dma_start3A_584 = tpu.memref_slice %arg10[%dma_start3A_582, %dma_start3A_583] : memref<40x64xi32, #tpu.memory_space<vmem>> -> memref<1x64xi32, #tpu.memory_space<vmem>>
      %dma_start3A_585 = tpu.memref_squeeze %dma_start3A_584 : memref<1x64xi32, #tpu.memory_space<vmem>> -> memref<64xi32, #tpu.memory_space<vmem>>
      %dma_start3A_586 = arith.constant 0 : i32
      %dma_start3A_587 = arith.constant 0 : i32
      %dma_start3A_588 = tpu.memref_slice %arg18[%dma_start3A_586, %dma_start3A_587] : memref<10112x128xf32, #tpu.memory_space<vmem_shared>> -> memref<10112x128xf32, #tpu.memory_space<vmem_shared>>
      tpu.enqueue_indirect_dma source(%arg11 : memref<64x128xf32, #tpu.memory_space<vmem>>) target(%dma_start3A_588 : memref<10112x128xf32, #tpu.memory_space<vmem_shared>>) offsets(%dma_start3A_585 : memref<64xi32, #tpu.memory_space<vmem>>) semaphore(%arg16 : memref<!tpu.dma_semaphore, #tpu.memory_space<semaphore_mem>>) {add = true}
      %dma_wait3A_589 = arith.constant 12 : i32
      %dma_wait3A_590 = arith.constant 0 : i32
      %dma_wait3A_591 = tpu.memref_slice %arg10[%dma_wait3A_589, %dma_wait3A_590] : memref<40x64xi32, #tpu.memory_space<vmem>> -> memref<1x64xi32, #tpu.memory_space<vmem>>
      %dma_wait3A_592 = tpu.memref_squeeze %dma_wait3A_591 : memref<1x64xi32, #tpu.memory_space<vmem>> -> memref<64xi32, #tpu.memory_space<vmem>>
      %dma_wait3A_593 = arith.constant 0 : i32
      %dma_wait3A_594 = arith.constant 0 : i32
      %dma_wait3A_595 = tpu.memref_slice %arg18[%dma_wait3A_593, %dma_wait3A_594] : memref<10112x128xf32, #tpu.memory_space<vmem_shared>> -> memref<10112x128xf32, #tpu.memory_space<vmem_shared>>
      tpu.wait_indirect_dma semaphore(%arg16 : memref<!tpu.dma_semaphore, #tpu.memory_space<semaphore_mem>>) src(%arg11 : memref<64x128xf32, #tpu.memory_space<vmem>>) dst(%dma_wait3A_595 : memref<10112x128xf32, #tpu.memory_space<vmem_shared>>)
      %dma_start3A_596 = arith.constant 14 : i32
      %dma_start3A_597 = arith.constant 0 : i32
      %dma_start3A_598 = tpu.memref_slice %arg9[%dma_start3A_596, %dma_start3A_597] : memref<40x64xi32, #tpu.memory_space<vmem>> -> memref<1x64xi32, #tpu.memory_space<vmem>>
      %dma_start3A_599 = tpu.memref_squeeze %dma_start3A_598 : memref<1x64xi32, #tpu.memory_space<vmem>> -> memref<64xi32, #tpu.memory_space<vmem>>
      %dma_start3A_600 = arith.constant 0 : i32
      %dma_start3A_601 = arith.constant 0 : i32
      %dma_start3A_602 = tpu.memref_slice %arg2[%dma_start3A_600, %dma_start3A_601] : memref<10000x128xf32, #tpu.memory_space<hbm>> -> memref<10000x128xf32, #tpu.memory_space<hbm>>
      tpu.enqueue_indirect_dma source(%dma_start3A_602 : memref<10000x128xf32, #tpu.memory_space<hbm>>) target(%arg11 : memref<64x128xf32, #tpu.memory_space<vmem>>) offsets(%dma_start3A_599 : memref<64xi32, #tpu.memory_space<vmem>>) semaphore(%arg14 : memref<!tpu.dma_semaphore, #tpu.memory_space<semaphore_mem>>)
      %get3A_603 = arith.constant 13 : i32
      %get3A_604 = arith.index_cast %get3A_603 : i32 to index
      %get3A_605 = arith.constant 0 : index
      %get3A_606 = tpu.vector_load %arg10[%get3A_604, %get3A_605] {strides = array<i32>} : memref<40x64xi32, #tpu.memory_space<vmem>>, vector<16xi32>,
      tpu.vector_store_idx %arg13[%get3A_606], %broadcast_in_dim3A_6 {add = true} : memref<10112xf32, #tpu.memory_space<vmem>>[vector<16xi32>], vector<16xf32>,
      %get3A_607 = arith.constant 13 : i32
      %get3A_608 = arith.index_cast %get3A_607 : i32 to index
      %get3A_609 = arith.constant 16 : index
      %get3A_610 = tpu.vector_load %arg10[%get3A_608, %get3A_609] {strides = array<i32>} : memref<40x64xi32, #tpu.memory_space<vmem>>, vector<16xi32>,
      tpu.vector_store_idx %arg13[%get3A_610], %broadcast_in_dim3A_6 {add = true} : memref<10112xf32, #tpu.memory_space<vmem>>[vector<16xi32>], vector<16xf32>,
      %get3A_611 = arith.constant 13 : i32
      %get3A_612 = arith.index_cast %get3A_611 : i32 to index
      %get3A_613 = arith.constant 32 : index
      %get3A_614 = tpu.vector_load %arg10[%get3A_612, %get3A_613] {strides = array<i32>} : memref<40x64xi32, #tpu.memory_space<vmem>>, vector<16xi32>,
      tpu.vector_store_idx %arg13[%get3A_614], %broadcast_in_dim3A_6 {add = true} : memref<10112xf32, #tpu.memory_space<vmem>>[vector<16xi32>], vector<16xf32>,
      %get3A_615 = arith.constant 13 : i32
      %get3A_616 = arith.index_cast %get3A_615 : i32 to index
      %get3A_617 = arith.constant 48 : index
      %get3A_618 = tpu.vector_load %arg10[%get3A_616, %get3A_617] {strides = array<i32>} : memref<40x64xi32, #tpu.memory_space<vmem>>, vector<16xi32>,
      tpu.vector_store_idx %arg13[%get3A_618], %broadcast_in_dim3A_6 {add = true} : memref<10112xf32, #tpu.memory_space<vmem>>[vector<16xi32>], vector<16xf32>,
      %dma_wait3A_619 = arith.constant 13 : i32
      %dma_wait3A_620 = arith.constant 0 : i32
      %dma_wait3A_621 = tpu.memref_slice %arg9[%dma_wait3A_619, %dma_wait3A_620] : memref<40x64xi32, #tpu.memory_space<vmem>> -> memref<1x64xi32, #tpu.memory_space<vmem>>
      %dma_wait3A_622 = tpu.memref_squeeze %dma_wait3A_621 : memref<1x64xi32, #tpu.memory_space<vmem>> -> memref<64xi32, #tpu.memory_space<vmem>>
      %dma_wait3A_623 = arith.constant 0 : i32
      %dma_wait3A_624 = arith.constant 0 : i32
      %dma_wait3A_625 = tpu.memref_slice %arg2[%dma_wait3A_623, %dma_wait3A_624] : memref<10000x128xf32, #tpu.memory_space<hbm>> -> memref<10000x128xf32, #tpu.memory_space<hbm>>
      tpu.wait_indirect_dma semaphore(%arg15 : memref<!tpu.dma_semaphore, #tpu.memory_space<semaphore_mem>>) src(%dma_wait3A_625 : memref<10000x128xf32, #tpu.memory_space<hbm>>) dst(%arg12 : memref<64x128xf32, #tpu.memory_space<vmem>>)
      %dma_start3A_626 = arith.constant 13 : i32
      %dma_start3A_627 = arith.constant 0 : i32
      %dma_start3A_628 = tpu.memref_slice %arg10[%dma_start3A_626, %dma_start3A_627] : memref<40x64xi32, #tpu.memory_space<vmem>> -> memref<1x64xi32, #tpu.memory_space<vmem>>
      %dma_start3A_629 = tpu.memref_squeeze %dma_start3A_628 : memref<1x64xi32, #tpu.memory_space<vmem>> -> memref<64xi32, #tpu.memory_space<vmem>>
      %dma_start3A_630 = arith.constant 0 : i32
      %dma_start3A_631 = arith.constant 0 : i32
      %dma_start3A_632 = tpu.memref_slice %arg18[%dma_start3A_630, %dma_start3A_631] : memref<10112x128xf32, #tpu.memory_space<vmem_shared>> -> memref<10112x128xf32, #tpu.memory_space<vmem_shared>>
      tpu.enqueue_indirect_dma source(%arg12 : memref<64x128xf32, #tpu.memory_space<vmem>>) target(%dma_start3A_632 : memref<10112x128xf32, #tpu.memory_space<vmem_shared>>) offsets(%dma_start3A_629 : memref<64xi32, #tpu.memory_space<vmem>>) semaphore(%arg17 : memref<!tpu.dma_semaphore, #tpu.memory_space<semaphore_mem>>) {add = true}
      %dma_wait3A_633 = arith.constant 13 : i32
      %dma_wait3A_634 = arith.constant 0 : i32
      %dma_wait3A_635 = tpu.memref_slice %arg10[%dma_wait3A_633, %dma_wait3A_634] : memref<40x64xi32, #tpu.memory_space<vmem>> -> memref<1x64xi32, #tpu.memory_space<vmem>>
      %dma_wait3A_636 = tpu.memref_squeeze %dma_wait3A_635 : memref<1x64xi32, #tpu.memory_space<vmem>> -> memref<64xi32, #tpu.memory_space<vmem>>
      %dma_wait3A_637 = arith.constant 0 : i32
      %dma_wait3A_638 = arith.constant 0 : i32
      %dma_wait3A_639 = tpu.memref_slice %arg18[%dma_wait3A_637, %dma_wait3A_638] : memref<10112x128xf32, #tpu.memory_space<vmem_shared>> -> memref<10112x128xf32, #tpu.memory_space<vmem_shared>>
      tpu.wait_indirect_dma semaphore(%arg17 : memref<!tpu.dma_semaphore, #tpu.memory_space<semaphore_mem>>) src(%arg12 : memref<64x128xf32, #tpu.memory_space<vmem>>) dst(%dma_wait3A_639 : memref<10112x128xf32, #tpu.memory_space<vmem_shared>>)
      %dma_start3A_640 = arith.constant 15 : i32
      %dma_start3A_641 = arith.constant 0 : i32
      %dma_start3A_642 = tpu.memref_slice %arg9[%dma_start3A_640, %dma_start3A_641] : memref<40x64xi32, #tpu.memory_space<vmem>> -> memref<1x64xi32, #tpu.memory_space<vmem>>
      %dma_start3A_643 = tpu.memref_squeeze %dma_start3A_642 : memref<1x64xi32, #tpu.memory_space<vmem>> -> memref<64xi32, #tpu.memory_space<vmem>>
      %dma_start3A_644 = arith.constant 0 : i32
      %dma_start3A_645 = arith.constant 0 : i32
      %dma_start3A_646 = tpu.memref_slice %arg2[%dma_start3A_644, %dma_start3A_645] : memref<10000x128xf32, #tpu.memory_space<hbm>> -> memref<10000x128xf32, #tpu.memory_space<hbm>>
      tpu.enqueue_indirect_dma source(%dma_start3A_646 : memref<10000x128xf32, #tpu.memory_space<hbm>>) target(%arg12 : memref<64x128xf32, #tpu.memory_space<vmem>>) offsets(%dma_start3A_643 : memref<64xi32, #tpu.memory_space<vmem>>) semaphore(%arg15 : memref<!tpu.dma_semaphore, #tpu.memory_space<semaphore_mem>>)
      %get3A_647 = arith.constant 14 : i32
      %get3A_648 = arith.index_cast %get3A_647 : i32 to index
      %get3A_649 = arith.constant 0 : index
      %get3A_650 = tpu.vector_load %arg10[%get3A_648, %get3A_649] {strides = array<i32>} : memref<40x64xi32, #tpu.memory_space<vmem>>, vector<16xi32>,
      tpu.vector_store_idx %arg13[%get3A_650], %broadcast_in_dim3A_6 {add = true} : memref<10112xf32, #tpu.memory_space<vmem>>[vector<16xi32>], vector<16xf32>,
      %get3A_651 = arith.constant 14 : i32
      %get3A_652 = arith.index_cast %get3A_651 : i32 to index
      %get3A_653 = arith.constant 16 : index
      %get3A_654 = tpu.vector_load %arg10[%get3A_652, %get3A_653] {strides = array<i32>} : memref<40x64xi32, #tpu.memory_space<vmem>>, vector<16xi32>,
      tpu.vector_store_idx %arg13[%get3A_654], %broadcast_in_dim3A_6 {add = true} : memref<10112xf32, #tpu.memory_space<vmem>>[vector<16xi32>], vector<16xf32>,
      %get3A_655 = arith.constant 14 : i32
      %get3A_656 = arith.index_cast %get3A_655 : i32 to index
      %get3A_657 = arith.constant 32 : index
      %get3A_658 = tpu.vector_load %arg10[%get3A_656, %get3A_657] {strides = array<i32>} : memref<40x64xi32, #tpu.memory_space<vmem>>, vector<16xi32>,
      tpu.vector_store_idx %arg13[%get3A_658], %broadcast_in_dim3A_6 {add = true} : memref<10112xf32, #tpu.memory_space<vmem>>[vector<16xi32>], vector<16xf32>,
      %get3A_659 = arith.constant 14 : i32
      %get3A_660 = arith.index_cast %get3A_659 : i32 to index
      %get3A_661 = arith.constant 48 : index
      %get3A_662 = tpu.vector_load %arg10[%get3A_660, %get3A_661] {strides = array<i32>} : memref<40x64xi32, #tpu.memory_space<vmem>>, vector<16xi32>,
      tpu.vector_store_idx %arg13[%get3A_662], %broadcast_in_dim3A_6 {add = true} : memref<10112xf32, #tpu.memory_space<vmem>>[vector<16xi32>], vector<16xf32>,
      %dma_wait3A_663 = arith.constant 14 : i32
      %dma_wait3A_664 = arith.constant 0 : i32
      %dma_wait3A_665 = tpu.memref_slice %arg9[%dma_wait3A_663, %dma_wait3A_664] : memref<40x64xi32, #tpu.memory_space<vmem>> -> memref<1x64xi32, #tpu.memory_space<vmem>>
      %dma_wait3A_666 = tpu.memref_squeeze %dma_wait3A_665 : memref<1x64xi32, #tpu.memory_space<vmem>> -> memref<64xi32, #tpu.memory_space<vmem>>
      %dma_wait3A_667 = arith.constant 0 : i32
      %dma_wait3A_668 = arith.constant 0 : i32
      %dma_wait3A_669 = tpu.memref_slice %arg2[%dma_wait3A_667, %dma_wait3A_668] : memref<10000x128xf32, #tpu.memory_space<hbm>> -> memref<10000x128xf32, #tpu.memory_space<hbm>>
      tpu.wait_indirect_dma semaphore(%arg14 : memref<!tpu.dma_semaphore, #tpu.memory_space<semaphore_mem>>) src(%dma_wait3A_669 : memref<10000x128xf32, #tpu.memory_space<hbm>>) dst(%arg11 : memref<64x128xf32, #tpu.memory_space<vmem>>)
      %dma_start3A_670 = arith.constant 14 : i32
      %dma_start3A_671 = arith.constant 0 : i32
      %dma_start3A_672 = tpu.memref_slice %arg10[%dma_start3A_670, %dma_start3A_671] : memref<40x64xi32, #tpu.memory_space<vmem>> -> memref<1x64xi32, #tpu.memory_space<vmem>>
      %dma_start3A_673 = tpu.memref_squeeze %dma_start3A_672 : memref<1x64xi32, #tpu.memory_space<vmem>> -> memref<64xi32, #tpu.memory_space<vmem>>
      %dma_start3A_674 = arith.constant 0 : i32
      %dma_start3A_675 = arith.constant 0 : i32
      %dma_start3A_676 = tpu.memref_slice %arg18[%dma_start3A_674, %dma_start3A_675] : memref<10112x128xf32, #tpu.memory_space<vmem_shared>> -> memref<10112x128xf32, #tpu.memory_space<vmem_shared>>
      tpu.enqueue_indirect_dma source(%arg11 : memref<64x128xf32, #tpu.memory_space<vmem>>) target(%dma_start3A_676 : memref<10112x128xf32, #tpu.memory_space<vmem_shared>>) offsets(%dma_start3A_673 : memref<64xi32, #tpu.memory_space<vmem>>) semaphore(%arg16 : memref<!tpu.dma_semaphore, #tpu.memory_space<semaphore_mem>>) {add = true}
      %dma_wait3A_677 = arith.constant 14 : i32
      %dma_wait3A_678 = arith.constant 0 : i32
      %dma_wait3A_679 = tpu.memref_slice %arg10[%dma_wait3A_677, %dma_wait3A_678] : memref<40x64xi32, #tpu.memory_space<vmem>> -> memref<1x64xi32, #tpu.memory_space<vmem>>
      %dma_wait3A_680 = tpu.memref_squeeze %dma_wait3A_679 : memref<1x64xi32, #tpu.memory_space<vmem>> -> memref<64xi32, #tpu.memory_space<vmem>>
      %dma_wait3A_681 = arith.constant 0 : i32
      %dma_wait3A_682 = arith.constant 0 : i32
      %dma_wait3A_683 = tpu.memref_slice %arg18[%dma_wait3A_681, %dma_wait3A_682] : memref<10112x128xf32, #tpu.memory_space<vmem_shared>> -> memref<10112x128xf32, #tpu.memory_space<vmem_shared>>
      tpu.wait_indirect_dma semaphore(%arg16 : memref<!tpu.dma_semaphore, #tpu.memory_space<semaphore_mem>>) src(%arg11 : memref<64x128xf32, #tpu.memory_space<vmem>>) dst(%dma_wait3A_683 : memref<10112x128xf32, #tpu.memory_space<vmem_shared>>)
      %dma_start3A_684 = arith.constant 16 : i32
      %dma_start3A_685 = arith.constant 0 : i32
      %dma_start3A_686 = tpu.memref_slice %arg9[%dma_start3A_684, %dma_start3A_685] : memref<40x64xi32, #tpu.memory_space<vmem>> -> memref<1x64xi32, #tpu.memory_space<vmem>>
      %dma_start3A_687 = tpu.memref_squeeze %dma_start3A_686 : memref<1x64xi32, #tpu.memory_space<vmem>> -> memref<64xi32, #tpu.memory_space<vmem>>
      %dma_start3A_688 = arith.constant 0 : i32
      %dma_start3A_689 = arith.constant 0 : i32
      %dma_start3A_690 = tpu.memref_slice %arg2[%dma_start3A_688, %dma_start3A_689] : memref<10000x128xf32, #tpu.memory_space<hbm>> -> memref<10000x128xf32, #tpu.memory_space<hbm>>
      tpu.enqueue_indirect_dma source(%dma_start3A_690 : memref<10000x128xf32, #tpu.memory_space<hbm>>) target(%arg11 : memref<64x128xf32, #tpu.memory_space<vmem>>) offsets(%dma_start3A_687 : memref<64xi32, #tpu.memory_space<vmem>>) semaphore(%arg14 : memref<!tpu.dma_semaphore, #tpu.memory_space<semaphore_mem>>)
      %get3A_691 = arith.constant 15 : i32
      %get3A_692 = arith.index_cast %get3A_691 : i32 to index
      %get3A_693 = arith.constant 0 : index
      %get3A_694 = tpu.vector_load %arg10[%get3A_692, %get3A_693] {strides = array<i32>} : memref<40x64xi32, #tpu.memory_space<vmem>>, vector<16xi32>,
      tpu.vector_store_idx %arg13[%get3A_694], %broadcast_in_dim3A_6 {add = true} : memref<10112xf32, #tpu.memory_space<vmem>>[vector<16xi32>], vector<16xf32>,
      %get3A_695 = arith.constant 15 : i32
      %get3A_696 = arith.index_cast %get3A_695 : i32 to index
      %get3A_697 = arith.constant 16 : index
      %get3A_698 = tpu.vector_load %arg10[%get3A_696, %get3A_697] {strides = array<i32>} : memref<40x64xi32, #tpu.memory_space<vmem>>, vector<16xi32>,
      tpu.vector_store_idx %arg13[%get3A_698], %broadcast_in_dim3A_6 {add = true} : memref<10112xf32, #tpu.memory_space<vmem>>[vector<16xi32>], vector<16xf32>,
      %get3A_699 = arith.constant 15 : i32
      %get3A_700 = arith.index_cast %get3A_699 : i32 to index
      %get3A_701 = arith.constant 32 : index
      %get3A_702 = tpu.vector_load %arg10[%get3A_700, %get3A_701] {strides = array<i32>} : memref<40x64xi32, #tpu.memory_space<vmem>>, vector<16xi32>,
      tpu.vector_store_idx %arg13[%get3A_702], %broadcast_in_dim3A_6 {add = true} : memref<10112xf32, #tpu.memory_space<vmem>>[vector<16xi32>], vector<16xf32>,
      %get3A_703 = arith.constant 15 : i32
      %get3A_704 = arith.index_cast %get3A_703 : i32 to index
      %get3A_705 = arith.constant 48 : index
      %get3A_706 = tpu.vector_load %arg10[%get3A_704, %get3A_705] {strides = array<i32>} : memref<40x64xi32, #tpu.memory_space<vmem>>, vector<16xi32>,
      tpu.vector_store_idx %arg13[%get3A_706], %broadcast_in_dim3A_6 {add = true} : memref<10112xf32, #tpu.memory_space<vmem>>[vector<16xi32>], vector<16xf32>,
      %dma_wait3A_707 = arith.constant 15 : i32
      %dma_wait3A_708 = arith.constant 0 : i32
      %dma_wait3A_709 = tpu.memref_slice %arg9[%dma_wait3A_707, %dma_wait3A_708] : memref<40x64xi32, #tpu.memory_space<vmem>> -> memref<1x64xi32, #tpu.memory_space<vmem>>
      %dma_wait3A_710 = tpu.memref_squeeze %dma_wait3A_709 : memref<1x64xi32, #tpu.memory_space<vmem>> -> memref<64xi32, #tpu.memory_space<vmem>>
      %dma_wait3A_711 = arith.constant 0 : i32
      %dma_wait3A_712 = arith.constant 0 : i32
      %dma_wait3A_713 = tpu.memref_slice %arg2[%dma_wait3A_711, %dma_wait3A_712] : memref<10000x128xf32, #tpu.memory_space<hbm>> -> memref<10000x128xf32, #tpu.memory_space<hbm>>
      tpu.wait_indirect_dma semaphore(%arg15 : memref<!tpu.dma_semaphore, #tpu.memory_space<semaphore_mem>>) src(%dma_wait3A_713 : memref<10000x128xf32, #tpu.memory_space<hbm>>) dst(%arg12 : memref<64x128xf32, #tpu.memory_space<vmem>>)
      %dma_start3A_714 = arith.constant 15 : i32
      %dma_start3A_715 = arith.constant 0 : i32
      %dma_start3A_716 = tpu.memref_slice %arg10[%dma_start3A_714, %dma_start3A_715] : memref<40x64xi32, #tpu.memory_space<vmem>> -> memref<1x64xi32, #tpu.memory_space<vmem>>
      %dma_start3A_717 = tpu.memref_squeeze %dma_start3A_716 : memref<1x64xi32, #tpu.memory_space<vmem>> -> memref<64xi32, #tpu.memory_space<vmem>>
      %dma_start3A_718 = arith.constant 0 : i32
      %dma_start3A_719 = arith.constant 0 : i32
      %dma_start3A_720 = tpu.memref_slice %arg18[%dma_start3A_718, %dma_start3A_719] : memref<10112x128xf32, #tpu.memory_space<vmem_shared>> -> memref<10112x128xf32, #tpu.memory_space<vmem_shared>>
      tpu.enqueue_indirect_dma source(%arg12 : memref<64x128xf32, #tpu.memory_space<vmem>>) target(%dma_start3A_720 : memref<10112x128xf32, #tpu.memory_space<vmem_shared>>) offsets(%dma_start3A_717 : memref<64xi32, #tpu.memory_space<vmem>>) semaphore(%arg17 : memref<!tpu.dma_semaphore, #tpu.memory_space<semaphore_mem>>) {add = true}
      %dma_wait3A_721 = arith.constant 15 : i32
      %dma_wait3A_722 = arith.constant 0 : i32
      %dma_wait3A_723 = tpu.memref_slice %arg10[%dma_wait3A_721, %dma_wait3A_722] : memref<40x64xi32, #tpu.memory_space<vmem>> -> memref<1x64xi32, #tpu.memory_space<vmem>>
      %dma_wait3A_724 = tpu.memref_squeeze %dma_wait3A_723 : memref<1x64xi32, #tpu.memory_space<vmem>> -> memref<64xi32, #tpu.memory_space<vmem>>
      %dma_wait3A_725 = arith.constant 0 : i32
      %dma_wait3A_726 = arith.constant 0 : i32
      %dma_wait3A_727 = tpu.memref_slice %arg18[%dma_wait3A_725, %dma_wait3A_726] : memref<10112x128xf32, #tpu.memory_space<vmem_shared>> -> memref<10112x128xf32, #tpu.memory_space<vmem_shared>>
      tpu.wait_indirect_dma semaphore(%arg17 : memref<!tpu.dma_semaphore, #tpu.memory_space<semaphore_mem>>) src(%arg12 : memref<64x128xf32, #tpu.memory_space<vmem>>) dst(%dma_wait3A_727 : memref<10112x128xf32, #tpu.memory_space<vmem_shared>>)
      %dma_start3A_728 = arith.constant 17 : i32
      %dma_start3A_729 = arith.constant 0 : i32
      %dma_start3A_730 = tpu.memref_slice %arg9[%dma_start3A_728, %dma_start3A_729] : memref<40x64xi32, #tpu.memory_space<vmem>> -> memref<1x64xi32, #tpu.memory_space<vmem>>
      %dma_start3A_731 = tpu.memref_squeeze %dma_start3A_730 : memref<1x64xi32, #tpu.memory_space<vmem>> -> memref<64xi32, #tpu.memory_space<vmem>>
      %dma_start3A_732 = arith.constant 0 : i32
      %dma_start3A_733 = arith.constant 0 : i32
      %dma_start3A_734 = tpu.memref_slice %arg2[%dma_start3A_732, %dma_start3A_733] : memref<10000x128xf32, #tpu.memory_space<hbm>> -> memref<10000x128xf32, #tpu.memory_space<hbm>>
      tpu.enqueue_indirect_dma source(%dma_start3A_734 : memref<10000x128xf32, #tpu.memory_space<hbm>>) target(%arg12 : memref<64x128xf32, #tpu.memory_space<vmem>>) offsets(%dma_start3A_731 : memref<64xi32, #tpu.memory_space<vmem>>) semaphore(%arg15 : memref<!tpu.dma_semaphore, #tpu.memory_space<semaphore_mem>>)
      %get3A_735 = arith.constant 16 : i32
      %get3A_736 = arith.index_cast %get3A_735 : i32 to index
      %get3A_737 = arith.constant 0 : index
      %get3A_738 = tpu.vector_load %arg10[%get3A_736, %get3A_737] {strides = array<i32>} : memref<40x64xi32, #tpu.memory_space<vmem>>, vector<16xi32>,
      tpu.vector_store_idx %arg13[%get3A_738], %broadcast_in_dim3A_6 {add = true} : memref<10112xf32, #tpu.memory_space<vmem>>[vector<16xi32>], vector<16xf32>,
      %get3A_739 = arith.constant 16 : i32
      %get3A_740 = arith.index_cast %get3A_739 : i32 to index
      %get3A_741 = arith.constant 16 : index
      %get3A_742 = tpu.vector_load %arg10[%get3A_740, %get3A_741] {strides = array<i32>} : memref<40x64xi32, #tpu.memory_space<vmem>>, vector<16xi32>,
      tpu.vector_store_idx %arg13[%get3A_742], %broadcast_in_dim3A_6 {add = true} : memref<10112xf32, #tpu.memory_space<vmem>>[vector<16xi32>], vector<16xf32>,
      %get3A_743 = arith.constant 16 : i32
      %get3A_744 = arith.index_cast %get3A_743 : i32 to index
      %get3A_745 = arith.constant 32 : index
      %get3A_746 = tpu.vector_load %arg10[%get3A_744, %get3A_745] {strides = array<i32>} : memref<40x64xi32, #tpu.memory_space<vmem>>, vector<16xi32>,
      tpu.vector_store_idx %arg13[%get3A_746], %broadcast_in_dim3A_6 {add = true} : memref<10112xf32, #tpu.memory_space<vmem>>[vector<16xi32>], vector<16xf32>,
      %get3A_747 = arith.constant 16 : i32
      %get3A_748 = arith.index_cast %get3A_747 : i32 to index
      %get3A_749 = arith.constant 48 : index
      %get3A_750 = tpu.vector_load %arg10[%get3A_748, %get3A_749] {strides = array<i32>} : memref<40x64xi32, #tpu.memory_space<vmem>>, vector<16xi32>,
      tpu.vector_store_idx %arg13[%get3A_750], %broadcast_in_dim3A_6 {add = true} : memref<10112xf32, #tpu.memory_space<vmem>>[vector<16xi32>], vector<16xf32>,
      %dma_wait3A_751 = arith.constant 16 : i32
      %dma_wait3A_752 = arith.constant 0 : i32
      %dma_wait3A_753 = tpu.memref_slice %arg9[%dma_wait3A_751, %dma_wait3A_752] : memref<40x64xi32, #tpu.memory_space<vmem>> -> memref<1x64xi32, #tpu.memory_space<vmem>>
      %dma_wait3A_754 = tpu.memref_squeeze %dma_wait3A_753 : memref<1x64xi32, #tpu.memory_space<vmem>> -> memref<64xi32, #tpu.memory_space<vmem>>
      %dma_wait3A_755 = arith.constant 0 : i32
      %dma_wait3A_756 = arith.constant 0 : i32
      %dma_wait3A_757 = tpu.memref_slice %arg2[%dma_wait3A_755, %dma_wait3A_756] : memref<10000x128xf32, #tpu.memory_space<hbm>> -> memref<10000x128xf32, #tpu.memory_space<hbm>>
      tpu.wait_indirect_dma semaphore(%arg14 : memref<!tpu.dma_semaphore, #tpu.memory_space<semaphore_mem>>) src(%dma_wait3A_757 : memref<10000x128xf32, #tpu.memory_space<hbm>>) dst(%arg11 : memref<64x128xf32, #tpu.memory_space<vmem>>)
      %dma_start3A_758 = arith.constant 16 : i32
      %dma_start3A_759 = arith.constant 0 : i32
      %dma_start3A_760 = tpu.memref_slice %arg10[%dma_start3A_758, %dma_start3A_759] : memref<40x64xi32, #tpu.memory_space<vmem>> -> memref<1x64xi32, #tpu.memory_space<vmem>>
      %dma_start3A_761 = tpu.memref_squeeze %dma_start3A_760 : memref<1x64xi32, #tpu.memory_space<vmem>> -> memref<64xi32, #tpu.memory_space<vmem>>
      %dma_start3A_762 = arith.constant 0 : i32
      %dma_start3A_763 = arith.constant 0 : i32
      %dma_start3A_764 = tpu.memref_slice %arg18[%dma_start3A_762, %dma_start3A_763] : memref<10112x128xf32, #tpu.memory_space<vmem_shared>> -> memref<10112x128xf32, #tpu.memory_space<vmem_shared>>
      tpu.enqueue_indirect_dma source(%arg11 : memref<64x128xf32, #tpu.memory_space<vmem>>) target(%dma_start3A_764 : memref<10112x128xf32, #tpu.memory_space<vmem_shared>>) offsets(%dma_start3A_761 : memref<64xi32, #tpu.memory_space<vmem>>) semaphore(%arg16 : memref<!tpu.dma_semaphore, #tpu.memory_space<semaphore_mem>>) {add = true}
      %dma_wait3A_765 = arith.constant 16 : i32
      %dma_wait3A_766 = arith.constant 0 : i32
      %dma_wait3A_767 = tpu.memref_slice %arg10[%dma_wait3A_765, %dma_wait3A_766] : memref<40x64xi32, #tpu.memory_space<vmem>> -> memref<1x64xi32, #tpu.memory_space<vmem>>
      %dma_wait3A_768 = tpu.memref_squeeze %dma_wait3A_767 : memref<1x64xi32, #tpu.memory_space<vmem>> -> memref<64xi32, #tpu.memory_space<vmem>>
      %dma_wait3A_769 = arith.constant 0 : i32
      %dma_wait3A_770 = arith.constant 0 : i32
      %dma_wait3A_771 = tpu.memref_slice %arg18[%dma_wait3A_769, %dma_wait3A_770] : memref<10112x128xf32, #tpu.memory_space<vmem_shared>> -> memref<10112x128xf32, #tpu.memory_space<vmem_shared>>
      tpu.wait_indirect_dma semaphore(%arg16 : memref<!tpu.dma_semaphore, #tpu.memory_space<semaphore_mem>>) src(%arg11 : memref<64x128xf32, #tpu.memory_space<vmem>>) dst(%dma_wait3A_771 : memref<10112x128xf32, #tpu.memory_space<vmem_shared>>)
      %dma_start3A_772 = arith.constant 18 : i32
      %dma_start3A_773 = arith.constant 0 : i32
      %dma_start3A_774 = tpu.memref_slice %arg9[%dma_start3A_772, %dma_start3A_773] : memref<40x64xi32, #tpu.memory_space<vmem>> -> memref<1x64xi32, #tpu.memory_space<vmem>>
      %dma_start3A_775 = tpu.memref_squeeze %dma_start3A_774 : memref<1x64xi32, #tpu.memory_space<vmem>> -> memref<64xi32, #tpu.memory_space<vmem>>
      %dma_start3A_776 = arith.constant 0 : i32
      %dma_start3A_777 = arith.constant 0 : i32
      %dma_start3A_778 = tpu.memref_slice %arg2[%dma_start3A_776, %dma_start3A_777] : memref<10000x128xf32, #tpu.memory_space<hbm>> -> memref<10000x128xf32, #tpu.memory_space<hbm>>
      tpu.enqueue_indirect_dma source(%dma_start3A_778 : memref<10000x128xf32, #tpu.memory_space<hbm>>) target(%arg11 : memref<64x128xf32, #tpu.memory_space<vmem>>) offsets(%dma_start3A_775 : memref<64xi32, #tpu.memory_space<vmem>>) semaphore(%arg14 : memref<!tpu.dma_semaphore, #tpu.memory_space<semaphore_mem>>)
      %get3A_779 = arith.constant 17 : i32
      %get3A_780 = arith.index_cast %get3A_779 : i32 to index
      %get3A_781 = arith.constant 0 : index
      %get3A_782 = tpu.vector_load %arg10[%get3A_780, %get3A_781] {strides = array<i32>} : memref<40x64xi32, #tpu.memory_space<vmem>>, vector<16xi32>,
      tpu.vector_store_idx %arg13[%get3A_782], %broadcast_in_dim3A_6 {add = true} : memref<10112xf32, #tpu.memory_space<vmem>>[vector<16xi32>], vector<16xf32>,
      %get3A_783 = arith.constant 17 : i32
      %get3A_784 = arith.index_cast %get3A_783 : i32 to index
      %get3A_785 = arith.constant 16 : index
      %get3A_786 = tpu.vector_load %arg10[%get3A_784, %get3A_785] {strides = array<i32>} : memref<40x64xi32, #tpu.memory_space<vmem>>, vector<16xi32>,
      tpu.vector_store_idx %arg13[%get3A_786], %broadcast_in_dim3A_6 {add = true} : memref<10112xf32, #tpu.memory_space<vmem>>[vector<16xi32>], vector<16xf32>,
      %get3A_787 = arith.constant 17 : i32
      %get3A_788 = arith.index_cast %get3A_787 : i32 to index
      %get3A_789 = arith.constant 32 : index
      %get3A_790 = tpu.vector_load %arg10[%get3A_788, %get3A_789] {strides = array<i32>} : memref<40x64xi32, #tpu.memory_space<vmem>>, vector<16xi32>,
      tpu.vector_store_idx %arg13[%get3A_790], %broadcast_in_dim3A_6 {add = true} : memref<10112xf32, #tpu.memory_space<vmem>>[vector<16xi32>], vector<16xf32>,
      %get3A_791 = arith.constant 17 : i32
      %get3A_792 = arith.index_cast %get3A_791 : i32 to index
      %get3A_793 = arith.constant 48 : index
      %get3A_794 = tpu.vector_load %arg10[%get3A_792, %get3A_793] {strides = array<i32>} : memref<40x64xi32, #tpu.memory_space<vmem>>, vector<16xi32>,
      tpu.vector_store_idx %arg13[%get3A_794], %broadcast_in_dim3A_6 {add = true} : memref<10112xf32, #tpu.memory_space<vmem>>[vector<16xi32>], vector<16xf32>,
      %dma_wait3A_795 = arith.constant 17 : i32
      %dma_wait3A_796 = arith.constant 0 : i32
      %dma_wait3A_797 = tpu.memref_slice %arg9[%dma_wait3A_795, %dma_wait3A_796] : memref<40x64xi32, #tpu.memory_space<vmem>> -> memref<1x64xi32, #tpu.memory_space<vmem>>
      %dma_wait3A_798 = tpu.memref_squeeze %dma_wait3A_797 : memref<1x64xi32, #tpu.memory_space<vmem>> -> memref<64xi32, #tpu.memory_space<vmem>>
      %dma_wait3A_799 = arith.constant 0 : i32
      %dma_wait3A_800 = arith.constant 0 : i32
      %dma_wait3A_801 = tpu.memref_slice %arg2[%dma_wait3A_799, %dma_wait3A_800] : memref<10000x128xf32, #tpu.memory_space<hbm>> -> memref<10000x128xf32, #tpu.memory_space<hbm>>
      tpu.wait_indirect_dma semaphore(%arg15 : memref<!tpu.dma_semaphore, #tpu.memory_space<semaphore_mem>>) src(%dma_wait3A_801 : memref<10000x128xf32, #tpu.memory_space<hbm>>) dst(%arg12 : memref<64x128xf32, #tpu.memory_space<vmem>>)
      %dma_start3A_802 = arith.constant 17 : i32
      %dma_start3A_803 = arith.constant 0 : i32
      %dma_start3A_804 = tpu.memref_slice %arg10[%dma_start3A_802, %dma_start3A_803] : memref<40x64xi32, #tpu.memory_space<vmem>> -> memref<1x64xi32, #tpu.memory_space<vmem>>
      %dma_start3A_805 = tpu.memref_squeeze %dma_start3A_804 : memref<1x64xi32, #tpu.memory_space<vmem>> -> memref<64xi32, #tpu.memory_space<vmem>>
      %dma_start3A_806 = arith.constant 0 : i32
      %dma_start3A_807 = arith.constant 0 : i32
      %dma_start3A_808 = tpu.memref_slice %arg18[%dma_start3A_806, %dma_start3A_807] : memref<10112x128xf32, #tpu.memory_space<vmem_shared>> -> memref<10112x128xf32, #tpu.memory_space<vmem_shared>>
      tpu.enqueue_indirect_dma source(%arg12 : memref<64x128xf32, #tpu.memory_space<vmem>>) target(%dma_start3A_808 : memref<10112x128xf32, #tpu.memory_space<vmem_shared>>) offsets(%dma_start3A_805 : memref<64xi32, #tpu.memory_space<vmem>>) semaphore(%arg17 : memref<!tpu.dma_semaphore, #tpu.memory_space<semaphore_mem>>) {add = true}
      %dma_wait3A_809 = arith.constant 17 : i32
      %dma_wait3A_810 = arith.constant 0 : i32
      %dma_wait3A_811 = tpu.memref_slice %arg10[%dma_wait3A_809, %dma_wait3A_810] : memref<40x64xi32, #tpu.memory_space<vmem>> -> memref<1x64xi32, #tpu.memory_space<vmem>>
      %dma_wait3A_812 = tpu.memref_squeeze %dma_wait3A_811 : memref<1x64xi32, #tpu.memory_space<vmem>> -> memref<64xi32, #tpu.memory_space<vmem>>
      %dma_wait3A_813 = arith.constant 0 : i32
      %dma_wait3A_814 = arith.constant 0 : i32
      %dma_wait3A_815 = tpu.memref_slice %arg18[%dma_wait3A_813, %dma_wait3A_814] : memref<10112x128xf32, #tpu.memory_space<vmem_shared>> -> memref<10112x128xf32, #tpu.memory_space<vmem_shared>>
      tpu.wait_indirect_dma semaphore(%arg17 : memref<!tpu.dma_semaphore, #tpu.memory_space<semaphore_mem>>) src(%arg12 : memref<64x128xf32, #tpu.memory_space<vmem>>) dst(%dma_wait3A_815 : memref<10112x128xf32, #tpu.memory_space<vmem_shared>>)
      %dma_start3A_816 = arith.constant 19 : i32
      %dma_start3A_817 = arith.constant 0 : i32
      %dma_start3A_818 = tpu.memref_slice %arg9[%dma_start3A_816, %dma_start3A_817] : memref<40x64xi32, #tpu.memory_space<vmem>> -> memref<1x64xi32, #tpu.memory_space<vmem>>
      %dma_start3A_819 = tpu.memref_squeeze %dma_start3A_818 : memref<1x64xi32, #tpu.memory_space<vmem>> -> memref<64xi32, #tpu.memory_space<vmem>>
      %dma_start3A_820 = arith.constant 0 : i32
      %dma_start3A_821 = arith.constant 0 : i32
      %dma_start3A_822 = tpu.memref_slice %arg2[%dma_start3A_820, %dma_start3A_821] : memref<10000x128xf32, #tpu.memory_space<hbm>> -> memref<10000x128xf32, #tpu.memory_space<hbm>>
      tpu.enqueue_indirect_dma source(%dma_start3A_822 : memref<10000x128xf32, #tpu.memory_space<hbm>>) target(%arg12 : memref<64x128xf32, #tpu.memory_space<vmem>>) offsets(%dma_start3A_819 : memref<64xi32, #tpu.memory_space<vmem>>) semaphore(%arg15 : memref<!tpu.dma_semaphore, #tpu.memory_space<semaphore_mem>>)
      %get3A_823 = arith.constant 18 : i32
      %get3A_824 = arith.index_cast %get3A_823 : i32 to index
      %get3A_825 = arith.constant 0 : index
      %get3A_826 = tpu.vector_load %arg10[%get3A_824, %get3A_825] {strides = array<i32>} : memref<40x64xi32, #tpu.memory_space<vmem>>, vector<16xi32>,
      tpu.vector_store_idx %arg13[%get3A_826], %broadcast_in_dim3A_6 {add = true} : memref<10112xf32, #tpu.memory_space<vmem>>[vector<16xi32>], vector<16xf32>,
      %get3A_827 = arith.constant 18 : i32
      %get3A_828 = arith.index_cast %get3A_827 : i32 to index
      %get3A_829 = arith.constant 16 : index
      %get3A_830 = tpu.vector_load %arg10[%get3A_828, %get3A_829] {strides = array<i32>} : memref<40x64xi32, #tpu.memory_space<vmem>>, vector<16xi32>,
      tpu.vector_store_idx %arg13[%get3A_830], %broadcast_in_dim3A_6 {add = true} : memref<10112xf32, #tpu.memory_space<vmem>>[vector<16xi32>], vector<16xf32>,
      %get3A_831 = arith.constant 18 : i32
      %get3A_832 = arith.index_cast %get3A_831 : i32 to index
      %get3A_833 = arith.constant 32 : index
      %get3A_834 = tpu.vector_load %arg10[%get3A_832, %get3A_833] {strides = array<i32>} : memref<40x64xi32, #tpu.memory_space<vmem>>, vector<16xi32>,
      tpu.vector_store_idx %arg13[%get3A_834], %broadcast_in_dim3A_6 {add = true} : memref<10112xf32, #tpu.memory_space<vmem>>[vector<16xi32>], vector<16xf32>,
      %get3A_835 = arith.constant 18 : i32
      %get3A_836 = arith.index_cast %get3A_835 : i32 to index
      %get3A_837 = arith.constant 48 : index
      %get3A_838 = tpu.vector_load %arg10[%get3A_836, %get3A_837] {strides = array<i32>} : memref<40x64xi32, #tpu.memory_space<vmem>>, vector<16xi32>,
      tpu.vector_store_idx %arg13[%get3A_838], %broadcast_in_dim3A_6 {add = true} : memref<10112xf32, #tpu.memory_space<vmem>>[vector<16xi32>], vector<16xf32>,
      %dma_wait3A_839 = arith.constant 18 : i32
      %dma_wait3A_840 = arith.constant 0 : i32
      %dma_wait3A_841 = tpu.memref_slice %arg9[%dma_wait3A_839, %dma_wait3A_840] : memref<40x64xi32, #tpu.memory_space<vmem>> -> memref<1x64xi32, #tpu.memory_space<vmem>>
      %dma_wait3A_842 = tpu.memref_squeeze %dma_wait3A_841 : memref<1x64xi32, #tpu.memory_space<vmem>> -> memref<64xi32, #tpu.memory_space<vmem>>
      %dma_wait3A_843 = arith.constant 0 : i32
      %dma_wait3A_844 = arith.constant 0 : i32
      %dma_wait3A_845 = tpu.memref_slice %arg2[%dma_wait3A_843, %dma_wait3A_844] : memref<10000x128xf32, #tpu.memory_space<hbm>> -> memref<10000x128xf32, #tpu.memory_space<hbm>>
      tpu.wait_indirect_dma semaphore(%arg14 : memref<!tpu.dma_semaphore, #tpu.memory_space<semaphore_mem>>) src(%dma_wait3A_845 : memref<10000x128xf32, #tpu.memory_space<hbm>>) dst(%arg11 : memref<64x128xf32, #tpu.memory_space<vmem>>)
      %dma_start3A_846 = arith.constant 18 : i32
      %dma_start3A_847 = arith.constant 0 : i32
      %dma_start3A_848 = tpu.memref_slice %arg10[%dma_start3A_846, %dma_start3A_847] : memref<40x64xi32, #tpu.memory_space<vmem>> -> memref<1x64xi32, #tpu.memory_space<vmem>>
      %dma_start3A_849 = tpu.memref_squeeze %dma_start3A_848 : memref<1x64xi32, #tpu.memory_space<vmem>> -> memref<64xi32, #tpu.memory_space<vmem>>
      %dma_start3A_850 = arith.constant 0 : i32
      %dma_start3A_851 = arith.constant 0 : i32
      %dma_start3A_852 = tpu.memref_slice %arg18[%dma_start3A_850, %dma_start3A_851] : memref<10112x128xf32, #tpu.memory_space<vmem_shared>> -> memref<10112x128xf32, #tpu.memory_space<vmem_shared>>
      tpu.enqueue_indirect_dma source(%arg11 : memref<64x128xf32, #tpu.memory_space<vmem>>) target(%dma_start3A_852 : memref<10112x128xf32, #tpu.memory_space<vmem_shared>>) offsets(%dma_start3A_849 : memref<64xi32, #tpu.memory_space<vmem>>) semaphore(%arg16 : memref<!tpu.dma_semaphore, #tpu.memory_space<semaphore_mem>>) {add = true}
      %dma_wait3A_853 = arith.constant 18 : i32
      %dma_wait3A_854 = arith.constant 0 : i32
      %dma_wait3A_855 = tpu.memref_slice %arg10[%dma_wait3A_853, %dma_wait3A_854] : memref<40x64xi32, #tpu.memory_space<vmem>> -> memref<1x64xi32, #tpu.memory_space<vmem>>
      %dma_wait3A_856 = tpu.memref_squeeze %dma_wait3A_855 : memref<1x64xi32, #tpu.memory_space<vmem>> -> memref<64xi32, #tpu.memory_space<vmem>>
      %dma_wait3A_857 = arith.constant 0 : i32
      %dma_wait3A_858 = arith.constant 0 : i32
      %dma_wait3A_859 = tpu.memref_slice %arg18[%dma_wait3A_857, %dma_wait3A_858] : memref<10112x128xf32, #tpu.memory_space<vmem_shared>> -> memref<10112x128xf32, #tpu.memory_space<vmem_shared>>
      tpu.wait_indirect_dma semaphore(%arg16 : memref<!tpu.dma_semaphore, #tpu.memory_space<semaphore_mem>>) src(%arg11 : memref<64x128xf32, #tpu.memory_space<vmem>>) dst(%dma_wait3A_859 : memref<10112x128xf32, #tpu.memory_space<vmem_shared>>)
      %dma_start3A_860 = arith.constant 20 : i32
      %dma_start3A_861 = arith.constant 0 : i32
      %dma_start3A_862 = tpu.memref_slice %arg9[%dma_start3A_860, %dma_start3A_861] : memref<40x64xi32, #tpu.memory_space<vmem>> -> memref<1x64xi32, #tpu.memory_space<vmem>>
      %dma_start3A_863 = tpu.memref_squeeze %dma_start3A_862 : memref<1x64xi32, #tpu.memory_space<vmem>> -> memref<64xi32, #tpu.memory_space<vmem>>
      %dma_start3A_864 = arith.constant 0 : i32
      %dma_start3A_865 = arith.constant 0 : i32
      %dma_start3A_866 = tpu.memref_slice %arg2[%dma_start3A_864, %dma_start3A_865] : memref<10000x128xf32, #tpu.memory_space<hbm>> -> memref<10000x128xf32, #tpu.memory_space<hbm>>
      tpu.enqueue_indirect_dma source(%dma_start3A_866 : memref<10000x128xf32, #tpu.memory_space<hbm>>) target(%arg11 : memref<64x128xf32, #tpu.memory_space<vmem>>) offsets(%dma_start3A_863 : memref<64xi32, #tpu.memory_space<vmem>>) semaphore(%arg14 : memref<!tpu.dma_semaphore, #tpu.memory_space<semaphore_mem>>)
      %get3A_867 = arith.constant 19 : i32
      %get3A_868 = arith.index_cast %get3A_867 : i32 to index
      %get3A_869 = arith.constant 0 : index
      %get3A_870 = tpu.vector_load %arg10[%get3A_868, %get3A_869] {strides = array<i32>} : memref<40x64xi32, #tpu.memory_space<vmem>>, vector<16xi32>,
      tpu.vector_store_idx %arg13[%get3A_870], %broadcast_in_dim3A_6 {add = true} : memref<10112xf32, #tpu.memory_space<vmem>>[vector<16xi32>], vector<16xf32>,
      %get3A_871 = arith.constant 19 : i32
      %get3A_872 = arith.index_cast %get3A_871 : i32 to index
      %get3A_873 = arith.constant 16 : index
      %get3A_874 = tpu.vector_load %arg10[%get3A_872, %get3A_873] {strides = array<i32>} : memref<40x64xi32, #tpu.memory_space<vmem>>, vector<16xi32>,
      tpu.vector_store_idx %arg13[%get3A_874], %broadcast_in_dim3A_6 {add = true} : memref<10112xf32, #tpu.memory_space<vmem>>[vector<16xi32>], vector<16xf32>,
      %get3A_875 = arith.constant 19 : i32
      %get3A_876 = arith.index_cast %get3A_875 : i32 to index
      %get3A_877 = arith.constant 32 : index
      %get3A_878 = tpu.vector_load %arg10[%get3A_876, %get3A_877] {strides = array<i32>} : memref<40x64xi32, #tpu.memory_space<vmem>>, vector<16xi32>,
      tpu.vector_store_idx %arg13[%get3A_878], %broadcast_in_dim3A_6 {add = true} : memref<10112xf32, #tpu.memory_space<vmem>>[vector<16xi32>], vector<16xf32>,
      %get3A_879 = arith.constant 19 : i32
      %get3A_880 = arith.index_cast %get3A_879 : i32 to index
      %get3A_881 = arith.constant 48 : index
      %get3A_882 = tpu.vector_load %arg10[%get3A_880, %get3A_881] {strides = array<i32>} : memref<40x64xi32, #tpu.memory_space<vmem>>, vector<16xi32>,
      tpu.vector_store_idx %arg13[%get3A_882], %broadcast_in_dim3A_6 {add = true} : memref<10112xf32, #tpu.memory_space<vmem>>[vector<16xi32>], vector<16xf32>,
      %dma_wait3A_883 = arith.constant 19 : i32
      %dma_wait3A_884 = arith.constant 0 : i32
      %dma_wait3A_885 = tpu.memref_slice %arg9[%dma_wait3A_883, %dma_wait3A_884] : memref<40x64xi32, #tpu.memory_space<vmem>> -> memref<1x64xi32, #tpu.memory_space<vmem>>
      %dma_wait3A_886 = tpu.memref_squeeze %dma_wait3A_885 : memref<1x64xi32, #tpu.memory_space<vmem>> -> memref<64xi32, #tpu.memory_space<vmem>>
      %dma_wait3A_887 = arith.constant 0 : i32
      %dma_wait3A_888 = arith.constant 0 : i32
      %dma_wait3A_889 = tpu.memref_slice %arg2[%dma_wait3A_887, %dma_wait3A_888] : memref<10000x128xf32, #tpu.memory_space<hbm>> -> memref<10000x128xf32, #tpu.memory_space<hbm>>
      tpu.wait_indirect_dma semaphore(%arg15 : memref<!tpu.dma_semaphore, #tpu.memory_space<semaphore_mem>>) src(%dma_wait3A_889 : memref<10000x128xf32, #tpu.memory_space<hbm>>) dst(%arg12 : memref<64x128xf32, #tpu.memory_space<vmem>>)
      %dma_start3A_890 = arith.constant 19 : i32
      %dma_start3A_891 = arith.constant 0 : i32
      %dma_start3A_892 = tpu.memref_slice %arg10[%dma_start3A_890, %dma_start3A_891] : memref<40x64xi32, #tpu.memory_space<vmem>> -> memref<1x64xi32, #tpu.memory_space<vmem>>
      %dma_start3A_893 = tpu.memref_squeeze %dma_start3A_892 : memref<1x64xi32, #tpu.memory_space<vmem>> -> memref<64xi32, #tpu.memory_space<vmem>>
      %dma_start3A_894 = arith.constant 0 : i32
      %dma_start3A_895 = arith.constant 0 : i32
      %dma_start3A_896 = tpu.memref_slice %arg18[%dma_start3A_894, %dma_start3A_895] : memref<10112x128xf32, #tpu.memory_space<vmem_shared>> -> memref<10112x128xf32, #tpu.memory_space<vmem_shared>>
      tpu.enqueue_indirect_dma source(%arg12 : memref<64x128xf32, #tpu.memory_space<vmem>>) target(%dma_start3A_896 : memref<10112x128xf32, #tpu.memory_space<vmem_shared>>) offsets(%dma_start3A_893 : memref<64xi32, #tpu.memory_space<vmem>>) semaphore(%arg17 : memref<!tpu.dma_semaphore, #tpu.memory_space<semaphore_mem>>) {add = true}
      %dma_wait3A_897 = arith.constant 19 : i32
      %dma_wait3A_898 = arith.constant 0 : i32
      %dma_wait3A_899 = tpu.memref_slice %arg10[%dma_wait3A_897, %dma_wait3A_898] : memref<40x64xi32, #tpu.memory_space<vmem>> -> memref<1x64xi32, #tpu.memory_space<vmem>>
      %dma_wait3A_900 = tpu.memref_squeeze %dma_wait3A_899 : memref<1x64xi32, #tpu.memory_space<vmem>> -> memref<64xi32, #tpu.memory_space<vmem>>
      %dma_wait3A_901 = arith.constant 0 : i32
      %dma_wait3A_902 = arith.constant 0 : i32
      %dma_wait3A_903 = tpu.memref_slice %arg18[%dma_wait3A_901, %dma_wait3A_902] : memref<10112x128xf32, #tpu.memory_space<vmem_shared>> -> memref<10112x128xf32, #tpu.memory_space<vmem_shared>>
      tpu.wait_indirect_dma semaphore(%arg17 : memref<!tpu.dma_semaphore, #tpu.memory_space<semaphore_mem>>) src(%arg12 : memref<64x128xf32, #tpu.memory_space<vmem>>) dst(%dma_wait3A_903 : memref<10112x128xf32, #tpu.memory_space<vmem_shared>>)
      %dma_start3A_904 = arith.constant 21 : i32
      %dma_start3A_905 = arith.constant 0 : i32
      %dma_start3A_906 = tpu.memref_slice %arg9[%dma_start3A_904, %dma_start3A_905] : memref<40x64xi32, #tpu.memory_space<vmem>> -> memref<1x64xi32, #tpu.memory_space<vmem>>
      %dma_start3A_907 = tpu.memref_squeeze %dma_start3A_906 : memref<1x64xi32, #tpu.memory_space<vmem>> -> memref<64xi32, #tpu.memory_space<vmem>>
      %dma_start3A_908 = arith.constant 0 : i32
      %dma_start3A_909 = arith.constant 0 : i32
      %dma_start3A_910 = tpu.memref_slice %arg2[%dma_start3A_908, %dma_start3A_909] : memref<10000x128xf32, #tpu.memory_space<hbm>> -> memref<10000x128xf32, #tpu.memory_space<hbm>>
      tpu.enqueue_indirect_dma source(%dma_start3A_910 : memref<10000x128xf32, #tpu.memory_space<hbm>>) target(%arg12 : memref<64x128xf32, #tpu.memory_space<vmem>>) offsets(%dma_start3A_907 : memref<64xi32, #tpu.memory_space<vmem>>) semaphore(%arg15 : memref<!tpu.dma_semaphore, #tpu.memory_space<semaphore_mem>>)
      %get3A_911 = arith.constant 20 : i32
      %get3A_912 = arith.index_cast %get3A_911 : i32 to index
      %get3A_913 = arith.constant 0 : index
      %get3A_914 = tpu.vector_load %arg10[%get3A_912, %get3A_913] {strides = array<i32>} : memref<40x64xi32, #tpu.memory_space<vmem>>, vector<16xi32>,
      tpu.vector_store_idx %arg13[%get3A_914], %broadcast_in_dim3A_6 {add = true} : memref<10112xf32, #tpu.memory_space<vmem>>[vector<16xi32>], vector<16xf32>,
      %get3A_915 = arith.constant 20 : i32
      %get3A_916 = arith.index_cast %get3A_915 : i32 to index
      %get3A_917 = arith.constant 16 : index
      %get3A_918 = tpu.vector_load %arg10[%get3A_916, %get3A_917] {strides = array<i32>} : memref<40x64xi32, #tpu.memory_space<vmem>>, vector<16xi32>,
      tpu.vector_store_idx %arg13[%get3A_918], %broadcast_in_dim3A_6 {add = true} : memref<10112xf32, #tpu.memory_space<vmem>>[vector<16xi32>], vector<16xf32>,
      %get3A_919 = arith.constant 20 : i32
      %get3A_920 = arith.index_cast %get3A_919 : i32 to index
      %get3A_921 = arith.constant 32 : index
      %get3A_922 = tpu.vector_load %arg10[%get3A_920, %get3A_921] {strides = array<i32>} : memref<40x64xi32, #tpu.memory_space<vmem>>, vector<16xi32>,
      tpu.vector_store_idx %arg13[%get3A_922], %broadcast_in_dim3A_6 {add = true} : memref<10112xf32, #tpu.memory_space<vmem>>[vector<16xi32>], vector<16xf32>,
      %get3A_923 = arith.constant 20 : i32
      %get3A_924 = arith.index_cast %get3A_923 : i32 to index
      %get3A_925 = arith.constant 48 : index
      %get3A_926 = tpu.vector_load %arg10[%get3A_924, %get3A_925] {strides = array<i32>} : memref<40x64xi32, #tpu.memory_space<vmem>>, vector<16xi32>,
      tpu.vector_store_idx %arg13[%get3A_926], %broadcast_in_dim3A_6 {add = true} : memref<10112xf32, #tpu.memory_space<vmem>>[vector<16xi32>], vector<16xf32>,
      %dma_wait3A_927 = arith.constant 20 : i32
      %dma_wait3A_928 = arith.constant 0 : i32
      %dma_wait3A_929 = tpu.memref_slice %arg9[%dma_wait3A_927, %dma_wait3A_928] : memref<40x64xi32, #tpu.memory_space<vmem>> -> memref<1x64xi32, #tpu.memory_space<vmem>>
      %dma_wait3A_930 = tpu.memref_squeeze %dma_wait3A_929 : memref<1x64xi32, #tpu.memory_space<vmem>> -> memref<64xi32, #tpu.memory_space<vmem>>
      %dma_wait3A_931 = arith.constant 0 : i32
      %dma_wait3A_932 = arith.constant 0 : i32
      %dma_wait3A_933 = tpu.memref_slice %arg2[%dma_wait3A_931, %dma_wait3A_932] : memref<10000x128xf32, #tpu.memory_space<hbm>> -> memref<10000x128xf32, #tpu.memory_space<hbm>>
      tpu.wait_indirect_dma semaphore(%arg14 : memref<!tpu.dma_semaphore, #tpu.memory_space<semaphore_mem>>) src(%dma_wait3A_933 : memref<10000x128xf32, #tpu.memory_space<hbm>>) dst(%arg11 : memref<64x128xf32, #tpu.memory_space<vmem>>)
      %dma_start3A_934 = arith.constant 20 : i32
      %dma_start3A_935 = arith.constant 0 : i32
      %dma_start3A_936 = tpu.memref_slice %arg10[%dma_start3A_934, %dma_start3A_935] : memref<40x64xi32, #tpu.memory_space<vmem>> -> memref<1x64xi32, #tpu.memory_space<vmem>>
      %dma_start3A_937 = tpu.memref_squeeze %dma_start3A_936 : memref<1x64xi32, #tpu.memory_space<vmem>> -> memref<64xi32, #tpu.memory_space<vmem>>
      %dma_start3A_938 = arith.constant 0 : i32
      %dma_start3A_939 = arith.constant 0 : i32
      %dma_start3A_940 = tpu.memref_slice %arg18[%dma_start3A_938, %dma_start3A_939] : memref<10112x128xf32, #tpu.memory_space<vmem_shared>> -> memref<10112x128xf32, #tpu.memory_space<vmem_shared>>
      tpu.enqueue_indirect_dma source(%arg11 : memref<64x128xf32, #tpu.memory_space<vmem>>) target(%dma_start3A_940 : memref<10112x128xf32, #tpu.memory_space<vmem_shared>>) offsets(%dma_start3A_937 : memref<64xi32, #tpu.memory_space<vmem>>) semaphore(%arg16 : memref<!tpu.dma_semaphore, #tpu.memory_space<semaphore_mem>>) {add = true}
      %dma_wait3A_941 = arith.constant 20 : i32
      %dma_wait3A_942 = arith.constant 0 : i32
      %dma_wait3A_943 = tpu.memref_slice %arg10[%dma_wait3A_941, %dma_wait3A_942] : memref<40x64xi32, #tpu.memory_space<vmem>> -> memref<1x64xi32, #tpu.memory_space<vmem>>
      %dma_wait3A_944 = tpu.memref_squeeze %dma_wait3A_943 : memref<1x64xi32, #tpu.memory_space<vmem>> -> memref<64xi32, #tpu.memory_space<vmem>>
      %dma_wait3A_945 = arith.constant 0 : i32
      %dma_wait3A_946 = arith.constant 0 : i32
      %dma_wait3A_947 = tpu.memref_slice %arg18[%dma_wait3A_945, %dma_wait3A_946] : memref<10112x128xf32, #tpu.memory_space<vmem_shared>> -> memref<10112x128xf32, #tpu.memory_space<vmem_shared>>
      tpu.wait_indirect_dma semaphore(%arg16 : memref<!tpu.dma_semaphore, #tpu.memory_space<semaphore_mem>>) src(%arg11 : memref<64x128xf32, #tpu.memory_space<vmem>>) dst(%dma_wait3A_947 : memref<10112x128xf32, #tpu.memory_space<vmem_shared>>)
      %dma_start3A_948 = arith.constant 22 : i32
      %dma_start3A_949 = arith.constant 0 : i32
      %dma_start3A_950 = tpu.memref_slice %arg9[%dma_start3A_948, %dma_start3A_949] : memref<40x64xi32, #tpu.memory_space<vmem>> -> memref<1x64xi32, #tpu.memory_space<vmem>>
      %dma_start3A_951 = tpu.memref_squeeze %dma_start3A_950 : memref<1x64xi32, #tpu.memory_space<vmem>> -> memref<64xi32, #tpu.memory_space<vmem>>
      %dma_start3A_952 = arith.constant 0 : i32
      %dma_start3A_953 = arith.constant 0 : i32
      %dma_start3A_954 = tpu.memref_slice %arg2[%dma_start3A_952, %dma_start3A_953] : memref<10000x128xf32, #tpu.memory_space<hbm>> -> memref<10000x128xf32, #tpu.memory_space<hbm>>
      tpu.enqueue_indirect_dma source(%dma_start3A_954 : memref<10000x128xf32, #tpu.memory_space<hbm>>) target(%arg11 : memref<64x128xf32, #tpu.memory_space<vmem>>) offsets(%dma_start3A_951 : memref<64xi32, #tpu.memory_space<vmem>>) semaphore(%arg14 : memref<!tpu.dma_semaphore, #tpu.memory_space<semaphore_mem>>)
      %get3A_955 = arith.constant 21 : i32
      %get3A_956 = arith.index_cast %get3A_955 : i32 to index
      %get3A_957 = arith.constant 0 : index
      %get3A_958 = tpu.vector_load %arg10[%get3A_956, %get3A_957] {strides = array<i32>} : memref<40x64xi32, #tpu.memory_space<vmem>>, vector<16xi32>,
      tpu.vector_store_idx %arg13[%get3A_958], %broadcast_in_dim3A_6 {add = true} : memref<10112xf32, #tpu.memory_space<vmem>>[vector<16xi32>], vector<16xf32>,
      %get3A_959 = arith.constant 21 : i32
      %get3A_960 = arith.index_cast %get3A_959 : i32 to index
      %get3A_961 = arith.constant 16 : index
      %get3A_962 = tpu.vector_load %arg10[%get3A_960, %get3A_961] {strides = array<i32>} : memref<40x64xi32, #tpu.memory_space<vmem>>, vector<16xi32>,
      tpu.vector_store_idx %arg13[%get3A_962], %broadcast_in_dim3A_6 {add = true} : memref<10112xf32, #tpu.memory_space<vmem>>[vector<16xi32>], vector<16xf32>,
      %get3A_963 = arith.constant 21 : i32
      %get3A_964 = arith.index_cast %get3A_963 : i32 to index
      %get3A_965 = arith.constant 32 : index
      %get3A_966 = tpu.vector_load %arg10[%get3A_964, %get3A_965] {strides = array<i32>} : memref<40x64xi32, #tpu.memory_space<vmem>>, vector<16xi32>,
      tpu.vector_store_idx %arg13[%get3A_966], %broadcast_in_dim3A_6 {add = true} : memref<10112xf32, #tpu.memory_space<vmem>>[vector<16xi32>], vector<16xf32>,
      %get3A_967 = arith.constant 21 : i32
      %get3A_968 = arith.index_cast %get3A_967 : i32 to index
      %get3A_969 = arith.constant 48 : index
      %get3A_970 = tpu.vector_load %arg10[%get3A_968, %get3A_969] {strides = array<i32>} : memref<40x64xi32, #tpu.memory_space<vmem>>, vector<16xi32>,
      tpu.vector_store_idx %arg13[%get3A_970], %broadcast_in_dim3A_6 {add = true} : memref<10112xf32, #tpu.memory_space<vmem>>[vector<16xi32>], vector<16xf32>,
      %dma_wait3A_971 = arith.constant 21 : i32
      %dma_wait3A_972 = arith.constant 0 : i32
      %dma_wait3A_973 = tpu.memref_slice %arg9[%dma_wait3A_971, %dma_wait3A_972] : memref<40x64xi32, #tpu.memory_space<vmem>> -> memref<1x64xi32, #tpu.memory_space<vmem>>
      %dma_wait3A_974 = tpu.memref_squeeze %dma_wait3A_973 : memref<1x64xi32, #tpu.memory_space<vmem>> -> memref<64xi32, #tpu.memory_space<vmem>>
      %dma_wait3A_975 = arith.constant 0 : i32
      %dma_wait3A_976 = arith.constant 0 : i32
      %dma_wait3A_977 = tpu.memref_slice %arg2[%dma_wait3A_975, %dma_wait3A_976] : memref<10000x128xf32, #tpu.memory_space<hbm>> -> memref<10000x128xf32, #tpu.memory_space<hbm>>
      tpu.wait_indirect_dma semaphore(%arg15 : memref<!tpu.dma_semaphore, #tpu.memory_space<semaphore_mem>>) src(%dma_wait3A_977 : memref<10000x128xf32, #tpu.memory_space<hbm>>) dst(%arg12 : memref<64x128xf32, #tpu.memory_space<vmem>>)
      %dma_start3A_978 = arith.constant 21 : i32
      %dma_start3A_979 = arith.constant 0 : i32
      %dma_start3A_980 = tpu.memref_slice %arg10[%dma_start3A_978, %dma_start3A_979] : memref<40x64xi32, #tpu.memory_space<vmem>> -> memref<1x64xi32, #tpu.memory_space<vmem>>
      %dma_start3A_981 = tpu.memref_squeeze %dma_start3A_980 : memref<1x64xi32, #tpu.memory_space<vmem>> -> memref<64xi32, #tpu.memory_space<vmem>>
      %dma_start3A_982 = arith.constant 0 : i32
      %dma_start3A_983 = arith.constant 0 : i32
      %dma_start3A_984 = tpu.memref_slice %arg18[%dma_start3A_982, %dma_start3A_983] : memref<10112x128xf32, #tpu.memory_space<vmem_shared>> -> memref<10112x128xf32, #tpu.memory_space<vmem_shared>>
      tpu.enqueue_indirect_dma source(%arg12 : memref<64x128xf32, #tpu.memory_space<vmem>>) target(%dma_start3A_984 : memref<10112x128xf32, #tpu.memory_space<vmem_shared>>) offsets(%dma_start3A_981 : memref<64xi32, #tpu.memory_space<vmem>>) semaphore(%arg17 : memref<!tpu.dma_semaphore, #tpu.memory_space<semaphore_mem>>) {add = true}
      %dma_wait3A_985 = arith.constant 21 : i32
      %dma_wait3A_986 = arith.constant 0 : i32
      %dma_wait3A_987 = tpu.memref_slice %arg10[%dma_wait3A_985, %dma_wait3A_986] : memref<40x64xi32, #tpu.memory_space<vmem>> -> memref<1x64xi32, #tpu.memory_space<vmem>>
      %dma_wait3A_988 = tpu.memref_squeeze %dma_wait3A_987 : memref<1x64xi32, #tpu.memory_space<vmem>> -> memref<64xi32, #tpu.memory_space<vmem>>
      %dma_wait3A_989 = arith.constant 0 : i32
      %dma_wait3A_990 = arith.constant 0 : i32
      %dma_wait3A_991 = tpu.memref_slice %arg18[%dma_wait3A_989, %dma_wait3A_990] : memref<10112x128xf32, #tpu.memory_space<vmem_shared>> -> memref<10112x128xf32, #tpu.memory_space<vmem_shared>>
      tpu.wait_indirect_dma semaphore(%arg17 : memref<!tpu.dma_semaphore, #tpu.memory_space<semaphore_mem>>) src(%arg12 : memref<64x128xf32, #tpu.memory_space<vmem>>) dst(%dma_wait3A_991 : memref<10112x128xf32, #tpu.memory_space<vmem_shared>>)
      %dma_start3A_992 = arith.constant 23 : i32
      %dma_start3A_993 = arith.constant 0 : i32
      %dma_start3A_994 = tpu.memref_slice %arg9[%dma_start3A_992, %dma_start3A_993] : memref<40x64xi32, #tpu.memory_space<vmem>> -> memref<1x64xi32, #tpu.memory_space<vmem>>
      %dma_start3A_995 = tpu.memref_squeeze %dma_start3A_994 : memref<1x64xi32, #tpu.memory_space<vmem>> -> memref<64xi32, #tpu.memory_space<vmem>>
      %dma_start3A_996 = arith.constant 0 : i32
      %dma_start3A_997 = arith.constant 0 : i32
      %dma_start3A_998 = tpu.memref_slice %arg2[%dma_start3A_996, %dma_start3A_997] : memref<10000x128xf32, #tpu.memory_space<hbm>> -> memref<10000x128xf32, #tpu.memory_space<hbm>>
      tpu.enqueue_indirect_dma source(%dma_start3A_998 : memref<10000x128xf32, #tpu.memory_space<hbm>>) target(%arg12 : memref<64x128xf32, #tpu.memory_space<vmem>>) offsets(%dma_start3A_995 : memref<64xi32, #tpu.memory_space<vmem>>) semaphore(%arg15 : memref<!tpu.dma_semaphore, #tpu.memory_space<semaphore_mem>>)
      %get3A_999 = arith.constant 22 : i32
      %get3A_1000 = arith.index_cast %get3A_999 : i32 to index
      %get3A_1001 = arith.constant 0 : index
      %get3A_1002 = tpu.vector_load %arg10[%get3A_1000, %get3A_1001] {strides = array<i32>} : memref<40x64xi32, #tpu.memory_space<vmem>>, vector<16xi32>,
      tpu.vector_store_idx %arg13[%get3A_1002], %broadcast_in_dim3A_6 {add = true} : memref<10112xf32, #tpu.memory_space<vmem>>[vector<16xi32>], vector<16xf32>,
      %get3A_1003 = arith.constant 22 : i32
      %get3A_1004 = arith.index_cast %get3A_1003 : i32 to index
      %get3A_1005 = arith.constant 16 : index
      %get3A_1006 = tpu.vector_load %arg10[%get3A_1004, %get3A_1005] {strides = array<i32>} : memref<40x64xi32, #tpu.memory_space<vmem>>, vector<16xi32>,
      tpu.vector_store_idx %arg13[%get3A_1006], %broadcast_in_dim3A_6 {add = true} : memref<10112xf32, #tpu.memory_space<vmem>>[vector<16xi32>], vector<16xf32>,
      %get3A_1007 = arith.constant 22 : i32
      %get3A_1008 = arith.index_cast %get3A_1007 : i32 to index
      %get3A_1009 = arith.constant 32 : index
      %get3A_1010 = tpu.vector_load %arg10[%get3A_1008, %get3A_1009] {strides = array<i32>} : memref<40x64xi32, #tpu.memory_space<vmem>>, vector<16xi32>,
      tpu.vector_store_idx %arg13[%get3A_1010], %broadcast_in_dim3A_6 {add = true} : memref<10112xf32, #tpu.memory_space<vmem>>[vector<16xi32>], vector<16xf32>,
      %get3A_1011 = arith.constant 22 : i32
      %get3A_1012 = arith.index_cast %get3A_1011 : i32 to index
      %get3A_1013 = arith.constant 48 : index
      %get3A_1014 = tpu.vector_load %arg10[%get3A_1012, %get3A_1013] {strides = array<i32>} : memref<40x64xi32, #tpu.memory_space<vmem>>, vector<16xi32>,
      tpu.vector_store_idx %arg13[%get3A_1014], %broadcast_in_dim3A_6 {add = true} : memref<10112xf32, #tpu.memory_space<vmem>>[vector<16xi32>], vector<16xf32>,
      %dma_wait3A_1015 = arith.constant 22 : i32
      %dma_wait3A_1016 = arith.constant 0 : i32
      %dma_wait3A_1017 = tpu.memref_slice %arg9[%dma_wait3A_1015, %dma_wait3A_1016] : memref<40x64xi32, #tpu.memory_space<vmem>> -> memref<1x64xi32, #tpu.memory_space<vmem>>
      %dma_wait3A_1018 = tpu.memref_squeeze %dma_wait3A_1017 : memref<1x64xi32, #tpu.memory_space<vmem>> -> memref<64xi32, #tpu.memory_space<vmem>>
      %dma_wait3A_1019 = arith.constant 0 : i32
      %dma_wait3A_1020 = arith.constant 0 : i32
      %dma_wait3A_1021 = tpu.memref_slice %arg2[%dma_wait3A_1019, %dma_wait3A_1020] : memref<10000x128xf32, #tpu.memory_space<hbm>> -> memref<10000x128xf32, #tpu.memory_space<hbm>>
      tpu.wait_indirect_dma semaphore(%arg14 : memref<!tpu.dma_semaphore, #tpu.memory_space<semaphore_mem>>) src(%dma_wait3A_1021 : memref<10000x128xf32, #tpu.memory_space<hbm>>) dst(%arg11 : memref<64x128xf32, #tpu.memory_space<vmem>>)
      %dma_start3A_1022 = arith.constant 22 : i32
      %dma_start3A_1023 = arith.constant 0 : i32
      %dma_start3A_1024 = tpu.memref_slice %arg10[%dma_start3A_1022, %dma_start3A_1023] : memref<40x64xi32, #tpu.memory_space<vmem>> -> memref<1x64xi32, #tpu.memory_space<vmem>>
      %dma_start3A_1025 = tpu.memref_squeeze %dma_start3A_1024 : memref<1x64xi32, #tpu.memory_space<vmem>> -> memref<64xi32, #tpu.memory_space<vmem>>
      %dma_start3A_1026 = arith.constant 0 : i32
      %dma_start3A_1027 = arith.constant 0 : i32
      %dma_start3A_1028 = tpu.memref_slice %arg18[%dma_start3A_1026, %dma_start3A_1027] : memref<10112x128xf32, #tpu.memory_space<vmem_shared>> -> memref<10112x128xf32, #tpu.memory_space<vmem_shared>>
      tpu.enqueue_indirect_dma source(%arg11 : memref<64x128xf32, #tpu.memory_space<vmem>>) target(%dma_start3A_1028 : memref<10112x128xf32, #tpu.memory_space<vmem_shared>>) offsets(%dma_start3A_1025 : memref<64xi32, #tpu.memory_space<vmem>>) semaphore(%arg16 : memref<!tpu.dma_semaphore, #tpu.memory_space<semaphore_mem>>) {add = true}
      %dma_wait3A_1029 = arith.constant 22 : i32
      %dma_wait3A_1030 = arith.constant 0 : i32
      %dma_wait3A_1031 = tpu.memref_slice %arg10[%dma_wait3A_1029, %dma_wait3A_1030] : memref<40x64xi32, #tpu.memory_space<vmem>> -> memref<1x64xi32, #tpu.memory_space<vmem>>
      %dma_wait3A_1032 = tpu.memref_squeeze %dma_wait3A_1031 : memref<1x64xi32, #tpu.memory_space<vmem>> -> memref<64xi32, #tpu.memory_space<vmem>>
      %dma_wait3A_1033 = arith.constant 0 : i32
      %dma_wait3A_1034 = arith.constant 0 : i32
      %dma_wait3A_1035 = tpu.memref_slice %arg18[%dma_wait3A_1033, %dma_wait3A_1034] : memref<10112x128xf32, #tpu.memory_space<vmem_shared>> -> memref<10112x128xf32, #tpu.memory_space<vmem_shared>>
      tpu.wait_indirect_dma semaphore(%arg16 : memref<!tpu.dma_semaphore, #tpu.memory_space<semaphore_mem>>) src(%arg11 : memref<64x128xf32, #tpu.memory_space<vmem>>) dst(%dma_wait3A_1035 : memref<10112x128xf32, #tpu.memory_space<vmem_shared>>)
      %dma_start3A_1036 = arith.constant 24 : i32
      %dma_start3A_1037 = arith.constant 0 : i32
      %dma_start3A_1038 = tpu.memref_slice %arg9[%dma_start3A_1036, %dma_start3A_1037] : memref<40x64xi32, #tpu.memory_space<vmem>> -> memref<1x64xi32, #tpu.memory_space<vmem>>
      %dma_start3A_1039 = tpu.memref_squeeze %dma_start3A_1038 : memref<1x64xi32, #tpu.memory_space<vmem>> -> memref<64xi32, #tpu.memory_space<vmem>>
      %dma_start3A_1040 = arith.constant 0 : i32
      %dma_start3A_1041 = arith.constant 0 : i32
      %dma_start3A_1042 = tpu.memref_slice %arg2[%dma_start3A_1040, %dma_start3A_1041] : memref<10000x128xf32, #tpu.memory_space<hbm>> -> memref<10000x128xf32, #tpu.memory_space<hbm>>
      tpu.enqueue_indirect_dma source(%dma_start3A_1042 : memref<10000x128xf32, #tpu.memory_space<hbm>>) target(%arg11 : memref<64x128xf32, #tpu.memory_space<vmem>>) offsets(%dma_start3A_1039 : memref<64xi32, #tpu.memory_space<vmem>>) semaphore(%arg14 : memref<!tpu.dma_semaphore, #tpu.memory_space<semaphore_mem>>)
      %get3A_1043 = arith.constant 23 : i32
      %get3A_1044 = arith.index_cast %get3A_1043 : i32 to index
      %get3A_1045 = arith.constant 0 : index
      %get3A_1046 = tpu.vector_load %arg10[%get3A_1044, %get3A_1045] {strides = array<i32>} : memref<40x64xi32, #tpu.memory_space<vmem>>, vector<16xi32>,
      tpu.vector_store_idx %arg13[%get3A_1046], %broadcast_in_dim3A_6 {add = true} : memref<10112xf32, #tpu.memory_space<vmem>>[vector<16xi32>], vector<16xf32>,
      %get3A_1047 = arith.constant 23 : i32
      %get3A_1048 = arith.index_cast %get3A_1047 : i32 to index
      %get3A_1049 = arith.constant 16 : index
      %get3A_1050 = tpu.vector_load %arg10[%get3A_1048, %get3A_1049] {strides = array<i32>} : memref<40x64xi32, #tpu.memory_space<vmem>>, vector<16xi32>,
      tpu.vector_store_idx %arg13[%get3A_1050], %broadcast_in_dim3A_6 {add = true} : memref<10112xf32, #tpu.memory_space<vmem>>[vector<16xi32>], vector<16xf32>,
      %get3A_1051 = arith.constant 23 : i32
      %get3A_1052 = arith.index_cast %get3A_1051 : i32 to index
      %get3A_1053 = arith.constant 32 : index
      %get3A_1054 = tpu.vector_load %arg10[%get3A_1052, %get3A_1053] {strides = array<i32>} : memref<40x64xi32, #tpu.memory_space<vmem>>, vector<16xi32>,
      tpu.vector_store_idx %arg13[%get3A_1054], %broadcast_in_dim3A_6 {add = true} : memref<10112xf32, #tpu.memory_space<vmem>>[vector<16xi32>], vector<16xf32>,
      %get3A_1055 = arith.constant 23 : i32
      %get3A_1056 = arith.index_cast %get3A_1055 : i32 to index
      %get3A_1057 = arith.constant 48 : index
      %get3A_1058 = tpu.vector_load %arg10[%get3A_1056, %get3A_1057] {strides = array<i32>} : memref<40x64xi32, #tpu.memory_space<vmem>>, vector<16xi32>,
      tpu.vector_store_idx %arg13[%get3A_1058], %broadcast_in_dim3A_6 {add = true} : memref<10112xf32, #tpu.memory_space<vmem>>[vector<16xi32>], vector<16xf32>,
      %dma_wait3A_1059 = arith.constant 23 : i32
      %dma_wait3A_1060 = arith.constant 0 : i32
      %dma_wait3A_1061 = tpu.memref_slice %arg9[%dma_wait3A_1059, %dma_wait3A_1060] : memref<40x64xi32, #tpu.memory_space<vmem>> -> memref<1x64xi32, #tpu.memory_space<vmem>>
      %dma_wait3A_1062 = tpu.memref_squeeze %dma_wait3A_1061 : memref<1x64xi32, #tpu.memory_space<vmem>> -> memref<64xi32, #tpu.memory_space<vmem>>
      %dma_wait3A_1063 = arith.constant 0 : i32
      %dma_wait3A_1064 = arith.constant 0 : i32
      %dma_wait3A_1065 = tpu.memref_slice %arg2[%dma_wait3A_1063, %dma_wait3A_1064] : memref<10000x128xf32, #tpu.memory_space<hbm>> -> memref<10000x128xf32, #tpu.memory_space<hbm>>
      tpu.wait_indirect_dma semaphore(%arg15 : memref<!tpu.dma_semaphore, #tpu.memory_space<semaphore_mem>>) src(%dma_wait3A_1065 : memref<10000x128xf32, #tpu.memory_space<hbm>>) dst(%arg12 : memref<64x128xf32, #tpu.memory_space<vmem>>)
      %dma_start3A_1066 = arith.constant 23 : i32
      %dma_start3A_1067 = arith.constant 0 : i32
      %dma_start3A_1068 = tpu.memref_slice %arg10[%dma_start3A_1066, %dma_start3A_1067] : memref<40x64xi32, #tpu.memory_space<vmem>> -> memref<1x64xi32, #tpu.memory_space<vmem>>
      %dma_start3A_1069 = tpu.memref_squeeze %dma_start3A_1068 : memref<1x64xi32, #tpu.memory_space<vmem>> -> memref<64xi32, #tpu.memory_space<vmem>>
      %dma_start3A_1070 = arith.constant 0 : i32
      %dma_start3A_1071 = arith.constant 0 : i32
      %dma_start3A_1072 = tpu.memref_slice %arg18[%dma_start3A_1070, %dma_start3A_1071] : memref<10112x128xf32, #tpu.memory_space<vmem_shared>> -> memref<10112x128xf32, #tpu.memory_space<vmem_shared>>
      tpu.enqueue_indirect_dma source(%arg12 : memref<64x128xf32, #tpu.memory_space<vmem>>) target(%dma_start3A_1072 : memref<10112x128xf32, #tpu.memory_space<vmem_shared>>) offsets(%dma_start3A_1069 : memref<64xi32, #tpu.memory_space<vmem>>) semaphore(%arg17 : memref<!tpu.dma_semaphore, #tpu.memory_space<semaphore_mem>>) {add = true}
      %dma_wait3A_1073 = arith.constant 23 : i32
      %dma_wait3A_1074 = arith.constant 0 : i32
      %dma_wait3A_1075 = tpu.memref_slice %arg10[%dma_wait3A_1073, %dma_wait3A_1074] : memref<40x64xi32, #tpu.memory_space<vmem>> -> memref<1x64xi32, #tpu.memory_space<vmem>>
      %dma_wait3A_1076 = tpu.memref_squeeze %dma_wait3A_1075 : memref<1x64xi32, #tpu.memory_space<vmem>> -> memref<64xi32, #tpu.memory_space<vmem>>
      %dma_wait3A_1077 = arith.constant 0 : i32
      %dma_wait3A_1078 = arith.constant 0 : i32
      %dma_wait3A_1079 = tpu.memref_slice %arg18[%dma_wait3A_1077, %dma_wait3A_1078] : memref<10112x128xf32, #tpu.memory_space<vmem_shared>> -> memref<10112x128xf32, #tpu.memory_space<vmem_shared>>
      tpu.wait_indirect_dma semaphore(%arg17 : memref<!tpu.dma_semaphore, #tpu.memory_space<semaphore_mem>>) src(%arg12 : memref<64x128xf32, #tpu.memory_space<vmem>>) dst(%dma_wait3A_1079 : memref<10112x128xf32, #tpu.memory_space<vmem_shared>>)
      %dma_start3A_1080 = arith.constant 25 : i32
      %dma_start3A_1081 = arith.constant 0 : i32
      %dma_start3A_1082 = tpu.memref_slice %arg9[%dma_start3A_1080, %dma_start3A_1081] : memref<40x64xi32, #tpu.memory_space<vmem>> -> memref<1x64xi32, #tpu.memory_space<vmem>>
      %dma_start3A_1083 = tpu.memref_squeeze %dma_start3A_1082 : memref<1x64xi32, #tpu.memory_space<vmem>> -> memref<64xi32, #tpu.memory_space<vmem>>
      %dma_start3A_1084 = arith.constant 0 : i32
      %dma_start3A_1085 = arith.constant 0 : i32
      %dma_start3A_1086 = tpu.memref_slice %arg2[%dma_start3A_1084, %dma_start3A_1085] : memref<10000x128xf32, #tpu.memory_space<hbm>> -> memref<10000x128xf32, #tpu.memory_space<hbm>>
      tpu.enqueue_indirect_dma source(%dma_start3A_1086 : memref<10000x128xf32, #tpu.memory_space<hbm>>) target(%arg12 : memref<64x128xf32, #tpu.memory_space<vmem>>) offsets(%dma_start3A_1083 : memref<64xi32, #tpu.memory_space<vmem>>) semaphore(%arg15 : memref<!tpu.dma_semaphore, #tpu.memory_space<semaphore_mem>>)
      %get3A_1087 = arith.constant 24 : i32
      %get3A_1088 = arith.index_cast %get3A_1087 : i32 to index
      %get3A_1089 = arith.constant 0 : index
      %get3A_1090 = tpu.vector_load %arg10[%get3A_1088, %get3A_1089] {strides = array<i32>} : memref<40x64xi32, #tpu.memory_space<vmem>>, vector<16xi32>,
      tpu.vector_store_idx %arg13[%get3A_1090], %broadcast_in_dim3A_6 {add = true} : memref<10112xf32, #tpu.memory_space<vmem>>[vector<16xi32>], vector<16xf32>,
      %get3A_1091 = arith.constant 24 : i32
      %get3A_1092 = arith.index_cast %get3A_1091 : i32 to index
      %get3A_1093 = arith.constant 16 : index
      %get3A_1094 = tpu.vector_load %arg10[%get3A_1092, %get3A_1093] {strides = array<i32>} : memref<40x64xi32, #tpu.memory_space<vmem>>, vector<16xi32>,
      tpu.vector_store_idx %arg13[%get3A_1094], %broadcast_in_dim3A_6 {add = true} : memref<10112xf32, #tpu.memory_space<vmem>>[vector<16xi32>], vector<16xf32>,
      %get3A_1095 = arith.constant 24 : i32
      %get3A_1096 = arith.index_cast %get3A_1095 : i32 to index
      %get3A_1097 = arith.constant 32 : index
      %get3A_1098 = tpu.vector_load %arg10[%get3A_1096, %get3A_1097] {strides = array<i32>} : memref<40x64xi32, #tpu.memory_space<vmem>>, vector<16xi32>,
      tpu.vector_store_idx %arg13[%get3A_1098], %broadcast_in_dim3A_6 {add = true} : memref<10112xf32, #tpu.memory_space<vmem>>[vector<16xi32>], vector<16xf32>,
      %get3A_1099 = arith.constant 24 : i32
      %get3A_1100 = arith.index_cast %get3A_1099 : i32 to index
      %get3A_1101 = arith.constant 48 : index
      %get3A_1102 = tpu.vector_load %arg10[%get3A_1100, %get3A_1101] {strides = array<i32>} : memref<40x64xi32, #tpu.memory_space<vmem>>, vector<16xi32>,
      tpu.vector_store_idx %arg13[%get3A_1102], %broadcast_in_dim3A_6 {add = true} : memref<10112xf32, #tpu.memory_space<vmem>>[vector<16xi32>], vector<16xf32>,
      %dma_wait3A_1103 = arith.constant 24 : i32
      %dma_wait3A_1104 = arith.constant 0 : i32
      %dma_wait3A_1105 = tpu.memref_slice %arg9[%dma_wait3A_1103, %dma_wait3A_1104] : memref<40x64xi32, #tpu.memory_space<vmem>> -> memref<1x64xi32, #tpu.memory_space<vmem>>
      %dma_wait3A_1106 = tpu.memref_squeeze %dma_wait3A_1105 : memref<1x64xi32, #tpu.memory_space<vmem>> -> memref<64xi32, #tpu.memory_space<vmem>>
      %dma_wait3A_1107 = arith.constant 0 : i32
      %dma_wait3A_1108 = arith.constant 0 : i32
      %dma_wait3A_1109 = tpu.memref_slice %arg2[%dma_wait3A_1107, %dma_wait3A_1108] : memref<10000x128xf32, #tpu.memory_space<hbm>> -> memref<10000x128xf32, #tpu.memory_space<hbm>>
      tpu.wait_indirect_dma semaphore(%arg14 : memref<!tpu.dma_semaphore, #tpu.memory_space<semaphore_mem>>) src(%dma_wait3A_1109 : memref<10000x128xf32, #tpu.memory_space<hbm>>) dst(%arg11 : memref<64x128xf32, #tpu.memory_space<vmem>>)
      %dma_start3A_1110 = arith.constant 24 : i32
      %dma_start3A_1111 = arith.constant 0 : i32
      %dma_start3A_1112 = tpu.memref_slice %arg10[%dma_start3A_1110, %dma_start3A_1111] : memref<40x64xi32, #tpu.memory_space<vmem>> -> memref<1x64xi32, #tpu.memory_space<vmem>>
      %dma_start3A_1113 = tpu.memref_squeeze %dma_start3A_1112 : memref<1x64xi32, #tpu.memory_space<vmem>> -> memref<64xi32, #tpu.memory_space<vmem>>
      %dma_start3A_1114 = arith.constant 0 : i32
      %dma_start3A_1115 = arith.constant 0 : i32
      %dma_start3A_1116 = tpu.memref_slice %arg18[%dma_start3A_1114, %dma_start3A_1115] : memref<10112x128xf32, #tpu.memory_space<vmem_shared>> -> memref<10112x128xf32, #tpu.memory_space<vmem_shared>>
      tpu.enqueue_indirect_dma source(%arg11 : memref<64x128xf32, #tpu.memory_space<vmem>>) target(%dma_start3A_1116 : memref<10112x128xf32, #tpu.memory_space<vmem_shared>>) offsets(%dma_start3A_1113 : memref<64xi32, #tpu.memory_space<vmem>>) semaphore(%arg16 : memref<!tpu.dma_semaphore, #tpu.memory_space<semaphore_mem>>) {add = true}
      %dma_wait3A_1117 = arith.constant 24 : i32
      %dma_wait3A_1118 = arith.constant 0 : i32
      %dma_wait3A_1119 = tpu.memref_slice %arg10[%dma_wait3A_1117, %dma_wait3A_1118] : memref<40x64xi32, #tpu.memory_space<vmem>> -> memref<1x64xi32, #tpu.memory_space<vmem>>
      %dma_wait3A_1120 = tpu.memref_squeeze %dma_wait3A_1119 : memref<1x64xi32, #tpu.memory_space<vmem>> -> memref<64xi32, #tpu.memory_space<vmem>>
      %dma_wait3A_1121 = arith.constant 0 : i32
      %dma_wait3A_1122 = arith.constant 0 : i32
      %dma_wait3A_1123 = tpu.memref_slice %arg18[%dma_wait3A_1121, %dma_wait3A_1122] : memref<10112x128xf32, #tpu.memory_space<vmem_shared>> -> memref<10112x128xf32, #tpu.memory_space<vmem_shared>>
      tpu.wait_indirect_dma semaphore(%arg16 : memref<!tpu.dma_semaphore, #tpu.memory_space<semaphore_mem>>) src(%arg11 : memref<64x128xf32, #tpu.memory_space<vmem>>) dst(%dma_wait3A_1123 : memref<10112x128xf32, #tpu.memory_space<vmem_shared>>)
      %dma_start3A_1124 = arith.constant 26 : i32
      %dma_start3A_1125 = arith.constant 0 : i32
      %dma_start3A_1126 = tpu.memref_slice %arg9[%dma_start3A_1124, %dma_start3A_1125] : memref<40x64xi32, #tpu.memory_space<vmem>> -> memref<1x64xi32, #tpu.memory_space<vmem>>
      %dma_start3A_1127 = tpu.memref_squeeze %dma_start3A_1126 : memref<1x64xi32, #tpu.memory_space<vmem>> -> memref<64xi32, #tpu.memory_space<vmem>>
      %dma_start3A_1128 = arith.constant 0 : i32
      %dma_start3A_1129 = arith.constant 0 : i32
      %dma_start3A_1130 = tpu.memref_slice %arg2[%dma_start3A_1128, %dma_start3A_1129] : memref<10000x128xf32, #tpu.memory_space<hbm>> -> memref<10000x128xf32, #tpu.memory_space<hbm>>
      tpu.enqueue_indirect_dma source(%dma_start3A_1130 : memref<10000x128xf32, #tpu.memory_space<hbm>>) target(%arg11 : memref<64x128xf32, #tpu.memory_space<vmem>>) offsets(%dma_start3A_1127 : memref<64xi32, #tpu.memory_space<vmem>>) semaphore(%arg14 : memref<!tpu.dma_semaphore, #tpu.memory_space<semaphore_mem>>)
      %get3A_1131 = arith.constant 25 : i32
      %get3A_1132 = arith.index_cast %get3A_1131 : i32 to index
      %get3A_1133 = arith.constant 0 : index
      %get3A_1134 = tpu.vector_load %arg10[%get3A_1132, %get3A_1133] {strides = array<i32>} : memref<40x64xi32, #tpu.memory_space<vmem>>, vector<16xi32>,
      tpu.vector_store_idx %arg13[%get3A_1134], %broadcast_in_dim3A_6 {add = true} : memref<10112xf32, #tpu.memory_space<vmem>>[vector<16xi32>], vector<16xf32>,
      %get3A_1135 = arith.constant 25 : i32
      %get3A_1136 = arith.index_cast %get3A_1135 : i32 to index
      %get3A_1137 = arith.constant 16 : index
      %get3A_1138 = tpu.vector_load %arg10[%get3A_1136, %get3A_1137] {strides = array<i32>} : memref<40x64xi32, #tpu.memory_space<vmem>>, vector<16xi32>,
      tpu.vector_store_idx %arg13[%get3A_1138], %broadcast_in_dim3A_6 {add = true} : memref<10112xf32, #tpu.memory_space<vmem>>[vector<16xi32>], vector<16xf32>,
      %get3A_1139 = arith.constant 25 : i32
      %get3A_1140 = arith.index_cast %get3A_1139 : i32 to index
      %get3A_1141 = arith.constant 32 : index
      %get3A_1142 = tpu.vector_load %arg10[%get3A_1140, %get3A_1141] {strides = array<i32>} : memref<40x64xi32, #tpu.memory_space<vmem>>, vector<16xi32>,
      tpu.vector_store_idx %arg13[%get3A_1142], %broadcast_in_dim3A_6 {add = true} : memref<10112xf32, #tpu.memory_space<vmem>>[vector<16xi32>], vector<16xf32>,
      %get3A_1143 = arith.constant 25 : i32
      %get3A_1144 = arith.index_cast %get3A_1143 : i32 to index
      %get3A_1145 = arith.constant 48 : index
      %get3A_1146 = tpu.vector_load %arg10[%get3A_1144, %get3A_1145] {strides = array<i32>} : memref<40x64xi32, #tpu.memory_space<vmem>>, vector<16xi32>,
      tpu.vector_store_idx %arg13[%get3A_1146], %broadcast_in_dim3A_6 {add = true} : memref<10112xf32, #tpu.memory_space<vmem>>[vector<16xi32>], vector<16xf32>,
      %dma_wait3A_1147 = arith.constant 25 : i32
      %dma_wait3A_1148 = arith.constant 0 : i32
      %dma_wait3A_1149 = tpu.memref_slice %arg9[%dma_wait3A_1147, %dma_wait3A_1148] : memref<40x64xi32, #tpu.memory_space<vmem>> -> memref<1x64xi32, #tpu.memory_space<vmem>>
      %dma_wait3A_1150 = tpu.memref_squeeze %dma_wait3A_1149 : memref<1x64xi32, #tpu.memory_space<vmem>> -> memref<64xi32, #tpu.memory_space<vmem>>
      %dma_wait3A_1151 = arith.constant 0 : i32
      %dma_wait3A_1152 = arith.constant 0 : i32
      %dma_wait3A_1153 = tpu.memref_slice %arg2[%dma_wait3A_1151, %dma_wait3A_1152] : memref<10000x128xf32, #tpu.memory_space<hbm>> -> memref<10000x128xf32, #tpu.memory_space<hbm>>
      tpu.wait_indirect_dma semaphore(%arg15 : memref<!tpu.dma_semaphore, #tpu.memory_space<semaphore_mem>>) src(%dma_wait3A_1153 : memref<10000x128xf32, #tpu.memory_space<hbm>>) dst(%arg12 : memref<64x128xf32, #tpu.memory_space<vmem>>)
      %dma_start3A_1154 = arith.constant 25 : i32
      %dma_start3A_1155 = arith.constant 0 : i32
      %dma_start3A_1156 = tpu.memref_slice %arg10[%dma_start3A_1154, %dma_start3A_1155] : memref<40x64xi32, #tpu.memory_space<vmem>> -> memref<1x64xi32, #tpu.memory_space<vmem>>
      %dma_start3A_1157 = tpu.memref_squeeze %dma_start3A_1156 : memref<1x64xi32, #tpu.memory_space<vmem>> -> memref<64xi32, #tpu.memory_space<vmem>>
      %dma_start3A_1158 = arith.constant 0 : i32
      %dma_start3A_1159 = arith.constant 0 : i32
      %dma_start3A_1160 = tpu.memref_slice %arg18[%dma_start3A_1158, %dma_start3A_1159] : memref<10112x128xf32, #tpu.memory_space<vmem_shared>> -> memref<10112x128xf32, #tpu.memory_space<vmem_shared>>
      tpu.enqueue_indirect_dma source(%arg12 : memref<64x128xf32, #tpu.memory_space<vmem>>) target(%dma_start3A_1160 : memref<10112x128xf32, #tpu.memory_space<vmem_shared>>) offsets(%dma_start3A_1157 : memref<64xi32, #tpu.memory_space<vmem>>) semaphore(%arg17 : memref<!tpu.dma_semaphore, #tpu.memory_space<semaphore_mem>>) {add = true}
      %dma_wait3A_1161 = arith.constant 25 : i32
      %dma_wait3A_1162 = arith.constant 0 : i32
      %dma_wait3A_1163 = tpu.memref_slice %arg10[%dma_wait3A_1161, %dma_wait3A_1162] : memref<40x64xi32, #tpu.memory_space<vmem>> -> memref<1x64xi32, #tpu.memory_space<vmem>>
      %dma_wait3A_1164 = tpu.memref_squeeze %dma_wait3A_1163 : memref<1x64xi32, #tpu.memory_space<vmem>> -> memref<64xi32, #tpu.memory_space<vmem>>
      %dma_wait3A_1165 = arith.constant 0 : i32
      %dma_wait3A_1166 = arith.constant 0 : i32
      %dma_wait3A_1167 = tpu.memref_slice %arg18[%dma_wait3A_1165, %dma_wait3A_1166] : memref<10112x128xf32, #tpu.memory_space<vmem_shared>> -> memref<10112x128xf32, #tpu.memory_space<vmem_shared>>
      tpu.wait_indirect_dma semaphore(%arg17 : memref<!tpu.dma_semaphore, #tpu.memory_space<semaphore_mem>>) src(%arg12 : memref<64x128xf32, #tpu.memory_space<vmem>>) dst(%dma_wait3A_1167 : memref<10112x128xf32, #tpu.memory_space<vmem_shared>>)
      %dma_start3A_1168 = arith.constant 27 : i32
      %dma_start3A_1169 = arith.constant 0 : i32
      %dma_start3A_1170 = tpu.memref_slice %arg9[%dma_start3A_1168, %dma_start3A_1169] : memref<40x64xi32, #tpu.memory_space<vmem>> -> memref<1x64xi32, #tpu.memory_space<vmem>>
      %dma_start3A_1171 = tpu.memref_squeeze %dma_start3A_1170 : memref<1x64xi32, #tpu.memory_space<vmem>> -> memref<64xi32, #tpu.memory_space<vmem>>
      %dma_start3A_1172 = arith.constant 0 : i32
      %dma_start3A_1173 = arith.constant 0 : i32
      %dma_start3A_1174 = tpu.memref_slice %arg2[%dma_start3A_1172, %dma_start3A_1173] : memref<10000x128xf32, #tpu.memory_space<hbm>> -> memref<10000x128xf32, #tpu.memory_space<hbm>>
      tpu.enqueue_indirect_dma source(%dma_start3A_1174 : memref<10000x128xf32, #tpu.memory_space<hbm>>) target(%arg12 : memref<64x128xf32, #tpu.memory_space<vmem>>) offsets(%dma_start3A_1171 : memref<64xi32, #tpu.memory_space<vmem>>) semaphore(%arg15 : memref<!tpu.dma_semaphore, #tpu.memory_space<semaphore_mem>>)
      %get3A_1175 = arith.constant 26 : i32
      %get3A_1176 = arith.index_cast %get3A_1175 : i32 to index
      %get3A_1177 = arith.constant 0 : index
      %get3A_1178 = tpu.vector_load %arg10[%get3A_1176, %get3A_1177] {strides = array<i32>} : memref<40x64xi32, #tpu.memory_space<vmem>>, vector<16xi32>,
      tpu.vector_store_idx %arg13[%get3A_1178], %broadcast_in_dim3A_6 {add = true} : memref<10112xf32, #tpu.memory_space<vmem>>[vector<16xi32>], vector<16xf32>,
      %get3A_1179 = arith.constant 26 : i32
      %get3A_1180 = arith.index_cast %get3A_1179 : i32 to index
      %get3A_1181 = arith.constant 16 : index
      %get3A_1182 = tpu.vector_load %arg10[%get3A_1180, %get3A_1181] {strides = array<i32>} : memref<40x64xi32, #tpu.memory_space<vmem>>, vector<16xi32>,
      tpu.vector_store_idx %arg13[%get3A_1182], %broadcast_in_dim3A_6 {add = true} : memref<10112xf32, #tpu.memory_space<vmem>>[vector<16xi32>], vector<16xf32>,
      %get3A_1183 = arith.constant 26 : i32
      %get3A_1184 = arith.index_cast %get3A_1183 : i32 to index
      %get3A_1185 = arith.constant 32 : index
      %get3A_1186 = tpu.vector_load %arg10[%get3A_1184, %get3A_1185] {strides = array<i32>} : memref<40x64xi32, #tpu.memory_space<vmem>>, vector<16xi32>,
      tpu.vector_store_idx %arg13[%get3A_1186], %broadcast_in_dim3A_6 {add = true} : memref<10112xf32, #tpu.memory_space<vmem>>[vector<16xi32>], vector<16xf32>,
      %get3A_1187 = arith.constant 26 : i32
      %get3A_1188 = arith.index_cast %get3A_1187 : i32 to index
      %get3A_1189 = arith.constant 48 : index
      %get3A_1190 = tpu.vector_load %arg10[%get3A_1188, %get3A_1189] {strides = array<i32>} : memref<40x64xi32, #tpu.memory_space<vmem>>, vector<16xi32>,
      tpu.vector_store_idx %arg13[%get3A_1190], %broadcast_in_dim3A_6 {add = true} : memref<10112xf32, #tpu.memory_space<vmem>>[vector<16xi32>], vector<16xf32>,
      %dma_wait3A_1191 = arith.constant 26 : i32
      %dma_wait3A_1192 = arith.constant 0 : i32
      %dma_wait3A_1193 = tpu.memref_slice %arg9[%dma_wait3A_1191, %dma_wait3A_1192] : memref<40x64xi32, #tpu.memory_space<vmem>> -> memref<1x64xi32, #tpu.memory_space<vmem>>
      %dma_wait3A_1194 = tpu.memref_squeeze %dma_wait3A_1193 : memref<1x64xi32, #tpu.memory_space<vmem>> -> memref<64xi32, #tpu.memory_space<vmem>>
      %dma_wait3A_1195 = arith.constant 0 : i32
      %dma_wait3A_1196 = arith.constant 0 : i32
      %dma_wait3A_1197 = tpu.memref_slice %arg2[%dma_wait3A_1195, %dma_wait3A_1196] : memref<10000x128xf32, #tpu.memory_space<hbm>> -> memref<10000x128xf32, #tpu.memory_space<hbm>>
      tpu.wait_indirect_dma semaphore(%arg14 : memref<!tpu.dma_semaphore, #tpu.memory_space<semaphore_mem>>) src(%dma_wait3A_1197 : memref<10000x128xf32, #tpu.memory_space<hbm>>) dst(%arg11 : memref<64x128xf32, #tpu.memory_space<vmem>>)
      %dma_start3A_1198 = arith.constant 26 : i32
      %dma_start3A_1199 = arith.constant 0 : i32
      %dma_start3A_1200 = tpu.memref_slice %arg10[%dma_start3A_1198, %dma_start3A_1199] : memref<40x64xi32, #tpu.memory_space<vmem>> -> memref<1x64xi32, #tpu.memory_space<vmem>>
      %dma_start3A_1201 = tpu.memref_squeeze %dma_start3A_1200 : memref<1x64xi32, #tpu.memory_space<vmem>> -> memref<64xi32, #tpu.memory_space<vmem>>
      %dma_start3A_1202 = arith.constant 0 : i32
      %dma_start3A_1203 = arith.constant 0 : i32
      %dma_start3A_1204 = tpu.memref_slice %arg18[%dma_start3A_1202, %dma_start3A_1203] : memref<10112x128xf32, #tpu.memory_space<vmem_shared>> -> memref<10112x128xf32, #tpu.memory_space<vmem_shared>>
      tpu.enqueue_indirect_dma source(%arg11 : memref<64x128xf32, #tpu.memory_space<vmem>>) target(%dma_start3A_1204 : memref<10112x128xf32, #tpu.memory_space<vmem_shared>>) offsets(%dma_start3A_1201 : memref<64xi32, #tpu.memory_space<vmem>>) semaphore(%arg16 : memref<!tpu.dma_semaphore, #tpu.memory_space<semaphore_mem>>) {add = true}
      %dma_wait3A_1205 = arith.constant 26 : i32
      %dma_wait3A_1206 = arith.constant 0 : i32
      %dma_wait3A_1207 = tpu.memref_slice %arg10[%dma_wait3A_1205, %dma_wait3A_1206] : memref<40x64xi32, #tpu.memory_space<vmem>> -> memref<1x64xi32, #tpu.memory_space<vmem>>
      %dma_wait3A_1208 = tpu.memref_squeeze %dma_wait3A_1207 : memref<1x64xi32, #tpu.memory_space<vmem>> -> memref<64xi32, #tpu.memory_space<vmem>>
      %dma_wait3A_1209 = arith.constant 0 : i32
      %dma_wait3A_1210 = arith.constant 0 : i32
      %dma_wait3A_1211 = tpu.memref_slice %arg18[%dma_wait3A_1209, %dma_wait3A_1210] : memref<10112x128xf32, #tpu.memory_space<vmem_shared>> -> memref<10112x128xf32, #tpu.memory_space<vmem_shared>>
      tpu.wait_indirect_dma semaphore(%arg16 : memref<!tpu.dma_semaphore, #tpu.memory_space<semaphore_mem>>) src(%arg11 : memref<64x128xf32, #tpu.memory_space<vmem>>) dst(%dma_wait3A_1211 : memref<10112x128xf32, #tpu.memory_space<vmem_shared>>)
      %dma_start3A_1212 = arith.constant 28 : i32
      %dma_start3A_1213 = arith.constant 0 : i32
      %dma_start3A_1214 = tpu.memref_slice %arg9[%dma_start3A_1212, %dma_start3A_1213] : memref<40x64xi32, #tpu.memory_space<vmem>> -> memref<1x64xi32, #tpu.memory_space<vmem>>
      %dma_start3A_1215 = tpu.memref_squeeze %dma_start3A_1214 : memref<1x64xi32, #tpu.memory_space<vmem>> -> memref<64xi32, #tpu.memory_space<vmem>>
      %dma_start3A_1216 = arith.constant 0 : i32
      %dma_start3A_1217 = arith.constant 0 : i32
      %dma_start3A_1218 = tpu.memref_slice %arg2[%dma_start3A_1216, %dma_start3A_1217] : memref<10000x128xf32, #tpu.memory_space<hbm>> -> memref<10000x128xf32, #tpu.memory_space<hbm>>
      tpu.enqueue_indirect_dma source(%dma_start3A_1218 : memref<10000x128xf32, #tpu.memory_space<hbm>>) target(%arg11 : memref<64x128xf32, #tpu.memory_space<vmem>>) offsets(%dma_start3A_1215 : memref<64xi32, #tpu.memory_space<vmem>>) semaphore(%arg14 : memref<!tpu.dma_semaphore, #tpu.memory_space<semaphore_mem>>)
      %get3A_1219 = arith.constant 27 : i32
      %get3A_1220 = arith.index_cast %get3A_1219 : i32 to index
      %get3A_1221 = arith.constant 0 : index
      %get3A_1222 = tpu.vector_load %arg10[%get3A_1220, %get3A_1221] {strides = array<i32>} : memref<40x64xi32, #tpu.memory_space<vmem>>, vector<16xi32>,
      tpu.vector_store_idx %arg13[%get3A_1222], %broadcast_in_dim3A_6 {add = true} : memref<10112xf32, #tpu.memory_space<vmem>>[vector<16xi32>], vector<16xf32>,
      %get3A_1223 = arith.constant 27 : i32
      %get3A_1224 = arith.index_cast %get3A_1223 : i32 to index
      %get3A_1225 = arith.constant 16 : index
      %get3A_1226 = tpu.vector_load %arg10[%get3A_1224, %get3A_1225] {strides = array<i32>} : memref<40x64xi32, #tpu.memory_space<vmem>>, vector<16xi32>,
      tpu.vector_store_idx %arg13[%get3A_1226], %broadcast_in_dim3A_6 {add = true} : memref<10112xf32, #tpu.memory_space<vmem>>[vector<16xi32>], vector<16xf32>,
      %get3A_1227 = arith.constant 27 : i32
      %get3A_1228 = arith.index_cast %get3A_1227 : i32 to index
      %get3A_1229 = arith.constant 32 : index
      %get3A_1230 = tpu.vector_load %arg10[%get3A_1228, %get3A_1229] {strides = array<i32>} : memref<40x64xi32, #tpu.memory_space<vmem>>, vector<16xi32>,
      tpu.vector_store_idx %arg13[%get3A_1230], %broadcast_in_dim3A_6 {add = true} : memref<10112xf32, #tpu.memory_space<vmem>>[vector<16xi32>], vector<16xf32>,
      %get3A_1231 = arith.constant 27 : i32
      %get3A_1232 = arith.index_cast %get3A_1231 : i32 to index
      %get3A_1233 = arith.constant 48 : index
      %get3A_1234 = tpu.vector_load %arg10[%get3A_1232, %get3A_1233] {strides = array<i32>} : memref<40x64xi32, #tpu.memory_space<vmem>>, vector<16xi32>,
      tpu.vector_store_idx %arg13[%get3A_1234], %broadcast_in_dim3A_6 {add = true} : memref<10112xf32, #tpu.memory_space<vmem>>[vector<16xi32>], vector<16xf32>,
      %dma_wait3A_1235 = arith.constant 27 : i32
      %dma_wait3A_1236 = arith.constant 0 : i32
      %dma_wait3A_1237 = tpu.memref_slice %arg9[%dma_wait3A_1235, %dma_wait3A_1236] : memref<40x64xi32, #tpu.memory_space<vmem>> -> memref<1x64xi32, #tpu.memory_space<vmem>>
      %dma_wait3A_1238 = tpu.memref_squeeze %dma_wait3A_1237 : memref<1x64xi32, #tpu.memory_space<vmem>> -> memref<64xi32, #tpu.memory_space<vmem>>
      %dma_wait3A_1239 = arith.constant 0 : i32
      %dma_wait3A_1240 = arith.constant 0 : i32
      %dma_wait3A_1241 = tpu.memref_slice %arg2[%dma_wait3A_1239, %dma_wait3A_1240] : memref<10000x128xf32, #tpu.memory_space<hbm>> -> memref<10000x128xf32, #tpu.memory_space<hbm>>
      tpu.wait_indirect_dma semaphore(%arg15 : memref<!tpu.dma_semaphore, #tpu.memory_space<semaphore_mem>>) src(%dma_wait3A_1241 : memref<10000x128xf32, #tpu.memory_space<hbm>>) dst(%arg12 : memref<64x128xf32, #tpu.memory_space<vmem>>)
      %dma_start3A_1242 = arith.constant 27 : i32
      %dma_start3A_1243 = arith.constant 0 : i32
      %dma_start3A_1244 = tpu.memref_slice %arg10[%dma_start3A_1242, %dma_start3A_1243] : memref<40x64xi32, #tpu.memory_space<vmem>> -> memref<1x64xi32, #tpu.memory_space<vmem>>
      %dma_start3A_1245 = tpu.memref_squeeze %dma_start3A_1244 : memref<1x64xi32, #tpu.memory_space<vmem>> -> memref<64xi32, #tpu.memory_space<vmem>>
      %dma_start3A_1246 = arith.constant 0 : i32
      %dma_start3A_1247 = arith.constant 0 : i32
      %dma_start3A_1248 = tpu.memref_slice %arg18[%dma_start3A_1246, %dma_start3A_1247] : memref<10112x128xf32, #tpu.memory_space<vmem_shared>> -> memref<10112x128xf32, #tpu.memory_space<vmem_shared>>
      tpu.enqueue_indirect_dma source(%arg12 : memref<64x128xf32, #tpu.memory_space<vmem>>) target(%dma_start3A_1248 : memref<10112x128xf32, #tpu.memory_space<vmem_shared>>) offsets(%dma_start3A_1245 : memref<64xi32, #tpu.memory_space<vmem>>) semaphore(%arg17 : memref<!tpu.dma_semaphore, #tpu.memory_space<semaphore_mem>>) {add = true}
      %dma_wait3A_1249 = arith.constant 27 : i32
      %dma_wait3A_1250 = arith.constant 0 : i32
      %dma_wait3A_1251 = tpu.memref_slice %arg10[%dma_wait3A_1249, %dma_wait3A_1250] : memref<40x64xi32, #tpu.memory_space<vmem>> -> memref<1x64xi32, #tpu.memory_space<vmem>>
      %dma_wait3A_1252 = tpu.memref_squeeze %dma_wait3A_1251 : memref<1x64xi32, #tpu.memory_space<vmem>> -> memref<64xi32, #tpu.memory_space<vmem>>
      %dma_wait3A_1253 = arith.constant 0 : i32
      %dma_wait3A_1254 = arith.constant 0 : i32
      %dma_wait3A_1255 = tpu.memref_slice %arg18[%dma_wait3A_1253, %dma_wait3A_1254] : memref<10112x128xf32, #tpu.memory_space<vmem_shared>> -> memref<10112x128xf32, #tpu.memory_space<vmem_shared>>
      tpu.wait_indirect_dma semaphore(%arg17 : memref<!tpu.dma_semaphore, #tpu.memory_space<semaphore_mem>>) src(%arg12 : memref<64x128xf32, #tpu.memory_space<vmem>>) dst(%dma_wait3A_1255 : memref<10112x128xf32, #tpu.memory_space<vmem_shared>>)
      %dma_start3A_1256 = arith.constant 29 : i32
      %dma_start3A_1257 = arith.constant 0 : i32
      %dma_start3A_1258 = tpu.memref_slice %arg9[%dma_start3A_1256, %dma_start3A_1257] : memref<40x64xi32, #tpu.memory_space<vmem>> -> memref<1x64xi32, #tpu.memory_space<vmem>>
      %dma_start3A_1259 = tpu.memref_squeeze %dma_start3A_1258 : memref<1x64xi32, #tpu.memory_space<vmem>> -> memref<64xi32, #tpu.memory_space<vmem>>
      %dma_start3A_1260 = arith.constant 0 : i32
      %dma_start3A_1261 = arith.constant 0 : i32
      %dma_start3A_1262 = tpu.memref_slice %arg2[%dma_start3A_1260, %dma_start3A_1261] : memref<10000x128xf32, #tpu.memory_space<hbm>> -> memref<10000x128xf32, #tpu.memory_space<hbm>>
      tpu.enqueue_indirect_dma source(%dma_start3A_1262 : memref<10000x128xf32, #tpu.memory_space<hbm>>) target(%arg12 : memref<64x128xf32, #tpu.memory_space<vmem>>) offsets(%dma_start3A_1259 : memref<64xi32, #tpu.memory_space<vmem>>) semaphore(%arg15 : memref<!tpu.dma_semaphore, #tpu.memory_space<semaphore_mem>>)
      %get3A_1263 = arith.constant 28 : i32
      %get3A_1264 = arith.index_cast %get3A_1263 : i32 to index
      %get3A_1265 = arith.constant 0 : index
      %get3A_1266 = tpu.vector_load %arg10[%get3A_1264, %get3A_1265] {strides = array<i32>} : memref<40x64xi32, #tpu.memory_space<vmem>>, vector<16xi32>,
      tpu.vector_store_idx %arg13[%get3A_1266], %broadcast_in_dim3A_6 {add = true} : memref<10112xf32, #tpu.memory_space<vmem>>[vector<16xi32>], vector<16xf32>,
      %get3A_1267 = arith.constant 28 : i32
      %get3A_1268 = arith.index_cast %get3A_1267 : i32 to index
      %get3A_1269 = arith.constant 16 : index
      %get3A_1270 = tpu.vector_load %arg10[%get3A_1268, %get3A_1269] {strides = array<i32>} : memref<40x64xi32, #tpu.memory_space<vmem>>, vector<16xi32>,
      tpu.vector_store_idx %arg13[%get3A_1270], %broadcast_in_dim3A_6 {add = true} : memref<10112xf32, #tpu.memory_space<vmem>>[vector<16xi32>], vector<16xf32>,
      %get3A_1271 = arith.constant 28 : i32
      %get3A_1272 = arith.index_cast %get3A_1271 : i32 to index
      %get3A_1273 = arith.constant 32 : index
      %get3A_1274 = tpu.vector_load %arg10[%get3A_1272, %get3A_1273] {strides = array<i32>} : memref<40x64xi32, #tpu.memory_space<vmem>>, vector<16xi32>,
      tpu.vector_store_idx %arg13[%get3A_1274], %broadcast_in_dim3A_6 {add = true} : memref<10112xf32, #tpu.memory_space<vmem>>[vector<16xi32>], vector<16xf32>,
      %get3A_1275 = arith.constant 28 : i32
      %get3A_1276 = arith.index_cast %get3A_1275 : i32 to index
      %get3A_1277 = arith.constant 48 : index
      %get3A_1278 = tpu.vector_load %arg10[%get3A_1276, %get3A_1277] {strides = array<i32>} : memref<40x64xi32, #tpu.memory_space<vmem>>, vector<16xi32>,
      tpu.vector_store_idx %arg13[%get3A_1278], %broadcast_in_dim3A_6 {add = true} : memref<10112xf32, #tpu.memory_space<vmem>>[vector<16xi32>], vector<16xf32>,
      %dma_wait3A_1279 = arith.constant 28 : i32
      %dma_wait3A_1280 = arith.constant 0 : i32
      %dma_wait3A_1281 = tpu.memref_slice %arg9[%dma_wait3A_1279, %dma_wait3A_1280] : memref<40x64xi32, #tpu.memory_space<vmem>> -> memref<1x64xi32, #tpu.memory_space<vmem>>
      %dma_wait3A_1282 = tpu.memref_squeeze %dma_wait3A_1281 : memref<1x64xi32, #tpu.memory_space<vmem>> -> memref<64xi32, #tpu.memory_space<vmem>>
      %dma_wait3A_1283 = arith.constant 0 : i32
      %dma_wait3A_1284 = arith.constant 0 : i32
      %dma_wait3A_1285 = tpu.memref_slice %arg2[%dma_wait3A_1283, %dma_wait3A_1284] : memref<10000x128xf32, #tpu.memory_space<hbm>> -> memref<10000x128xf32, #tpu.memory_space<hbm>>
      tpu.wait_indirect_dma semaphore(%arg14 : memref<!tpu.dma_semaphore, #tpu.memory_space<semaphore_mem>>) src(%dma_wait3A_1285 : memref<10000x128xf32, #tpu.memory_space<hbm>>) dst(%arg11 : memref<64x128xf32, #tpu.memory_space<vmem>>)
      %dma_start3A_1286 = arith.constant 28 : i32
      %dma_start3A_1287 = arith.constant 0 : i32
      %dma_start3A_1288 = tpu.memref_slice %arg10[%dma_start3A_1286, %dma_start3A_1287] : memref<40x64xi32, #tpu.memory_space<vmem>> -> memref<1x64xi32, #tpu.memory_space<vmem>>
      %dma_start3A_1289 = tpu.memref_squeeze %dma_start3A_1288 : memref<1x64xi32, #tpu.memory_space<vmem>> -> memref<64xi32, #tpu.memory_space<vmem>>
      %dma_start3A_1290 = arith.constant 0 : i32
      %dma_start3A_1291 = arith.constant 0 : i32
      %dma_start3A_1292 = tpu.memref_slice %arg18[%dma_start3A_1290, %dma_start3A_1291] : memref<10112x128xf32, #tpu.memory_space<vmem_shared>> -> memref<10112x128xf32, #tpu.memory_space<vmem_shared>>
      tpu.enqueue_indirect_dma source(%arg11 : memref<64x128xf32, #tpu.memory_space<vmem>>) target(%dma_start3A_1292 : memref<10112x128xf32, #tpu.memory_space<vmem_shared>>) offsets(%dma_start3A_1289 : memref<64xi32, #tpu.memory_space<vmem>>) semaphore(%arg16 : memref<!tpu.dma_semaphore, #tpu.memory_space<semaphore_mem>>) {add = true}
      %dma_wait3A_1293 = arith.constant 28 : i32
      %dma_wait3A_1294 = arith.constant 0 : i32
      %dma_wait3A_1295 = tpu.memref_slice %arg10[%dma_wait3A_1293, %dma_wait3A_1294] : memref<40x64xi32, #tpu.memory_space<vmem>> -> memref<1x64xi32, #tpu.memory_space<vmem>>
      %dma_wait3A_1296 = tpu.memref_squeeze %dma_wait3A_1295 : memref<1x64xi32, #tpu.memory_space<vmem>> -> memref<64xi32, #tpu.memory_space<vmem>>
      %dma_wait3A_1297 = arith.constant 0 : i32
      %dma_wait3A_1298 = arith.constant 0 : i32
      %dma_wait3A_1299 = tpu.memref_slice %arg18[%dma_wait3A_1297, %dma_wait3A_1298] : memref<10112x128xf32, #tpu.memory_space<vmem_shared>> -> memref<10112x128xf32, #tpu.memory_space<vmem_shared>>
      tpu.wait_indirect_dma semaphore(%arg16 : memref<!tpu.dma_semaphore, #tpu.memory_space<semaphore_mem>>) src(%arg11 : memref<64x128xf32, #tpu.memory_space<vmem>>) dst(%dma_wait3A_1299 : memref<10112x128xf32, #tpu.memory_space<vmem_shared>>)
      %dma_start3A_1300 = arith.constant 30 : i32
      %dma_start3A_1301 = arith.constant 0 : i32
      %dma_start3A_1302 = tpu.memref_slice %arg9[%dma_start3A_1300, %dma_start3A_1301] : memref<40x64xi32, #tpu.memory_space<vmem>> -> memref<1x64xi32, #tpu.memory_space<vmem>>
      %dma_start3A_1303 = tpu.memref_squeeze %dma_start3A_1302 : memref<1x64xi32, #tpu.memory_space<vmem>> -> memref<64xi32, #tpu.memory_space<vmem>>
      %dma_start3A_1304 = arith.constant 0 : i32
      %dma_start3A_1305 = arith.constant 0 : i32
      %dma_start3A_1306 = tpu.memref_slice %arg2[%dma_start3A_1304, %dma_start3A_1305] : memref<10000x128xf32, #tpu.memory_space<hbm>> -> memref<10000x128xf32, #tpu.memory_space<hbm>>
      tpu.enqueue_indirect_dma source(%dma_start3A_1306 : memref<10000x128xf32, #tpu.memory_space<hbm>>) target(%arg11 : memref<64x128xf32, #tpu.memory_space<vmem>>) offsets(%dma_start3A_1303 : memref<64xi32, #tpu.memory_space<vmem>>) semaphore(%arg14 : memref<!tpu.dma_semaphore, #tpu.memory_space<semaphore_mem>>)
      %get3A_1307 = arith.constant 29 : i32
      %get3A_1308 = arith.index_cast %get3A_1307 : i32 to index
      %get3A_1309 = arith.constant 0 : index
      %get3A_1310 = tpu.vector_load %arg10[%get3A_1308, %get3A_1309] {strides = array<i32>} : memref<40x64xi32, #tpu.memory_space<vmem>>, vector<16xi32>,
      tpu.vector_store_idx %arg13[%get3A_1310], %broadcast_in_dim3A_6 {add = true} : memref<10112xf32, #tpu.memory_space<vmem>>[vector<16xi32>], vector<16xf32>,
      %get3A_1311 = arith.constant 29 : i32
      %get3A_1312 = arith.index_cast %get3A_1311 : i32 to index
      %get3A_1313 = arith.constant 16 : index
      %get3A_1314 = tpu.vector_load %arg10[%get3A_1312, %get3A_1313] {strides = array<i32>} : memref<40x64xi32, #tpu.memory_space<vmem>>, vector<16xi32>,
      tpu.vector_store_idx %arg13[%get3A_1314], %broadcast_in_dim3A_6 {add = true} : memref<10112xf32, #tpu.memory_space<vmem>>[vector<16xi32>], vector<16xf32>,
      %get3A_1315 = arith.constant 29 : i32
      %get3A_1316 = arith.index_cast %get3A_1315 : i32 to index
      %get3A_1317 = arith.constant 32 : index
      %get3A_1318 = tpu.vector_load %arg10[%get3A_1316, %get3A_1317] {strides = array<i32>} : memref<40x64xi32, #tpu.memory_space<vmem>>, vector<16xi32>,
      tpu.vector_store_idx %arg13[%get3A_1318], %broadcast_in_dim3A_6 {add = true} : memref<10112xf32, #tpu.memory_space<vmem>>[vector<16xi32>], vector<16xf32>,
      %get3A_1319 = arith.constant 29 : i32
      %get3A_1320 = arith.index_cast %get3A_1319 : i32 to index
      %get3A_1321 = arith.constant 48 : index
      %get3A_1322 = tpu.vector_load %arg10[%get3A_1320, %get3A_1321] {strides = array<i32>} : memref<40x64xi32, #tpu.memory_space<vmem>>, vector<16xi32>,
      tpu.vector_store_idx %arg13[%get3A_1322], %broadcast_in_dim3A_6 {add = true} : memref<10112xf32, #tpu.memory_space<vmem>>[vector<16xi32>], vector<16xf32>,
      %dma_wait3A_1323 = arith.constant 29 : i32
      %dma_wait3A_1324 = arith.constant 0 : i32
      %dma_wait3A_1325 = tpu.memref_slice %arg9[%dma_wait3A_1323, %dma_wait3A_1324] : memref<40x64xi32, #tpu.memory_space<vmem>> -> memref<1x64xi32, #tpu.memory_space<vmem>>
      %dma_wait3A_1326 = tpu.memref_squeeze %dma_wait3A_1325 : memref<1x64xi32, #tpu.memory_space<vmem>> -> memref<64xi32, #tpu.memory_space<vmem>>
      %dma_wait3A_1327 = arith.constant 0 : i32
      %dma_wait3A_1328 = arith.constant 0 : i32
      %dma_wait3A_1329 = tpu.memref_slice %arg2[%dma_wait3A_1327, %dma_wait3A_1328] : memref<10000x128xf32, #tpu.memory_space<hbm>> -> memref<10000x128xf32, #tpu.memory_space<hbm>>
      tpu.wait_indirect_dma semaphore(%arg15 : memref<!tpu.dma_semaphore, #tpu.memory_space<semaphore_mem>>) src(%dma_wait3A_1329 : memref<10000x128xf32, #tpu.memory_space<hbm>>) dst(%arg12 : memref<64x128xf32, #tpu.memory_space<vmem>>)
      %dma_start3A_1330 = arith.constant 29 : i32
      %dma_start3A_1331 = arith.constant 0 : i32
      %dma_start3A_1332 = tpu.memref_slice %arg10[%dma_start3A_1330, %dma_start3A_1331] : memref<40x64xi32, #tpu.memory_space<vmem>> -> memref<1x64xi32, #tpu.memory_space<vmem>>
      %dma_start3A_1333 = tpu.memref_squeeze %dma_start3A_1332 : memref<1x64xi32, #tpu.memory_space<vmem>> -> memref<64xi32, #tpu.memory_space<vmem>>
      %dma_start3A_1334 = arith.constant 0 : i32
      %dma_start3A_1335 = arith.constant 0 : i32
      %dma_start3A_1336 = tpu.memref_slice %arg18[%dma_start3A_1334, %dma_start3A_1335] : memref<10112x128xf32, #tpu.memory_space<vmem_shared>> -> memref<10112x128xf32, #tpu.memory_space<vmem_shared>>
      tpu.enqueue_indirect_dma source(%arg12 : memref<64x128xf32, #tpu.memory_space<vmem>>) target(%dma_start3A_1336 : memref<10112x128xf32, #tpu.memory_space<vmem_shared>>) offsets(%dma_start3A_1333 : memref<64xi32, #tpu.memory_space<vmem>>) semaphore(%arg17 : memref<!tpu.dma_semaphore, #tpu.memory_space<semaphore_mem>>) {add = true}
      %dma_wait3A_1337 = arith.constant 29 : i32
      %dma_wait3A_1338 = arith.constant 0 : i32
      %dma_wait3A_1339 = tpu.memref_slice %arg10[%dma_wait3A_1337, %dma_wait3A_1338] : memref<40x64xi32, #tpu.memory_space<vmem>> -> memref<1x64xi32, #tpu.memory_space<vmem>>
      %dma_wait3A_1340 = tpu.memref_squeeze %dma_wait3A_1339 : memref<1x64xi32, #tpu.memory_space<vmem>> -> memref<64xi32, #tpu.memory_space<vmem>>
      %dma_wait3A_1341 = arith.constant 0 : i32
      %dma_wait3A_1342 = arith.constant 0 : i32
      %dma_wait3A_1343 = tpu.memref_slice %arg18[%dma_wait3A_1341, %dma_wait3A_1342] : memref<10112x128xf32, #tpu.memory_space<vmem_shared>> -> memref<10112x128xf32, #tpu.memory_space<vmem_shared>>
      tpu.wait_indirect_dma semaphore(%arg17 : memref<!tpu.dma_semaphore, #tpu.memory_space<semaphore_mem>>) src(%arg12 : memref<64x128xf32, #tpu.memory_space<vmem>>) dst(%dma_wait3A_1343 : memref<10112x128xf32, #tpu.memory_space<vmem_shared>>)
      %dma_start3A_1344 = arith.constant 31 : i32
      %dma_start3A_1345 = arith.constant 0 : i32
      %dma_start3A_1346 = tpu.memref_slice %arg9[%dma_start3A_1344, %dma_start3A_1345] : memref<40x64xi32, #tpu.memory_space<vmem>> -> memref<1x64xi32, #tpu.memory_space<vmem>>
      %dma_start3A_1347 = tpu.memref_squeeze %dma_start3A_1346 : memref<1x64xi32, #tpu.memory_space<vmem>> -> memref<64xi32, #tpu.memory_space<vmem>>
      %dma_start3A_1348 = arith.constant 0 : i32
      %dma_start3A_1349 = arith.constant 0 : i32
      %dma_start3A_1350 = tpu.memref_slice %arg2[%dma_start3A_1348, %dma_start3A_1349] : memref<10000x128xf32, #tpu.memory_space<hbm>> -> memref<10000x128xf32, #tpu.memory_space<hbm>>
      tpu.enqueue_indirect_dma source(%dma_start3A_1350 : memref<10000x128xf32, #tpu.memory_space<hbm>>) target(%arg12 : memref<64x128xf32, #tpu.memory_space<vmem>>) offsets(%dma_start3A_1347 : memref<64xi32, #tpu.memory_space<vmem>>) semaphore(%arg15 : memref<!tpu.dma_semaphore, #tpu.memory_space<semaphore_mem>>)
      %get3A_1351 = arith.constant 30 : i32
      %get3A_1352 = arith.index_cast %get3A_1351 : i32 to index
      %get3A_1353 = arith.constant 0 : index
      %get3A_1354 = tpu.vector_load %arg10[%get3A_1352, %get3A_1353] {strides = array<i32>} : memref<40x64xi32, #tpu.memory_space<vmem>>, vector<16xi32>,
      tpu.vector_store_idx %arg13[%get3A_1354], %broadcast_in_dim3A_6 {add = true} : memref<10112xf32, #tpu.memory_space<vmem>>[vector<16xi32>], vector<16xf32>,
      %get3A_1355 = arith.constant 30 : i32
      %get3A_1356 = arith.index_cast %get3A_1355 : i32 to index
      %get3A_1357 = arith.constant 16 : index
      %get3A_1358 = tpu.vector_load %arg10[%get3A_1356, %get3A_1357] {strides = array<i32>} : memref<40x64xi32, #tpu.memory_space<vmem>>, vector<16xi32>,
      tpu.vector_store_idx %arg13[%get3A_1358], %broadcast_in_dim3A_6 {add = true} : memref<10112xf32, #tpu.memory_space<vmem>>[vector<16xi32>], vector<16xf32>,
      %get3A_1359 = arith.constant 30 : i32
      %get3A_1360 = arith.index_cast %get3A_1359 : i32 to index
      %get3A_1361 = arith.constant 32 : index
      %get3A_1362 = tpu.vector_load %arg10[%get3A_1360, %get3A_1361] {strides = array<i32>} : memref<40x64xi32, #tpu.memory_space<vmem>>, vector<16xi32>,
      tpu.vector_store_idx %arg13[%get3A_1362], %broadcast_in_dim3A_6 {add = true} : memref<10112xf32, #tpu.memory_space<vmem>>[vector<16xi32>], vector<16xf32>,
      %get3A_1363 = arith.constant 30 : i32
      %get3A_1364 = arith.index_cast %get3A_1363 : i32 to index
      %get3A_1365 = arith.constant 48 : index
      %get3A_1366 = tpu.vector_load %arg10[%get3A_1364, %get3A_1365] {strides = array<i32>} : memref<40x64xi32, #tpu.memory_space<vmem>>, vector<16xi32>,
      tpu.vector_store_idx %arg13[%get3A_1366], %broadcast_in_dim3A_6 {add = true} : memref<10112xf32, #tpu.memory_space<vmem>>[vector<16xi32>], vector<16xf32>,
      %dma_wait3A_1367 = arith.constant 30 : i32
      %dma_wait3A_1368 = arith.constant 0 : i32
      %dma_wait3A_1369 = tpu.memref_slice %arg9[%dma_wait3A_1367, %dma_wait3A_1368] : memref<40x64xi32, #tpu.memory_space<vmem>> -> memref<1x64xi32, #tpu.memory_space<vmem>>
      %dma_wait3A_1370 = tpu.memref_squeeze %dma_wait3A_1369 : memref<1x64xi32, #tpu.memory_space<vmem>> -> memref<64xi32, #tpu.memory_space<vmem>>
      %dma_wait3A_1371 = arith.constant 0 : i32
      %dma_wait3A_1372 = arith.constant 0 : i32
      %dma_wait3A_1373 = tpu.memref_slice %arg2[%dma_wait3A_1371, %dma_wait3A_1372] : memref<10000x128xf32, #tpu.memory_space<hbm>> -> memref<10000x128xf32, #tpu.memory_space<hbm>>
      tpu.wait_indirect_dma semaphore(%arg14 : memref<!tpu.dma_semaphore, #tpu.memory_space<semaphore_mem>>) src(%dma_wait3A_1373 : memref<10000x128xf32, #tpu.memory_space<hbm>>) dst(%arg11 : memref<64x128xf32, #tpu.memory_space<vmem>>)
      %dma_start3A_1374 = arith.constant 30 : i32
      %dma_start3A_1375 = arith.constant 0 : i32
      %dma_start3A_1376 = tpu.memref_slice %arg10[%dma_start3A_1374, %dma_start3A_1375] : memref<40x64xi32, #tpu.memory_space<vmem>> -> memref<1x64xi32, #tpu.memory_space<vmem>>
      %dma_start3A_1377 = tpu.memref_squeeze %dma_start3A_1376 : memref<1x64xi32, #tpu.memory_space<vmem>> -> memref<64xi32, #tpu.memory_space<vmem>>
      %dma_start3A_1378 = arith.constant 0 : i32
      %dma_start3A_1379 = arith.constant 0 : i32
      %dma_start3A_1380 = tpu.memref_slice %arg18[%dma_start3A_1378, %dma_start3A_1379] : memref<10112x128xf32, #tpu.memory_space<vmem_shared>> -> memref<10112x128xf32, #tpu.memory_space<vmem_shared>>
      tpu.enqueue_indirect_dma source(%arg11 : memref<64x128xf32, #tpu.memory_space<vmem>>) target(%dma_start3A_1380 : memref<10112x128xf32, #tpu.memory_space<vmem_shared>>) offsets(%dma_start3A_1377 : memref<64xi32, #tpu.memory_space<vmem>>) semaphore(%arg16 : memref<!tpu.dma_semaphore, #tpu.memory_space<semaphore_mem>>) {add = true}
      %dma_wait3A_1381 = arith.constant 30 : i32
      %dma_wait3A_1382 = arith.constant 0 : i32
      %dma_wait3A_1383 = tpu.memref_slice %arg10[%dma_wait3A_1381, %dma_wait3A_1382] : memref<40x64xi32, #tpu.memory_space<vmem>> -> memref<1x64xi32, #tpu.memory_space<vmem>>
      %dma_wait3A_1384 = tpu.memref_squeeze %dma_wait3A_1383 : memref<1x64xi32, #tpu.memory_space<vmem>> -> memref<64xi32, #tpu.memory_space<vmem>>
      %dma_wait3A_1385 = arith.constant 0 : i32
      %dma_wait3A_1386 = arith.constant 0 : i32
      %dma_wait3A_1387 = tpu.memref_slice %arg18[%dma_wait3A_1385, %dma_wait3A_1386] : memref<10112x128xf32, #tpu.memory_space<vmem_shared>> -> memref<10112x128xf32, #tpu.memory_space<vmem_shared>>
      tpu.wait_indirect_dma semaphore(%arg16 : memref<!tpu.dma_semaphore, #tpu.memory_space<semaphore_mem>>) src(%arg11 : memref<64x128xf32, #tpu.memory_space<vmem>>) dst(%dma_wait3A_1387 : memref<10112x128xf32, #tpu.memory_space<vmem_shared>>)
      %dma_start3A_1388 = arith.constant 32 : i32
      %dma_start3A_1389 = arith.constant 0 : i32
      %dma_start3A_1390 = tpu.memref_slice %arg9[%dma_start3A_1388, %dma_start3A_1389] : memref<40x64xi32, #tpu.memory_space<vmem>> -> memref<1x64xi32, #tpu.memory_space<vmem>>
      %dma_start3A_1391 = tpu.memref_squeeze %dma_start3A_1390 : memref<1x64xi32, #tpu.memory_space<vmem>> -> memref<64xi32, #tpu.memory_space<vmem>>
      %dma_start3A_1392 = arith.constant 0 : i32
      %dma_start3A_1393 = arith.constant 0 : i32
      %dma_start3A_1394 = tpu.memref_slice %arg2[%dma_start3A_1392, %dma_start3A_1393] : memref<10000x128xf32, #tpu.memory_space<hbm>> -> memref<10000x128xf32, #tpu.memory_space<hbm>>
      tpu.enqueue_indirect_dma source(%dma_start3A_1394 : memref<10000x128xf32, #tpu.memory_space<hbm>>) target(%arg11 : memref<64x128xf32, #tpu.memory_space<vmem>>) offsets(%dma_start3A_1391 : memref<64xi32, #tpu.memory_space<vmem>>) semaphore(%arg14 : memref<!tpu.dma_semaphore, #tpu.memory_space<semaphore_mem>>)
      %get3A_1395 = arith.constant 31 : i32
      %get3A_1396 = arith.index_cast %get3A_1395 : i32 to index
      %get3A_1397 = arith.constant 0 : index
      %get3A_1398 = tpu.vector_load %arg10[%get3A_1396, %get3A_1397] {strides = array<i32>} : memref<40x64xi32, #tpu.memory_space<vmem>>, vector<16xi32>,
      tpu.vector_store_idx %arg13[%get3A_1398], %broadcast_in_dim3A_6 {add = true} : memref<10112xf32, #tpu.memory_space<vmem>>[vector<16xi32>], vector<16xf32>,
      %get3A_1399 = arith.constant 31 : i32
      %get3A_1400 = arith.index_cast %get3A_1399 : i32 to index
      %get3A_1401 = arith.constant 16 : index
      %get3A_1402 = tpu.vector_load %arg10[%get3A_1400, %get3A_1401] {strides = array<i32>} : memref<40x64xi32, #tpu.memory_space<vmem>>, vector<16xi32>,
      tpu.vector_store_idx %arg13[%get3A_1402], %broadcast_in_dim3A_6 {add = true} : memref<10112xf32, #tpu.memory_space<vmem>>[vector<16xi32>], vector<16xf32>,
      %get3A_1403 = arith.constant 31 : i32
      %get3A_1404 = arith.index_cast %get3A_1403 : i32 to index
      %get3A_1405 = arith.constant 32 : index
      %get3A_1406 = tpu.vector_load %arg10[%get3A_1404, %get3A_1405] {strides = array<i32>} : memref<40x64xi32, #tpu.memory_space<vmem>>, vector<16xi32>,
      tpu.vector_store_idx %arg13[%get3A_1406], %broadcast_in_dim3A_6 {add = true} : memref<10112xf32, #tpu.memory_space<vmem>>[vector<16xi32>], vector<16xf32>,
      %get3A_1407 = arith.constant 31 : i32
      %get3A_1408 = arith.index_cast %get3A_1407 : i32 to index
      %get3A_1409 = arith.constant 48 : index
      %get3A_1410 = tpu.vector_load %arg10[%get3A_1408, %get3A_1409] {strides = array<i32>} : memref<40x64xi32, #tpu.memory_space<vmem>>, vector<16xi32>,
      tpu.vector_store_idx %arg13[%get3A_1410], %broadcast_in_dim3A_6 {add = true} : memref<10112xf32, #tpu.memory_space<vmem>>[vector<16xi32>], vector<16xf32>,
      %dma_wait3A_1411 = arith.constant 31 : i32
      %dma_wait3A_1412 = arith.constant 0 : i32
      %dma_wait3A_1413 = tpu.memref_slice %arg9[%dma_wait3A_1411, %dma_wait3A_1412] : memref<40x64xi32, #tpu.memory_space<vmem>> -> memref<1x64xi32, #tpu.memory_space<vmem>>
      %dma_wait3A_1414 = tpu.memref_squeeze %dma_wait3A_1413 : memref<1x64xi32, #tpu.memory_space<vmem>> -> memref<64xi32, #tpu.memory_space<vmem>>
      %dma_wait3A_1415 = arith.constant 0 : i32
      %dma_wait3A_1416 = arith.constant 0 : i32
      %dma_wait3A_1417 = tpu.memref_slice %arg2[%dma_wait3A_1415, %dma_wait3A_1416] : memref<10000x128xf32, #tpu.memory_space<hbm>> -> memref<10000x128xf32, #tpu.memory_space<hbm>>
      tpu.wait_indirect_dma semaphore(%arg15 : memref<!tpu.dma_semaphore, #tpu.memory_space<semaphore_mem>>) src(%dma_wait3A_1417 : memref<10000x128xf32, #tpu.memory_space<hbm>>) dst(%arg12 : memref<64x128xf32, #tpu.memory_space<vmem>>)
      %dma_start3A_1418 = arith.constant 31 : i32
      %dma_start3A_1419 = arith.constant 0 : i32
      %dma_start3A_1420 = tpu.memref_slice %arg10[%dma_start3A_1418, %dma_start3A_1419] : memref<40x64xi32, #tpu.memory_space<vmem>> -> memref<1x64xi32, #tpu.memory_space<vmem>>
      %dma_start3A_1421 = tpu.memref_squeeze %dma_start3A_1420 : memref<1x64xi32, #tpu.memory_space<vmem>> -> memref<64xi32, #tpu.memory_space<vmem>>
      %dma_start3A_1422 = arith.constant 0 : i32
      %dma_start3A_1423 = arith.constant 0 : i32
      %dma_start3A_1424 = tpu.memref_slice %arg18[%dma_start3A_1422, %dma_start3A_1423] : memref<10112x128xf32, #tpu.memory_space<vmem_shared>> -> memref<10112x128xf32, #tpu.memory_space<vmem_shared>>
      tpu.enqueue_indirect_dma source(%arg12 : memref<64x128xf32, #tpu.memory_space<vmem>>) target(%dma_start3A_1424 : memref<10112x128xf32, #tpu.memory_space<vmem_shared>>) offsets(%dma_start3A_1421 : memref<64xi32, #tpu.memory_space<vmem>>) semaphore(%arg17 : memref<!tpu.dma_semaphore, #tpu.memory_space<semaphore_mem>>) {add = true}
      %dma_wait3A_1425 = arith.constant 31 : i32
      %dma_wait3A_1426 = arith.constant 0 : i32
      %dma_wait3A_1427 = tpu.memref_slice %arg10[%dma_wait3A_1425, %dma_wait3A_1426] : memref<40x64xi32, #tpu.memory_space<vmem>> -> memref<1x64xi32, #tpu.memory_space<vmem>>
      %dma_wait3A_1428 = tpu.memref_squeeze %dma_wait3A_1427 : memref<1x64xi32, #tpu.memory_space<vmem>> -> memref<64xi32, #tpu.memory_space<vmem>>
      %dma_wait3A_1429 = arith.constant 0 : i32
      %dma_wait3A_1430 = arith.constant 0 : i32
      %dma_wait3A_1431 = tpu.memref_slice %arg18[%dma_wait3A_1429, %dma_wait3A_1430] : memref<10112x128xf32, #tpu.memory_space<vmem_shared>> -> memref<10112x128xf32, #tpu.memory_space<vmem_shared>>
      tpu.wait_indirect_dma semaphore(%arg17 : memref<!tpu.dma_semaphore, #tpu.memory_space<semaphore_mem>>) src(%arg12 : memref<64x128xf32, #tpu.memory_space<vmem>>) dst(%dma_wait3A_1431 : memref<10112x128xf32, #tpu.memory_space<vmem_shared>>)
      %dma_start3A_1432 = arith.constant 33 : i32
      %dma_start3A_1433 = arith.constant 0 : i32
      %dma_start3A_1434 = tpu.memref_slice %arg9[%dma_start3A_1432, %dma_start3A_1433] : memref<40x64xi32, #tpu.memory_space<vmem>> -> memref<1x64xi32, #tpu.memory_space<vmem>>
      %dma_start3A_1435 = tpu.memref_squeeze %dma_start3A_1434 : memref<1x64xi32, #tpu.memory_space<vmem>> -> memref<64xi32, #tpu.memory_space<vmem>>
      %dma_start3A_1436 = arith.constant 0 : i32
      %dma_start3A_1437 = arith.constant 0 : i32
      %dma_start3A_1438 = tpu.memref_slice %arg2[%dma_start3A_1436, %dma_start3A_1437] : memref<10000x128xf32, #tpu.memory_space<hbm>> -> memref<10000x128xf32, #tpu.memory_space<hbm>>
      tpu.enqueue_indirect_dma source(%dma_start3A_1438 : memref<10000x128xf32, #tpu.memory_space<hbm>>) target(%arg12 : memref<64x128xf32, #tpu.memory_space<vmem>>) offsets(%dma_start3A_1435 : memref<64xi32, #tpu.memory_space<vmem>>) semaphore(%arg15 : memref<!tpu.dma_semaphore, #tpu.memory_space<semaphore_mem>>)
      %get3A_1439 = arith.constant 32 : i32
      %get3A_1440 = arith.index_cast %get3A_1439 : i32 to index
      %get3A_1441 = arith.constant 0 : index
      %get3A_1442 = tpu.vector_load %arg10[%get3A_1440, %get3A_1441] {strides = array<i32>} : memref<40x64xi32, #tpu.memory_space<vmem>>, vector<16xi32>,
      tpu.vector_store_idx %arg13[%get3A_1442], %broadcast_in_dim3A_6 {add = true} : memref<10112xf32, #tpu.memory_space<vmem>>[vector<16xi32>], vector<16xf32>,
      %get3A_1443 = arith.constant 32 : i32
      %get3A_1444 = arith.index_cast %get3A_1443 : i32 to index
      %get3A_1445 = arith.constant 16 : index
      %get3A_1446 = tpu.vector_load %arg10[%get3A_1444, %get3A_1445] {strides = array<i32>} : memref<40x64xi32, #tpu.memory_space<vmem>>, vector<16xi32>,
      tpu.vector_store_idx %arg13[%get3A_1446], %broadcast_in_dim3A_6 {add = true} : memref<10112xf32, #tpu.memory_space<vmem>>[vector<16xi32>], vector<16xf32>,
      %get3A_1447 = arith.constant 32 : i32
      %get3A_1448 = arith.index_cast %get3A_1447 : i32 to index
      %get3A_1449 = arith.constant 32 : index
      %get3A_1450 = tpu.vector_load %arg10[%get3A_1448, %get3A_1449] {strides = array<i32>} : memref<40x64xi32, #tpu.memory_space<vmem>>, vector<16xi32>,
      tpu.vector_store_idx %arg13[%get3A_1450], %broadcast_in_dim3A_6 {add = true} : memref<10112xf32, #tpu.memory_space<vmem>>[vector<16xi32>], vector<16xf32>,
      %get3A_1451 = arith.constant 32 : i32
      %get3A_1452 = arith.index_cast %get3A_1451 : i32 to index
      %get3A_1453 = arith.constant 48 : index
      %get3A_1454 = tpu.vector_load %arg10[%get3A_1452, %get3A_1453] {strides = array<i32>} : memref<40x64xi32, #tpu.memory_space<vmem>>, vector<16xi32>,
      tpu.vector_store_idx %arg13[%get3A_1454], %broadcast_in_dim3A_6 {add = true} : memref<10112xf32, #tpu.memory_space<vmem>>[vector<16xi32>], vector<16xf32>,
      %dma_wait3A_1455 = arith.constant 32 : i32
      %dma_wait3A_1456 = arith.constant 0 : i32
      %dma_wait3A_1457 = tpu.memref_slice %arg9[%dma_wait3A_1455, %dma_wait3A_1456] : memref<40x64xi32, #tpu.memory_space<vmem>> -> memref<1x64xi32, #tpu.memory_space<vmem>>
      %dma_wait3A_1458 = tpu.memref_squeeze %dma_wait3A_1457 : memref<1x64xi32, #tpu.memory_space<vmem>> -> memref<64xi32, #tpu.memory_space<vmem>>
      %dma_wait3A_1459 = arith.constant 0 : i32
      %dma_wait3A_1460 = arith.constant 0 : i32
      %dma_wait3A_1461 = tpu.memref_slice %arg2[%dma_wait3A_1459, %dma_wait3A_1460] : memref<10000x128xf32, #tpu.memory_space<hbm>> -> memref<10000x128xf32, #tpu.memory_space<hbm>>
      tpu.wait_indirect_dma semaphore(%arg14 : memref<!tpu.dma_semaphore, #tpu.memory_space<semaphore_mem>>) src(%dma_wait3A_1461 : memref<10000x128xf32, #tpu.memory_space<hbm>>) dst(%arg11 : memref<64x128xf32, #tpu.memory_space<vmem>>)
      %dma_start3A_1462 = arith.constant 32 : i32
      %dma_start3A_1463 = arith.constant 0 : i32
      %dma_start3A_1464 = tpu.memref_slice %arg10[%dma_start3A_1462, %dma_start3A_1463] : memref<40x64xi32, #tpu.memory_space<vmem>> -> memref<1x64xi32, #tpu.memory_space<vmem>>
      %dma_start3A_1465 = tpu.memref_squeeze %dma_start3A_1464 : memref<1x64xi32, #tpu.memory_space<vmem>> -> memref<64xi32, #tpu.memory_space<vmem>>
      %dma_start3A_1466 = arith.constant 0 : i32
      %dma_start3A_1467 = arith.constant 0 : i32
      %dma_start3A_1468 = tpu.memref_slice %arg18[%dma_start3A_1466, %dma_start3A_1467] : memref<10112x128xf32, #tpu.memory_space<vmem_shared>> -> memref<10112x128xf32, #tpu.memory_space<vmem_shared>>
      tpu.enqueue_indirect_dma source(%arg11 : memref<64x128xf32, #tpu.memory_space<vmem>>) target(%dma_start3A_1468 : memref<10112x128xf32, #tpu.memory_space<vmem_shared>>) offsets(%dma_start3A_1465 : memref<64xi32, #tpu.memory_space<vmem>>) semaphore(%arg16 : memref<!tpu.dma_semaphore, #tpu.memory_space<semaphore_mem>>) {add = true}
      %dma_wait3A_1469 = arith.constant 32 : i32
      %dma_wait3A_1470 = arith.constant 0 : i32
      %dma_wait3A_1471 = tpu.memref_slice %arg10[%dma_wait3A_1469, %dma_wait3A_1470] : memref<40x64xi32, #tpu.memory_space<vmem>> -> memref<1x64xi32, #tpu.memory_space<vmem>>
      %dma_wait3A_1472 = tpu.memref_squeeze %dma_wait3A_1471 : memref<1x64xi32, #tpu.memory_space<vmem>> -> memref<64xi32, #tpu.memory_space<vmem>>
      %dma_wait3A_1473 = arith.constant 0 : i32
      %dma_wait3A_1474 = arith.constant 0 : i32
      %dma_wait3A_1475 = tpu.memref_slice %arg18[%dma_wait3A_1473, %dma_wait3A_1474] : memref<10112x128xf32, #tpu.memory_space<vmem_shared>> -> memref<10112x128xf32, #tpu.memory_space<vmem_shared>>
      tpu.wait_indirect_dma semaphore(%arg16 : memref<!tpu.dma_semaphore, #tpu.memory_space<semaphore_mem>>) src(%arg11 : memref<64x128xf32, #tpu.memory_space<vmem>>) dst(%dma_wait3A_1475 : memref<10112x128xf32, #tpu.memory_space<vmem_shared>>)
      %dma_start3A_1476 = arith.constant 34 : i32
      %dma_start3A_1477 = arith.constant 0 : i32
      %dma_start3A_1478 = tpu.memref_slice %arg9[%dma_start3A_1476, %dma_start3A_1477] : memref<40x64xi32, #tpu.memory_space<vmem>> -> memref<1x64xi32, #tpu.memory_space<vmem>>
      %dma_start3A_1479 = tpu.memref_squeeze %dma_start3A_1478 : memref<1x64xi32, #tpu.memory_space<vmem>> -> memref<64xi32, #tpu.memory_space<vmem>>
      %dma_start3A_1480 = arith.constant 0 : i32
      %dma_start3A_1481 = arith.constant 0 : i32
      %dma_start3A_1482 = tpu.memref_slice %arg2[%dma_start3A_1480, %dma_start3A_1481] : memref<10000x128xf32, #tpu.memory_space<hbm>> -> memref<10000x128xf32, #tpu.memory_space<hbm>>
      tpu.enqueue_indirect_dma source(%dma_start3A_1482 : memref<10000x128xf32, #tpu.memory_space<hbm>>) target(%arg11 : memref<64x128xf32, #tpu.memory_space<vmem>>) offsets(%dma_start3A_1479 : memref<64xi32, #tpu.memory_space<vmem>>) semaphore(%arg14 : memref<!tpu.dma_semaphore, #tpu.memory_space<semaphore_mem>>)
      %get3A_1483 = arith.constant 33 : i32
      %get3A_1484 = arith.index_cast %get3A_1483 : i32 to index
      %get3A_1485 = arith.constant 0 : index
      %get3A_1486 = tpu.vector_load %arg10[%get3A_1484, %get3A_1485] {strides = array<i32>} : memref<40x64xi32, #tpu.memory_space<vmem>>, vector<16xi32>,
      tpu.vector_store_idx %arg13[%get3A_1486], %broadcast_in_dim3A_6 {add = true} : memref<10112xf32, #tpu.memory_space<vmem>>[vector<16xi32>], vector<16xf32>,
      %get3A_1487 = arith.constant 33 : i32
      %get3A_1488 = arith.index_cast %get3A_1487 : i32 to index
      %get3A_1489 = arith.constant 16 : index
      %get3A_1490 = tpu.vector_load %arg10[%get3A_1488, %get3A_1489] {strides = array<i32>} : memref<40x64xi32, #tpu.memory_space<vmem>>, vector<16xi32>,
      tpu.vector_store_idx %arg13[%get3A_1490], %broadcast_in_dim3A_6 {add = true} : memref<10112xf32, #tpu.memory_space<vmem>>[vector<16xi32>], vector<16xf32>,
      %get3A_1491 = arith.constant 33 : i32
      %get3A_1492 = arith.index_cast %get3A_1491 : i32 to index
      %get3A_1493 = arith.constant 32 : index
      %get3A_1494 = tpu.vector_load %arg10[%get3A_1492, %get3A_1493] {strides = array<i32>} : memref<40x64xi32, #tpu.memory_space<vmem>>, vector<16xi32>,
      tpu.vector_store_idx %arg13[%get3A_1494], %broadcast_in_dim3A_6 {add = true} : memref<10112xf32, #tpu.memory_space<vmem>>[vector<16xi32>], vector<16xf32>,
      %get3A_1495 = arith.constant 33 : i32
      %get3A_1496 = arith.index_cast %get3A_1495 : i32 to index
      %get3A_1497 = arith.constant 48 : index
      %get3A_1498 = tpu.vector_load %arg10[%get3A_1496, %get3A_1497] {strides = array<i32>} : memref<40x64xi32, #tpu.memory_space<vmem>>, vector<16xi32>,
      tpu.vector_store_idx %arg13[%get3A_1498], %broadcast_in_dim3A_6 {add = true} : memref<10112xf32, #tpu.memory_space<vmem>>[vector<16xi32>], vector<16xf32>,
      %dma_wait3A_1499 = arith.constant 33 : i32
      %dma_wait3A_1500 = arith.constant 0 : i32
      %dma_wait3A_1501 = tpu.memref_slice %arg9[%dma_wait3A_1499, %dma_wait3A_1500] : memref<40x64xi32, #tpu.memory_space<vmem>> -> memref<1x64xi32, #tpu.memory_space<vmem>>
      %dma_wait3A_1502 = tpu.memref_squeeze %dma_wait3A_1501 : memref<1x64xi32, #tpu.memory_space<vmem>> -> memref<64xi32, #tpu.memory_space<vmem>>
      %dma_wait3A_1503 = arith.constant 0 : i32
      %dma_wait3A_1504 = arith.constant 0 : i32
      %dma_wait3A_1505 = tpu.memref_slice %arg2[%dma_wait3A_1503, %dma_wait3A_1504] : memref<10000x128xf32, #tpu.memory_space<hbm>> -> memref<10000x128xf32, #tpu.memory_space<hbm>>
      tpu.wait_indirect_dma semaphore(%arg15 : memref<!tpu.dma_semaphore, #tpu.memory_space<semaphore_mem>>) src(%dma_wait3A_1505 : memref<10000x128xf32, #tpu.memory_space<hbm>>) dst(%arg12 : memref<64x128xf32, #tpu.memory_space<vmem>>)
      %dma_start3A_1506 = arith.constant 33 : i32
      %dma_start3A_1507 = arith.constant 0 : i32
      %dma_start3A_1508 = tpu.memref_slice %arg10[%dma_start3A_1506, %dma_start3A_1507] : memref<40x64xi32, #tpu.memory_space<vmem>> -> memref<1x64xi32, #tpu.memory_space<vmem>>
      %dma_start3A_1509 = tpu.memref_squeeze %dma_start3A_1508 : memref<1x64xi32, #tpu.memory_space<vmem>> -> memref<64xi32, #tpu.memory_space<vmem>>
      %dma_start3A_1510 = arith.constant 0 : i32
      %dma_start3A_1511 = arith.constant 0 : i32
      %dma_start3A_1512 = tpu.memref_slice %arg18[%dma_start3A_1510, %dma_start3A_1511] : memref<10112x128xf32, #tpu.memory_space<vmem_shared>> -> memref<10112x128xf32, #tpu.memory_space<vmem_shared>>
      tpu.enqueue_indirect_dma source(%arg12 : memref<64x128xf32, #tpu.memory_space<vmem>>) target(%dma_start3A_1512 : memref<10112x128xf32, #tpu.memory_space<vmem_shared>>) offsets(%dma_start3A_1509 : memref<64xi32, #tpu.memory_space<vmem>>) semaphore(%arg17 : memref<!tpu.dma_semaphore, #tpu.memory_space<semaphore_mem>>) {add = true}
      %dma_wait3A_1513 = arith.constant 33 : i32
      %dma_wait3A_1514 = arith.constant 0 : i32
      %dma_wait3A_1515 = tpu.memref_slice %arg10[%dma_wait3A_1513, %dma_wait3A_1514] : memref<40x64xi32, #tpu.memory_space<vmem>> -> memref<1x64xi32, #tpu.memory_space<vmem>>
      %dma_wait3A_1516 = tpu.memref_squeeze %dma_wait3A_1515 : memref<1x64xi32, #tpu.memory_space<vmem>> -> memref<64xi32, #tpu.memory_space<vmem>>
      %dma_wait3A_1517 = arith.constant 0 : i32
      %dma_wait3A_1518 = arith.constant 0 : i32
      %dma_wait3A_1519 = tpu.memref_slice %arg18[%dma_wait3A_1517, %dma_wait3A_1518] : memref<10112x128xf32, #tpu.memory_space<vmem_shared>> -> memref<10112x128xf32, #tpu.memory_space<vmem_shared>>
      tpu.wait_indirect_dma semaphore(%arg17 : memref<!tpu.dma_semaphore, #tpu.memory_space<semaphore_mem>>) src(%arg12 : memref<64x128xf32, #tpu.memory_space<vmem>>) dst(%dma_wait3A_1519 : memref<10112x128xf32, #tpu.memory_space<vmem_shared>>)
      %dma_start3A_1520 = arith.constant 35 : i32
      %dma_start3A_1521 = arith.constant 0 : i32
      %dma_start3A_1522 = tpu.memref_slice %arg9[%dma_start3A_1520, %dma_start3A_1521] : memref<40x64xi32, #tpu.memory_space<vmem>> -> memref<1x64xi32, #tpu.memory_space<vmem>>
      %dma_start3A_1523 = tpu.memref_squeeze %dma_start3A_1522 : memref<1x64xi32, #tpu.memory_space<vmem>> -> memref<64xi32, #tpu.memory_space<vmem>>
      %dma_start3A_1524 = arith.constant 0 : i32
      %dma_start3A_1525 = arith.constant 0 : i32
      %dma_start3A_1526 = tpu.memref_slice %arg2[%dma_start3A_1524, %dma_start3A_1525] : memref<10000x128xf32, #tpu.memory_space<hbm>> -> memref<10000x128xf32, #tpu.memory_space<hbm>>
      tpu.enqueue_indirect_dma source(%dma_start3A_1526 : memref<10000x128xf32, #tpu.memory_space<hbm>>) target(%arg12 : memref<64x128xf32, #tpu.memory_space<vmem>>) offsets(%dma_start3A_1523 : memref<64xi32, #tpu.memory_space<vmem>>) semaphore(%arg15 : memref<!tpu.dma_semaphore, #tpu.memory_space<semaphore_mem>>)
      %get3A_1527 = arith.constant 34 : i32
      %get3A_1528 = arith.index_cast %get3A_1527 : i32 to index
      %get3A_1529 = arith.constant 0 : index
      %get3A_1530 = tpu.vector_load %arg10[%get3A_1528, %get3A_1529] {strides = array<i32>} : memref<40x64xi32, #tpu.memory_space<vmem>>, vector<16xi32>,
      tpu.vector_store_idx %arg13[%get3A_1530], %broadcast_in_dim3A_6 {add = true} : memref<10112xf32, #tpu.memory_space<vmem>>[vector<16xi32>], vector<16xf32>,
      %get3A_1531 = arith.constant 34 : i32
      %get3A_1532 = arith.index_cast %get3A_1531 : i32 to index
      %get3A_1533 = arith.constant 16 : index
      %get3A_1534 = tpu.vector_load %arg10[%get3A_1532, %get3A_1533] {strides = array<i32>} : memref<40x64xi32, #tpu.memory_space<vmem>>, vector<16xi32>,
      tpu.vector_store_idx %arg13[%get3A_1534], %broadcast_in_dim3A_6 {add = true} : memref<10112xf32, #tpu.memory_space<vmem>>[vector<16xi32>], vector<16xf32>,
      %get3A_1535 = arith.constant 34 : i32
      %get3A_1536 = arith.index_cast %get3A_1535 : i32 to index
      %get3A_1537 = arith.constant 32 : index
      %get3A_1538 = tpu.vector_load %arg10[%get3A_1536, %get3A_1537] {strides = array<i32>} : memref<40x64xi32, #tpu.memory_space<vmem>>, vector<16xi32>,
      tpu.vector_store_idx %arg13[%get3A_1538], %broadcast_in_dim3A_6 {add = true} : memref<10112xf32, #tpu.memory_space<vmem>>[vector<16xi32>], vector<16xf32>,
      %get3A_1539 = arith.constant 34 : i32
      %get3A_1540 = arith.index_cast %get3A_1539 : i32 to index
      %get3A_1541 = arith.constant 48 : index
      %get3A_1542 = tpu.vector_load %arg10[%get3A_1540, %get3A_1541] {strides = array<i32>} : memref<40x64xi32, #tpu.memory_space<vmem>>, vector<16xi32>,
      tpu.vector_store_idx %arg13[%get3A_1542], %broadcast_in_dim3A_6 {add = true} : memref<10112xf32, #tpu.memory_space<vmem>>[vector<16xi32>], vector<16xf32>,
      %dma_wait3A_1543 = arith.constant 34 : i32
      %dma_wait3A_1544 = arith.constant 0 : i32
      %dma_wait3A_1545 = tpu.memref_slice %arg9[%dma_wait3A_1543, %dma_wait3A_1544] : memref<40x64xi32, #tpu.memory_space<vmem>> -> memref<1x64xi32, #tpu.memory_space<vmem>>
      %dma_wait3A_1546 = tpu.memref_squeeze %dma_wait3A_1545 : memref<1x64xi32, #tpu.memory_space<vmem>> -> memref<64xi32, #tpu.memory_space<vmem>>
      %dma_wait3A_1547 = arith.constant 0 : i32
      %dma_wait3A_1548 = arith.constant 0 : i32
      %dma_wait3A_1549 = tpu.memref_slice %arg2[%dma_wait3A_1547, %dma_wait3A_1548] : memref<10000x128xf32, #tpu.memory_space<hbm>> -> memref<10000x128xf32, #tpu.memory_space<hbm>>
      tpu.wait_indirect_dma semaphore(%arg14 : memref<!tpu.dma_semaphore, #tpu.memory_space<semaphore_mem>>) src(%dma_wait3A_1549 : memref<10000x128xf32, #tpu.memory_space<hbm>>) dst(%arg11 : memref<64x128xf32, #tpu.memory_space<vmem>>)
      %dma_start3A_1550 = arith.constant 34 : i32
      %dma_start3A_1551 = arith.constant 0 : i32
      %dma_start3A_1552 = tpu.memref_slice %arg10[%dma_start3A_1550, %dma_start3A_1551] : memref<40x64xi32, #tpu.memory_space<vmem>> -> memref<1x64xi32, #tpu.memory_space<vmem>>
      %dma_start3A_1553 = tpu.memref_squeeze %dma_start3A_1552 : memref<1x64xi32, #tpu.memory_space<vmem>> -> memref<64xi32, #tpu.memory_space<vmem>>
      %dma_start3A_1554 = arith.constant 0 : i32
      %dma_start3A_1555 = arith.constant 0 : i32
      %dma_start3A_1556 = tpu.memref_slice %arg18[%dma_start3A_1554, %dma_start3A_1555] : memref<10112x128xf32, #tpu.memory_space<vmem_shared>> -> memref<10112x128xf32, #tpu.memory_space<vmem_shared>>
      tpu.enqueue_indirect_dma source(%arg11 : memref<64x128xf32, #tpu.memory_space<vmem>>) target(%dma_start3A_1556 : memref<10112x128xf32, #tpu.memory_space<vmem_shared>>) offsets(%dma_start3A_1553 : memref<64xi32, #tpu.memory_space<vmem>>) semaphore(%arg16 : memref<!tpu.dma_semaphore, #tpu.memory_space<semaphore_mem>>) {add = true}
      %dma_wait3A_1557 = arith.constant 34 : i32
      %dma_wait3A_1558 = arith.constant 0 : i32
      %dma_wait3A_1559 = tpu.memref_slice %arg10[%dma_wait3A_1557, %dma_wait3A_1558] : memref<40x64xi32, #tpu.memory_space<vmem>> -> memref<1x64xi32, #tpu.memory_space<vmem>>
      %dma_wait3A_1560 = tpu.memref_squeeze %dma_wait3A_1559 : memref<1x64xi32, #tpu.memory_space<vmem>> -> memref<64xi32, #tpu.memory_space<vmem>>
      %dma_wait3A_1561 = arith.constant 0 : i32
      %dma_wait3A_1562 = arith.constant 0 : i32
      %dma_wait3A_1563 = tpu.memref_slice %arg18[%dma_wait3A_1561, %dma_wait3A_1562] : memref<10112x128xf32, #tpu.memory_space<vmem_shared>> -> memref<10112x128xf32, #tpu.memory_space<vmem_shared>>
      tpu.wait_indirect_dma semaphore(%arg16 : memref<!tpu.dma_semaphore, #tpu.memory_space<semaphore_mem>>) src(%arg11 : memref<64x128xf32, #tpu.memory_space<vmem>>) dst(%dma_wait3A_1563 : memref<10112x128xf32, #tpu.memory_space<vmem_shared>>)
      %dma_start3A_1564 = arith.constant 36 : i32
      %dma_start3A_1565 = arith.constant 0 : i32
      %dma_start3A_1566 = tpu.memref_slice %arg9[%dma_start3A_1564, %dma_start3A_1565] : memref<40x64xi32, #tpu.memory_space<vmem>> -> memref<1x64xi32, #tpu.memory_space<vmem>>
      %dma_start3A_1567 = tpu.memref_squeeze %dma_start3A_1566 : memref<1x64xi32, #tpu.memory_space<vmem>> -> memref<64xi32, #tpu.memory_space<vmem>>
      %dma_start3A_1568 = arith.constant 0 : i32
      %dma_start3A_1569 = arith.constant 0 : i32
      %dma_start3A_1570 = tpu.memref_slice %arg2[%dma_start3A_1568, %dma_start3A_1569] : memref<10000x128xf32, #tpu.memory_space<hbm>> -> memref<10000x128xf32, #tpu.memory_space<hbm>>
      tpu.enqueue_indirect_dma source(%dma_start3A_1570 : memref<10000x128xf32, #tpu.memory_space<hbm>>) target(%arg11 : memref<64x128xf32, #tpu.memory_space<vmem>>) offsets(%dma_start3A_1567 : memref<64xi32, #tpu.memory_space<vmem>>) semaphore(%arg14 : memref<!tpu.dma_semaphore, #tpu.memory_space<semaphore_mem>>)
      %get3A_1571 = arith.constant 35 : i32
      %get3A_1572 = arith.index_cast %get3A_1571 : i32 to index
      %get3A_1573 = arith.constant 0 : index
      %get3A_1574 = tpu.vector_load %arg10[%get3A_1572, %get3A_1573] {strides = array<i32>} : memref<40x64xi32, #tpu.memory_space<vmem>>, vector<16xi32>,
      tpu.vector_store_idx %arg13[%get3A_1574], %broadcast_in_dim3A_6 {add = true} : memref<10112xf32, #tpu.memory_space<vmem>>[vector<16xi32>], vector<16xf32>,
      %get3A_1575 = arith.constant 35 : i32
      %get3A_1576 = arith.index_cast %get3A_1575 : i32 to index
      %get3A_1577 = arith.constant 16 : index
      %get3A_1578 = tpu.vector_load %arg10[%get3A_1576, %get3A_1577] {strides = array<i32>} : memref<40x64xi32, #tpu.memory_space<vmem>>, vector<16xi32>,
      tpu.vector_store_idx %arg13[%get3A_1578], %broadcast_in_dim3A_6 {add = true} : memref<10112xf32, #tpu.memory_space<vmem>>[vector<16xi32>], vector<16xf32>,
      %get3A_1579 = arith.constant 35 : i32
      %get3A_1580 = arith.index_cast %get3A_1579 : i32 to index
      %get3A_1581 = arith.constant 32 : index
      %get3A_1582 = tpu.vector_load %arg10[%get3A_1580, %get3A_1581] {strides = array<i32>} : memref<40x64xi32, #tpu.memory_space<vmem>>, vector<16xi32>,
      tpu.vector_store_idx %arg13[%get3A_1582], %broadcast_in_dim3A_6 {add = true} : memref<10112xf32, #tpu.memory_space<vmem>>[vector<16xi32>], vector<16xf32>,
      %get3A_1583 = arith.constant 35 : i32
      %get3A_1584 = arith.index_cast %get3A_1583 : i32 to index
      %get3A_1585 = arith.constant 48 : index
      %get3A_1586 = tpu.vector_load %arg10[%get3A_1584, %get3A_1585] {strides = array<i32>} : memref<40x64xi32, #tpu.memory_space<vmem>>, vector<16xi32>,
      tpu.vector_store_idx %arg13[%get3A_1586], %broadcast_in_dim3A_6 {add = true} : memref<10112xf32, #tpu.memory_space<vmem>>[vector<16xi32>], vector<16xf32>,
      %dma_wait3A_1587 = arith.constant 35 : i32
      %dma_wait3A_1588 = arith.constant 0 : i32
      %dma_wait3A_1589 = tpu.memref_slice %arg9[%dma_wait3A_1587, %dma_wait3A_1588] : memref<40x64xi32, #tpu.memory_space<vmem>> -> memref<1x64xi32, #tpu.memory_space<vmem>>
      %dma_wait3A_1590 = tpu.memref_squeeze %dma_wait3A_1589 : memref<1x64xi32, #tpu.memory_space<vmem>> -> memref<64xi32, #tpu.memory_space<vmem>>
      %dma_wait3A_1591 = arith.constant 0 : i32
      %dma_wait3A_1592 = arith.constant 0 : i32
      %dma_wait3A_1593 = tpu.memref_slice %arg2[%dma_wait3A_1591, %dma_wait3A_1592] : memref<10000x128xf32, #tpu.memory_space<hbm>> -> memref<10000x128xf32, #tpu.memory_space<hbm>>
      tpu.wait_indirect_dma semaphore(%arg15 : memref<!tpu.dma_semaphore, #tpu.memory_space<semaphore_mem>>) src(%dma_wait3A_1593 : memref<10000x128xf32, #tpu.memory_space<hbm>>) dst(%arg12 : memref<64x128xf32, #tpu.memory_space<vmem>>)
      %dma_start3A_1594 = arith.constant 35 : i32
      %dma_start3A_1595 = arith.constant 0 : i32
      %dma_start3A_1596 = tpu.memref_slice %arg10[%dma_start3A_1594, %dma_start3A_1595] : memref<40x64xi32, #tpu.memory_space<vmem>> -> memref<1x64xi32, #tpu.memory_space<vmem>>
      %dma_start3A_1597 = tpu.memref_squeeze %dma_start3A_1596 : memref<1x64xi32, #tpu.memory_space<vmem>> -> memref<64xi32, #tpu.memory_space<vmem>>
      %dma_start3A_1598 = arith.constant 0 : i32
      %dma_start3A_1599 = arith.constant 0 : i32
      %dma_start3A_1600 = tpu.memref_slice %arg18[%dma_start3A_1598, %dma_start3A_1599] : memref<10112x128xf32, #tpu.memory_space<vmem_shared>> -> memref<10112x128xf32, #tpu.memory_space<vmem_shared>>
      tpu.enqueue_indirect_dma source(%arg12 : memref<64x128xf32, #tpu.memory_space<vmem>>) target(%dma_start3A_1600 : memref<10112x128xf32, #tpu.memory_space<vmem_shared>>) offsets(%dma_start3A_1597 : memref<64xi32, #tpu.memory_space<vmem>>) semaphore(%arg17 : memref<!tpu.dma_semaphore, #tpu.memory_space<semaphore_mem>>) {add = true}
      %dma_wait3A_1601 = arith.constant 35 : i32
      %dma_wait3A_1602 = arith.constant 0 : i32
      %dma_wait3A_1603 = tpu.memref_slice %arg10[%dma_wait3A_1601, %dma_wait3A_1602] : memref<40x64xi32, #tpu.memory_space<vmem>> -> memref<1x64xi32, #tpu.memory_space<vmem>>
      %dma_wait3A_1604 = tpu.memref_squeeze %dma_wait3A_1603 : memref<1x64xi32, #tpu.memory_space<vmem>> -> memref<64xi32, #tpu.memory_space<vmem>>
      %dma_wait3A_1605 = arith.constant 0 : i32
      %dma_wait3A_1606 = arith.constant 0 : i32
      %dma_wait3A_1607 = tpu.memref_slice %arg18[%dma_wait3A_1605, %dma_wait3A_1606] : memref<10112x128xf32, #tpu.memory_space<vmem_shared>> -> memref<10112x128xf32, #tpu.memory_space<vmem_shared>>
      tpu.wait_indirect_dma semaphore(%arg17 : memref<!tpu.dma_semaphore, #tpu.memory_space<semaphore_mem>>) src(%arg12 : memref<64x128xf32, #tpu.memory_space<vmem>>) dst(%dma_wait3A_1607 : memref<10112x128xf32, #tpu.memory_space<vmem_shared>>)
      %dma_start3A_1608 = arith.constant 37 : i32
      %dma_start3A_1609 = arith.constant 0 : i32
      %dma_start3A_1610 = tpu.memref_slice %arg9[%dma_start3A_1608, %dma_start3A_1609] : memref<40x64xi32, #tpu.memory_space<vmem>> -> memref<1x64xi32, #tpu.memory_space<vmem>>
      %dma_start3A_1611 = tpu.memref_squeeze %dma_start3A_1610 : memref<1x64xi32, #tpu.memory_space<vmem>> -> memref<64xi32, #tpu.memory_space<vmem>>
      %dma_start3A_1612 = arith.constant 0 : i32
      %dma_start3A_1613 = arith.constant 0 : i32
      %dma_start3A_1614 = tpu.memref_slice %arg2[%dma_start3A_1612, %dma_start3A_1613] : memref<10000x128xf32, #tpu.memory_space<hbm>> -> memref<10000x128xf32, #tpu.memory_space<hbm>>
      tpu.enqueue_indirect_dma source(%dma_start3A_1614 : memref<10000x128xf32, #tpu.memory_space<hbm>>) target(%arg12 : memref<64x128xf32, #tpu.memory_space<vmem>>) offsets(%dma_start3A_1611 : memref<64xi32, #tpu.memory_space<vmem>>) semaphore(%arg15 : memref<!tpu.dma_semaphore, #tpu.memory_space<semaphore_mem>>)
      %get3A_1615 = arith.constant 36 : i32
      %get3A_1616 = arith.index_cast %get3A_1615 : i32 to index
      %get3A_1617 = arith.constant 0 : index
      %get3A_1618 = tpu.vector_load %arg10[%get3A_1616, %get3A_1617] {strides = array<i32>} : memref<40x64xi32, #tpu.memory_space<vmem>>, vector<16xi32>,
      tpu.vector_store_idx %arg13[%get3A_1618], %broadcast_in_dim3A_6 {add = true} : memref<10112xf32, #tpu.memory_space<vmem>>[vector<16xi32>], vector<16xf32>,
      %get3A_1619 = arith.constant 36 : i32
      %get3A_1620 = arith.index_cast %get3A_1619 : i32 to index
      %get3A_1621 = arith.constant 16 : index
      %get3A_1622 = tpu.vector_load %arg10[%get3A_1620, %get3A_1621] {strides = array<i32>} : memref<40x64xi32, #tpu.memory_space<vmem>>, vector<16xi32>,
      tpu.vector_store_idx %arg13[%get3A_1622], %broadcast_in_dim3A_6 {add = true} : memref<10112xf32, #tpu.memory_space<vmem>>[vector<16xi32>], vector<16xf32>,
      %get3A_1623 = arith.constant 36 : i32
      %get3A_1624 = arith.index_cast %get3A_1623 : i32 to index
      %get3A_1625 = arith.constant 32 : index
      %get3A_1626 = tpu.vector_load %arg10[%get3A_1624, %get3A_1625] {strides = array<i32>} : memref<40x64xi32, #tpu.memory_space<vmem>>, vector<16xi32>,
      tpu.vector_store_idx %arg13[%get3A_1626], %broadcast_in_dim3A_6 {add = true} : memref<10112xf32, #tpu.memory_space<vmem>>[vector<16xi32>], vector<16xf32>,
      %get3A_1627 = arith.constant 36 : i32
      %get3A_1628 = arith.index_cast %get3A_1627 : i32 to index
      %get3A_1629 = arith.constant 48 : index
      %get3A_1630 = tpu.vector_load %arg10[%get3A_1628, %get3A_1629] {strides = array<i32>} : memref<40x64xi32, #tpu.memory_space<vmem>>, vector<16xi32>,
      tpu.vector_store_idx %arg13[%get3A_1630], %broadcast_in_dim3A_6 {add = true} : memref<10112xf32, #tpu.memory_space<vmem>>[vector<16xi32>], vector<16xf32>,
      %dma_wait3A_1631 = arith.constant 36 : i32
      %dma_wait3A_1632 = arith.constant 0 : i32
      %dma_wait3A_1633 = tpu.memref_slice %arg9[%dma_wait3A_1631, %dma_wait3A_1632] : memref<40x64xi32, #tpu.memory_space<vmem>> -> memref<1x64xi32, #tpu.memory_space<vmem>>
      %dma_wait3A_1634 = tpu.memref_squeeze %dma_wait3A_1633 : memref<1x64xi32, #tpu.memory_space<vmem>> -> memref<64xi32, #tpu.memory_space<vmem>>
      %dma_wait3A_1635 = arith.constant 0 : i32
      %dma_wait3A_1636 = arith.constant 0 : i32
      %dma_wait3A_1637 = tpu.memref_slice %arg2[%dma_wait3A_1635, %dma_wait3A_1636] : memref<10000x128xf32, #tpu.memory_space<hbm>> -> memref<10000x128xf32, #tpu.memory_space<hbm>>
      tpu.wait_indirect_dma semaphore(%arg14 : memref<!tpu.dma_semaphore, #tpu.memory_space<semaphore_mem>>) src(%dma_wait3A_1637 : memref<10000x128xf32, #tpu.memory_space<hbm>>) dst(%arg11 : memref<64x128xf32, #tpu.memory_space<vmem>>)
      %dma_start3A_1638 = arith.constant 36 : i32
      %dma_start3A_1639 = arith.constant 0 : i32
      %dma_start3A_1640 = tpu.memref_slice %arg10[%dma_start3A_1638, %dma_start3A_1639] : memref<40x64xi32, #tpu.memory_space<vmem>> -> memref<1x64xi32, #tpu.memory_space<vmem>>
      %dma_start3A_1641 = tpu.memref_squeeze %dma_start3A_1640 : memref<1x64xi32, #tpu.memory_space<vmem>> -> memref<64xi32, #tpu.memory_space<vmem>>
      %dma_start3A_1642 = arith.constant 0 : i32
      %dma_start3A_1643 = arith.constant 0 : i32
      %dma_start3A_1644 = tpu.memref_slice %arg18[%dma_start3A_1642, %dma_start3A_1643] : memref<10112x128xf32, #tpu.memory_space<vmem_shared>> -> memref<10112x128xf32, #tpu.memory_space<vmem_shared>>
      tpu.enqueue_indirect_dma source(%arg11 : memref<64x128xf32, #tpu.memory_space<vmem>>) target(%dma_start3A_1644 : memref<10112x128xf32, #tpu.memory_space<vmem_shared>>) offsets(%dma_start3A_1641 : memref<64xi32, #tpu.memory_space<vmem>>) semaphore(%arg16 : memref<!tpu.dma_semaphore, #tpu.memory_space<semaphore_mem>>) {add = true}
      %dma_wait3A_1645 = arith.constant 36 : i32
      %dma_wait3A_1646 = arith.constant 0 : i32
      %dma_wait3A_1647 = tpu.memref_slice %arg10[%dma_wait3A_1645, %dma_wait3A_1646] : memref<40x64xi32, #tpu.memory_space<vmem>> -> memref<1x64xi32, #tpu.memory_space<vmem>>
      %dma_wait3A_1648 = tpu.memref_squeeze %dma_wait3A_1647 : memref<1x64xi32, #tpu.memory_space<vmem>> -> memref<64xi32, #tpu.memory_space<vmem>>
      %dma_wait3A_1649 = arith.constant 0 : i32
      %dma_wait3A_1650 = arith.constant 0 : i32
      %dma_wait3A_1651 = tpu.memref_slice %arg18[%dma_wait3A_1649, %dma_wait3A_1650] : memref<10112x128xf32, #tpu.memory_space<vmem_shared>> -> memref<10112x128xf32, #tpu.memory_space<vmem_shared>>
      tpu.wait_indirect_dma semaphore(%arg16 : memref<!tpu.dma_semaphore, #tpu.memory_space<semaphore_mem>>) src(%arg11 : memref<64x128xf32, #tpu.memory_space<vmem>>) dst(%dma_wait3A_1651 : memref<10112x128xf32, #tpu.memory_space<vmem_shared>>)
      %dma_start3A_1652 = arith.constant 38 : i32
      %dma_start3A_1653 = arith.constant 0 : i32
      %dma_start3A_1654 = tpu.memref_slice %arg9[%dma_start3A_1652, %dma_start3A_1653] : memref<40x64xi32, #tpu.memory_space<vmem>> -> memref<1x64xi32, #tpu.memory_space<vmem>>
      %dma_start3A_1655 = tpu.memref_squeeze %dma_start3A_1654 : memref<1x64xi32, #tpu.memory_space<vmem>> -> memref<64xi32, #tpu.memory_space<vmem>>
      %dma_start3A_1656 = arith.constant 0 : i32
      %dma_start3A_1657 = arith.constant 0 : i32
      %dma_start3A_1658 = tpu.memref_slice %arg2[%dma_start3A_1656, %dma_start3A_1657] : memref<10000x128xf32, #tpu.memory_space<hbm>> -> memref<10000x128xf32, #tpu.memory_space<hbm>>
      tpu.enqueue_indirect_dma source(%dma_start3A_1658 : memref<10000x128xf32, #tpu.memory_space<hbm>>) target(%arg11 : memref<64x128xf32, #tpu.memory_space<vmem>>) offsets(%dma_start3A_1655 : memref<64xi32, #tpu.memory_space<vmem>>) semaphore(%arg14 : memref<!tpu.dma_semaphore, #tpu.memory_space<semaphore_mem>>)
      %get3A_1659 = arith.constant 37 : i32
      %get3A_1660 = arith.index_cast %get3A_1659 : i32 to index
      %get3A_1661 = arith.constant 0 : index
      %get3A_1662 = tpu.vector_load %arg10[%get3A_1660, %get3A_1661] {strides = array<i32>} : memref<40x64xi32, #tpu.memory_space<vmem>>, vector<16xi32>,
      tpu.vector_store_idx %arg13[%get3A_1662], %broadcast_in_dim3A_6 {add = true} : memref<10112xf32, #tpu.memory_space<vmem>>[vector<16xi32>], vector<16xf32>,
      %get3A_1663 = arith.constant 37 : i32
      %get3A_1664 = arith.index_cast %get3A_1663 : i32 to index
      %get3A_1665 = arith.constant 16 : index
      %get3A_1666 = tpu.vector_load %arg10[%get3A_1664, %get3A_1665] {strides = array<i32>} : memref<40x64xi32, #tpu.memory_space<vmem>>, vector<16xi32>,
      tpu.vector_store_idx %arg13[%get3A_1666], %broadcast_in_dim3A_6 {add = true} : memref<10112xf32, #tpu.memory_space<vmem>>[vector<16xi32>], vector<16xf32>,
      %get3A_1667 = arith.constant 37 : i32
      %get3A_1668 = arith.index_cast %get3A_1667 : i32 to index
      %get3A_1669 = arith.constant 32 : index
      %get3A_1670 = tpu.vector_load %arg10[%get3A_1668, %get3A_1669] {strides = array<i32>} : memref<40x64xi32, #tpu.memory_space<vmem>>, vector<16xi32>,
      tpu.vector_store_idx %arg13[%get3A_1670], %broadcast_in_dim3A_6 {add = true} : memref<10112xf32, #tpu.memory_space<vmem>>[vector<16xi32>], vector<16xf32>,
      %get3A_1671 = arith.constant 37 : i32
      %get3A_1672 = arith.index_cast %get3A_1671 : i32 to index
      %get3A_1673 = arith.constant 48 : index
      %get3A_1674 = tpu.vector_load %arg10[%get3A_1672, %get3A_1673] {strides = array<i32>} : memref<40x64xi32, #tpu.memory_space<vmem>>, vector<16xi32>,
      tpu.vector_store_idx %arg13[%get3A_1674], %broadcast_in_dim3A_6 {add = true} : memref<10112xf32, #tpu.memory_space<vmem>>[vector<16xi32>], vector<16xf32>,
      %dma_wait3A_1675 = arith.constant 37 : i32
      %dma_wait3A_1676 = arith.constant 0 : i32
      %dma_wait3A_1677 = tpu.memref_slice %arg9[%dma_wait3A_1675, %dma_wait3A_1676] : memref<40x64xi32, #tpu.memory_space<vmem>> -> memref<1x64xi32, #tpu.memory_space<vmem>>
      %dma_wait3A_1678 = tpu.memref_squeeze %dma_wait3A_1677 : memref<1x64xi32, #tpu.memory_space<vmem>> -> memref<64xi32, #tpu.memory_space<vmem>>
      %dma_wait3A_1679 = arith.constant 0 : i32
      %dma_wait3A_1680 = arith.constant 0 : i32
      %dma_wait3A_1681 = tpu.memref_slice %arg2[%dma_wait3A_1679, %dma_wait3A_1680] : memref<10000x128xf32, #tpu.memory_space<hbm>> -> memref<10000x128xf32, #tpu.memory_space<hbm>>
      tpu.wait_indirect_dma semaphore(%arg15 : memref<!tpu.dma_semaphore, #tpu.memory_space<semaphore_mem>>) src(%dma_wait3A_1681 : memref<10000x128xf32, #tpu.memory_space<hbm>>) dst(%arg12 : memref<64x128xf32, #tpu.memory_space<vmem>>)
      %dma_start3A_1682 = arith.constant 37 : i32
      %dma_start3A_1683 = arith.constant 0 : i32
      %dma_start3A_1684 = tpu.memref_slice %arg10[%dma_start3A_1682, %dma_start3A_1683] : memref<40x64xi32, #tpu.memory_space<vmem>> -> memref<1x64xi32, #tpu.memory_space<vmem>>
      %dma_start3A_1685 = tpu.memref_squeeze %dma_start3A_1684 : memref<1x64xi32, #tpu.memory_space<vmem>> -> memref<64xi32, #tpu.memory_space<vmem>>
      %dma_start3A_1686 = arith.constant 0 : i32
      %dma_start3A_1687 = arith.constant 0 : i32
      %dma_start3A_1688 = tpu.memref_slice %arg18[%dma_start3A_1686, %dma_start3A_1687] : memref<10112x128xf32, #tpu.memory_space<vmem_shared>> -> memref<10112x128xf32, #tpu.memory_space<vmem_shared>>
      tpu.enqueue_indirect_dma source(%arg12 : memref<64x128xf32, #tpu.memory_space<vmem>>) target(%dma_start3A_1688 : memref<10112x128xf32, #tpu.memory_space<vmem_shared>>) offsets(%dma_start3A_1685 : memref<64xi32, #tpu.memory_space<vmem>>) semaphore(%arg17 : memref<!tpu.dma_semaphore, #tpu.memory_space<semaphore_mem>>) {add = true}
      %dma_wait3A_1689 = arith.constant 37 : i32
      %dma_wait3A_1690 = arith.constant 0 : i32
      %dma_wait3A_1691 = tpu.memref_slice %arg10[%dma_wait3A_1689, %dma_wait3A_1690] : memref<40x64xi32, #tpu.memory_space<vmem>> -> memref<1x64xi32, #tpu.memory_space<vmem>>
      %dma_wait3A_1692 = tpu.memref_squeeze %dma_wait3A_1691 : memref<1x64xi32, #tpu.memory_space<vmem>> -> memref<64xi32, #tpu.memory_space<vmem>>
      %dma_wait3A_1693 = arith.constant 0 : i32
      %dma_wait3A_1694 = arith.constant 0 : i32
      %dma_wait3A_1695 = tpu.memref_slice %arg18[%dma_wait3A_1693, %dma_wait3A_1694] : memref<10112x128xf32, #tpu.memory_space<vmem_shared>> -> memref<10112x128xf32, #tpu.memory_space<vmem_shared>>
      tpu.wait_indirect_dma semaphore(%arg17 : memref<!tpu.dma_semaphore, #tpu.memory_space<semaphore_mem>>) src(%arg12 : memref<64x128xf32, #tpu.memory_space<vmem>>) dst(%dma_wait3A_1695 : memref<10112x128xf32, #tpu.memory_space<vmem_shared>>)
      %dma_start3A_1696 = arith.constant 39 : i32
      %dma_start3A_1697 = arith.constant 0 : i32
      %dma_start3A_1698 = tpu.memref_slice %arg9[%dma_start3A_1696, %dma_start3A_1697] : memref<40x64xi32, #tpu.memory_space<vmem>> -> memref<1x64xi32, #tpu.memory_space<vmem>>
      %dma_start3A_1699 = tpu.memref_squeeze %dma_start3A_1698 : memref<1x64xi32, #tpu.memory_space<vmem>> -> memref<64xi32, #tpu.memory_space<vmem>>
      %dma_start3A_1700 = arith.constant 0 : i32
      %dma_start3A_1701 = arith.constant 0 : i32
      %dma_start3A_1702 = tpu.memref_slice %arg2[%dma_start3A_1700, %dma_start3A_1701] : memref<10000x128xf32, #tpu.memory_space<hbm>> -> memref<10000x128xf32, #tpu.memory_space<hbm>>
      tpu.enqueue_indirect_dma source(%dma_start3A_1702 : memref<10000x128xf32, #tpu.memory_space<hbm>>) target(%arg12 : memref<64x128xf32, #tpu.memory_space<vmem>>) offsets(%dma_start3A_1699 : memref<64xi32, #tpu.memory_space<vmem>>) semaphore(%arg15 : memref<!tpu.dma_semaphore, #tpu.memory_space<semaphore_mem>>)
      %get3A_1703 = arith.constant 38 : i32
      %get3A_1704 = arith.index_cast %get3A_1703 : i32 to index
      %get3A_1705 = arith.constant 0 : index
      %get3A_1706 = tpu.vector_load %arg10[%get3A_1704, %get3A_1705] {strides = array<i32>} : memref<40x64xi32, #tpu.memory_space<vmem>>, vector<16xi32>,
      tpu.vector_store_idx %arg13[%get3A_1706], %broadcast_in_dim3A_6 {add = true} : memref<10112xf32, #tpu.memory_space<vmem>>[vector<16xi32>], vector<16xf32>,
      %get3A_1707 = arith.constant 38 : i32
      %get3A_1708 = arith.index_cast %get3A_1707 : i32 to index
      %get3A_1709 = arith.constant 16 : index
      %get3A_1710 = tpu.vector_load %arg10[%get3A_1708, %get3A_1709] {strides = array<i32>} : memref<40x64xi32, #tpu.memory_space<vmem>>, vector<16xi32>,
      tpu.vector_store_idx %arg13[%get3A_1710], %broadcast_in_dim3A_6 {add = true} : memref<10112xf32, #tpu.memory_space<vmem>>[vector<16xi32>], vector<16xf32>,
      %get3A_1711 = arith.constant 38 : i32
      %get3A_1712 = arith.index_cast %get3A_1711 : i32 to index
      %get3A_1713 = arith.constant 32 : index
      %get3A_1714 = tpu.vector_load %arg10[%get3A_1712, %get3A_1713] {strides = array<i32>} : memref<40x64xi32, #tpu.memory_space<vmem>>, vector<16xi32>,
      tpu.vector_store_idx %arg13[%get3A_1714], %broadcast_in_dim3A_6 {add = true} : memref<10112xf32, #tpu.memory_space<vmem>>[vector<16xi32>], vector<16xf32>,
      %get3A_1715 = arith.constant 38 : i32
      %get3A_1716 = arith.index_cast %get3A_1715 : i32 to index
      %get3A_1717 = arith.constant 48 : index
      %get3A_1718 = tpu.vector_load %arg10[%get3A_1716, %get3A_1717] {strides = array<i32>} : memref<40x64xi32, #tpu.memory_space<vmem>>, vector<16xi32>,
      tpu.vector_store_idx %arg13[%get3A_1718], %broadcast_in_dim3A_6 {add = true} : memref<10112xf32, #tpu.memory_space<vmem>>[vector<16xi32>], vector<16xf32>,
      %dma_wait3A_1719 = arith.constant 38 : i32
      %dma_wait3A_1720 = arith.constant 0 : i32
      %dma_wait3A_1721 = tpu.memref_slice %arg9[%dma_wait3A_1719, %dma_wait3A_1720] : memref<40x64xi32, #tpu.memory_space<vmem>> -> memref<1x64xi32, #tpu.memory_space<vmem>>
      %dma_wait3A_1722 = tpu.memref_squeeze %dma_wait3A_1721 : memref<1x64xi32, #tpu.memory_space<vmem>> -> memref<64xi32, #tpu.memory_space<vmem>>
      %dma_wait3A_1723 = arith.constant 0 : i32
      %dma_wait3A_1724 = arith.constant 0 : i32
      %dma_wait3A_1725 = tpu.memref_slice %arg2[%dma_wait3A_1723, %dma_wait3A_1724] : memref<10000x128xf32, #tpu.memory_space<hbm>> -> memref<10000x128xf32, #tpu.memory_space<hbm>>
      tpu.wait_indirect_dma semaphore(%arg14 : memref<!tpu.dma_semaphore, #tpu.memory_space<semaphore_mem>>) src(%dma_wait3A_1725 : memref<10000x128xf32, #tpu.memory_space<hbm>>) dst(%arg11 : memref<64x128xf32, #tpu.memory_space<vmem>>)
      %dma_start3A_1726 = arith.constant 38 : i32
      %dma_start3A_1727 = arith.constant 0 : i32
      %dma_start3A_1728 = tpu.memref_slice %arg10[%dma_start3A_1726, %dma_start3A_1727] : memref<40x64xi32, #tpu.memory_space<vmem>> -> memref<1x64xi32, #tpu.memory_space<vmem>>
      %dma_start3A_1729 = tpu.memref_squeeze %dma_start3A_1728 : memref<1x64xi32, #tpu.memory_space<vmem>> -> memref<64xi32, #tpu.memory_space<vmem>>
      %dma_start3A_1730 = arith.constant 0 : i32
      %dma_start3A_1731 = arith.constant 0 : i32
      %dma_start3A_1732 = tpu.memref_slice %arg18[%dma_start3A_1730, %dma_start3A_1731] : memref<10112x128xf32, #tpu.memory_space<vmem_shared>> -> memref<10112x128xf32, #tpu.memory_space<vmem_shared>>
      tpu.enqueue_indirect_dma source(%arg11 : memref<64x128xf32, #tpu.memory_space<vmem>>) target(%dma_start3A_1732 : memref<10112x128xf32, #tpu.memory_space<vmem_shared>>) offsets(%dma_start3A_1729 : memref<64xi32, #tpu.memory_space<vmem>>) semaphore(%arg16 : memref<!tpu.dma_semaphore, #tpu.memory_space<semaphore_mem>>) {add = true}
      %get3A_1733 = arith.constant 39 : i32
      %get3A_1734 = arith.index_cast %get3A_1733 : i32 to index
      %get3A_1735 = arith.constant 0 : index
      %get3A_1736 = tpu.vector_load %arg10[%get3A_1734, %get3A_1735] {strides = array<i32>} : memref<40x64xi32, #tpu.memory_space<vmem>>, vector<16xi32>,
      tpu.vector_store_idx %arg13[%get3A_1736], %broadcast_in_dim3A_6 {add = true} : memref<10112xf32, #tpu.memory_space<vmem>>[vector<16xi32>], vector<16xf32>,
      %get3A_1737 = arith.constant 39 : i32
      %get3A_1738 = arith.index_cast %get3A_1737 : i32 to index
      %get3A_1739 = arith.constant 16 : index
      %get3A_1740 = tpu.vector_load %arg10[%get3A_1738, %get3A_1739] {strides = array<i32>} : memref<40x64xi32, #tpu.memory_space<vmem>>, vector<16xi32>,
      tpu.vector_store_idx %arg13[%get3A_1740], %broadcast_in_dim3A_6 {add = true} : memref<10112xf32, #tpu.memory_space<vmem>>[vector<16xi32>], vector<16xf32>,
      %get3A_1741 = arith.constant 39 : i32
      %get3A_1742 = arith.index_cast %get3A_1741 : i32 to index
      %get3A_1743 = arith.constant 32 : index
      %get3A_1744 = tpu.vector_load %arg10[%get3A_1742, %get3A_1743] {strides = array<i32>} : memref<40x64xi32, #tpu.memory_space<vmem>>, vector<16xi32>,
      tpu.vector_store_idx %arg13[%get3A_1744], %broadcast_in_dim3A_6 {add = true} : memref<10112xf32, #tpu.memory_space<vmem>>[vector<16xi32>], vector<16xf32>,
      %get3A_1745 = arith.constant 39 : i32
      %get3A_1746 = arith.index_cast %get3A_1745 : i32 to index
      %get3A_1747 = arith.constant 48 : index
      %get3A_1748 = tpu.vector_load %arg10[%get3A_1746, %get3A_1747] {strides = array<i32>} : memref<40x64xi32, #tpu.memory_space<vmem>>, vector<16xi32>,
      tpu.vector_store_idx %arg13[%get3A_1748], %broadcast_in_dim3A_6 {add = true} : memref<10112xf32, #tpu.memory_space<vmem>>[vector<16xi32>], vector<16xf32>,
      %dma_wait3A_1749 = arith.constant 39 : i32
      %dma_wait3A_1750 = arith.constant 0 : i32
      %dma_wait3A_1751 = tpu.memref_slice %arg9[%dma_wait3A_1749, %dma_wait3A_1750] : memref<40x64xi32, #tpu.memory_space<vmem>> -> memref<1x64xi32, #tpu.memory_space<vmem>>
      %dma_wait3A_1752 = tpu.memref_squeeze %dma_wait3A_1751 : memref<1x64xi32, #tpu.memory_space<vmem>> -> memref<64xi32, #tpu.memory_space<vmem>>
      %dma_wait3A_1753 = arith.constant 0 : i32
      %dma_wait3A_1754 = arith.constant 0 : i32
      %dma_wait3A_1755 = tpu.memref_slice %arg2[%dma_wait3A_1753, %dma_wait3A_1754] : memref<10000x128xf32, #tpu.memory_space<hbm>> -> memref<10000x128xf32, #tpu.memory_space<hbm>>
      tpu.wait_indirect_dma semaphore(%arg15 : memref<!tpu.dma_semaphore, #tpu.memory_space<semaphore_mem>>) src(%dma_wait3A_1755 : memref<10000x128xf32, #tpu.memory_space<hbm>>) dst(%arg12 : memref<64x128xf32, #tpu.memory_space<vmem>>)
      %dma_start3A_1756 = arith.constant 39 : i32
      %dma_start3A_1757 = arith.constant 0 : i32
      %dma_start3A_1758 = tpu.memref_slice %arg10[%dma_start3A_1756, %dma_start3A_1757] : memref<40x64xi32, #tpu.memory_space<vmem>> -> memref<1x64xi32, #tpu.memory_space<vmem>>
      %dma_start3A_1759 = tpu.memref_squeeze %dma_start3A_1758 : memref<1x64xi32, #tpu.memory_space<vmem>> -> memref<64xi32, #tpu.memory_space<vmem>>
      %dma_start3A_1760 = arith.constant 0 : i32
      %dma_start3A_1761 = arith.constant 0 : i32
      %dma_start3A_1762 = tpu.memref_slice %arg18[%dma_start3A_1760, %dma_start3A_1761] : memref<10112x128xf32, #tpu.memory_space<vmem_shared>> -> memref<10112x128xf32, #tpu.memory_space<vmem_shared>>
      tpu.enqueue_indirect_dma source(%arg12 : memref<64x128xf32, #tpu.memory_space<vmem>>) target(%dma_start3A_1762 : memref<10112x128xf32, #tpu.memory_space<vmem_shared>>) offsets(%dma_start3A_1759 : memref<64xi32, #tpu.memory_space<vmem>>) semaphore(%arg17 : memref<!tpu.dma_semaphore, #tpu.memory_space<semaphore_mem>>) {add = true}
      %dma_wait3A_1763 = arith.constant 38 : i32
      %dma_wait3A_1764 = arith.constant 0 : i32
      %dma_wait3A_1765 = tpu.memref_slice %arg10[%dma_wait3A_1763, %dma_wait3A_1764] : memref<40x64xi32, #tpu.memory_space<vmem>> -> memref<1x64xi32, #tpu.memory_space<vmem>>
      %dma_wait3A_1766 = tpu.memref_squeeze %dma_wait3A_1765 : memref<1x64xi32, #tpu.memory_space<vmem>> -> memref<64xi32, #tpu.memory_space<vmem>>
      %dma_wait3A_1767 = arith.constant 0 : i32
      %dma_wait3A_1768 = arith.constant 0 : i32
      %dma_wait3A_1769 = tpu.memref_slice %arg18[%dma_wait3A_1767, %dma_wait3A_1768] : memref<10112x128xf32, #tpu.memory_space<vmem_shared>> -> memref<10112x128xf32, #tpu.memory_space<vmem_shared>>
      tpu.wait_indirect_dma semaphore(%arg16 : memref<!tpu.dma_semaphore, #tpu.memory_space<semaphore_mem>>) src(%arg11 : memref<64x128xf32, #tpu.memory_space<vmem>>) dst(%dma_wait3A_1769 : memref<10112x128xf32, #tpu.memory_space<vmem_shared>>)
      %dma_wait3A_1770 = arith.constant 39 : i32
      %dma_wait3A_1771 = arith.constant 0 : i32
      %dma_wait3A_1772 = tpu.memref_slice %arg10[%dma_wait3A_1770, %dma_wait3A_1771] : memref<40x64xi32, #tpu.memory_space<vmem>> -> memref<1x64xi32, #tpu.memory_space<vmem>>
      %dma_wait3A_1773 = tpu.memref_squeeze %dma_wait3A_1772 : memref<1x64xi32, #tpu.memory_space<vmem>> -> memref<64xi32, #tpu.memory_space<vmem>>
      %dma_wait3A_1774 = arith.constant 0 : i32
      %dma_wait3A_1775 = arith.constant 0 : i32
      %dma_wait3A_1776 = tpu.memref_slice %arg18[%dma_wait3A_1774, %dma_wait3A_1775] : memref<10112x128xf32, #tpu.memory_space<vmem_shared>> -> memref<10112x128xf32, #tpu.memory_space<vmem_shared>>
      tpu.wait_indirect_dma semaphore(%arg17 : memref<!tpu.dma_semaphore, #tpu.memory_space<semaphore_mem>>) src(%arg12 : memref<64x128xf32, #tpu.memory_space<vmem>>) dst(%dma_wait3A_1776 : memref<10112x128xf32, #tpu.memory_space<vmem_shared>>)
    }
    %scan3A_10 = arith.constant 4 : i32
    %barrier3A_11 = arith.constant 0 : index
    tpu.barrier barrier_id(%barrier3A_11)
    "tpu.region"() ({
      %run_scoped3A = tpu.sem_alloc : memref<!tpu.dma_semaphore, #tpu.memory_space<semaphore_mem>>
      %dma_start3A = arith.constant 0 : i32
      %dma_start3A_12 = tpu.memref_slice %arg7[%add3A_5, %dma_start3A] : memref<20224x128xf32, #tpu.memory_space<hbm>> -> memref<632x128xf32, #tpu.memory_space<hbm>>
      %dma_start3A_13 = arith.constant 0 : i32
      %dma_start3A_14 = tpu.memref_slice %arg18[%mul3A_2, %dma_start3A_13] : memref<10112x128xf32, #tpu.memory_space<vmem_shared>> -> memref<632x128xf32, #tpu.memory_space<vmem_shared>>
      tpu.enqueue_dma source(%dma_start3A_14 : memref<632x128xf32, #tpu.memory_space<vmem_shared>>) target(%dma_start3A_12 : memref<632x128xf32, #tpu.memory_space<hbm>>) target_semaphore(%run_scoped3A : memref<!tpu.dma_semaphore, #tpu.memory_space<semaphore_mem>>)
      %dma_wait3A = arith.constant 0 : i32
      %dma_wait3A_15 = tpu.memref_slice %arg7[%add3A_5, %dma_wait3A] : memref<20224x128xf32, #tpu.memory_space<hbm>> -> memref<632x128xf32, #tpu.memory_space<hbm>>
      %dma_wait3A_16 = arith.constant 0 : i32
      %dma_wait3A_17 = tpu.memref_slice %arg18[%mul3A_2, %dma_wait3A_16] : memref<10112x128xf32, #tpu.memory_space<vmem_shared>> -> memref<632x128xf32, #tpu.memory_space<vmem_shared>>
      tpu.wait_dma2 semaphore(%run_scoped3A : memref<!tpu.dma_semaphore, #tpu.memory_space<semaphore_mem>>) src(%dma_wait3A_17 : memref<632x128xf32, #tpu.memory_space<vmem_shared>>) dst(%dma_wait3A_15 : memref<632x128xf32, #tpu.memory_space<hbm>>)
      tpu.yield
    }) : () -> ()
    "tpu.region"() ({
      %run_scoped3A = tpu.sem_alloc : memref<!tpu.dma_semaphore, #tpu.memory_space<semaphore_mem>>
      %dma_start3A = arith.constant 0 : i32
      %dma_start3A_12 = tpu.memref_slice %arg8[%add3A, %dma_start3A] : memref<32x10112xf32, #tpu.memory_space<hbm>> -> memref<1x10112xf32, #tpu.memory_space<hbm>>
      %dma_start3A_13 = tpu.memref_squeeze %dma_start3A_12 : memref<1x10112xf32, #tpu.memory_space<hbm>> -> memref<10112xf32, #tpu.memory_space<hbm>>
      %dma_start3A_14 = arith.constant 0 : i32
      %dma_start3A_15 = tpu.memref_slice %arg8[%add3A, %dma_start3A_14] : memref<32x10112xf32, #tpu.memory_space<hbm>> -> memref<1x10112xf32, #tpu.memory_space<hbm>>
      %dma_start3A_16 = tpu.memref_squeeze %dma_start3A_15 : memref<1x10112xf32, #tpu.memory_space<hbm>> -> memref<10112xf32, #tpu.memory_space<hbm>>
      tpu.enqueue_dma source(%arg13 : memref<10112xf32, #tpu.memory_space<vmem>>) target(%dma_start3A_16 : memref<10112xf32, #tpu.memory_space<hbm>>) target_semaphore(%run_scoped3A : memref<!tpu.dma_semaphore, #tpu.memory_space<semaphore_mem>>)
      %dma_wait3A = arith.constant 0 : i32
      %dma_wait3A_17 = tpu.memref_slice %arg8[%add3A, %dma_wait3A] : memref<32x10112xf32, #tpu.memory_space<hbm>> -> memref<1x10112xf32, #tpu.memory_space<hbm>>
      %dma_wait3A_18 = tpu.memref_squeeze %dma_wait3A_17 : memref<1x10112xf32, #tpu.memory_space<hbm>> -> memref<10112xf32, #tpu.memory_space<hbm>>
      %dma_wait3A_19 = arith.constant 0 : i32
      %dma_wait3A_20 = tpu.memref_slice %arg8[%add3A, %dma_wait3A_19] : memref<32x10112xf32, #tpu.memory_space<hbm>> -> memref<1x10112xf32, #tpu.memory_space<hbm>>
      %dma_wait3A_21 = tpu.memref_squeeze %dma_wait3A_20 : memref<1x10112xf32, #tpu.memory_space<hbm>> -> memref<10112xf32, #tpu.memory_space<hbm>>
      tpu.wait_dma2 semaphore(%run_scoped3A : memref<!tpu.dma_semaphore, #tpu.memory_space<semaphore_mem>>) src(%arg13 : memref<10112xf32, #tpu.memory_space<vmem>>) dst(%dma_wait3A_21 : memref<10112xf32, #tpu.memory_space<hbm>>)
      tpu.yield
    }) : () -> ()
    return
  }
}

module attributes {stable_mosaic.version = 14 : i64} {
  func.func @body(%arg0: i32, %arg1: memref<2000x128xf32, #tpu.memory_space<vmem>>, %arg2: memref<2000x128xf32, #tpu.memory_space<vmem>>, %arg3: memref<2000x128xf32, #tpu.memory_space<vmem>>, %arg4: memref<2000x32xf32, #tpu.memory_space<vmem>>, %arg5: memref<128x256xf32, #tpu.memory_space<vmem>>, %arg6: memref<1x128xf32, #tpu.memory_space<vmem>>, %arg7: memref<2000x128xf32, #tpu.memory_space<vmem>>) attributes {dimension_semantics = [#tpu.dimension_semantics<arbitrary>], iteration_bounds = array<i64: 5>, scalar_prefetch = 0 : i64, scratch_operands = 0 : i64, tpu.core_type = #tpu.core_type<tc>, window_params = [{transform_indices = @transform_0, window_bounds = array<i64: 2000, 128>}, {transform_indices = @transform_1, window_bounds = array<i64: 2000, 128>}, {transform_indices = @transform_2, window_bounds = array<i64: 2000, 128>}, {transform_indices = @transform_3, window_bounds = array<i64: 2000, 32>}, {pipeline_mode = #tpu.pipeline_mode<synchronous>, transform_indices = @transform_4, window_bounds = array<i64: 128, 256>}, {pipeline_mode = #tpu.pipeline_mode<synchronous>, transform_indices = @transform_5, window_bounds = array<i64: 1, 128>}, {transform_indices = @transform_6, window_bounds = array<i64: 2000, 128>}]} {
    %get3A = arith.constant 0 : index
    %get3A_0 = arith.constant 0 : index
    %get3A_1 = vector.load %arg2[%get3A, %get3A_0] : memref<2000x128xf32, #tpu.memory_space<vmem>>, vector<2000x128xf32>
    %get3A_2 = arith.constant 0 : index
    %get3A_3 = arith.constant 0 : index
    %get3A_4 = vector.load %arg3[%get3A_2, %get3A_3] : memref<2000x128xf32, #tpu.memory_space<vmem>>, vector<2000x128xf32>
    %add3A = arith.addf %get3A_1, %get3A_4 : vector<2000x128xf32>
    %get3A_5 = arith.constant 0 : index
    %get3A_6 = arith.constant 0 : index
    %get3A_7 = vector.load %arg4[%get3A_5, %get3A_6] : memref<2000x32xf32, #tpu.memory_space<vmem>>, vector<2000x32xf32>
    %reduce_sum3A = arith.constant dense<0.000000e+00> : vector<2000xf32>
    %reduce_sum3A_8 = vector.multi_reduction <add>, %get3A_7, %reduce_sum3A [1] : vector<2000x32xf32> to vector<2000xf32>
    %broadcast_in_dim3A = vector.shape_cast %reduce_sum3A_8 : vector<2000xf32> to vector<2000x1xf32>
    %max3A = arith.constant 1.000000e+00 : f32
    %max3A_9 = vector.broadcast %max3A : f32 to vector<2000x1xf32>
    %max3A_10 = arith.maximumf %broadcast_in_dim3A, %max3A_9 : vector<2000x1xf32>
    %div3A = vector.broadcast %max3A_10 : vector<2000x1xf32> to vector<2000x128xf32>
    %div3A_11 = arith.divf %add3A, %div3A : vector<2000x128xf32>
    %get3A_12 = arith.constant 0 : index
    %get3A_13 = arith.constant 0 : index
    %get3A_14 = vector.load %arg5[%get3A_12, %get3A_13] : memref<128x256xf32, #tpu.memory_space<vmem>>, vector<128x128xf32>
    %get3A_15 = arith.constant 0 : index
    %get3A_16 = arith.constant 128 : index
    %get3A_17 = vector.load %arg5[%get3A_15, %get3A_16] : memref<128x256xf32, #tpu.memory_space<vmem>>, vector<128x128xf32>
    %get3A_18 = arith.constant 0 : index
    %get3A_19 = arith.constant 0 : index
    %get3A_20 = vector.load %arg1[%get3A_18, %get3A_19] : memref<2000x128xf32, #tpu.memory_space<vmem>>, vector<2000x128xf32>
    %dot_general3A = arith.constant dense<0.000000e+00> : vector<2000x128xf32>
    %dot_general3A_21 = tpu.matmul %get3A_20, %get3A_14, %dot_general3A {dimension_numbers = #tpu.dot_dimension_numbers<[1], [1], [0], [0], [0, 0, 1, 0], [], []>, transpose_lhs_hint = false} : vector<2000x128xf32>, vector<128x128xf32>, vector<2000x128xf32> -> vector<2000x128xf32>
    %dot_general3A_22 = arith.constant dense<0.000000e+00> : vector<2000x128xf32>
    %dot_general3A_23 = tpu.matmul %div3A_11, %get3A_17, %dot_general3A_22 {dimension_numbers = #tpu.dot_dimension_numbers<[1], [1], [0], [0], [0, 0, 1, 0], [], []>, transpose_lhs_hint = false} : vector<2000x128xf32>, vector<128x128xf32>, vector<2000x128xf32> -> vector<2000x128xf32>
    %add3A_24 = arith.addf %dot_general3A_21, %dot_general3A_23 : vector<2000x128xf32>
    %get3A_25 = arith.constant 0 : index
    %get3A_26 = arith.constant 0 : index
    %get3A_27 = vector.load %arg6[%get3A_25, %get3A_26] : memref<1x128xf32, #tpu.memory_space<vmem>>, vector<1x128xf32>
    %add3A_28 = vector.broadcast %get3A_27 : vector<1x128xf32> to vector<2000x128xf32>
    %add3A_29 = arith.addf %add3A_24, %add3A_28 : vector<2000x128xf32>
    %swap3A = arith.constant 0 : index
    %swap3A_30 = arith.constant 0 : index
    %swap3A_31 = vector.load %arg7[%swap3A, %swap3A_30] : memref<2000x128xf32, #tpu.memory_space<vmem>>, vector<2000x128xf32>
    tpu.vector_store %arg7[%swap3A, %swap3A_30], %add3A_29 {strides = array<i32>} : memref<2000x128xf32, #tpu.memory_space<vmem>>, vector<2000x128xf32>,
    return
  }
  func.func @transform_0(%arg0: i32) -> (i32, i32) {
    %c0_i32 = arith.constant 0 : i32
    %c0_i32_0 = arith.constant 0 : i32
    return %arg0, %c0_i32 : i32, i32
  }
  func.func @transform_1(%arg0: i32) -> (i32, i32) {
    %c0_i32 = arith.constant 0 : i32
    %c0_i32_0 = arith.constant 0 : i32
    return %arg0, %c0_i32 : i32, i32
  }
  func.func @transform_2(%arg0: i32) -> (i32, i32) {
    %c0_i32 = arith.constant 0 : i32
    %c0_i32_0 = arith.constant 0 : i32
    return %arg0, %c0_i32 : i32, i32
  }
  func.func @transform_3(%arg0: i32) -> (i32, i32) {
    %c0_i32 = arith.constant 0 : i32
    %c0_i32_0 = arith.constant 0 : i32
    return %arg0, %c0_i32 : i32, i32
  }
  func.func @transform_4(%arg0: i32) -> (i32, i32) {
    %c0_i32 = arith.constant 0 : i32
    %c0_i32_0 = arith.constant 0 : i32
    %c0_i32_1 = arith.constant 0 : i32
    return %c0_i32, %c0_i32_0 : i32, i32
  }
  func.func @transform_5(%arg0: i32) -> (i32, i32) {
    %c0_i32 = arith.constant 0 : i32
    %c0_i32_0 = arith.constant 0 : i32
    %c0_i32_1 = arith.constant 0 : i32
    return %c0_i32, %c0_i32_0 : i32, i32
  }
  func.func @transform_6(%arg0: i32) -> (i32, i32) {
    %c0_i32 = arith.constant 0 : i32
    %c0_i32_0 = arith.constant 0 : i32
    return %arg0, %c0_i32 : i32, i32
  }
}

</mosaic_0001>

<sc_bundles>
// kernel: kernel.4.cloned.1.call-start
scs
__scs_entry_jumppad:
0x0: {  	(pc) =	sbr.rel $0x88, $3  }
0x1: {  	(tag) =	ssettag $0x0;
	lr =	simm.s32 $0x1  }
0x2: {  	[smem:$0x3F9D] =	sst lr;
	_ =	strace $0xD0000000  }
0x3: {  	_ = 	snop  }
0x4: {  	_ = 	snop  }
0x5: {  	_ = 	snop  }
0x6: {  	_ = 	snop  }
0x7: {  	_ = 	snop  }
__scs_overlays_trampoline_lowered:
0x8: {  	[smem:$0x3FAC] =	sst s0  }
0x9: {  	[smem:$0x3FAD] =	sst s1  }
0xa: {  	[smem:$0x3FAE] =	sst s2  }
0xb: {  	[smem:$0x3FAF] =	sst s3  }
0xc: {  	[smem:$0x3FB0] =	sst s4  }
0xd: {  	[smem:$0x3FB1] =	sst s5  }
0xe: {  	[smem:$0x3FB2] =	sst s6  }
0xf: {  	[smem:$0x3FB3] =	sst s7  }
0x10: {  	[smem:$0x3FB4] =	sst s8  }
0x11: {  	[smem:$0x3FB5] =	sst s9;
	s0 =	simm.s32 @!p0 $0x0  }
0x12: {  	s1 =	sld [smem:$0x3F9B];
	s0 =	simm.s32 @p0 $0x1  }
0x13: {  	[smem:$0x3FB6] =	sst s0;
	s0 =	simm.s32 @!p1 $0x0  }
0x14: {  	s2 =	sld [smem:$0x3F9A];
	s0 =	simm.s32 @p1 $0x1  }
0x15: {  	[smem:$0x3FB7] =	sst s0;
	s0 =	simm.s32 @!p2 $0x0  }
0x16: {  	s3 =	sld [smem:$0x3FDB];
	s0 =	simm.s32 @p2 $0x1  }
0x17: {  	s4 =	simm.s32 $0x1BF5;
	[smem:$0x3FB9] =	sst s0  }
0x18: {  	s0 =	sld [smem:$0x3F9C];
	_ =	swait.ge [sflag:s4], $0x0  }
0x19: {  	s7 =	sld [smem:$0x3F9D]  }
0x1a: {  	s8 =	sadd.s32 $0xFFFFE003, lr  }
0x1b: {  	s9 =	sadd.s32 $0xFFFFFEF7, lr;
	s5 =	simm.s32 $0xFFFFFFFF;
	p2 =	slt.u32 s8, $0xFFFFF086  }
0x1c: {  	p1 =	slt.u32 s9, $0xF7A;
	s5 =	simm.s32 @!p2 $0x0  }
0x1d: {  	s5 =	simm.s32 @p1 $0x1;
	p0 =	seq.s32 s7, s2  }
0x1e: {  	s7 =	smul.u32 @!p0 $0xF7A, s2;
	p2 =	seq.s32 @!p0 s5, $0x0  }
0x1f: {  	s9 =	smul.u32 $0xF7A, s1;
	s8 =	simm.s32 @!p0 $0x1BF5;
	p2 =	por !p2, p0  }
0x20: {  	[sflag:s8] =	ssyncset.s32 @!p0 $0xFFFFF086;
	s6 =	sadd.s32 @!p0 s3, s7;
	s7 =	simm.s32 @!p0 $0x108  }
0x21: {  	s3 =	sadd.s32 s3, s9;
	s6 =	sadd.s32 @!p0 $0x88, s6;
	s7 =	simm.s32 @p2 $0x1082  }
0x22: {  	[simem:s7], [sflag:s8] =	dma.local @!p0 [hbm:s6], $0xF7A  }
0x23: {  	s9 =	sor.u32 $0xD0000000, s2;
	s6 =	simm.s32 $0x108;
	_ =	swait.ge @!p0 [sflag:s8], $0x0  }
0x24: {  	s3 =	sadd.s32 $0x88, s3;
	s6 =	simm.s32 @!p1 $0x1082;
	[sflag:s4] =	ssyncset.s32 $0xFFFFF086  }
0x25: {  	[simem:s6], [sflag:s4] =	dma.local [hbm:s3], $0xF7A  }
0x26: {  	[smem:$0x3F9D] =	sst s1;
	(tag) =	ssettag s2;
	_ =	strace s9  }
0x27: {  	s1 =	sld [smem:$0x3FAD]  }
0x28: {  	s2 =	sld [smem:$0x3FAE]  }
0x29: {  	s4 =	sld [smem:$0x3FB0]  }
0x2a: {  	p0 =	seq.s32 s5, $0x0;
	s5 =	sld [smem:$0x3FB1]  }
0x2b: {  	s6 =	sld [smem:$0x3FB2]  }
0x2c: {  	s7 =	sld [smem:$0x3FB3]  }
0x2d: {  	s3 =	simm.s32 $0x108;
	s8 =	sld [smem:$0x3FB4]  }
0x2e: {  	s3 =	simm.s32 @!p0 $0x1082;
	s9 =	sld [smem:$0x3FB5]  }
0x2f: {  	lr =	sadd.s32 s0, s3;
	s0 =	sld [smem:$0x3FAC]  }
0x30: {  	s3 =	sld [smem:$0x3FAF]  }
0x31: {  	[smem:$0x3FB8] =	sst s10  }
0x32: {  	s10 =	sld [smem:$0x3FB6];
	_ =	sdelay $0x3  }
0x33: {  	p0 =	seq.s32 s10, $0x1;
	s10 =	sld [smem:$0x3FB8];
	_ =	sdelay $0x3  }
0x34: {  	[smem:$0x3FB8] =	sst s10  }
0x35: {  	s10 =	sld [smem:$0x3FB7];
	_ =	sdelay $0x3  }
0x36: {  	p1 =	seq.s32 s10, $0x1;
	s10 =	sld [smem:$0x3FB8];
	_ =	sdelay $0x3  }
0x37: {  	[smem:$0x3FB8] =	sst s10  }
0x38: {  	s10 =	sld [smem:$0x3FB9]  }
0x39: {  	_ = 	snop;
	(pc) =	sbr.ind lr, $3  }
0x3a: {  	_ = 	snop  }
0x3b: {  	_ = 	snop  }
0x3c: {  	p2 =	seq.s32 s10, $0x1;
	s10 =	sld [smem:$0x3FB8]  }
0x3d: {  	_ =	shalt  }
0x3e: {  	_ =	shalt  }
0x3f: {  	_ =	shalt  }
0x40: {  	_ =	shalt  }
0x41: {  	_ =	shalt  }
0x42: {  	_ =	shalt  }
0x43: {  	_ =	shalt  }
0x44: {  	_ =	shalt  }
0x45: {  	_ =	shalt  }
0x46: {  	_ =	shalt  }
0x47: {  	_ =	shalt  }
0x48: {  	_ =	shalt  }
0x49: {  	_ =	shalt  }
0x4a: {  	_ =	shalt  }
0x4b: {  	_ =	shalt  }
0x4c: {  	_ =	shalt  }
0x4d: {  	_ =	shalt  }
0x4e: {  	_ =	shalt  }
0x4f: {  	_ =	shalt  }
0x50: {  	_ =	shalt  }
0x51: {  	_ =	shalt  }
0x52: {  	_ =	shalt  }
0x53: {  	_ =	shalt  }
0x54: {  	_ =	shalt  }
0x55: {  	_ =	shalt  }
0x56: {  	_ =	shalt  }
0x57: {  	_ =	shalt  }
0x58: {  	_ =	shalt  }
0x59: {  	_ =	shalt  }
0x5a: {  	_ =	shalt  }
0x5b: {  	_ =	shalt  }
0x5c: {  	_ =	shalt  }
0x5d: {  	_ =	shalt  }
0x5e: {  	_ =	shalt  }
0x5f: {  	_ =	shalt  }
0x60: {  	_ =	shalt  }
0x61: {  	_ =	shalt  }
0x62: {  	_ =	shalt  }
0x63: {  	_ =	shalt  }
0x64: {  	_ =	shalt  }
0x65: {  	_ =	shalt  }
0x66: {  	_ =	shalt  }
0x67: {  	_ =	shalt  }
0x68: {  	_ =	shalt  }
0x69: {  	_ =	shalt  }
0x6a: {  	_ =	shalt  }
0x6b: {  	_ =	shalt  }
0x6c: {  	_ =	shalt  }
0x6d: {  	_ =	shalt  }
0x6e: {  	_ =	shalt  }
0x6f: {  	_ =	shalt  }
0x70: {  	_ =	shalt  }
0x71: {  	_ =	shalt  }
0x72: {  	_ =	shalt  }
0x73: {  	_ =	shalt  }
0x74: {  	_ =	shalt  }
0x75: {  	_ =	shalt  }
0x76: {  	_ =	shalt  }
0x77: {  	_ =	shalt  }
0x78: {  	_ =	shalt  }
0x79: {  	_ =	shalt  }
0x7a: {  	_ =	shalt  }
0x7b: {  	_ =	shalt  }
0x7c: {  	_ =	shalt  }
0x7d: {  	_ =	shalt  }
0x7e: {  	_ =	shalt  }
0x7f: {  	_ =	shalt  }
0x80: {  	_ =	shalt  }
0x81: {  	_ =	shalt  }
0x82: {  	_ =	shalt  }
0x83: {  	_ =	shalt  }
0x84: {  	_ =	shalt  }
0x85: {  	_ =	shalt  }
0x86: {  	_ =	shalt  }
0x87: {  	_ =	shalt  }
.Lfunc_end0:
.L_simem_size_0:
called_computation_lowered:
.L_overlay_start_0:
0x88: {  	s2 =	sld [smem:$0x3FD9]  }
0x89: {  	s3 =	sld [smem:$0x3FFE];
	_ =	sdelay $0x1  }
0x8a: {  	s1 =	srdreg.scid  }
0x8b: {  	s0 =	sand.u32 $0x1, s1  }
0x8c: {  	s17 =	sshll.u32 s0, $0xA;
	s2 =	sadd.s32 s3, s2  }
0x8d: {  	s2 =	sadd.s32 s2, s17  }
0x8e: {  	[smem:$0x3FC4] =	sst s2  }
0x8f: {  	_ = 	snop  }
0x90: {  	s2 =	sld [smem:$0x3FC9]  }
0x91: {  	s18 =	sld [smem:$0x3FD0];
	(tm) =	ssettm $0x1  }
0x92: {  	s4 =	sld [smem:$0x3FFB];
	_ =	sdelay $0x3  }
0x93: {  	_ =	strace s4  }
0x94: {  	s4 =	sld [smem:$0x3FFC];
	_ =	sdelay $0x3  }
0x95: {  	_ =	strace s4  }
0x96: {  	s4 =	sld [smem:$0x3FFD];
	_ =	sdelay $0x3  }
0x97: {  	_ =	strace s4  }
0x98: {  	_ =	strace $0x8FFFFFFF  }
0x99: {  	s19 =	sld [smem:$0x3FDB];
	_ =	sdelay $0x1  }
0x9a: {  	s5 =	simm.s32 $_scs_section_size  }
0x9b: {  	s6 =	simm.s32 $_size__tile_overlayer_lowered;
	s7 =	simm.s32 $_tile_overlayer_lowered  }
0x9c: {  	s22 =	simm.s32 $0x1BFF;
	s21 =	sshll.u32 s7, $0x1;
	s4 =	sadd.s32 s5, s19  }
0x9d: {  	s8 =	simm.s32 $0x0;
	s20 =	sshll.u32 s6, $0x1;
	s6 =	sadd.s32 s21, s4  }
0x9e: {  	[timem:s8], [sflag:s22] =	dma.local [hbm:s6], s20  }
0x9f: {  	_ =	swait.ge [sflag:s22], s20  }
0xa0: {  	s5 =	ssub.s32 $0x0, s20;
	[sflag:s22] =	ssyncset.done $0x0  }
0xa1: {  	[sflag:s22] =	ssyncadd.s32 s5;
	_ =	sdelay $0x1  }
0xa2: {  	s23 =	simm.s32 $0x1B8B  }
0xa3: {  	_ =	swait.ge [sflag:s23], $0x1  }
0xa4: {  	[sflag:s23] =	ssyncset.done $0x0  }
0xa5: {  	s25 =	simm.s32 $0x1B8E;
	s24 =	sld [smem:$0x3FFE];
	[sflag:s23] =	ssyncadd.s32 $0xFFFFFFFF  }
0xa6: {  	s26 =	simm.s32 $execute0_lowered;
	[smem:$0x3FD2] =	sst s25  }
0xa7: {  	s6 =	sshll.u32 s26, $0x1;
	_ =	strace $0x80000046;
	[dreg:$0x1] =	wrdreg $0xFFFFFFFF  }
0xa8: {  	s28 =	simm.s32 $_size_execute0_lowered;
	s4 =	sadd.s32 s4, s6;
	[dreg:$0x0] =	wrdreg $0x0  }
0xa9: {  	s6 =	sshll.u32 s28, $0x1;
	[dreg:$0x2] =	wrdreg s4  }
0xaa: {  	[dreg:$0x3] =	wrdreg s6  }
0xab: {  	[dreg:$0x4] =	wrdreg $0xC0  }
0xac: {  	_ =	task [dreg:s8], $0x5FFFF  }
0xad: {  	[dreg:$0x1] =	wrdreg $0xFFFFFFFF  }
0xae: {  	[dreg:$0x0] =	wrdreg $0x60  }
0xaf: {  	[dreg:$0x2] =	wrdreg s2  }
0xb0: {  	[dreg:$0x3] =	wrdreg s18  }
0xb1: {  	[dreg:$0x4] =	wrdreg s24  }
0xb2: {  	[dreg:$0x5] =	wrdreg $0x8F800  }
0xb3: {  	[dreg:$0x6] =	wrdreg $0x9  }
0xb4: {  	_ =	task.clear_ibuf [dreg:s8], $0x7FFFF;
	_ =	strace $0x90000046  }
0xb5: {  	s29 =	simm.s32 $0x9;
	_ =	strace $0x80000048  }
0xb6: {  	_ =	swait.ge [sflag:s29], $0x1  }
0xb7: {  	[sflag:s29] =	ssyncadd.s32 $0xFFFFFFFF  }
0xb8: {  	_ =	strace $0x90000048  }
0xb9: {  	_ =	sfence  }
0xba: {  	s30 =	sld [smem:$0x0];
	_ =	sdelay $0x2  }
0xbb: {  	s31 =	sshll.u32 s1, $0xD;
	s1 =	sshrl.u32 s1, $0x2  }
0xbc: {  	s3 =	sand.u32 $0x4000, s31;
	s1 =	sadd.s32 s1, s30  }
0xbd: {  	s0 =	sor.u32 s3, s0;
	s1 =	sshll.u32 s1, $0x11  }
0xbe: {  	s0 =	sor.u32 s1, s0  }
0xbf: {  	s0 =	sadd.s32 $0x8F2B, s0  }
0xc0: {  	[sflag:s0] =	ssyncadd.remote.s32 $0x1  }
0xc1: {  	_ =	sfence.sel $0xFFFF  }
0xc2: {  	[dreg:$0x0] =	wrdreg $0xFFFFFFFF;
	(pc) =	sbr.abs _section_cstart, $3  }
0xc3: {  	[dreg:$0x1] =	wrdreg $0xFFFFFFFF  }
0xc4: {  	_ =	task.clear_ibuf [dreg:s8], $0x2FFFF;
	_ =	strace $0x9FFFFFFF  }
0xc5: {  	(tm) =	ssettm $0x7FFFFFFF  }
tec
execute0_lowered:
.L_overlay_start_1:
0x0: {  	(tag) =	ssettag $0x1  }
0x1: {  	s1 =	rddreg [dreg:$0x0]  }
0x2: {  	s5 =	rddreg [dreg:$0x1]  }
0x3: {  	s0 =	rddreg [dreg:$0x2]  }
0x4: {  	s3 =	rddreg [dreg:$0x3];
	s4 =	simm.s32 $0x0  }
0x5: {  	s26 =	simm.s32 $0x100;
	[smem:$0x7FF] =	sst s4  }
0x6: {  	s9 =	simm.s32 $0x200;
	_ =	strace $0x80000047;
	[dreg:$0x7] =	wrdreg s26  }
0x7: {  	s11 =	simm.s32 $0x1580;
	[dreg:$0xb] =	wrdreg s9  }
0x8: {  	s12 =	simm.s32 $0x280;
	[dreg:$0xc] =	wrdreg s11  }
0x9: {  	s13 =	simm.s32 $0x1600;
	[dreg:$0xd] =	wrdreg s12  }
0xa: {  	s14 =	simm.s32 $0x300;
	[dreg:$0xe] =	wrdreg s13  }
0xb: {  	s15 =	simm.s32 $0x1680;
	[dreg:$0xf] =	wrdreg s14  }
0xc: {  	s16 =	simm.s32 $0x380;
	[dreg:$0x10] =	wrdreg s15  }
0xd: {  	s17 =	simm.s32 $0x1700;
	[dreg:$0x11] =	wrdreg s16  }
0xe: {  	s18 =	simm.s32 $0x1780;
	[dreg:$0x12] =	wrdreg s17  }
0xf: {  	s19 =	simm.s32 $0x480;
	[dreg:$0x13] =	wrdreg s18  }
0x10: {  	s20 =	simm.s32 $0x1800;
	[dreg:$0x14] =	wrdreg s19  }
0x11: {  	s21 =	simm.s32 $0x500;
	[dreg:$0x15] =	wrdreg s20  }
0x12: {  	s22 =	simm.s32 $0x1880;
	[dreg:$0x16] =	wrdreg s21  }
0x13: {  	s23 =	simm.s32 $0x580;
	[dreg:$0x17] =	wrdreg s22  }
0x14: {  	[dreg:$0x18] =	wrdreg s23;
	s26 =	simm.s32 $0x1980  }
0x15: {  	s9 =	simm.s32 $0x1A80;
	[dreg:$0x1b] =	wrdreg s26  }
0x16: {  	s12 =	sadd.s32 $0x15600, s0;
	[dreg:$0x1f] =	wrdreg s9  }
0x17: {  	s11 =	simm.s32 $0x780;
	[smem:$0x7D0] =	sst s12  }
0x18: {  	s13 =	simm.s32 $0x1B00;
	[smem:$0x7D1] =	sst s11  }
0x19: {  	s15 =	simm.s32 $0x800;
	[smem:$0x7D2] =	sst s13  }
0x1a: {  	s18 =	sadd.s32 $0x15000, s0;
	[smem:$0x7D3] =	sst s15  }
0x1b: {  	s17 =	simm.s32 $0x1B80;
	[smem:$0x7D4] =	sst s18  }
0x1c: {  	s10 =	stileid.u32;
	s19 =	simm.s32 $0x880;
	[smem:$0x7D5] =	sst s17  }
0x1d: {  	s6 =	smul.u32 $0x1400, s10;
	s20 =	simm.s32 $0x1C00;
	[smem:$0x7D6] =	sst s19  }
0x1e: {  	s21 =	simm.s32 $0x900;
	[smem:$0x7D7] =	sst s20  }
0x1f: {  	s23 =	simm.s32 $0x1C80;
	s8 =	sadd.s32 s6, s0;
	[smem:$0x7D8] =	sst s21  }
0x20: {  	s5 =	sadd.s32 s6, s5;
	s6 =	simm.s32 $0x1480;
	[smem:$0x7D9] =	sst s23  }
0x21: {  	s26 =	simm.s32 $0x1D00;
	[dreg:$0x8] =	wrdreg s6  }
0x22: {  	s11 =	simm.s32 $0xA00;
	[smem:$0x7DB] =	sst s26  }
0x23: {  	s12 =	simm.s32 $0x1D80;
	[smem:$0x7DC] =	sst s11  }
0x24: {  	s13 =	simm.s32 $0xA80;
	[smem:$0x7DD] =	sst s12  }
0x25: {  	s2 =	srdreg.scid;
	s15 =	simm.s32 $0xB00;
	[smem:$0x7DE] =	sst s13  }
0x26: {  	s2 =	sand.u32 $0x1, s2;
	s17 =	simm.s32 $0xB80;
	[smem:$0x7E0] =	sst s15  }
0x27: {  	s7 =	smul.u32 $0xA00, s2;
	s19 =	simm.s32 $0x1F00;
	[smem:$0x7E2] =	sst s17  }
0x28: {  	s28 =	simm.s32 $0x1200;
	s21 =	simm.s32 $0xC00;
	[smem:$0x7E3] =	sst s19  }
0x29: {  	s29 =	simm.s32 $0x2580;
	s5 =	sadd.s32 s7, s5;
	[smem:$0x7E4] =	sst s21  }
0x2a: {  	s24 =	sadd.s32 s7, s8;
	s7 =	simm.s32 $0x180;
	[dreg:$0x5] =	wrdreg s5  }
0x2b: {  	s30 =	simm.s32 $0x1280;
	s8 =	simm.s32 $0x1500;
	[dreg:$0x9] =	wrdreg s7  }
0x2c: {  	s31 =	simm.s32 $0x2600;
	s6 =	simm.s32 $0x680;
	[dreg:$0xa] =	wrdreg s8  }
0x2d: {  	s14 =	smul.u32 $0x2780, s10;
	s11 =	simm.s32 $0x2080;
	[dreg:$0x1c] =	wrdreg s6  }
0x2e: {  	s16 =	smul.u32 $0x27800, s2;
	s12 =	simm.s32 $0xD80;
	[smem:$0x7EA] =	sst s11  }
0x2f: {  	s22 =	sshrl.u32 s10, $0x2;
	s13 =	simm.s32 $0x2100;
	[smem:$0x7EC] =	sst s12  }
0x30: {  	s9 =	sshll.u32 s2, $0x7;
	s15 =	simm.s32 $0x2180;
	[smem:$0x7EE] =	sst s13  }
0x31: {  	s2 =	ssub.s32 $0x2, s2;
	s17 =	simm.s32 $0x2200;
	[smem:$0x7F0] =	sst s15  }
0x32: {  	s20 =	smul.u32 $0x4F000, s10;
	s19 =	simm.s32 $0x2280;
	[smem:$0x7F2] =	sst s17  }
0x33: {  	s18 =	sshrl.u32 s2, $0x1;
	s21 =	simm.s32 $0x2300;
	[smem:$0x7F4] =	sst s19  }
0x34: {  	s26 =	sshll.u32 s10, $0x6;
	s25 =	sadd.s32 $0x1000, s24;
	[smem:$0x7F6] =	sst s21  }
0x35: {  	s24 =	simm.s32 $0x1900;
	s7 =	simm.s32 $0x1A00;
	[dreg:$0x6] =	wrdreg s25  }
0x36: {  	s8 =	simm.s32 $0x700;
	s6 =	sadd.s32 s14, s16;
	[dreg:$0x19] =	wrdreg s24  }
0x37: {  	s14 =	simm.s32 $0x1E00;
	s16 =	simm.s32 $0x1E80;
	[dreg:$0x1d] =	wrdreg s7  }
0x38: {  	s2 =	ssub.s32 s2, s18;
	s23 =	sshrl.u32 s20, $0x2;
	[dreg:$0x1e] =	wrdreg s8  }
0x39: {  	s12 =	simm.s32 $0x5;
	s13 =	simm.s32 $0x6800;
	[smem:$0x7DF] =	sst s14  }
0x3a: {  	s18 =	simm.s32 $0xF00;
	s15 =	simm.s32 $0x40;
	[smem:$0x7E1] =	sst s16  }
0x3b: {  	s20 =	simm.s32 $0xF80;
	s17 =	simm.s32 $0x80;
	[smem:$0x7F3] =	sst s18  }
0x3c: {  	s19 =	simm.s32 $0x1;
	s25 =	simm.s32 $0x600;
	[smem:$0x7F5] =	sst s20  }
0x3d: {  	s21 =	simm.s32 $0x2;
	s24 =	simm.s32 $0x980;
	[dreg:$0x1a] =	wrdreg s25  }
0x3e: {  	s7 =	smul.u32 $0x13C00, s22;
	s22 =	simm.s32 $0x1F80;
	[smem:$0x7DA] =	sst s24  }
0x3f: {  	s5 =	simm.s32 $0x1380;
	s2 =	smax.u32 s2, $0x1;
	[smem:$0x7E5] =	sst s22  }
0x40: {  	s6 =	sadd.s32 s6, s0;
	s14 =	simm.s32 $0xE00;
	[smem:$0x7ED] =	sst s2  }
0x41: {  	s16 =	simm.s32 $0xE80;
	s18 =	simm.s32 $0x4800;
	[smem:$0x7EF] =	sst s14  }
0x42: {  	s20 =	simm.s32 $0x3;
	s24 =	simm.s32 $0xC80;
	[smem:$0x7F1] =	sst s16  }
0x43: {  	s25 =	sshll.u32 s10, $0x8;
	s6 =	sadd.s32 $0x17E00, s6;
	[smem:$0x7E6] =	sst s24  }
0x44: {  	s10 =	sor.u32 $0x1C05, s26;
	s22 =	simm.s32 $0x1000;
	[smem:$0x7E9] =	sst s6  }
0x45: {  	s14 =	simm.s32 $0x1400;
	s26 =	simm.s32 $0x1100;
	[smem:$0x7F7] =	sst s22  }
0x46: {  	s16 =	simm.s32 $0x2800;
	s2 =	simm.s32 $0x1300;
	[smem:$0x7FB] =	sst s26  }
0x47: {  	s8 =	sor.u32 s9, s25;
	s25 =	simm.s32 $0x2000;
	[smem:$0x7FC] =	sst s10  }
0x48: {  	s9 =	simm.s32 $0xD00;
	s24 =	simm.s32 $0x1080;
	[smem:$0x7E7] =	sst s25  }
0x49: {  	s22 =	simm.s32 $0x4;
	s26 =	simm.s32 $0x2500;
	[smem:$0x7E8] =	sst s9  }
0x4a: {  	s6 =	simm.s32 $0x2700;
	s8 =	sand.u32 $0x380, s8;
	[smem:$0x7F9] =	sst s24  }
0x4b: {  	s25 =	simm.s32 $0x2400;
	s24 =	simm.s32 $0x2480;
	s9 =	simm.s32 $0x0  }
0x4c: {  	s7 =	sor.u32 s7, s8;
	s8 =	sadd.s32 s23, s3;
	s23 =	simm.s32 $0x2380  }
0x4d: {  	[smem:$0x7FA] =	sst s25;
	s25 =	simm.s32 $0x1180;
	s7 =	sshrl.u32 s7, $0x3  }
0x4e: {  	s11 =	sshrl.u32 s8, $0x3;
	[smem:$0x7F8] =	sst s23;
	s0 =	sadd.s32 s7, s0  }
0x4f: {  	s23 =	simm.s32 $0x400;
	[smem:$0x7FD] =	sst s11;
	s0 =	sadd.s32 $0x66E00, s0  }
0x50: {  	v0 =	vimm.f32 $1.000000000e+00;
	s8 =	simm.s32 $0x2780;
	[smem:$0x7EB] =	sst s0;
	s0 =	simm.s32 $0x2680  }
.LBB2_1:
0x51: {  	s7 =	sld [smem:$0x7D0];
	_ =	sdelay $0x2  }
0x52: {  	[spmem:s11], [sflag:s10] =	dma.local [hbm:s7], $0x2780  }
0x53: {  	_ =	swait.ge [sflag:s12], $0x2780  }
0x54: {  	s11 =	sld [smem:$0x7D4]  }
0x55: {  	[sflag:s12] =	ssyncset.done $0x0  }
0x56: {  	[sflag:s12] =	ssyncadd.s32 $0xFFFFD880  }
0x57: {  	[tilespmem:s13], [sflag:$0x5] =	stream.linear.gather [hbm4b:s11+s4], $0x2780, $0x38;
	[tilespmem:$0x1CB80] =	vst v63  }
0x58: {  	_ =	swait.ge [sflag:s12], $0x2780  }
0x59: {  	[sflag:s12] =	ssyncset.done $0x0  }
0x5a: {  	[sflag:s12] =	ssyncadd.s32 $0xFFFFD880  }
0x5b: {  	s10 =	simm.s32 $0x0;
	[bflag:$0x0] =	sbarrier.arrive $0xFFFF  }
.LBB2_2:
0x5c: {  	s7 =	rddreg [dreg:$0x5]  }
0x5d: {  	s7 =	sadd.s32 s10, s7  }
0x5e: {  	[tilespmem:s4], [sflag:$0x5] =	stream.linear.gather [hbm4b:s7+s4], $0x1400, $0x38;
	[tilespmem:$0x1CB80] =	vst v63  }
0x5f: {  	_ =	swait.ge [sflag:s12], $0x1400  }
0x60: {  	s11 =	rddreg [dreg:$0x6];
	[sflag:s12] =	ssyncset.done $0x0  }
0x61: {  	[sflag:s12] =	ssyncadd.s32 $0xFFFFEC00;
	s7 =	sadd.s32 s10, s11  }
0x62: {  	[tilespmem:s14], [sflag:$0x5] =	stream.linear.gather [hbm4b:s7+s4], $0x1400, $0x38;
	[tilespmem:$0x1CB80] =	vst v63  }
0x63: {  	_ =	swait.ge [sflag:s12], $0x1400  }
0x64: {  	[sflag:s12] =	ssyncset.done $0x0  }
0x65: {  	[sflag:s12] =	ssyncadd.s32 $0xFFFFEC00  }
0x66: {  	[tilespmem:s16], [sflag:$0x1] =	stream.indirect.gather [hbm4b:s1+s15], $0x80, s4, s15, $0xb8;
	[tilespmem:$0x1CB80] =	vst v63  }
0x67: {  	_ = 	snop  }
0x68: {  	[tilespmem:s18], [sflag:$0x2] =	stream.indirect.gather [hbm4b:s1+s15], $0x80, s17, s15, $0xb8;
	[tilespmem:$0x1CB80] =	vst v63  }
0x69: {  	v1 =	vld [tilespmem:$0x1400];
	_ =	sdelay $0x7  }
0x6a: {  	[tilespmem:v1+s13+$0x0] =	vst.idx.add.f32.msk $0xffff, v0  }
0x6b: {  	v1 =	vld [tilespmem:$0x1410];
	_ =	sdelay $0x7  }
0x6c: {  	[tilespmem:v1+s13+$0x0] =	vst.idx.add.f32.msk $0xffff, v0  }
0x6d: {  	v1 =	vld [tilespmem:$0x1420];
	_ =	sdelay $0x7  }
0x6e: {  	[tilespmem:v1+s13+$0x0] =	vst.idx.add.f32.msk $0xffff, v0  }
0x6f: {  	v1 =	vld [tilespmem:$0x1430];
	_ =	sdelay $0x7  }
0x70: {  	[tilespmem:v1+s13+$0x0] =	vst.idx.add.f32.msk $0xffff, v0  }
0x71: {  	_ =	swait.ge [sflag:s19], $0x2000  }
0x72: {  	[sflag:s19] =	ssyncset.done $0x0  }
0x73: {  	[sflag:s19] =	ssyncadd.s32 $0xFFFFE000  }
0x74: {  	[spmem:s3] =	stream.indirect.scatter.add.f32 [tilespmem:s16], [sflag:$0x3], $0x80, s14, s15, $0xb8;
	[tilespmem:$0x1CB80] =	vst v63  }
0x75: {  	_ =	swait.ge [sflag:s20], $0x2000  }
0x76: {  	[sflag:s20] =	ssyncset.done $0x0  }
0x77: {  	s11 =	rddreg [dreg:$0x7];
	[sflag:s20] =	ssyncadd.s32 $0xFFFFE000  }
0x78: {  	[tilespmem:s16], [sflag:$0x1] =	stream.indirect.gather [hbm4b:s1+s15], $0x80, s11, s15, $0xb8;
	[tilespmem:$0x1CB80] =	vst v63  }
0x79: {  	v1 =	vld [tilespmem:$0x1480];
	_ =	sdelay $0x7  }
0x7a: {  	[tilespmem:v1+s13+$0x0] =	vst.idx.add.f32.msk $0xffff, v0  }
0x7b: {  	v1 =	vld [tilespmem:$0x1490];
	_ =	sdelay $0x7  }
0x7c: {  	[tilespmem:v1+s13+$0x0] =	vst.idx.add.f32.msk $0xffff, v0  }
0x7d: {  	v1 =	vld [tilespmem:$0x14A0];
	_ =	sdelay $0x7  }
0x7e: {  	[tilespmem:v1+s13+$0x0] =	vst.idx.add.f32.msk $0xffff, v0  }
0x7f: {  	v1 =	vld [tilespmem:$0x14B0];
	_ =	sdelay $0x7  }
0x80: {  	[tilespmem:v1+s13+$0x0] =	vst.idx.add.f32.msk $0xffff, v0  }
0x81: {  	_ =	swait.ge [sflag:s21], $0x2000  }
0x82: {  	[sflag:s21] =	ssyncset.done $0x0  }
0x83: {  	s11 =	rddreg [dreg:$0x8];
	[sflag:s21] =	ssyncadd.s32 $0xFFFFE000  }
0x84: {  	[spmem:s3] =	stream.indirect.scatter.add.f32 [tilespmem:s18], [sflag:$0x4], $0x80, s11, s15, $0xb8;
	[tilespmem:$0x1CB80] =	vst v63  }
0x85: {  	_ =	swait.ge [sflag:s22], $0x2000  }
0x86: {  	[sflag:s22] =	ssyncset.done $0x0  }
0x87: {  	s11 =	rddreg [dreg:$0x9];
	[sflag:s22] =	ssyncadd.s32 $0xFFFFE000  }
0x88: {  	[tilespmem:s18], [sflag:$0x2] =	stream.indirect.gather [hbm4b:s1+s15], $0x80, s11, s15, $0xb8;
	[tilespmem:$0x1CB80] =	vst v63  }
0x89: {  	v1 =	vld [tilespmem:$0x1500];
	_ =	sdelay $0x7  }
0x8a: {  	[tilespmem:v1+s13+$0x0] =	vst.idx.add.f32.msk $0xffff, v0  }
0x8b: {  	v1 =	vld [tilespmem:$0x1510];
	_ =	sdelay $0x7  }
0x8c: {  	[tilespmem:v1+s13+$0x0] =	vst.idx.add.f32.msk $0xffff, v0  }
0x8d: {  	v1 =	vld [tilespmem:$0x1520];
	_ =	sdelay $0x7  }
0x8e: {  	[tilespmem:v1+s13+$0x0] =	vst.idx.add.f32.msk $0xffff, v0  }
0x8f: {  	v1 =	vld [tilespmem:$0x1530];
	_ =	sdelay $0x7  }
0x90: {  	[tilespmem:v1+s13+$0x0] =	vst.idx.add.f32.msk $0xffff, v0  }
0x91: {  	_ =	swait.ge [sflag:s19], $0x2000  }
0x92: {  	[sflag:s19] =	ssyncset.done $0x0  }
0x93: {  	s11 =	rddreg [dreg:$0xa];
	[sflag:s19] =	ssyncadd.s32 $0xFFFFE000  }
0x94: {  	[spmem:s3] =	stream.indirect.scatter.add.f32 [tilespmem:s16], [sflag:$0x3], $0x80, s11, s15, $0xb8;
	[tilespmem:$0x1CB80] =	vst v63  }
0x95: {  	_ =	swait.ge [sflag:s20], $0x2000  }
0x96: {  	[sflag:s20] =	ssyncset.done $0x0  }
0x97: {  	s11 =	rddreg [dreg:$0xb];
	[sflag:s20] =	ssyncadd.s32 $0xFFFFE000  }
0x98: {  	[tilespmem:s16], [sflag:$0x1] =	stream.indirect.gather [hbm4b:s1+s15], $0x80, s11, s15, $0xb8;
	[tilespmem:$0x1CB80] =	vst v63  }
0x99: {  	v1 =	vld [tilespmem:$0x1580];
	_ =	sdelay $0x7  }
0x9a: {  	[tilespmem:v1+s13+$0x0] =	vst.idx.add.f32.msk $0xffff, v0  }
0x9b: {  	v1 =	vld [tilespmem:$0x1590];
	_ =	sdelay $0x7  }
0x9c: {  	[tilespmem:v1+s13+$0x0] =	vst.idx.add.f32.msk $0xffff, v0  }
0x9d: {  	v1 =	vld [tilespmem:$0x15A0];
	_ =	sdelay $0x7  }
0x9e: {  	[tilespmem:v1+s13+$0x0] =	vst.idx.add.f32.msk $0xffff, v0  }
0x9f: {  	v1 =	vld [tilespmem:$0x15B0];
	_ =	sdelay $0x7  }
0xa0: {  	[tilespmem:v1+s13+$0x0] =	vst.idx.add.f32.msk $0xffff, v0  }
0xa1: {  	_ =	swait.ge [sflag:s21], $0x2000  }
0xa2: {  	[sflag:s21] =	ssyncset.done $0x0  }
0xa3: {  	s11 =	rddreg [dreg:$0xc];
	[sflag:s21] =	ssyncadd.s32 $0xFFFFE000  }
0xa4: {  	[spmem:s3] =	stream.indirect.scatter.add.f32 [tilespmem:s18], [sflag:$0x4], $0x80, s11, s15, $0xb8;
	[tilespmem:$0x1CB80] =	vst v63  }
0xa5: {  	_ =	swait.ge [sflag:s22], $0x2000  }
0xa6: {  	[sflag:s22] =	ssyncset.done $0x0  }
0xa7: {  	s11 =	rddreg [dreg:$0xd];
	[sflag:s22] =	ssyncadd.s32 $0xFFFFE000  }
0xa8: {  	[tilespmem:s18], [sflag:$0x2] =	stream.indirect.gather [hbm4b:s1+s15], $0x80, s11, s15, $0xb8;
	[tilespmem:$0x1CB80] =	vst v63  }
0xa9: {  	v1 =	vld [tilespmem:$0x1600];
	_ =	sdelay $0x7  }
0xaa: {  	[tilespmem:v1+s13+$0x0] =	vst.idx.add.f32.msk $0xffff, v0  }
0xab: {  	v1 =	vld [tilespmem:$0x1610];
	_ =	sdelay $0x7  }
0xac: {  	[tilespmem:v1+s13+$0x0] =	vst.idx.add.f32.msk $0xffff, v0  }
0xad: {  	v1 =	vld [tilespmem:$0x1620];
	_ =	sdelay $0x7  }
0xae: {  	[tilespmem:v1+s13+$0x0] =	vst.idx.add.f32.msk $0xffff, v0  }
0xaf: {  	v1 =	vld [tilespmem:$0x1630];
	_ =	sdelay $0x7  }
0xb0: {  	[tilespmem:v1+s13+$0x0] =	vst.idx.add.f32.msk $0xffff, v0  }
0xb1: {  	_ =	swait.ge [sflag:s19], $0x2000  }
0xb2: {  	[sflag:s19] =	ssyncset.done $0x0  }
0xb3: {  	s11 =	rddreg [dreg:$0xe];
	[sflag:s19] =	ssyncadd.s32 $0xFFFFE000  }
0xb4: {  	[spmem:s3] =	stream.indirect.scatter.add.f32 [tilespmem:s16], [sflag:$0x3], $0x80, s11, s15, $0xb8;
	[tilespmem:$0x1CB80] =	vst v63  }
0xb5: {  	_ =	swait.ge [sflag:s20], $0x2000  }
0xb6: {  	[sflag:s20] =	ssyncset.done $0x0  }
0xb7: {  	s11 =	rddreg [dreg:$0xf];
	[sflag:s20] =	ssyncadd.s32 $0xFFFFE000  }
0xb8: {  	[tilespmem:s16], [sflag:$0x1] =	stream.indirect.gather [hbm4b:s1+s15], $0x80, s11, s15, $0xb8;
	[tilespmem:$0x1CB80] =	vst v63  }
0xb9: {  	v1 =	vld [tilespmem:$0x1680];
	_ =	sdelay $0x7  }
0xba: {  	[tilespmem:v1+s13+$0x0] =	vst.idx.add.f32.msk $0xffff, v0  }
0xbb: {  	v1 =	vld [tilespmem:$0x1690];
	_ =	sdelay $0x7  }
0xbc: {  	[tilespmem:v1+s13+$0x0] =	vst.idx.add.f32.msk $0xffff, v0  }
0xbd: {  	v1 =	vld [tilespmem:$0x16A0];
	_ =	sdelay $0x7  }
0xbe: {  	[tilespmem:v1+s13+$0x0] =	vst.idx.add.f32.msk $0xffff, v0  }
0xbf: {  	v1 =	vld [tilespmem:$0x16B0];
	_ =	sdelay $0x7  }
0xc0: {  	[tilespmem:v1+s13+$0x0] =	vst.idx.add.f32.msk $0xffff, v0  }
0xc1: {  	_ =	swait.ge [sflag:s21], $0x2000  }
0xc2: {  	[sflag:s21] =	ssyncset.done $0x0  }
0xc3: {  	s11 =	rddreg [dreg:$0x10];
	[sflag:s21] =	ssyncadd.s32 $0xFFFFE000  }
0xc4: {  	[spmem:s3] =	stream.indirect.scatter.add.f32 [tilespmem:s18], [sflag:$0x4], $0x80, s11, s15, $0xb8;
	[tilespmem:$0x1CB80] =	vst v63  }
0xc5: {  	_ =	swait.ge [sflag:s22], $0x2000  }
0xc6: {  	[sflag:s22] =	ssyncset.done $0x0  }
0xc7: {  	s11 =	rddreg [dreg:$0x11];
	[sflag:s22] =	ssyncadd.s32 $0xFFFFE000  }
0xc8: {  	[tilespmem:s18], [sflag:$0x2] =	stream.indirect.gather [hbm4b:s1+s15], $0x80, s11, s15, $0xb8;
	[tilespmem:$0x1CB80] =	vst v63  }
0xc9: {  	v1 =	vld [tilespmem:$0x1700];
	_ =	sdelay $0x7  }
0xca: {  	[tilespmem:v1+s13+$0x0] =	vst.idx.add.f32.msk $0xffff, v0  }
0xcb: {  	v1 =	vld [tilespmem:$0x1710];
	_ =	sdelay $0x7  }
0xcc: {  	[tilespmem:v1+s13+$0x0] =	vst.idx.add.f32.msk $0xffff, v0  }
0xcd: {  	v1 =	vld [tilespmem:$0x1720];
	_ =	sdelay $0x7  }
0xce: {  	[tilespmem:v1+s13+$0x0] =	vst.idx.add.f32.msk $0xffff, v0  }
0xcf: {  	v1 =	vld [tilespmem:$0x1730];
	_ =	sdelay $0x7  }
0xd0: {  	[tilespmem:v1+s13+$0x0] =	vst.idx.add.f32.msk $0xffff, v0  }
0xd1: {  	_ =	swait.ge [sflag:s19], $0x2000  }
0xd2: {  	[sflag:s19] =	ssyncset.done $0x0  }
0xd3: {  	s11 =	rddreg [dreg:$0x12];
	[sflag:s19] =	ssyncadd.s32 $0xFFFFE000  }
0xd4: {  	[spmem:s3] =	stream.indirect.scatter.add.f32 [tilespmem:s16], [sflag:$0x3], $0x80, s11, s15, $0xb8;
	[tilespmem:$0x1CB80] =	vst v63  }
0xd5: {  	_ =	swait.ge [sflag:s20], $0x2000  }
0xd6: {  	[sflag:s20] =	ssyncset.done $0x0  }
0xd7: {  	[sflag:s20] =	ssyncadd.s32 $0xFFFFE000  }
0xd8: {  	[tilespmem:s16], [sflag:$0x1] =	stream.indirect.gather [hbm4b:s1+s15], $0x80, s23, s15, $0xb8;
	[tilespmem:$0x1CB80] =	vst v63  }
0xd9: {  	v1 =	vld [tilespmem:$0x1780];
	_ =	sdelay $0x7  }
0xda: {  	[tilespmem:v1+s13+$0x0] =	vst.idx.add.f32.msk $0xffff, v0  }
0xdb: {  	v1 =	vld [tilespmem:$0x1790];
	_ =	sdelay $0x7  }
0xdc: {  	[tilespmem:v1+s13+$0x0] =	vst.idx.add.f32.msk $0xffff, v0  }
0xdd: {  	v1 =	vld [tilespmem:$0x17A0];
	_ =	sdelay $0x7  }
0xde: {  	[tilespmem:v1+s13+$0x0] =	vst.idx.add.f32.msk $0xffff, v0  }
0xdf: {  	v1 =	vld [tilespmem:$0x17B0];
	_ =	sdelay $0x7  }
0xe0: {  	[tilespmem:v1+s13+$0x0] =	vst.idx.add.f32.msk $0xffff, v0  }
0xe1: {  	_ =	swait.ge [sflag:s21], $0x2000  }
0xe2: {  	[sflag:s21] =	ssyncset.done $0x0  }
0xe3: {  	s11 =	rddreg [dreg:$0x13];
	[sflag:s21] =	ssyncadd.s32 $0xFFFFE000  }
0xe4: {  	[spmem:s3] =	stream.indirect.scatter.add.f32 [tilespmem:s18], [sflag:$0x4], $0x80, s11, s15, $0xb8;
	[tilespmem:$0x1CB80] =	vst v63  }
0xe5: {  	_ =	swait.ge [sflag:s22], $0x2000  }
0xe6: {  	[sflag:s22] =	ssyncset.done $0x0  }
0xe7: {  	s11 =	rddreg [dreg:$0x14];
	[sflag:s22] =	ssyncadd.s32 $0xFFFFE000  }
0xe8: {  	[tilespmem:s18], [sflag:$0x2] =	stream.indirect.gather [hbm4b:s1+s15], $0x80, s11, s15, $0xb8;
	[tilespmem:$0x1CB80] =	vst v63  }
0xe9: {  	v1 =	vld [tilespmem:$0x1800];
	_ =	sdelay $0x7  }
0xea: {  	[tilespmem:v1+s13+$0x0] =	vst.idx.add.f32.msk $0xffff, v0  }
0xeb: {  	v1 =	vld [tilespmem:$0x1810];
	_ =	sdelay $0x7  }
0xec: {  	[tilespmem:v1+s13+$0x0] =	vst.idx.add.f32.msk $0xffff, v0  }
0xed: {  	v1 =	vld [tilespmem:$0x1820];
	_ =	sdelay $0x7  }
0xee: {  	[tilespmem:v1+s13+$0x0] =	vst.idx.add.f32.msk $0xffff, v0  }
0xef: {  	v1 =	vld [tilespmem:$0x1830];
	_ =	sdelay $0x7  }
0xf0: {  	[tilespmem:v1+s13+$0x0] =	vst.idx.add.f32.msk $0xffff, v0  }
0xf1: {  	_ =	swait.ge [sflag:s19], $0x2000  }
0xf2: {  	[sflag:s19] =	ssyncset.done $0x0  }
0xf3: {  	s11 =	rddreg [dreg:$0x15];
	[sflag:s19] =	ssyncadd.s32 $0xFFFFE000  }
0xf4: {  	[spmem:s3] =	stream.indirect.scatter.add.f32 [tilespmem:s16], [sflag:$0x3], $0x80, s11, s15, $0xb8;
	[tilespmem:$0x1CB80] =	vst v63  }
0xf5: {  	_ =	swait.ge [sflag:s20], $0x2000  }
0xf6: {  	[sflag:s20] =	ssyncset.done $0x0  }
0xf7: {  	s11 =	rddreg [dreg:$0x16];
	[sflag:s20] =	ssyncadd.s32 $0xFFFFE000  }
0xf8: {  	[tilespmem:s16], [sflag:$0x1] =	stream.indirect.gather [hbm4b:s1+s15], $0x80, s11, s15, $0xb8;
	[tilespmem:$0x1CB80] =	vst v63  }
0xf9: {  	v1 =	vld [tilespmem:$0x1880];
	_ =	sdelay $0x7  }
0xfa: {  	[tilespmem:v1+s13+$0x0] =	vst.idx.add.f32.msk $0xffff, v0  }
0xfb: {  	v1 =	vld [tilespmem:$0x1890];
	_ =	sdelay $0x7  }
0xfc: {  	[tilespmem:v1+s13+$0x0] =	vst.idx.add.f32.msk $0xffff, v0  }
0xfd: {  	v1 =	vld [tilespmem:$0x18A0];
	_ =	sdelay $0x7  }
0xfe: {  	[tilespmem:v1+s13+$0x0] =	vst.idx.add.f32.msk $0xffff, v0  }
0xff: {  	v1 =	vld [tilespmem:$0x18B0];
	_ =	sdelay $0x7  }
0x100: {  	[tilespmem:v1+s13+$0x0] =	vst.idx.add.f32.msk $0xffff, v0  }
0x101: {  	_ =	swait.ge [sflag:s21], $0x2000  }
0x102: {  	[sflag:s21] =	ssyncset.done $0x0  }
0x103: {  	s11 =	rddreg [dreg:$0x17];
	[sflag:s21] =	ssyncadd.s32 $0xFFFFE000  }
0x104: {  	[spmem:s3] =	stream.indirect.scatter.add.f32 [tilespmem:s18], [sflag:$0x4], $0x80, s11, s15, $0xb8;
	[tilespmem:$0x1CB80] =	vst v63  }
0x105: {  	_ =	swait.ge [sflag:s22], $0x2000  }
0x106: {  	[sflag:s22] =	ssyncset.done $0x0  }
0x107: {  	s11 =	rddreg [dreg:$0x18];
	[sflag:s22] =	ssyncadd.s32 $0xFFFFE000  }
0x108: {  	[tilespmem:s18], [sflag:$0x2] =	stream.indirect.gather [hbm4b:s1+s15], $0x80, s11, s15, $0xb8;
	[tilespmem:$0x1CB80] =	vst v63  }
0x109: {  	v1 =	vld [tilespmem:$0x1900];
	_ =	sdelay $0x7  }
0x10a: {  	[tilespmem:v1+s13+$0x0] =	vst.idx.add.f32.msk $0xffff, v0  }
0x10b: {  	v1 =	vld [tilespmem:$0x1910];
	_ =	sdelay $0x7  }
0x10c: {  	[tilespmem:v1+s13+$0x0] =	vst.idx.add.f32.msk $0xffff, v0  }
0x10d: {  	v1 =	vld [tilespmem:$0x1920];
	_ =	sdelay $0x7  }
0x10e: {  	[tilespmem:v1+s13+$0x0] =	vst.idx.add.f32.msk $0xffff, v0  }
0x10f: {  	v1 =	vld [tilespmem:$0x1930];
	_ =	sdelay $0x7  }
0x110: {  	[tilespmem:v1+s13+$0x0] =	vst.idx.add.f32.msk $0xffff, v0  }
0x111: {  	_ =	swait.ge [sflag:s19], $0x2000  }
0x112: {  	[sflag:s19] =	ssyncset.done $0x0  }
0x113: {  	s11 =	rddreg [dreg:$0x19];
	[sflag:s19] =	ssyncadd.s32 $0xFFFFE000  }
0x114: {  	[spmem:s3] =	stream.indirect.scatter.add.f32 [tilespmem:s16], [sflag:$0x3], $0x80, s11, s15, $0xb8;
	[tilespmem:$0x1CB80] =	vst v63  }
0x115: {  	_ =	swait.ge [sflag:s20], $0x2000  }
0x116: {  	[sflag:s20] =	ssyncset.done $0x0  }
0x117: {  	s11 =	rddreg [dreg:$0x1a];
	[sflag:s20] =	ssyncadd.s32 $0xFFFFE000  }
0x118: {  	[tilespmem:s16], [sflag:$0x1] =	stream.indirect.gather [hbm4b:s1+s15], $0x80, s11, s15, $0xb8;
	[tilespmem:$0x1CB80] =	vst v63  }
0x119: {  	v1 =	vld [tilespmem:$0x1980];
	_ =	sdelay $0x7  }
0x11a: {  	[tilespmem:v1+s13+$0x0] =	vst.idx.add.f32.msk $0xffff, v0  }
0x11b: {  	v1 =	vld [tilespmem:$0x1990];
	_ =	sdelay $0x7  }
0x11c: {  	[tilespmem:v1+s13+$0x0] =	vst.idx.add.f32.msk $0xffff, v0  }
0x11d: {  	v1 =	vld [tilespmem:$0x19A0];
	_ =	sdelay $0x7  }
0x11e: {  	[tilespmem:v1+s13+$0x0] =	vst.idx.add.f32.msk $0xffff, v0  }
0x11f: {  	v1 =	vld [tilespmem:$0x19B0];
	_ =	sdelay $0x7  }
0x120: {  	[tilespmem:v1+s13+$0x0] =	vst.idx.add.f32.msk $0xffff, v0  }
0x121: {  	_ =	swait.ge [sflag:s21], $0x2000  }
0x122: {  	[sflag:s21] =	ssyncset.done $0x0  }
0x123: {  	s11 =	rddreg [dreg:$0x1b];
	[sflag:s21] =	ssyncadd.s32 $0xFFFFE000  }
0x124: {  	[spmem:s3] =	stream.indirect.scatter.add.f32 [tilespmem:s18], [sflag:$0x4], $0x80, s11, s15, $0xb8;
	[tilespmem:$0x1CB80] =	vst v63  }
0x125: {  	_ =	swait.ge [sflag:s22], $0x2000  }
0x126: {  	[sflag:s22] =	ssyncset.done $0x0  }
0x127: {  	s11 =	rddreg [dreg:$0x1c];
	[sflag:s22] =	ssyncadd.s32 $0xFFFFE000  }
0x128: {  	[tilespmem:s18], [sflag:$0x2] =	stream.indirect.gather [hbm4b:s1+s15], $0x80, s11, s15, $0xb8;
	[tilespmem:$0x1CB80] =	vst v63  }
0x129: {  	v1 =	vld [tilespmem:$0x1A00];
	_ =	sdelay $0x7  }
0x12a: {  	[tilespmem:v1+s13+$0x0] =	vst.idx.add.f32.msk $0xffff, v0  }
0x12b: {  	v1 =	vld [tilespmem:$0x1A10];
	_ =	sdelay $0x7  }
0x12c: {  	[tilespmem:v1+s13+$0x0] =	vst.idx.add.f32.msk $0xffff, v0  }
0x12d: {  	v1 =	vld [tilespmem:$0x1A20];
	_ =	sdelay $0x7  }
0x12e: {  	[tilespmem:v1+s13+$0x0] =	vst.idx.add.f32.msk $0xffff, v0  }
0x12f: {  	v1 =	vld [tilespmem:$0x1A30];
	_ =	sdelay $0x7  }
0x130: {  	[tilespmem:v1+s13+$0x0] =	vst.idx.add.f32.msk $0xffff, v0  }
0x131: {  	_ =	swait.ge [sflag:s19], $0x2000  }
0x132: {  	[sflag:s19] =	ssyncset.done $0x0  }
0x133: {  	s11 =	rddreg [dreg:$0x1d];
	[sflag:s19] =	ssyncadd.s32 $0xFFFFE000  }
0x134: {  	[spmem:s3] =	stream.indirect.scatter.add.f32 [tilespmem:s16], [sflag:$0x3], $0x80, s11, s15, $0xb8;
	[tilespmem:$0x1CB80] =	vst v63  }
0x135: {  	_ =	swait.ge [sflag:s20], $0x2000  }
0x136: {  	[sflag:s20] =	ssyncset.done $0x0  }
0x137: {  	s11 =	rddreg [dreg:$0x1e];
	[sflag:s20] =	ssyncadd.s32 $0xFFFFE000  }
0x138: {  	[tilespmem:s16], [sflag:$0x1] =	stream.indirect.gather [hbm4b:s1+s15], $0x80, s11, s15, $0xb8;
	[tilespmem:$0x1CB80] =	vst v63  }
0x139: {  	v1 =	vld [tilespmem:$0x1A80];
	_ =	sdelay $0x7  }
0x13a: {  	[tilespmem:v1+s13+$0x0] =	vst.idx.add.f32.msk $0xffff, v0  }
0x13b: {  	v1 =	vld [tilespmem:$0x1A90];
	_ =	sdelay $0x7  }
0x13c: {  	[tilespmem:v1+s13+$0x0] =	vst.idx.add.f32.msk $0xffff, v0  }
0x13d: {  	v1 =	vld [tilespmem:$0x1AA0];
	_ =	sdelay $0x7  }
0x13e: {  	[tilespmem:v1+s13+$0x0] =	vst.idx.add.f32.msk $0xffff, v0  }
0x13f: {  	v1 =	vld [tilespmem:$0x1AB0];
	_ =	sdelay $0x7  }
0x140: {  	[tilespmem:v1+s13+$0x0] =	vst.idx.add.f32.msk $0xffff, v0  }
0x141: {  	_ =	swait.ge [sflag:s21], $0x2000  }
0x142: {  	[sflag:s21] =	ssyncset.done $0x0  }
0x143: {  	s11 =	rddreg [dreg:$0x1f];
	[sflag:s21] =	ssyncadd.s32 $0xFFFFE000  }
0x144: {  	[spmem:s3] =	stream.indirect.scatter.add.f32 [tilespmem:s18], [sflag:$0x4], $0x80, s11, s15, $0xb8;
	[tilespmem:$0x1CB80] =	vst v63  }
0x145: {  	_ =	swait.ge [sflag:s22], $0x2000  }
0x146: {  	s11 =	sld [smem:$0x7D1]  }
0x147: {  	[sflag:s22] =	ssyncset.done $0x0  }
0x148: {  	[sflag:s22] =	ssyncadd.s32 $0xFFFFE000  }
0x149: {  	[tilespmem:s18], [sflag:$0x2] =	stream.indirect.gather [hbm4b:s1+s15], $0x80, s11, s15, $0xb8;
	[tilespmem:$0x1CB80] =	vst v63  }
0x14a: {  	v1 =	vld [tilespmem:$0x1B00];
	_ =	sdelay $0x7  }
0x14b: {  	[tilespmem:v1+s13+$0x0] =	vst.idx.add.f32.msk $0xffff, v0  }
0x14c: {  	v1 =	vld [tilespmem:$0x1B10];
	_ =	sdelay $0x7  }
0x14d: {  	[tilespmem:v1+s13+$0x0] =	vst.idx.add.f32.msk $0xffff, v0  }
0x14e: {  	v1 =	vld [tilespmem:$0x1B20];
	_ =	sdelay $0x7  }
0x14f: {  	[tilespmem:v1+s13+$0x0] =	vst.idx.add.f32.msk $0xffff, v0  }
0x150: {  	v1 =	vld [tilespmem:$0x1B30];
	_ =	sdelay $0x7  }
0x151: {  	[tilespmem:v1+s13+$0x0] =	vst.idx.add.f32.msk $0xffff, v0  }
0x152: {  	_ =	swait.ge [sflag:s19], $0x2000  }
0x153: {  	s11 =	sld [smem:$0x7D2]  }
0x154: {  	[sflag:s19] =	ssyncset.done $0x0  }
0x155: {  	[sflag:s19] =	ssyncadd.s32 $0xFFFFE000  }
0x156: {  	[spmem:s3] =	stream.indirect.scatter.add.f32 [tilespmem:s16], [sflag:$0x3], $0x80, s11, s15, $0xb8;
	[tilespmem:$0x1CB80] =	vst v63  }
0x157: {  	_ =	swait.ge [sflag:s20], $0x2000  }
0x158: {  	s11 =	sld [smem:$0x7D3]  }
0x159: {  	[sflag:s20] =	ssyncset.done $0x0  }
0x15a: {  	[sflag:s20] =	ssyncadd.s32 $0xFFFFE000  }
0x15b: {  	[tilespmem:s16], [sflag:$0x1] =	stream.indirect.gather [hbm4b:s1+s15], $0x80, s11, s15, $0xb8;
	[tilespmem:$0x1CB80] =	vst v63  }
0x15c: {  	v1 =	vld [tilespmem:$0x1B80];
	_ =	sdelay $0x7  }
0x15d: {  	[tilespmem:v1+s13+$0x0] =	vst.idx.add.f32.msk $0xffff, v0  }
0x15e: {  	v1 =	vld [tilespmem:$0x1B90];
	_ =	sdelay $0x7  }
0x15f: {  	[tilespmem:v1+s13+$0x0] =	vst.idx.add.f32.msk $0xffff, v0  }
0x160: {  	v1 =	vld [tilespmem:$0x1BA0];
	_ =	sdelay $0x7  }
0x161: {  	[tilespmem:v1+s13+$0x0] =	vst.idx.add.f32.msk $0xffff, v0  }
0x162: {  	v1 =	vld [tilespmem:$0x1BB0];
	_ =	sdelay $0x7  }
0x163: {  	[tilespmem:v1+s13+$0x0] =	vst.idx.add.f32.msk $0xffff, v0  }
0x164: {  	_ =	swait.ge [sflag:s21], $0x2000  }
0x165: {  	s11 =	sld [smem:$0x7D5]  }
0x166: {  	[sflag:s21] =	ssyncset.done $0x0  }
0x167: {  	[sflag:s21] =	ssyncadd.s32 $0xFFFFE000  }
0x168: {  	[spmem:s3] =	stream.indirect.scatter.add.f32 [tilespmem:s18], [sflag:$0x4], $0x80, s11, s15, $0xb8;
	[tilespmem:$0x1CB80] =	vst v63  }
0x169: {  	_ =	swait.ge [sflag:s22], $0x2000  }
0x16a: {  	s11 =	sld [smem:$0x7D6]  }
0x16b: {  	[sflag:s22] =	ssyncset.done $0x0  }
0x16c: {  	[sflag:s22] =	ssyncadd.s32 $0xFFFFE000  }
0x16d: {  	[tilespmem:s18], [sflag:$0x2] =	stream.indirect.gather [hbm4b:s1+s15], $0x80, s11, s15, $0xb8;
	[tilespmem:$0x1CB80] =	vst v63  }
0x16e: {  	v1 =	vld [tilespmem:$0x1C00];
	_ =	sdelay $0x7  }
0x16f: {  	[tilespmem:v1+s13+$0x0] =	vst.idx.add.f32.msk $0xffff, v0  }
0x170: {  	v1 =	vld [tilespmem:$0x1C10];
	_ =	sdelay $0x7  }
0x171: {  	[tilespmem:v1+s13+$0x0] =	vst.idx.add.f32.msk $0xffff, v0  }
0x172: {  	v1 =	vld [tilespmem:$0x1C20];
	_ =	sdelay $0x7  }
0x173: {  	[tilespmem:v1+s13+$0x0] =	vst.idx.add.f32.msk $0xffff, v0  }
0x174: {  	v1 =	vld [tilespmem:$0x1C30];
	_ =	sdelay $0x7  }
0x175: {  	[tilespmem:v1+s13+$0x0] =	vst.idx.add.f32.msk $0xffff, v0  }
0x176: {  	_ =	swait.ge [sflag:s19], $0x2000  }
0x177: {  	s11 =	sld [smem:$0x7D7]  }
0x178: {  	[sflag:s19] =	ssyncset.done $0x0  }
0x179: {  	[sflag:s19] =	ssyncadd.s32 $0xFFFFE000  }
0x17a: {  	[spmem:s3] =	stream.indirect.scatter.add.f32 [tilespmem:s16], [sflag:$0x3], $0x80, s11, s15, $0xb8;
	[tilespmem:$0x1CB80] =	vst v63  }
0x17b: {  	_ =	swait.ge [sflag:s20], $0x2000  }
0x17c: {  	s11 =	sld [smem:$0x7D8]  }
0x17d: {  	[sflag:s20] =	ssyncset.done $0x0  }
0x17e: {  	[sflag:s20] =	ssyncadd.s32 $0xFFFFE000  }
0x17f: {  	[tilespmem:s16], [sflag:$0x1] =	stream.indirect.gather [hbm4b:s1+s15], $0x80, s11, s15, $0xb8;
	[tilespmem:$0x1CB80] =	vst v63  }
0x180: {  	v1 =	vld [tilespmem:$0x1C80];
	_ =	sdelay $0x7  }
0x181: {  	[tilespmem:v1+s13+$0x0] =	vst.idx.add.f32.msk $0xffff, v0  }
0x182: {  	v1 =	vld [tilespmem:$0x1C90];
	_ =	sdelay $0x7  }
0x183: {  	[tilespmem:v1+s13+$0x0] =	vst.idx.add.f32.msk $0xffff, v0  }
0x184: {  	v1 =	vld [tilespmem:$0x1CA0];
	_ =	sdelay $0x7  }
0x185: {  	[tilespmem:v1+s13+$0x0] =	vst.idx.add.f32.msk $0xffff, v0  }
0x186: {  	v1 =	vld [tilespmem:$0x1CB0];
	_ =	sdelay $0x7  }
0x187: {  	[tilespmem:v1+s13+$0x0] =	vst.idx.add.f32.msk $0xffff, v0  }
0x188: {  	_ =	swait.ge [sflag:s21], $0x2000  }
0x189: {  	s11 =	sld [smem:$0x7D9]  }
0x18a: {  	[sflag:s21] =	ssyncset.done $0x0  }
0x18b: {  	[sflag:s21] =	ssyncadd.s32 $0xFFFFE000  }
0x18c: {  	[spmem:s3] =	stream.indirect.scatter.add.f32 [tilespmem:s18], [sflag:$0x4], $0x80, s11, s15, $0xb8;
	[tilespmem:$0x1CB80] =	vst v63  }
0x18d: {  	_ =	swait.ge [sflag:s22], $0x2000  }
0x18e: {  	s11 =	sld [smem:$0x7DA]  }
0x18f: {  	[sflag:s22] =	ssyncset.done $0x0  }
0x190: {  	[sflag:s22] =	ssyncadd.s32 $0xFFFFE000  }
0x191: {  	[tilespmem:s18], [sflag:$0x2] =	stream.indirect.gather [hbm4b:s1+s15], $0x80, s11, s15, $0xb8;
	[tilespmem:$0x1CB80] =	vst v63  }
0x192: {  	v1 =	vld [tilespmem:$0x1D00];
	_ =	sdelay $0x7  }
0x193: {  	[tilespmem:v1+s13+$0x0] =	vst.idx.add.f32.msk $0xffff, v0  }
0x194: {  	v1 =	vld [tilespmem:$0x1D10];
	_ =	sdelay $0x7  }
0x195: {  	[tilespmem:v1+s13+$0x0] =	vst.idx.add.f32.msk $0xffff, v0  }
0x196: {  	v1 =	vld [tilespmem:$0x1D20];
	_ =	sdelay $0x7  }
0x197: {  	[tilespmem:v1+s13+$0x0] =	vst.idx.add.f32.msk $0xffff, v0  }
0x198: {  	v1 =	vld [tilespmem:$0x1D30];
	_ =	sdelay $0x7  }
0x199: {  	[tilespmem:v1+s13+$0x0] =	vst.idx.add.f32.msk $0xffff, v0  }
0x19a: {  	_ =	swait.ge [sflag:s19], $0x2000  }
0x19b: {  	s11 =	sld [smem:$0x7DB]  }
0x19c: {  	[sflag:s19] =	ssyncset.done $0x0  }
0x19d: {  	[sflag:s19] =	ssyncadd.s32 $0xFFFFE000  }
0x19e: {  	[spmem:s3] =	stream.indirect.scatter.add.f32 [tilespmem:s16], [sflag:$0x3], $0x80, s11, s15, $0xb8;
	[tilespmem:$0x1CB80] =	vst v63  }
0x19f: {  	_ =	swait.ge [sflag:s20], $0x2000  }
0x1a0: {  	s11 =	sld [smem:$0x7DC]  }
0x1a1: {  	[sflag:s20] =	ssyncset.done $0x0  }
0x1a2: {  	[sflag:s20] =	ssyncadd.s32 $0xFFFFE000  }
0x1a3: {  	[tilespmem:s16], [sflag:$0x1] =	stream.indirect.gather [hbm4b:s1+s15], $0x80, s11, s15, $0xb8;
	[tilespmem:$0x1CB80] =	vst v63  }
0x1a4: {  	v1 =	vld [tilespmem:$0x1D80];
	_ =	sdelay $0x7  }
0x1a5: {  	[tilespmem:v1+s13+$0x0] =	vst.idx.add.f32.msk $0xffff, v0  }
0x1a6: {  	v1 =	vld [tilespmem:$0x1D90];
	_ =	sdelay $0x7  }
0x1a7: {  	[tilespmem:v1+s13+$0x0] =	vst.idx.add.f32.msk $0xffff, v0  }
0x1a8: {  	v1 =	vld [tilespmem:$0x1DA0];
	_ =	sdelay $0x7  }
0x1a9: {  	[tilespmem:v1+s13+$0x0] =	vst.idx.add.f32.msk $0xffff, v0  }
0x1aa: {  	v1 =	vld [tilespmem:$0x1DB0];
	_ =	sdelay $0x7  }
0x1ab: {  	[tilespmem:v1+s13+$0x0] =	vst.idx.add.f32.msk $0xffff, v0  }
0x1ac: {  	_ =	swait.ge [sflag:s21], $0x2000  }
0x1ad: {  	s11 =	sld [smem:$0x7DD]  }
0x1ae: {  	[sflag:s21] =	ssyncset.done $0x0  }
0x1af: {  	[sflag:s21] =	ssyncadd.s32 $0xFFFFE000  }
0x1b0: {  	[spmem:s3] =	stream.indirect.scatter.add.f32 [tilespmem:s18], [sflag:$0x4], $0x80, s11, s15, $0xb8;
	[tilespmem:$0x1CB80] =	vst v63  }
0x1b1: {  	_ =	swait.ge [sflag:s22], $0x2000  }
0x1b2: {  	s11 =	sld [smem:$0x7DE]  }
0x1b3: {  	[sflag:s22] =	ssyncset.done $0x0  }
0x1b4: {  	[sflag:s22] =	ssyncadd.s32 $0xFFFFE000  }
0x1b5: {  	[tilespmem:s18], [sflag:$0x2] =	stream.indirect.gather [hbm4b:s1+s15], $0x80, s11, s15, $0xb8;
	[tilespmem:$0x1CB80] =	vst v63  }
0x1b6: {  	v1 =	vld [tilespmem:$0x1E00];
	_ =	sdelay $0x7  }
0x1b7: {  	[tilespmem:v1+s13+$0x0] =	vst.idx.add.f32.msk $0xffff, v0  }
0x1b8: {  	v1 =	vld [tilespmem:$0x1E10];
	_ =	sdelay $0x7  }
0x1b9: {  	[tilespmem:v1+s13+$0x0] =	vst.idx.add.f32.msk $0xffff, v0  }
0x1ba: {  	v1 =	vld [tilespmem:$0x1E20];
	_ =	sdelay $0x7  }
0x1bb: {  	[tilespmem:v1+s13+$0x0] =	vst.idx.add.f32.msk $0xffff, v0  }
0x1bc: {  	v1 =	vld [tilespmem:$0x1E30];
	_ =	sdelay $0x7  }
0x1bd: {  	[tilespmem:v1+s13+$0x0] =	vst.idx.add.f32.msk $0xffff, v0  }
0x1be: {  	_ =	swait.ge [sflag:s19], $0x2000  }
0x1bf: {  	s11 =	sld [smem:$0x7DF]  }
0x1c0: {  	[sflag:s19] =	ssyncset.done $0x0  }
0x1c1: {  	[sflag:s19] =	ssyncadd.s32 $0xFFFFE000  }
0x1c2: {  	[spmem:s3] =	stream.indirect.scatter.add.f32 [tilespmem:s16], [sflag:$0x3], $0x80, s11, s15, $0xb8;
	[tilespmem:$0x1CB80] =	vst v63  }
0x1c3: {  	_ =	swait.ge [sflag:s20], $0x2000  }
0x1c4: {  	s11 =	sld [smem:$0x7E0]  }
0x1c5: {  	[sflag:s20] =	ssyncset.done $0x0  }
0x1c6: {  	[sflag:s20] =	ssyncadd.s32 $0xFFFFE000  }
0x1c7: {  	[tilespmem:s16], [sflag:$0x1] =	stream.indirect.gather [hbm4b:s1+s15], $0x80, s11, s15, $0xb8;
	[tilespmem:$0x1CB80] =	vst v63  }
0x1c8: {  	v1 =	vld [tilespmem:$0x1E80];
	_ =	sdelay $0x7  }
0x1c9: {  	[tilespmem:v1+s13+$0x0] =	vst.idx.add.f32.msk $0xffff, v0  }
0x1ca: {  	v1 =	vld [tilespmem:$0x1E90];
	_ =	sdelay $0x7  }
0x1cb: {  	[tilespmem:v1+s13+$0x0] =	vst.idx.add.f32.msk $0xffff, v0  }
0x1cc: {  	v1 =	vld [tilespmem:$0x1EA0];
	_ =	sdelay $0x7  }
0x1cd: {  	[tilespmem:v1+s13+$0x0] =	vst.idx.add.f32.msk $0xffff, v0  }
0x1ce: {  	v1 =	vld [tilespmem:$0x1EB0];
	_ =	sdelay $0x7  }
0x1cf: {  	[tilespmem:v1+s13+$0x0] =	vst.idx.add.f32.msk $0xffff, v0  }
0x1d0: {  	_ =	swait.ge [sflag:s21], $0x2000  }
0x1d1: {  	s11 =	sld [smem:$0x7E1]  }
0x1d2: {  	[sflag:s21] =	ssyncset.done $0x0  }
0x1d3: {  	[sflag:s21] =	ssyncadd.s32 $0xFFFFE000  }
0x1d4: {  	[spmem:s3] =	stream.indirect.scatter.add.f32 [tilespmem:s18], [sflag:$0x4], $0x80, s11, s15, $0xb8;
	[tilespmem:$0x1CB80] =	vst v63  }
0x1d5: {  	_ =	swait.ge [sflag:s22], $0x2000  }
0x1d6: {  	s11 =	sld [smem:$0x7E2]  }
0x1d7: {  	[sflag:s22] =	ssyncset.done $0x0  }
0x1d8: {  	[sflag:s22] =	ssyncadd.s32 $0xFFFFE000  }
0x1d9: {  	[tilespmem:s18], [sflag:$0x2] =	stream.indirect.gather [hbm4b:s1+s15], $0x80, s11, s15, $0xb8;
	[tilespmem:$0x1CB80] =	vst v63  }
0x1da: {  	v1 =	vld [tilespmem:$0x1F00];
	_ =	sdelay $0x7  }
0x1db: {  	[tilespmem:v1+s13+$0x0] =	vst.idx.add.f32.msk $0xffff, v0  }
0x1dc: {  	v1 =	vld [tilespmem:$0x1F10];
	_ =	sdelay $0x7  }
0x1dd: {  	[tilespmem:v1+s13+$0x0] =	vst.idx.add.f32.msk $0xffff, v0  }
0x1de: {  	v1 =	vld [tilespmem:$0x1F20];
	_ =	sdelay $0x7  }
0x1df: {  	[tilespmem:v1+s13+$0x0] =	vst.idx.add.f32.msk $0xffff, v0  }
0x1e0: {  	v1 =	vld [tilespmem:$0x1F30];
	_ =	sdelay $0x7  }
0x1e1: {  	[tilespmem:v1+s13+$0x0] =	vst.idx.add.f32.msk $0xffff, v0  }
0x1e2: {  	_ =	swait.ge [sflag:s19], $0x2000  }
0x1e3: {  	s11 =	sld [smem:$0x7E3]  }
0x1e4: {  	[sflag:s19] =	ssyncset.done $0x0  }
0x1e5: {  	[sflag:s19] =	ssyncadd.s32 $0xFFFFE000  }
0x1e6: {  	[spmem:s3] =	stream.indirect.scatter.add.f32 [tilespmem:s16], [sflag:$0x3], $0x80, s11, s15, $0xb8;
	[tilespmem:$0x1CB80] =	vst v63  }
0x1e7: {  	_ =	swait.ge [sflag:s20], $0x2000  }
0x1e8: {  	s11 =	sld [smem:$0x7E4]  }
0x1e9: {  	[sflag:s20] =	ssyncset.done $0x0  }
0x1ea: {  	[sflag:s20] =	ssyncadd.s32 $0xFFFFE000  }
0x1eb: {  	[tilespmem:s16], [sflag:$0x1] =	stream.indirect.gather [hbm4b:s1+s15], $0x80, s11, s15, $0xb8;
	[tilespmem:$0x1CB80] =	vst v63  }
0x1ec: {  	v1 =	vld [tilespmem:$0x1F80];
	_ =	sdelay $0x7  }
0x1ed: {  	[tilespmem:v1+s13+$0x0] =	vst.idx.add.f32.msk $0xffff, v0  }
0x1ee: {  	v1 =	vld [tilespmem:$0x1F90];
	_ =	sdelay $0x7  }
0x1ef: {  	[tilespmem:v1+s13+$0x0] =	vst.idx.add.f32.msk $0xffff, v0  }
0x1f0: {  	v1 =	vld [tilespmem:$0x1FA0];
	_ =	sdelay $0x7  }
0x1f1: {  	[tilespmem:v1+s13+$0x0] =	vst.idx.add.f32.msk $0xffff, v0  }
0x1f2: {  	v1 =	vld [tilespmem:$0x1FB0];
	_ =	sdelay $0x7  }
0x1f3: {  	[tilespmem:v1+s13+$0x0] =	vst.idx.add.f32.msk $0xffff, v0  }
0x1f4: {  	_ =	swait.ge [sflag:s21], $0x2000  }
0x1f5: {  	s11 =	sld [smem:$0x7E5]  }
0x1f6: {  	[sflag:s21] =	ssyncset.done $0x0  }
0x1f7: {  	[sflag:s21] =	ssyncadd.s32 $0xFFFFE000  }
0x1f8: {  	[spmem:s3] =	stream.indirect.scatter.add.f32 [tilespmem:s18], [sflag:$0x4], $0x80, s11, s15, $0xb8;
	[tilespmem:$0x1CB80] =	vst v63  }
0x1f9: {  	_ =	swait.ge [sflag:s22], $0x2000  }
0x1fa: {  	s11 =	sld [smem:$0x7E6]  }
0x1fb: {  	[sflag:s22] =	ssyncset.done $0x0  }
0x1fc: {  	[sflag:s22] =	ssyncadd.s32 $0xFFFFE000  }
0x1fd: {  	[tilespmem:s18], [sflag:$0x2] =	stream.indirect.gather [hbm4b:s1+s15], $0x80, s11, s15, $0xb8;
	[tilespmem:$0x1CB80] =	vst v63  }
0x1fe: {  	v1 =	vld [tilespmem:$0x2000];
	_ =	sdelay $0x7  }
0x1ff: {  	[tilespmem:v1+s13+$0x0] =	vst.idx.add.f32.msk $0xffff, v0  }
0x200: {  	v1 =	vld [tilespmem:$0x2010];
	_ =	sdelay $0x7  }
0x201: {  	[tilespmem:v1+s13+$0x0] =	vst.idx.add.f32.msk $0xffff, v0  }
0x202: {  	v1 =	vld [tilespmem:$0x2020];
	_ =	sdelay $0x7  }
0x203: {  	[tilespmem:v1+s13+$0x0] =	vst.idx.add.f32.msk $0xffff, v0  }
0x204: {  	v1 =	vld [tilespmem:$0x2030];
	_ =	sdelay $0x7  }
0x205: {  	[tilespmem:v1+s13+$0x0] =	vst.idx.add.f32.msk $0xffff, v0  }
0x206: {  	_ =	swait.ge [sflag:s19], $0x2000  }
0x207: {  	s11 =	sld [smem:$0x7E7]  }
0x208: {  	[sflag:s19] =	ssyncset.done $0x0  }
0x209: {  	[sflag:s19] =	ssyncadd.s32 $0xFFFFE000  }
0x20a: {  	[spmem:s3] =	stream.indirect.scatter.add.f32 [tilespmem:s16], [sflag:$0x3], $0x80, s11, s15, $0xb8;
	[tilespmem:$0x1CB80] =	vst v63  }
0x20b: {  	_ =	swait.ge [sflag:s20], $0x2000  }
0x20c: {  	s11 =	sld [smem:$0x7E8]  }
0x20d: {  	[sflag:s20] =	ssyncset.done $0x0  }
0x20e: {  	[sflag:s20] =	ssyncadd.s32 $0xFFFFE000  }
0x20f: {  	[tilespmem:s16], [sflag:$0x1] =	stream.indirect.gather [hbm4b:s1+s15], $0x80, s11, s15, $0xb8;
	[tilespmem:$0x1CB80] =	vst v63  }
0x210: {  	v1 =	vld [tilespmem:$0x2080];
	_ =	sdelay $0x7  }
0x211: {  	[tilespmem:v1+s13+$0x0] =	vst.idx.add.f32.msk $0xffff, v0  }
0x212: {  	v1 =	vld [tilespmem:$0x2090];
	_ =	sdelay $0x7  }
0x213: {  	[tilespmem:v1+s13+$0x0] =	vst.idx.add.f32.msk $0xffff, v0  }
0x214: {  	v1 =	vld [tilespmem:$0x20A0];
	_ =	sdelay $0x7  }
0x215: {  	[tilespmem:v1+s13+$0x0] =	vst.idx.add.f32.msk $0xffff, v0  }
0x216: {  	v1 =	vld [tilespmem:$0x20B0];
	_ =	sdelay $0x7  }
0x217: {  	[tilespmem:v1+s13+$0x0] =	vst.idx.add.f32.msk $0xffff, v0  }
0x218: {  	_ =	swait.ge [sflag:s21], $0x2000  }
0x219: {  	s11 =	sld [smem:$0x7EA]  }
0x21a: {  	[sflag:s21] =	ssyncset.done $0x0  }
0x21b: {  	[sflag:s21] =	ssyncadd.s32 $0xFFFFE000  }
0x21c: {  	[spmem:s3] =	stream.indirect.scatter.add.f32 [tilespmem:s18], [sflag:$0x4], $0x80, s11, s15, $0xb8;
	[tilespmem:$0x1CB80] =	vst v63  }
0x21d: {  	_ =	swait.ge [sflag:s22], $0x2000  }
0x21e: {  	s11 =	sld [smem:$0x7EC]  }
0x21f: {  	[sflag:s22] =	ssyncset.done $0x0  }
0x220: {  	[sflag:s22] =	ssyncadd.s32 $0xFFFFE000  }
0x221: {  	[tilespmem:s18], [sflag:$0x2] =	stream.indirect.gather [hbm4b:s1+s15], $0x80, s11, s15, $0xb8;
	[tilespmem:$0x1CB80] =	vst v63  }
0x222: {  	v1 =	vld [tilespmem:$0x2100];
	_ =	sdelay $0x7  }
0x223: {  	[tilespmem:v1+s13+$0x0] =	vst.idx.add.f32.msk $0xffff, v0  }
0x224: {  	v1 =	vld [tilespmem:$0x2110];
	_ =	sdelay $0x7  }
0x225: {  	[tilespmem:v1+s13+$0x0] =	vst.idx.add.f32.msk $0xffff, v0  }
0x226: {  	v1 =	vld [tilespmem:$0x2120];
	_ =	sdelay $0x7  }
0x227: {  	[tilespmem:v1+s13+$0x0] =	vst.idx.add.f32.msk $0xffff, v0  }
0x228: {  	v1 =	vld [tilespmem:$0x2130];
	_ =	sdelay $0x7  }
0x229: {  	[tilespmem:v1+s13+$0x0] =	vst.idx.add.f32.msk $0xffff, v0  }
0x22a: {  	_ =	swait.ge [sflag:s19], $0x2000  }
0x22b: {  	s11 =	sld [smem:$0x7EE]  }
0x22c: {  	[sflag:s19] =	ssyncset.done $0x0  }
0x22d: {  	[sflag:s19] =	ssyncadd.s32 $0xFFFFE000  }
0x22e: {  	[spmem:s3] =	stream.indirect.scatter.add.f32 [tilespmem:s16], [sflag:$0x3], $0x80, s11, s15, $0xb8;
	[tilespmem:$0x1CB80] =	vst v63  }
0x22f: {  	_ =	swait.ge [sflag:s20], $0x2000  }
0x230: {  	s11 =	sld [smem:$0x7EF]  }
0x231: {  	[sflag:s20] =	ssyncset.done $0x0  }
0x232: {  	[sflag:s20] =	ssyncadd.s32 $0xFFFFE000  }
0x233: {  	[tilespmem:s16], [sflag:$0x1] =	stream.indirect.gather [hbm4b:s1+s15], $0x80, s11, s15, $0xb8;
	[tilespmem:$0x1CB80] =	vst v63  }
0x234: {  	v1 =	vld [tilespmem:$0x2180];
	_ =	sdelay $0x7  }
0x235: {  	[tilespmem:v1+s13+$0x0] =	vst.idx.add.f32.msk $0xffff, v0  }
0x236: {  	v1 =	vld [tilespmem:$0x2190];
	_ =	sdelay $0x7  }
0x237: {  	[tilespmem:v1+s13+$0x0] =	vst.idx.add.f32.msk $0xffff, v0  }
0x238: {  	v1 =	vld [tilespmem:$0x21A0];
	_ =	sdelay $0x7  }
0x239: {  	[tilespmem:v1+s13+$0x0] =	vst.idx.add.f32.msk $0xffff, v0  }
0x23a: {  	v1 =	vld [tilespmem:$0x21B0];
	_ =	sdelay $0x7  }
0x23b: {  	[tilespmem:v1+s13+$0x0] =	vst.idx.add.f32.msk $0xffff, v0  }
0x23c: {  	_ =	swait.ge [sflag:s21], $0x2000  }
0x23d: {  	s11 =	sld [smem:$0x7F0]  }
0x23e: {  	[sflag:s21] =	ssyncset.done $0x0  }
0x23f: {  	[sflag:s21] =	ssyncadd.s32 $0xFFFFE000  }
0x240: {  	[spmem:s3] =	stream.indirect.scatter.add.f32 [tilespmem:s18], [sflag:$0x4], $0x80, s11, s15, $0xb8;
	[tilespmem:$0x1CB80] =	vst v63  }
0x241: {  	_ =	swait.ge [sflag:s22], $0x2000  }
0x242: {  	s11 =	sld [smem:$0x7F1]  }
0x243: {  	[sflag:s22] =	ssyncset.done $0x0  }
0x244: {  	[sflag:s22] =	ssyncadd.s32 $0xFFFFE000  }
0x245: {  	[tilespmem:s18], [sflag:$0x2] =	stream.indirect.gather [hbm4b:s1+s15], $0x80, s11, s15, $0xb8;
	[tilespmem:$0x1CB80] =	vst v63  }
0x246: {  	v1 =	vld [tilespmem:$0x2200];
	_ =	sdelay $0x7  }
0x247: {  	[tilespmem:v1+s13+$0x0] =	vst.idx.add.f32.msk $0xffff, v0  }
0x248: {  	v1 =	vld [tilespmem:$0x2210];
	_ =	sdelay $0x7  }
0x249: {  	[tilespmem:v1+s13+$0x0] =	vst.idx.add.f32.msk $0xffff, v0  }
0x24a: {  	v1 =	vld [tilespmem:$0x2220];
	_ =	sdelay $0x7  }
0x24b: {  	[tilespmem:v1+s13+$0x0] =	vst.idx.add.f32.msk $0xffff, v0  }
0x24c: {  	v1 =	vld [tilespmem:$0x2230];
	_ =	sdelay $0x7  }
0x24d: {  	[tilespmem:v1+s13+$0x0] =	vst.idx.add.f32.msk $0xffff, v0  }
0x24e: {  	_ =	swait.ge [sflag:s19], $0x2000  }
0x24f: {  	s11 =	sld [smem:$0x7F2]  }
0x250: {  	[sflag:s19] =	ssyncset.done $0x0  }
0x251: {  	[sflag:s19] =	ssyncadd.s32 $0xFFFFE000  }
0x252: {  	[spmem:s3] =	stream.indirect.scatter.add.f32 [tilespmem:s16], [sflag:$0x3], $0x80, s11, s15, $0xb8;
	[tilespmem:$0x1CB80] =	vst v63  }
0x253: {  	_ =	swait.ge [sflag:s20], $0x2000  }
0x254: {  	s11 =	sld [smem:$0x7F3]  }
0x255: {  	[sflag:s20] =	ssyncset.done $0x0  }
0x256: {  	[sflag:s20] =	ssyncadd.s32 $0xFFFFE000  }
0x257: {  	[tilespmem:s16], [sflag:$0x1] =	stream.indirect.gather [hbm4b:s1+s15], $0x80, s11, s15, $0xb8;
	[tilespmem:$0x1CB80] =	vst v63  }
0x258: {  	v1 =	vld [tilespmem:$0x2280];
	_ =	sdelay $0x7  }
0x259: {  	[tilespmem:v1+s13+$0x0] =	vst.idx.add.f32.msk $0xffff, v0  }
0x25a: {  	v1 =	vld [tilespmem:$0x2290];
	_ =	sdelay $0x7  }
0x25b: {  	[tilespmem:v1+s13+$0x0] =	vst.idx.add.f32.msk $0xffff, v0  }
0x25c: {  	v1 =	vld [tilespmem:$0x22A0];
	_ =	sdelay $0x7  }
0x25d: {  	[tilespmem:v1+s13+$0x0] =	vst.idx.add.f32.msk $0xffff, v0  }
0x25e: {  	v1 =	vld [tilespmem:$0x22B0];
	_ =	sdelay $0x7  }
0x25f: {  	[tilespmem:v1+s13+$0x0] =	vst.idx.add.f32.msk $0xffff, v0  }
0x260: {  	_ =	swait.ge [sflag:s21], $0x2000  }
0x261: {  	s11 =	sld [smem:$0x7F4]  }
0x262: {  	[sflag:s21] =	ssyncset.done $0x0  }
0x263: {  	[sflag:s21] =	ssyncadd.s32 $0xFFFFE000  }
0x264: {  	[spmem:s3] =	stream.indirect.scatter.add.f32 [tilespmem:s18], [sflag:$0x4], $0x80, s11, s15, $0xb8;
	[tilespmem:$0x1CB80] =	vst v63  }
0x265: {  	_ =	swait.ge [sflag:s22], $0x2000  }
0x266: {  	s11 =	sld [smem:$0x7F5]  }
0x267: {  	[sflag:s22] =	ssyncset.done $0x0  }
0x268: {  	[sflag:s22] =	ssyncadd.s32 $0xFFFFE000  }
0x269: {  	[tilespmem:s18], [sflag:$0x2] =	stream.indirect.gather [hbm4b:s1+s15], $0x80, s11, s15, $0xb8;
	[tilespmem:$0x1CB80] =	vst v63  }
0x26a: {  	v1 =	vld [tilespmem:$0x2300];
	_ =	sdelay $0x7  }
0x26b: {  	[tilespmem:v1+s13+$0x0] =	vst.idx.add.f32.msk $0xffff, v0  }
0x26c: {  	v1 =	vld [tilespmem:$0x2310];
	_ =	sdelay $0x7  }
0x26d: {  	[tilespmem:v1+s13+$0x0] =	vst.idx.add.f32.msk $0xffff, v0  }
0x26e: {  	v1 =	vld [tilespmem:$0x2320];
	_ =	sdelay $0x7  }
0x26f: {  	[tilespmem:v1+s13+$0x0] =	vst.idx.add.f32.msk $0xffff, v0  }
0x270: {  	v1 =	vld [tilespmem:$0x2330];
	_ =	sdelay $0x7  }
0x271: {  	[tilespmem:v1+s13+$0x0] =	vst.idx.add.f32.msk $0xffff, v0  }
0x272: {  	_ =	swait.ge [sflag:s19], $0x2000  }
0x273: {  	s11 =	sld [smem:$0x7F6]  }
0x274: {  	[sflag:s19] =	ssyncset.done $0x0  }
0x275: {  	[sflag:s19] =	ssyncadd.s32 $0xFFFFE000  }
0x276: {  	[spmem:s3] =	stream.indirect.scatter.add.f32 [tilespmem:s16], [sflag:$0x3], $0x80, s11, s15, $0xb8;
	[tilespmem:$0x1CB80] =	vst v63  }
0x277: {  	_ =	swait.ge [sflag:s20], $0x2000  }
0x278: {  	s11 =	sld [smem:$0x7F7]  }
0x279: {  	[sflag:s20] =	ssyncset.done $0x0  }
0x27a: {  	[sflag:s20] =	ssyncadd.s32 $0xFFFFE000  }
0x27b: {  	[tilespmem:s16], [sflag:$0x1] =	stream.indirect.gather [hbm4b:s1+s15], $0x80, s11, s15, $0xb8;
	[tilespmem:$0x1CB80] =	vst v63  }
0x27c: {  	v1 =	vld [tilespmem:$0x2380];
	_ =	sdelay $0x7  }
0x27d: {  	[tilespmem:v1+s13+$0x0] =	vst.idx.add.f32.msk $0xffff, v0  }
0x27e: {  	v1 =	vld [tilespmem:$0x2390];
	_ =	sdelay $0x7  }
0x27f: {  	[tilespmem:v1+s13+$0x0] =	vst.idx.add.f32.msk $0xffff, v0  }
0x280: {  	v1 =	vld [tilespmem:$0x23A0];
	_ =	sdelay $0x7  }
0x281: {  	[tilespmem:v1+s13+$0x0] =	vst.idx.add.f32.msk $0xffff, v0  }
0x282: {  	v1 =	vld [tilespmem:$0x23B0];
	_ =	sdelay $0x7  }
0x283: {  	[tilespmem:v1+s13+$0x0] =	vst.idx.add.f32.msk $0xffff, v0  }
0x284: {  	_ =	swait.ge [sflag:s21], $0x2000  }
0x285: {  	s11 =	sld [smem:$0x7F8]  }
0x286: {  	[sflag:s21] =	ssyncset.done $0x0  }
0x287: {  	[sflag:s21] =	ssyncadd.s32 $0xFFFFE000  }
0x288: {  	[spmem:s3] =	stream.indirect.scatter.add.f32 [tilespmem:s18], [sflag:$0x4], $0x80, s11, s15, $0xb8;
	[tilespmem:$0x1CB80] =	vst v63  }
0x289: {  	_ =	swait.ge [sflag:s22], $0x2000  }
0x28a: {  	s11 =	sld [smem:$0x7F9]  }
0x28b: {  	[sflag:s22] =	ssyncset.done $0x0  }
0x28c: {  	[sflag:s22] =	ssyncadd.s32 $0xFFFFE000  }
0x28d: {  	[tilespmem:s18], [sflag:$0x2] =	stream.indirect.gather [hbm4b:s1+s15], $0x80, s11, s15, $0xb8;
	[tilespmem:$0x1CB80] =	vst v63  }
0x28e: {  	v1 =	vld [tilespmem:$0x2400];
	_ =	sdelay $0x7  }
0x28f: {  	[tilespmem:v1+s13+$0x0] =	vst.idx.add.f32.msk $0xffff, v0  }
0x290: {  	v1 =	vld [tilespmem:$0x2410];
	_ =	sdelay $0x7  }
0x291: {  	[tilespmem:v1+s13+$0x0] =	vst.idx.add.f32.msk $0xffff, v0  }
0x292: {  	v1 =	vld [tilespmem:$0x2420];
	_ =	sdelay $0x7  }
0x293: {  	[tilespmem:v1+s13+$0x0] =	vst.idx.add.f32.msk $0xffff, v0  }
0x294: {  	v1 =	vld [tilespmem:$0x2430];
	_ =	sdelay $0x7  }
0x295: {  	[tilespmem:v1+s13+$0x0] =	vst.idx.add.f32.msk $0xffff, v0  }
0x296: {  	_ =	swait.ge [sflag:s19], $0x2000  }
0x297: {  	s11 =	sld [smem:$0x7FA]  }
0x298: {  	[sflag:s19] =	ssyncset.done $0x0  }
0x299: {  	[sflag:s19] =	ssyncadd.s32 $0xFFFFE000  }
0x29a: {  	[spmem:s3] =	stream.indirect.scatter.add.f32 [tilespmem:s16], [sflag:$0x3], $0x80, s11, s15, $0xb8;
	[tilespmem:$0x1CB80] =	vst v63  }
0x29b: {  	_ =	swait.ge [sflag:s20], $0x2000  }
0x29c: {  	s11 =	sld [smem:$0x7FB]  }
0x29d: {  	[sflag:s20] =	ssyncset.done $0x0  }
0x29e: {  	[sflag:s20] =	ssyncadd.s32 $0xFFFFE000  }
0x29f: {  	[tilespmem:s16], [sflag:$0x1] =	stream.indirect.gather [hbm4b:s1+s15], $0x80, s11, s15, $0xb8;
	[tilespmem:$0x1CB80] =	vst v63  }
0x2a0: {  	v1 =	vld [tilespmem:$0x2480];
	_ =	sdelay $0x7  }
0x2a1: {  	[tilespmem:v1+s13+$0x0] =	vst.idx.add.f32.msk $0xffff, v0  }
0x2a2: {  	v1 =	vld [tilespmem:$0x2490];
	_ =	sdelay $0x7  }
0x2a3: {  	[tilespmem:v1+s13+$0x0] =	vst.idx.add.f32.msk $0xffff, v0  }
0x2a4: {  	v1 =	vld [tilespmem:$0x24A0];
	_ =	sdelay $0x7  }
0x2a5: {  	[tilespmem:v1+s13+$0x0] =	vst.idx.add.f32.msk $0xffff, v0  }
0x2a6: {  	v1 =	vld [tilespmem:$0x24B0];
	_ =	sdelay $0x7  }
0x2a7: {  	[tilespmem:v1+s13+$0x0] =	vst.idx.add.f32.msk $0xffff, v0  }
0x2a8: {  	_ =	swait.ge [sflag:s21], $0x2000  }
0x2a9: {  	[sflag:s21] =	ssyncset.done $0x0  }
0x2aa: {  	[sflag:s21] =	ssyncadd.s32 $0xFFFFE000  }
0x2ab: {  	[spmem:s3] =	stream.indirect.scatter.add.f32 [tilespmem:s18], [sflag:$0x4], $0x80, s24, s15, $0xb8;
	[tilespmem:$0x1CB80] =	vst v63  }
0x2ac: {  	_ =	swait.ge [sflag:s22], $0x2000  }
0x2ad: {  	[sflag:s22] =	ssyncset.done $0x0  }
0x2ae: {  	[sflag:s22] =	ssyncadd.s32 $0xFFFFE000  }
0x2af: {  	[tilespmem:s18], [sflag:$0x2] =	stream.indirect.gather [hbm4b:s1+s15], $0x80, s25, s15, $0xb8;
	[tilespmem:$0x1CB80] =	vst v63  }
0x2b0: {  	v1 =	vld [tilespmem:$0x2500];
	_ =	sdelay $0x7  }
0x2b1: {  	[tilespmem:v1+s13+$0x0] =	vst.idx.add.f32.msk $0xffff, v0  }
0x2b2: {  	v1 =	vld [tilespmem:$0x2510];
	_ =	sdelay $0x7  }
0x2b3: {  	[tilespmem:v1+s13+$0x0] =	vst.idx.add.f32.msk $0xffff, v0  }
0x2b4: {  	v1 =	vld [tilespmem:$0x2520];
	_ =	sdelay $0x7  }
0x2b5: {  	[tilespmem:v1+s13+$0x0] =	vst.idx.add.f32.msk $0xffff, v0  }
0x2b6: {  	v1 =	vld [tilespmem:$0x2530];
	_ =	sdelay $0x7  }
0x2b7: {  	[tilespmem:v1+s13+$0x0] =	vst.idx.add.f32.msk $0xffff, v0  }
0x2b8: {  	_ =	swait.ge [sflag:s19], $0x2000  }
0x2b9: {  	[sflag:s19] =	ssyncset.done $0x0  }
0x2ba: {  	[sflag:s19] =	ssyncadd.s32 $0xFFFFE000  }
0x2bb: {  	[spmem:s3] =	stream.indirect.scatter.add.f32 [tilespmem:s16], [sflag:$0x3], $0x80, s26, s15, $0xb8;
	[tilespmem:$0x1CB80] =	vst v63  }
0x2bc: {  	_ =	swait.ge [sflag:s20], $0x2000  }
0x2bd: {  	[sflag:s20] =	ssyncset.done $0x0  }
0x2be: {  	[sflag:s20] =	ssyncadd.s32 $0xFFFFE000  }
0x2bf: {  	[tilespmem:s16], [sflag:$0x1] =	stream.indirect.gather [hbm4b:s1+s15], $0x80, s28, s15, $0xb8;
	[tilespmem:$0x1CB80] =	vst v63  }
0x2c0: {  	v1 =	vld [tilespmem:$0x2580];
	_ =	sdelay $0x7  }
0x2c1: {  	[tilespmem:v1+s13+$0x0] =	vst.idx.add.f32.msk $0xffff, v0  }
0x2c2: {  	v1 =	vld [tilespmem:$0x2590];
	_ =	sdelay $0x7  }
0x2c3: {  	[tilespmem:v1+s13+$0x0] =	vst.idx.add.f32.msk $0xffff, v0  }
0x2c4: {  	v1 =	vld [tilespmem:$0x25A0];
	_ =	sdelay $0x7  }
0x2c5: {  	[tilespmem:v1+s13+$0x0] =	vst.idx.add.f32.msk $0xffff, v0  }
0x2c6: {  	v1 =	vld [tilespmem:$0x25B0];
	_ =	sdelay $0x7  }
0x2c7: {  	[tilespmem:v1+s13+$0x0] =	vst.idx.add.f32.msk $0xffff, v0  }
0x2c8: {  	_ =	swait.ge [sflag:s21], $0x2000  }
0x2c9: {  	[sflag:s21] =	ssyncset.done $0x0  }
0x2ca: {  	[sflag:s21] =	ssyncadd.s32 $0xFFFFE000  }
0x2cb: {  	[spmem:s3] =	stream.indirect.scatter.add.f32 [tilespmem:s18], [sflag:$0x4], $0x80, s29, s15, $0xb8;
	[tilespmem:$0x1CB80] =	vst v63  }
0x2cc: {  	_ =	swait.ge [sflag:s22], $0x2000  }
0x2cd: {  	[sflag:s22] =	ssyncset.done $0x0  }
0x2ce: {  	[sflag:s22] =	ssyncadd.s32 $0xFFFFE000  }
0x2cf: {  	[tilespmem:s18], [sflag:$0x2] =	stream.indirect.gather [hbm4b:s1+s15], $0x80, s30, s15, $0xb8;
	[tilespmem:$0x1CB80] =	vst v63  }
0x2d0: {  	v1 =	vld [tilespmem:$0x2600];
	_ =	sdelay $0x7  }
0x2d1: {  	[tilespmem:v1+s13+$0x0] =	vst.idx.add.f32.msk $0xffff, v0  }
0x2d2: {  	v1 =	vld [tilespmem:$0x2610];
	_ =	sdelay $0x7  }
0x2d3: {  	[tilespmem:v1+s13+$0x0] =	vst.idx.add.f32.msk $0xffff, v0  }
0x2d4: {  	v1 =	vld [tilespmem:$0x2620];
	_ =	sdelay $0x7  }
0x2d5: {  	[tilespmem:v1+s13+$0x0] =	vst.idx.add.f32.msk $0xffff, v0  }
0x2d6: {  	v1 =	vld [tilespmem:$0x2630];
	_ =	sdelay $0x7  }
0x2d7: {  	[tilespmem:v1+s13+$0x0] =	vst.idx.add.f32.msk $0xffff, v0  }
0x2d8: {  	_ =	swait.ge [sflag:s19], $0x2000  }
0x2d9: {  	[sflag:s19] =	ssyncset.done $0x0  }
0x2da: {  	[sflag:s19] =	ssyncadd.s32 $0xFFFFE000  }
0x2db: {  	[spmem:s3] =	stream.indirect.scatter.add.f32 [tilespmem:s16], [sflag:$0x3], $0x80, s31, s15, $0xb8;
	[tilespmem:$0x1CB80] =	vst v63  }
0x2dc: {  	_ =	swait.ge [sflag:s20], $0x2000  }
0x2dd: {  	[sflag:s20] =	ssyncset.done $0x0  }
0x2de: {  	[sflag:s20] =	ssyncadd.s32 $0xFFFFE000  }
0x2df: {  	[tilespmem:s16], [sflag:$0x1] =	stream.indirect.gather [hbm4b:s1+s15], $0x80, s2, s15, $0xb8;
	[tilespmem:$0x1CB80] =	vst v63  }
0x2e0: {  	v1 =	vld [tilespmem:$0x2680];
	_ =	sdelay $0x7  }
0x2e1: {  	[tilespmem:v1+s13+$0x0] =	vst.idx.add.f32.msk $0xffff, v0  }
0x2e2: {  	v1 =	vld [tilespmem:$0x2690];
	_ =	sdelay $0x7  }
0x2e3: {  	[tilespmem:v1+s13+$0x0] =	vst.idx.add.f32.msk $0xffff, v0  }
0x2e4: {  	v1 =	vld [tilespmem:$0x26A0];
	_ =	sdelay $0x7  }
0x2e5: {  	[tilespmem:v1+s13+$0x0] =	vst.idx.add.f32.msk $0xffff, v0  }
0x2e6: {  	v1 =	vld [tilespmem:$0x26B0];
	_ =	sdelay $0x7  }
0x2e7: {  	[tilespmem:v1+s13+$0x0] =	vst.idx.add.f32.msk $0xffff, v0  }
0x2e8: {  	_ =	swait.ge [sflag:s21], $0x2000  }
0x2e9: {  	[sflag:s21] =	ssyncset.done $0x0  }
0x2ea: {  	[sflag:s21] =	ssyncadd.s32 $0xFFFFE000  }
0x2eb: {  	[spmem:s3] =	stream.indirect.scatter.add.f32 [tilespmem:s18], [sflag:$0x4], $0x80, s0, s15, $0xb8;
	[tilespmem:$0x1CB80] =	vst v63  }
0x2ec: {  	_ =	swait.ge [sflag:s22], $0x2000  }
0x2ed: {  	[sflag:s22] =	ssyncset.done $0x0  }
0x2ee: {  	[sflag:s22] =	ssyncadd.s32 $0xFFFFE000  }
0x2ef: {  	[tilespmem:s18], [sflag:$0x2] =	stream.indirect.gather [hbm4b:s1+s15], $0x80, s5, s15, $0xb8;
	[tilespmem:$0x1CB80] =	vst v63  }
0x2f0: {  	v1 =	vld [tilespmem:$0x2700];
	_ =	sdelay $0x7  }
0x2f1: {  	[tilespmem:v1+s13+$0x0] =	vst.idx.add.f32.msk $0xffff, v0  }
0x2f2: {  	v1 =	vld [tilespmem:$0x2710];
	_ =	sdelay $0x7  }
0x2f3: {  	[tilespmem:v1+s13+$0x0] =	vst.idx.add.f32.msk $0xffff, v0  }
0x2f4: {  	v1 =	vld [tilespmem:$0x2720];
	_ =	sdelay $0x7  }
0x2f5: {  	[tilespmem:v1+s13+$0x0] =	vst.idx.add.f32.msk $0xffff, v0  }
0x2f6: {  	v1 =	vld [tilespmem:$0x2730];
	_ =	sdelay $0x7  }
0x2f7: {  	[tilespmem:v1+s13+$0x0] =	vst.idx.add.f32.msk $0xffff, v0  }
0x2f8: {  	_ =	swait.ge [sflag:s19], $0x2000  }
0x2f9: {  	[sflag:s19] =	ssyncset.done $0x0  }
0x2fa: {  	[sflag:s19] =	ssyncadd.s32 $0xFFFFE000  }
0x2fb: {  	[spmem:s3] =	stream.indirect.scatter.add.f32 [tilespmem:s16], [sflag:$0x3], $0x80, s6, s15, $0xb8;
	[tilespmem:$0x1CB80] =	vst v63  }
0x2fc: {  	v1 =	vld [tilespmem:$0x2780];
	_ =	sdelay $0x7  }
0x2fd: {  	[tilespmem:v1+s13+$0x0] =	vst.idx.add.f32.msk $0xffff, v0  }
0x2fe: {  	v1 =	vld [tilespmem:$0x2790];
	_ =	sdelay $0x7  }
0x2ff: {  	[tilespmem:v1+s13+$0x0] =	vst.idx.add.f32.msk $0xffff, v0  }
0x300: {  	v1 =	vld [tilespmem:$0x27A0];
	_ =	sdelay $0x7  }
0x301: {  	[tilespmem:v1+s13+$0x0] =	vst.idx.add.f32.msk $0xffff, v0  }
0x302: {  	v1 =	vld [tilespmem:$0x27B0];
	_ =	sdelay $0x7  }
0x303: {  	[tilespmem:v1+s13+$0x0] =	vst.idx.add.f32.msk $0xffff, v0  }
0x304: {  	_ =	swait.ge [sflag:s21], $0x2000  }
0x305: {  	[sflag:s21] =	ssyncset.done $0x0  }
0x306: {  	[sflag:s21] =	ssyncadd.s32 $0xFFFFE000  }
0x307: {  	[spmem:s3] =	stream.indirect.scatter.add.f32 [tilespmem:s18], [sflag:$0x4], $0x80, s8, s15, $0xb8;
	[tilespmem:$0x1CB80] =	vst v63  }
0x308: {  	p0 =	sne.s32 s10, $0x780;
	_ =	swait.ge [sflag:s20], $0x2000  }
.Ltmp0:
0x309: {  	[sflag:s20] =	ssyncset.done $0x0;
	(pc) =	sbr.rel @p0 .LBB2_2-.Ltmp0, $4  }
0x30a: {  	[sflag:s20] =	ssyncadd.s32 $0xFFFFE000  }
0x30b: {  	_ =	swait.ge [sflag:s22], $0x2000  }
0x30c: {  	[sflag:s22] =	ssyncset.done $0x0  }
0x30d: {  	s10 =	sadd.s32 $0x280, s10;
	[sflag:s22] =	ssyncadd.s32 $0xFFFFE000  }
0x30e: {  	[bflag:$0x0] =	sbarrier.arrive $0xFFFF  }
0x30f: {  	s10 =	sld [smem:$0x7FC]  }
0x310: {  	s7 =	sld [smem:$0x7E9]  }
0x311: {  	s11 =	sld [smem:$0x7FD];
	_ =	sdelay $0x2  }
0x312: {  	[hbm:s7], [sflag:s10] =	dma.local [spmem:s11], $0x2780  }
0x313: {  	_ =	swait.ge [sflag:s12], $0x2780  }
0x314: {  	s7 =	sld [smem:$0x7EB]  }
0x315: {  	[sflag:s12] =	ssyncset.done $0x0  }
0x316: {  	[sflag:s12] =	ssyncadd.s32 $0xFFFFD880  }
0x317: {  	[hbm4b:s7+s17] =	stream.strided.scatter [tilespmem:s13], [sflag:$0x5], $0x2780, s23, s17, $0x38;
	[tilespmem:$0x1CB80] =	vst v63  }
0x318: {  	_ =	swait.ge [sflag:s12], $0x2780  }
0x319: {  	s7 =	sld [smem:$0x7ED];
	_ =	sdelay $0x1  }
0x31a: {  	s9 =	sadd.s32 $0x1, s9  }
0x31b: {  	p0 =	sne.s32 s9, s7  }
.Ltmp1:
0x31c: {  	_ = 	snop;
	(pc) =	sbr.rel @p0 .LBB2_1-.Ltmp1, $3  }
0x31d: {  	_ =	sdelay $0x1  }
0x31e: {  	[sflag:s12] =	ssyncset.done $0x0  }
0x31f: {  	[sflag:s12] =	ssyncadd.s32 $0xFFFFD880  }
0x320: {  	_ =	sfence.sel $0x180000  }
0x321: {  	[bflag:$0x0] =	sbarrier.arrive $0xFFFF  }
0x322: {  	_ =	strace $0x90000047  }
0x323: {  	s0 =	stileid.u32;
	[bflag:$0x2] =	sbarrier.arrive $0xFFFF  }
0x324: {  	p0 =	sne.s32 s0, $0x0;
	s0 =	rddreg [dreg:$0x4]  }
0x325: {  	s0 =	sadd.s32 @!p0 $0x100000, s0  }
0x326: {  	[sflag:s0] =	ssyncadd.tile.s32 @!p0 $0x1;
	_ =	shalt  }
.Lfunc_end2:
_tile_overlayer_lowered:
.L_overlay_start_2:
0x327: {  	(tag) =	ssettag $0x2  }
0x328: {  	s0 =	rddreg [dreg:$0x0];
	s2 =	stileid.u32  }
0x329: {  	s1 =	rddreg [dreg:$0x1];
	p0 =	sne.s32 s2, $0x0  }
0x32a: {  	s3 =	rddreg [dreg:$0x2];
	[bflag:$0x3] =	sbarrier.arrive $0xFFFF;
	s2 =	simm.s32 @!p0 $0x1C05  }
0x32b: {  	[timem:s3], [sflag:s2] =	dma.local @!p0 [hbm:s0], s1  }
0x32c: {  	s0 =	simm.s32 @!p0 $0x5  }
0x32d: {  	_ =	swait.ge @!p0 [sflag:s0], s1  }
0x32e: {  	s1 =	ssub.s32 @!p0 $0x0, s1;
	[sflag:s0] =	ssyncset.done @!p0 $0x0  }
0x32f: {  	[sflag:s0] =	ssyncadd.s32 @!p0 s1  }
0x330: {  	[bflag:$0x3] =	sbarrier.arrive $0xFFFF  }
0x331: {  	_ =	shalt  }

</sc_bundles>
